<compile_context>
chip_gen: v7x
topology: tpu7x:2x2x1
jax: 0.10.2.dev20260603
libtpu: 0.0.44.dev20260713+nightly
codegen_flags: <defaults>
</compile_context>

<pallas_src>
import functools

import jax
import jax.numpy as jnp
from jax import lax
from jax.experimental import pallas as pl
from jax.experimental.pallas import tpu as pltpu
from jax.experimental.pallas import tpu_sc as plsc

CLS = 100000
FEAT = 64
BATCH = 16384

NC = 2
NS = 16
NW = NC * NS
RPW = BATCH // NW
RH = RPW // 2
CP = 100352
ZPW = CP // NS
GCH = 16

_MESH = plsc.VectorSubcoreMesh(
    core_axis_name="c", subcore_axis_name="s", num_cores=NC, num_subcores=NS
)


def _rsqrt(x):
    i = lax.bitcast_convert_type(x, jnp.int32)
    i = 0x5F3759DF - lax.shift_right_arithmetic(i, 1)
    y = lax.bitcast_convert_type(i, jnp.float32)
    for _ in range(3):
        y = y * (1.5 - 0.5 * x * y * y)
    return y


def _stage_a_body(xs_hbm, ys_hbm, center_hbm, dist_hbm, idx_hbm,
                  xs_v, cr_v, ys_v, idx_v, dist_v, ps_v, pp_v, pt_v,
                  sem_g, sem_x):
    cid = lax.axis_index("c")
    sid = lax.axis_index("s")
    wid = cid * NS + sid
    base = wid * RPW

    pltpu.sync_copy(ys_hbm.at[pl.ds(wid * 4, 4)], ys_v)
    for r in range(4):
        for c8 in range(8):
            sl = pl.ds(c8 * 16, 16)
            idx_v[r, sl] = ys_v[r, sl].astype(jnp.int32)

    zero16 = jnp.zeros((16,), jnp.float32)
    iota16 = lax.broadcasted_iota(jnp.int32, (16,), 0)

    for h in range(2):
        xs_cp = pltpu.async_copy(
            xs_hbm.at[pl.ds(base + h * RH, RH)], xs_v, sem_x)

        def _gchunk(c, carry):
            flat = h * RH + c * GCH
            rowv = idx_v[flat // 128, pl.ds((flat % 128) * 1, GCH)]
            for k in range(GCH):
                pltpu.async_copy(
                    center_hbm.at[rowv[k]], cr_v.at[c * GCH + k], sem_g)

            @pl.when(c >= 7)
            def _():
                pltpu.make_async_copy(
                    center_hbm.at[pl.ds(0, GCH)],
                    cr_v.at[pl.ds(0, GCH)], sem_g).wait()

            return carry

        lax.fori_loop(0, RH // GCH, _gchunk, 0, unroll=False)
        for _ in range(7):
            pltpu.make_async_copy(
                center_hbm.at[pl.ds(0, GCH)], cr_v.at[pl.ds(0, GCH)],
                sem_g).wait()
        xs_cp.wait()

        def _row(r, carry):
            s = zero16
            p = zero16
            t = zero16
            for k in range(FEAT // 16):
                sl = pl.ds(k * 16, 16)
                xv = xs_v[r, sl]
                cv = cr_v[r, sl]
                s = s + xv * xv
                p = p + xv * cv
                t = t + cv * cv
            prow = r // 8
            psl = pl.ds((r % 8) * 16, 16)
            ps_v[prow, psl] = s
            pp_v[prow, psl] = p
            pt_v[prow, psl] = t
            return carry

        lax.fori_loop(0, RH, _row, 0, unroll=False)

        def _group(g, carry):
            lin0 = g * 256 + iota16 * 16
            s = zero16
            p = zero16
            t = zero16
            for l in range(16):
                lin = lin0 + l
                ri = lax.shift_right_logical(lin, 7)
                ci = lax.bitwise_and(lin, 127)
                s = s + plsc.load_gather(ps_v, [ri, ci])
                p = p + plsc.load_gather(pp_v, [ri, ci])
                t = t + plsc.load_gather(pt_v, [ri, ci])
            inv = _rsqrt(jnp.maximum(s, 1e-24))
            q = jnp.maximum(s * inv * inv - 2.0 * inv * p + t, 0.0)
            dist = q * _rsqrt(jnp.maximum(q, 1e-36))
            flat = h * RH + g * 16
            dist_v[flat // 128, pl.ds((flat % 128) * 1, 16)] = dist
            return carry

        lax.fori_loop(0, RH // 16, _group, 0, unroll=False)

    pltpu.sync_copy(dist_v, dist_hbm.at[pl.ds(wid * 4, 4)])
    pltpu.sync_copy(idx_v, idx_hbm.at[pl.ds(wid * 4, 4)])


_stage_a = functools.partial(
    pl.kernel,
    out_type=(
        jax.ShapeDtypeStruct((128, 128), jnp.float32),
        jax.ShapeDtypeStruct((128, 128), jnp.int32),
    ),
    mesh=_MESH,
    scratch_types=[
        pltpu.VMEM((RH, FEAT), jnp.float32),
        pltpu.VMEM((RH, FEAT), jnp.float32),
        pltpu.VMEM((4, 128), jnp.float32),
        pltpu.VMEM((4, 128), jnp.int32),
        pltpu.VMEM((4, 128), jnp.float32),
        pltpu.VMEM((RH // 8, 128), jnp.float32),
        pltpu.VMEM((RH // 8, 128), jnp.float32),
        pltpu.VMEM((RH // 8, 128), jnp.float32),
        pltpu.SemaphoreType.DMA,
        pltpu.SemaphoreType.DMA,
    ],
    compiler_params=pltpu.CompilerParams(
        needs_layout_passes=False, use_tc_tiling_on_sc=True),
)(_stage_a_body)


def _stage_b_body(dist_hbm, idx_hbm, out_hbm,
                  dist_v, idx_v, ones_v, zeros_v, cnt_sh, dsum_sh):
    cid = lax.axis_index("c")
    sid = lax.axis_index("s")
    wid = cid * NS + sid

    pltpu.sync_copy(dist_hbm.at[pl.ds(wid * 4, 4)], dist_v)
    pltpu.sync_copy(idx_hbm.at[pl.ds(wid * 4, 4)], idx_v)

    zero16 = jnp.zeros((16,), jnp.float32)
    one16 = jnp.ones((16,), jnp.float32)

    def _fill_zeros(i, carry):
        zeros_v[pl.ds(i * 16, 16)] = zero16
        return carry

    lax.fori_loop(0, ZPW // 16, _fill_zeros, 0)

    def _fill_ones(i, carry):
        ones_v[pl.ds(i * 16, 16)] = one16
        return carry

    lax.fori_loop(0, 128 // 16, _fill_ones, 0)

    zslice = pl.ds(sid * ZPW, ZPW)
    pltpu.sync_copy(zeros_v, cnt_sh.at[zslice])
    pltpu.sync_copy(zeros_v, dsum_sh.at[zslice])

    plsc.subcore_barrier()
    for j in range(4):
        pltpu.sync_copy(ones_v, cnt_sh.at[idx_v.at[j]], add=True)
        pltpu.sync_copy(dist_v.at[j], dsum_sh.at[idx_v.at[j]], add=True)
    plsc.subcore_barrier()

    obase = cid * (2 * CP) + sid * ZPW
    pltpu.sync_copy(cnt_sh.at[zslice], out_hbm.at[pl.ds(obase, ZPW)])
    pltpu.sync_copy(dsum_sh.at[zslice], out_hbm.at[pl.ds(obase + CP, ZPW)])


_stage_b = functools.partial(
    pl.kernel,
    out_type=jax.ShapeDtypeStruct((2 * NC * CP,), jnp.float32),
    mesh=_MESH,
    scratch_types=[
        pltpu.VMEM((4, 128), jnp.float32),
        pltpu.VMEM((4, 128), jnp.int32),
        pltpu.VMEM((128,), jnp.float32),
        pltpu.VMEM((ZPW,), jnp.float32),
        pltpu.VMEM_SHARED((CP,), jnp.float32),
        pltpu.VMEM_SHARED((CP,), jnp.float32),
    ],
    compiler_params=pltpu.CompilerParams(
        needs_layout_passes=False, use_tc_tiling_on_sc=False),
)(_stage_b_body)


def _combine_body(tab_ref, out_ref):
    cnt = tab_ref[0] + tab_ref[2]
    tot = tab_ref[1] + tab_ref[3]
    out_ref[...] = jnp.sum(tot / jnp.maximum(cnt, 1.0)).reshape(1, 1)


def kernel(xs, ys, center):
    center = lax.optimization_barrier(center)
    dist2d, idx2d = _stage_a(xs, ys.reshape(128, 128), center)
    tab = _stage_b(dist2d, idx2d)
    loss = pl.pallas_call(
        _combine_body,
        out_shape=jax.ShapeDtypeStruct((1, 1), jnp.float32),
    )(tab.reshape(4, CP // 128, 128))
    return loss[0, 0]

# --- scband reference (transcript-rebuilt; emitter-appended) ---
"""Pipeline reference for scband-center-loss-22900765623031 (READ-ONLY COPY).

The authoritative reference and input builder live on the scoring server;
editing this copy changes nothing except your own understanding.
"""

import jax, jax.numpy as jnp
import numpy as np

CLS_NUM = 100000
FEATURE_NUM = 64
BATCH = 16384


def setup_inputs(seed: int = 0) -> dict:
    key = jax.random.key(seed)
    k1, k2, k3 = jax.random.split(key, 3)
    xs = jax.random.normal(k1, (BATCH, FEATURE_NUM), dtype=jnp.float32)
    # labels: integer-valued but stored as float32 (torch.histc requires float input)
    ys = jax.random.randint(k2, (BATCH,), 0, CLS_NUM).astype(jnp.float32)
    # learned parameter: class centers, per init_kwargs (cls_num, feature_num)
    center = jax.random.normal(k3, (CLS_NUM, FEATURE_NUM), dtype=jnp.float32)
    return {"xs": xs, "ys": ys, "center": center}


def reference(xs, ys, center):
    # F.normalize(xs): L2-normalize rows with eps=1e-12
    norm = jnp.linalg.norm(xs, ord=2, axis=1, keepdims=True)
    xs_n = xs / jnp.maximum(norm, 1e-12)
    idx = ys.astype(jnp.int32)
    # center.index_select(0, ys.long()) -> gather
    center_exp = jnp.take(center, idx, axis=0)
    # torch.histc(ys, bins=cls_num, min=0, max=cls_num-1) on integer-valued labels
    # is exactly a bincount over [0, cls_num-1]
    count = jnp.bincount(idx, length=CLS_NUM)
    count_dis = jnp.take(count, idx, axis=0).astype(jnp.float32)
    dist = jnp.sqrt(jnp.sum((xs_n - center_exp.astype(jnp.float32)) ** 2, axis=1))
    return jnp.sum(dist / count_dis)

if __name__ == "__main__":
    import jax
    _d = setup_inputs()
    print(jax.jit(kernel)(*tuple(_d.values())))

</pallas_src>

<mosaic_0001>
#map = affine_map<(d0, d1) -> (0, 0)>
#map1 = affine_map<(d0, d1) -> (0)>
module attributes {stable_mosaic.version = 14 : i64} {
  func.func @_stage_b_body(%arg0: i32, %arg1: i32, %arg2: memref<128x128xf32, #tpu.memory_space<hbm>>, %arg3: memref<128x128xi32, #tpu.memory_space<hbm>>, %arg4: memref<401408xf32, #tpu.memory_space<hbm>>, %arg5: memref<4x128xf32, #tpu.memory_space<vmem>>, %arg6: memref<4x128xi32, #tpu.memory_space<vmem>>, %arg7: memref<128xf32, #tpu.memory_space<vmem>>, %arg8: memref<6272xf32, #tpu.memory_space<vmem>>, %arg9: memref<100352xf32, #tpu.memory_space<vmem_shared>>, %arg10: memref<100352xf32, #tpu.memory_space<vmem_shared>>) attributes {dimension_semantics = [#tpu.dimension_semantics<core_parallel>, #tpu.dimension_semantics<subcore_parallel>], iteration_bounds = array<i64: 2, 16>, scalar_prefetch = 0 : i64, scratch_operands = 6 : i64, tpu.core_type = #tpu.core_type<sc_vector_subcore>, window_params = [{transform_indices = #map}, {transform_indices = #map}, {transform_indices = #map1}]} {
    %mul3A = arith.constant 16 : i32
    %mul3A_0 = arith.muli %arg0, %mul3A : i32
    %add3A = arith.addi %mul3A_0, %arg1 : i32
    %mul3A_1 = arith.constant 4 : i32
    %mul3A_2 = arith.muli %add3A, %mul3A_1 : i32
    "tpu.region"() ({
      %run_scoped3A_40 = tpu.sem_alloc : memref<!tpu.dma_semaphore, #tpu.memory_space<semaphore_mem>>
      %dma_start3A = arith.constant 0 : i32
      %dma_start3A_41 = tpu.memref_slice %arg2[%mul3A_2, %dma_start3A] : memref<128x128xf32, #tpu.memory_space<hbm>> -> memref<4x128xf32, #tpu.memory_space<hbm>>
      %dma_start3A_42 = arith.constant 0 : i32
      %dma_start3A_43 = tpu.memref_slice %arg2[%mul3A_2, %dma_start3A_42] : memref<128x128xf32, #tpu.memory_space<hbm>> -> memref<4x128xf32, #tpu.memory_space<hbm>>
      tpu.enqueue_dma source(%dma_start3A_43 : memref<4x128xf32, #tpu.memory_space<hbm>>) target(%arg5 : memref<4x128xf32, #tpu.memory_space<vmem>>) target_semaphore(%run_scoped3A_40 : memref<!tpu.dma_semaphore, #tpu.memory_space<semaphore_mem>>)
      %dma_wait3A = arith.constant 0 : i32
      %dma_wait3A_44 = tpu.memref_slice %arg2[%mul3A_2, %dma_wait3A] : memref<128x128xf32, #tpu.memory_space<hbm>> -> memref<4x128xf32, #tpu.memory_space<hbm>>
      %dma_wait3A_45 = arith.constant 0 : i32
      %dma_wait3A_46 = tpu.memref_slice %arg2[%mul3A_2, %dma_wait3A_45] : memref<128x128xf32, #tpu.memory_space<hbm>> -> memref<4x128xf32, #tpu.memory_space<hbm>>
      tpu.wait_dma2 semaphore(%run_scoped3A_40 : memref<!tpu.dma_semaphore, #tpu.memory_space<semaphore_mem>>) src(%dma_wait3A_46 : memref<4x128xf32, #tpu.memory_space<hbm>>) dst(%arg5 : memref<4x128xf32, #tpu.memory_space<vmem>>)
      tpu.yield
    }) : () -> ()
    %mul3A_3 = arith.constant 4 : i32
    %mul3A_4 = arith.muli %add3A, %mul3A_3 : i32
    "tpu.region"() ({
      %run_scoped3A_40 = tpu.sem_alloc : memref<!tpu.dma_semaphore, #tpu.memory_space<semaphore_mem>>
      %dma_start3A = arith.constant 0 : i32
      %dma_start3A_41 = tpu.memref_slice %arg3[%mul3A_4, %dma_start3A] : memref<128x128xi32, #tpu.memory_space<hbm>> -> memref<4x128xi32, #tpu.memory_space<hbm>>
      %dma_start3A_42 = arith.constant 0 : i32
      %dma_start3A_43 = tpu.memref_slice %arg3[%mul3A_4, %dma_start3A_42] : memref<128x128xi32, #tpu.memory_space<hbm>> -> memref<4x128xi32, #tpu.memory_space<hbm>>
      tpu.enqueue_dma source(%dma_start3A_43 : memref<4x128xi32, #tpu.memory_space<hbm>>) target(%arg6 : memref<4x128xi32, #tpu.memory_space<vmem>>) target_semaphore(%run_scoped3A_40 : memref<!tpu.dma_semaphore, #tpu.memory_space<semaphore_mem>>)
      %dma_wait3A = arith.constant 0 : i32
      %dma_wait3A_44 = tpu.memref_slice %arg3[%mul3A_4, %dma_wait3A] : memref<128x128xi32, #tpu.memory_space<hbm>> -> memref<4x128xi32, #tpu.memory_space<hbm>>
      %dma_wait3A_45 = arith.constant 0 : i32
      %dma_wait3A_46 = tpu.memref_slice %arg3[%mul3A_4, %dma_wait3A_45] : memref<128x128xi32, #tpu.memory_space<hbm>> -> memref<4x128xi32, #tpu.memory_space<hbm>>
      tpu.wait_dma2 semaphore(%run_scoped3A_40 : memref<!tpu.dma_semaphore, #tpu.memory_space<semaphore_mem>>) src(%dma_wait3A_46 : memref<4x128xi32, #tpu.memory_space<hbm>>) dst(%arg6 : memref<4x128xi32, #tpu.memory_space<vmem>>)
      tpu.yield
    }) : () -> ()
    %broadcast_in_dim3A = arith.constant 0.000000e+00 : f32
    %broadcast_in_dim3A_5 = vector.broadcast %broadcast_in_dim3A : f32 to vector<16xf32>
    %broadcast_in_dim3A_6 = arith.constant 1.000000e+00 : f32
    %broadcast_in_dim3A_7 = vector.broadcast %broadcast_in_dim3A_6 : f32 to vector<16xf32>
    %scan3A = arith.constant 0 : i32
    %scan3A_8 = arith.constant 0 : i32
    %scan3A_9 = arith.constant 392 : i32
    %scan3A_10 = arith.addi %scan3A_8, %scan3A_9 : i32
    %scan3A_11 = arith.constant 1 : i32
    scf.for %scan3A_40 = %scan3A_8 to %scan3A_10 step %scan3A_11  : i32 {
      %mul3A_41 = arith.constant 16 : i32
      %mul3A_42 = arith.muli %scan3A_40, %mul3A_41 : i32
      %swap3A = arith.index_cast %mul3A_42 : i32 to index
      %swap3A_43 = tpu.vector_load %arg8[%swap3A] {strides = array<i32>} : memref<6272xf32, #tpu.memory_space<vmem>>, vector<16xf32>,
      tpu.vector_store %arg8[%swap3A], %broadcast_in_dim3A_5 {strides = array<i32>} : memref<6272xf32, #tpu.memory_space<vmem>>, vector<16xf32>,
    }
    %scan3A_12 = arith.constant 392 : i32
    %scan3A_13 = arith.constant 0 : i32
    %scan3A_14 = arith.constant 0 : i32
    %scan3A_15 = arith.constant 8 : i32
    %scan3A_16 = arith.addi %scan3A_14, %scan3A_15 : i32
    %scan3A_17 = arith.constant 1 : i32
    scf.for %scan3A_40 = %scan3A_14 to %scan3A_16 step %scan3A_17  : i32 {
      %mul3A_41 = arith.constant 16 : i32
      %mul3A_42 = arith.muli %scan3A_40, %mul3A_41 : i32
      %swap3A = arith.index_cast %mul3A_42 : i32 to index
      %swap3A_43 = tpu.vector_load %arg7[%swap3A] {strides = array<i32>} : memref<128xf32, #tpu.memory_space<vmem>>, vector<16xf32>,
      tpu.vector_store %arg7[%swap3A], %broadcast_in_dim3A_7 {strides = array<i32>} : memref<128xf32, #tpu.memory_space<vmem>>, vector<16xf32>,
    }
    %scan3A_18 = arith.constant 8 : i32
    %mul3A_19 = arith.constant 6272 : i32
    %mul3A_20 = arith.muli %arg1, %mul3A_19 : i32
    "tpu.region"() ({
      %run_scoped3A_40 = tpu.sem_alloc : memref<!tpu.dma_semaphore, #tpu.memory_space<semaphore_mem>>
      %dma_start3A = tpu.memref_slice %arg9[%mul3A_20] : memref<100352xf32, #tpu.memory_space<vmem_shared>> -> memref<6272xf32, #tpu.memory_space<vmem_shared>>
      %dma_start3A_41 = tpu.memref_slice %arg9[%mul3A_20] : memref<100352xf32, #tpu.memory_space<vmem_shared>> -> memref<6272xf32, #tpu.memory_space<vmem_shared>>
      tpu.enqueue_dma source(%arg8 : memref<6272xf32, #tpu.memory_space<vmem>>) target(%dma_start3A_41 : memref<6272xf32, #tpu.memory_space<vmem_shared>>) target_semaphore(%run_scoped3A_40 : memref<!tpu.dma_semaphore, #tpu.memory_space<semaphore_mem>>)
      %dma_wait3A = tpu.memref_slice %arg9[%mul3A_20] : memref<100352xf32, #tpu.memory_space<vmem_shared>> -> memref<6272xf32, #tpu.memory_space<vmem_shared>>
      %dma_wait3A_42 = tpu.memref_slice %arg9[%mul3A_20] : memref<100352xf32, #tpu.memory_space<vmem_shared>> -> memref<6272xf32, #tpu.memory_space<vmem_shared>>
      tpu.wait_dma2 semaphore(%run_scoped3A_40 : memref<!tpu.dma_semaphore, #tpu.memory_space<semaphore_mem>>) src(%arg8 : memref<6272xf32, #tpu.memory_space<vmem>>) dst(%dma_wait3A_42 : memref<6272xf32, #tpu.memory_space<vmem_shared>>)
      tpu.yield
    }) : () -> ()
    "tpu.region"() ({
      %run_scoped3A_40 = tpu.sem_alloc : memref<!tpu.dma_semaphore, #tpu.memory_space<semaphore_mem>>
      %dma_start3A = tpu.memref_slice %arg10[%mul3A_20] : memref<100352xf32, #tpu.memory_space<vmem_shared>> -> memref<6272xf32, #tpu.memory_space<vmem_shared>>
      %dma_start3A_41 = tpu.memref_slice %arg10[%mul3A_20] : memref<100352xf32, #tpu.memory_space<vmem_shared>> -> memref<6272xf32, #tpu.memory_space<vmem_shared>>
      tpu.enqueue_dma source(%arg8 : memref<6272xf32, #tpu.memory_space<vmem>>) target(%dma_start3A_41 : memref<6272xf32, #tpu.memory_space<vmem_shared>>) target_semaphore(%run_scoped3A_40 : memref<!tpu.dma_semaphore, #tpu.memory_space<semaphore_mem>>)
      %dma_wait3A = tpu.memref_slice %arg10[%mul3A_20] : memref<100352xf32, #tpu.memory_space<vmem_shared>> -> memref<6272xf32, #tpu.memory_space<vmem_shared>>
      %dma_wait3A_42 = tpu.memref_slice %arg10[%mul3A_20] : memref<100352xf32, #tpu.memory_space<vmem_shared>> -> memref<6272xf32, #tpu.memory_space<vmem_shared>>
      tpu.wait_dma2 semaphore(%run_scoped3A_40 : memref<!tpu.dma_semaphore, #tpu.memory_space<semaphore_mem>>) src(%arg8 : memref<6272xf32, #tpu.memory_space<vmem>>) dst(%dma_wait3A_42 : memref<6272xf32, #tpu.memory_space<vmem_shared>>)
      tpu.yield
    }) : () -> ()
    %barrier3A = arith.constant 0 : index
    tpu.barrier barrier_id(%barrier3A)
    %run_scoped3A = arith.constant 0 : i32
    "tpu.region"() ({
      %run_scoped3A_40 = tpu.sem_alloc : memref<!tpu.dma_semaphore, #tpu.memory_space<semaphore_mem>>
      %dma_start3A = arith.constant 0 : i32
      %dma_start3A_41 = tpu.memref_slice %arg6[%run_scoped3A, %dma_start3A] : memref<4x128xi32, #tpu.memory_space<vmem>> -> memref<1x128xi32, #tpu.memory_space<vmem>>
      %dma_start3A_42 = tpu.memref_squeeze %dma_start3A_41 : memref<1x128xi32, #tpu.memory_space<vmem>> -> memref<128xi32, #tpu.memory_space<vmem>>
      %dma_start3A_43 = arith.constant 0 : i32
      %dma_start3A_44 = tpu.memref_slice %arg9[%dma_start3A_43] : memref<100352xf32, #tpu.memory_space<vmem_shared>> -> memref<100352xf32, #tpu.memory_space<vmem_shared>>
      tpu.enqueue_indirect_dma source(%arg7 : memref<128xf32, #tpu.memory_space<vmem>>) target(%dma_start3A_44 : memref<100352xf32, #tpu.memory_space<vmem_shared>>) offsets(%dma_start3A_42 : memref<128xi32, #tpu.memory_space<vmem>>) semaphore(%run_scoped3A_40 : memref<!tpu.dma_semaphore, #tpu.memory_space<semaphore_mem>>) {add = true}
      %dma_wait3A = arith.constant 0 : i32
      %dma_wait3A_45 = tpu.memref_slice %arg6[%run_scoped3A, %dma_wait3A] : memref<4x128xi32, #tpu.memory_space<vmem>> -> memref<1x128xi32, #tpu.memory_space<vmem>>
      %dma_wait3A_46 = tpu.memref_squeeze %dma_wait3A_45 : memref<1x128xi32, #tpu.memory_space<vmem>> -> memref<128xi32, #tpu.memory_space<vmem>>
      %dma_wait3A_47 = arith.constant 0 : i32
      %dma_wait3A_48 = tpu.memref_slice %arg9[%dma_wait3A_47] : memref<100352xf32, #tpu.memory_space<vmem_shared>> -> memref<100352xf32, #tpu.memory_space<vmem_shared>>
      tpu.wait_indirect_dma semaphore(%run_scoped3A_40 : memref<!tpu.dma_semaphore, #tpu.memory_space<semaphore_mem>>) src(%arg7 : memref<128xf32, #tpu.memory_space<vmem>>) dst(%dma_wait3A_48 : memref<100352xf32, #tpu.memory_space<vmem_shared>>)
      tpu.yield
    }) : () -> ()
    %run_scoped3A_21 = arith.constant 0 : i32
    %run_scoped3A_22 = arith.constant 0 : i32
    "tpu.region"() ({
      %run_scoped3A_40 = tpu.sem_alloc : memref<!tpu.dma_semaphore, #tpu.memory_space<semaphore_mem>>
      %dma_start3A = arith.constant 0 : i32
      %dma_start3A_41 = tpu.memref_slice %arg5[%run_scoped3A_21, %dma_start3A] : memref<4x128xf32, #tpu.memory_space<vmem>> -> memref<1x128xf32, #tpu.memory_space<vmem>>
      %dma_start3A_42 = tpu.memref_squeeze %dma_start3A_41 : memref<1x128xf32, #tpu.memory_space<vmem>> -> memref<128xf32, #tpu.memory_space<vmem>>
      %dma_start3A_43 = arith.constant 0 : i32
      %dma_start3A_44 = tpu.memref_slice %arg6[%run_scoped3A_22, %dma_start3A_43] : memref<4x128xi32, #tpu.memory_space<vmem>> -> memref<1x128xi32, #tpu.memory_space<vmem>>
      %dma_start3A_45 = tpu.memref_squeeze %dma_start3A_44 : memref<1x128xi32, #tpu.memory_space<vmem>> -> memref<128xi32, #tpu.memory_space<vmem>>
      %dma_start3A_46 = arith.constant 0 : i32
      %dma_start3A_47 = tpu.memref_slice %arg10[%dma_start3A_46] : memref<100352xf32, #tpu.memory_space<vmem_shared>> -> memref<100352xf32, #tpu.memory_space<vmem_shared>>
      tpu.enqueue_indirect_dma source(%dma_start3A_42 : memref<128xf32, #tpu.memory_space<vmem>>) target(%dma_start3A_47 : memref<100352xf32, #tpu.memory_space<vmem_shared>>) offsets(%dma_start3A_45 : memref<128xi32, #tpu.memory_space<vmem>>) semaphore(%run_scoped3A_40 : memref<!tpu.dma_semaphore, #tpu.memory_space<semaphore_mem>>) {add = true}
      %dma_wait3A = arith.constant 0 : i32
      %dma_wait3A_48 = tpu.memref_slice %arg5[%run_scoped3A_21, %dma_wait3A] : memref<4x128xf32, #tpu.memory_space<vmem>> -> memref<1x128xf32, #tpu.memory_space<vmem>>
      %dma_wait3A_49 = tpu.memref_squeeze %dma_wait3A_48 : memref<1x128xf32, #tpu.memory_space<vmem>> -> memref<128xf32, #tpu.memory_space<vmem>>
      %dma_wait3A_50 = arith.constant 0 : i32
      %dma_wait3A_51 = tpu.memref_slice %arg6[%run_scoped3A_22, %dma_wait3A_50] : memref<4x128xi32, #tpu.memory_space<vmem>> -> memref<1x128xi32, #tpu.memory_space<vmem>>
      %dma_wait3A_52 = tpu.memref_squeeze %dma_wait3A_51 : memref<1x128xi32, #tpu.memory_space<vmem>> -> memref<128xi32, #tpu.memory_space<vmem>>
      %dma_wait3A_53 = arith.constant 0 : i32
      %dma_wait3A_54 = tpu.memref_slice %arg10[%dma_wait3A_53] : memref<100352xf32, #tpu.memory_space<vmem_shared>> -> memref<100352xf32, #tpu.memory_space<vmem_shared>>
      tpu.wait_indirect_dma semaphore(%run_scoped3A_40 : memref<!tpu.dma_semaphore, #tpu.memory_space<semaphore_mem>>) src(%dma_wait3A_49 : memref<128xf32, #tpu.memory_space<vmem>>) dst(%dma_wait3A_54 : memref<100352xf32, #tpu.memory_space<vmem_shared>>)
      tpu.yield
    }) : () -> ()
    %run_scoped3A_23 = arith.constant 1 : i32
    "tpu.region"() ({
      %run_scoped3A_40 = tpu.sem_alloc : memref<!tpu.dma_semaphore, #tpu.memory_space<semaphore_mem>>
      %dma_start3A = arith.constant 0 : i32
      %dma_start3A_41 = tpu.memref_slice %arg6[%run_scoped3A_23, %dma_start3A] : memref<4x128xi32, #tpu.memory_space<vmem>> -> memref<1x128xi32, #tpu.memory_space<vmem>>
      %dma_start3A_42 = tpu.memref_squeeze %dma_start3A_41 : memref<1x128xi32, #tpu.memory_space<vmem>> -> memref<128xi32, #tpu.memory_space<vmem>>
      %dma_start3A_43 = arith.constant 0 : i32
      %dma_start3A_44 = tpu.memref_slice %arg9[%dma_start3A_43] : memref<100352xf32, #tpu.memory_space<vmem_shared>> -> memref<100352xf32, #tpu.memory_space<vmem_shared>>
      tpu.enqueue_indirect_dma source(%arg7 : memref<128xf32, #tpu.memory_space<vmem>>) target(%dma_start3A_44 : memref<100352xf32, #tpu.memory_space<vmem_shared>>) offsets(%dma_start3A_42 : memref<128xi32, #tpu.memory_space<vmem>>) semaphore(%run_scoped3A_40 : memref<!tpu.dma_semaphore, #tpu.memory_space<semaphore_mem>>) {add = true}
      %dma_wait3A = arith.constant 0 : i32
      %dma_wait3A_45 = tpu.memref_slice %arg6[%run_scoped3A_23, %dma_wait3A] : memref<4x128xi32, #tpu.memory_space<vmem>> -> memref<1x128xi32, #tpu.memory_space<vmem>>
      %dma_wait3A_46 = tpu.memref_squeeze %dma_wait3A_45 : memref<1x128xi32, #tpu.memory_space<vmem>> -> memref<128xi32, #tpu.memory_space<vmem>>
      %dma_wait3A_47 = arith.constant 0 : i32
      %dma_wait3A_48 = tpu.memref_slice %arg9[%dma_wait3A_47] : memref<100352xf32, #tpu.memory_space<vmem_shared>> -> memref<100352xf32, #tpu.memory_space<vmem_shared>>
      tpu.wait_indirect_dma semaphore(%run_scoped3A_40 : memref<!tpu.dma_semaphore, #tpu.memory_space<semaphore_mem>>) src(%arg7 : memref<128xf32, #tpu.memory_space<vmem>>) dst(%dma_wait3A_48 : memref<100352xf32, #tpu.memory_space<vmem_shared>>)
      tpu.yield
    }) : () -> ()
    %run_scoped3A_24 = arith.constant 1 : i32
    %run_scoped3A_25 = arith.constant 1 : i32
    "tpu.region"() ({
      %run_scoped3A_40 = tpu.sem_alloc : memref<!tpu.dma_semaphore, #tpu.memory_space<semaphore_mem>>
      %dma_start3A = arith.constant 0 : i32
      %dma_start3A_41 = tpu.memref_slice %arg5[%run_scoped3A_24, %dma_start3A] : memref<4x128xf32, #tpu.memory_space<vmem>> -> memref<1x128xf32, #tpu.memory_space<vmem>>
      %dma_start3A_42 = tpu.memref_squeeze %dma_start3A_41 : memref<1x128xf32, #tpu.memory_space<vmem>> -> memref<128xf32, #tpu.memory_space<vmem>>
      %dma_start3A_43 = arith.constant 0 : i32
      %dma_start3A_44 = tpu.memref_slice %arg6[%run_scoped3A_25, %dma_start3A_43] : memref<4x128xi32, #tpu.memory_space<vmem>> -> memref<1x128xi32, #tpu.memory_space<vmem>>
      %dma_start3A_45 = tpu.memref_squeeze %dma_start3A_44 : memref<1x128xi32, #tpu.memory_space<vmem>> -> memref<128xi32, #tpu.memory_space<vmem>>
      %dma_start3A_46 = arith.constant 0 : i32
      %dma_start3A_47 = tpu.memref_slice %arg10[%dma_start3A_46] : memref<100352xf32, #tpu.memory_space<vmem_shared>> -> memref<100352xf32, #tpu.memory_space<vmem_shared>>
      tpu.enqueue_indirect_dma source(%dma_start3A_42 : memref<128xf32, #tpu.memory_space<vmem>>) target(%dma_start3A_47 : memref<100352xf32, #tpu.memory_space<vmem_shared>>) offsets(%dma_start3A_45 : memref<128xi32, #tpu.memory_space<vmem>>) semaphore(%run_scoped3A_40 : memref<!tpu.dma_semaphore, #tpu.memory_space<semaphore_mem>>) {add = true}
      %dma_wait3A = arith.constant 0 : i32
      %dma_wait3A_48 = tpu.memref_slice %arg5[%run_scoped3A_24, %dma_wait3A] : memref<4x128xf32, #tpu.memory_space<vmem>> -> memref<1x128xf32, #tpu.memory_space<vmem>>
      %dma_wait3A_49 = tpu.memref_squeeze %dma_wait3A_48 : memref<1x128xf32, #tpu.memory_space<vmem>> -> memref<128xf32, #tpu.memory_space<vmem>>
      %dma_wait3A_50 = arith.constant 0 : i32
      %dma_wait3A_51 = tpu.memref_slice %arg6[%run_scoped3A_25, %dma_wait3A_50] : memref<4x128xi32, #tpu.memory_space<vmem>> -> memref<1x128xi32, #tpu.memory_space<vmem>>
      %dma_wait3A_52 = tpu.memref_squeeze %dma_wait3A_51 : memref<1x128xi32, #tpu.memory_space<vmem>> -> memref<128xi32, #tpu.memory_space<vmem>>
      %dma_wait3A_53 = arith.constant 0 : i32
      %dma_wait3A_54 = tpu.memref_slice %arg10[%dma_wait3A_53] : memref<100352xf32, #tpu.memory_space<vmem_shared>> -> memref<100352xf32, #tpu.memory_space<vmem_shared>>
      tpu.wait_indirect_dma semaphore(%run_scoped3A_40 : memref<!tpu.dma_semaphore, #tpu.memory_space<semaphore_mem>>) src(%dma_wait3A_49 : memref<128xf32, #tpu.memory_space<vmem>>) dst(%dma_wait3A_54 : memref<100352xf32, #tpu.memory_space<vmem_shared>>)
      tpu.yield
    }) : () -> ()
    %run_scoped3A_26 = arith.constant 2 : i32
    "tpu.region"() ({
      %run_scoped3A_40 = tpu.sem_alloc : memref<!tpu.dma_semaphore, #tpu.memory_space<semaphore_mem>>
      %dma_start3A = arith.constant 0 : i32
      %dma_start3A_41 = tpu.memref_slice %arg6[%run_scoped3A_26, %dma_start3A] : memref<4x128xi32, #tpu.memory_space<vmem>> -> memref<1x128xi32, #tpu.memory_space<vmem>>
      %dma_start3A_42 = tpu.memref_squeeze %dma_start3A_41 : memref<1x128xi32, #tpu.memory_space<vmem>> -> memref<128xi32, #tpu.memory_space<vmem>>
      %dma_start3A_43 = arith.constant 0 : i32
      %dma_start3A_44 = tpu.memref_slice %arg9[%dma_start3A_43] : memref<100352xf32, #tpu.memory_space<vmem_shared>> -> memref<100352xf32, #tpu.memory_space<vmem_shared>>
      tpu.enqueue_indirect_dma source(%arg7 : memref<128xf32, #tpu.memory_space<vmem>>) target(%dma_start3A_44 : memref<100352xf32, #tpu.memory_space<vmem_shared>>) offsets(%dma_start3A_42 : memref<128xi32, #tpu.memory_space<vmem>>) semaphore(%run_scoped3A_40 : memref<!tpu.dma_semaphore, #tpu.memory_space<semaphore_mem>>) {add = true}
      %dma_wait3A = arith.constant 0 : i32
      %dma_wait3A_45 = tpu.memref_slice %arg6[%run_scoped3A_26, %dma_wait3A] : memref<4x128xi32, #tpu.memory_space<vmem>> -> memref<1x128xi32, #tpu.memory_space<vmem>>
      %dma_wait3A_46 = tpu.memref_squeeze %dma_wait3A_45 : memref<1x128xi32, #tpu.memory_space<vmem>> -> memref<128xi32, #tpu.memory_space<vmem>>
      %dma_wait3A_47 = arith.constant 0 : i32
      %dma_wait3A_48 = tpu.memref_slice %arg9[%dma_wait3A_47] : memref<100352xf32, #tpu.memory_space<vmem_shared>> -> memref<100352xf32, #tpu.memory_space<vmem_shared>>
      tpu.wait_indirect_dma semaphore(%run_scoped3A_40 : memref<!tpu.dma_semaphore, #tpu.memory_space<semaphore_mem>>) src(%arg7 : memref<128xf32, #tpu.memory_space<vmem>>) dst(%dma_wait3A_48 : memref<100352xf32, #tpu.memory_space<vmem_shared>>)
      tpu.yield
    }) : () -> ()
    %run_scoped3A_27 = arith.constant 2 : i32
    %run_scoped3A_28 = arith.constant 2 : i32
    "tpu.region"() ({
      %run_scoped3A_40 = tpu.sem_alloc : memref<!tpu.dma_semaphore, #tpu.memory_space<semaphore_mem>>
      %dma_start3A = arith.constant 0 : i32
      %dma_start3A_41 = tpu.memref_slice %arg5[%run_scoped3A_27, %dma_start3A] : memref<4x128xf32, #tpu.memory_space<vmem>> -> memref<1x128xf32, #tpu.memory_space<vmem>>
      %dma_start3A_42 = tpu.memref_squeeze %dma_start3A_41 : memref<1x128xf32, #tpu.memory_space<vmem>> -> memref<128xf32, #tpu.memory_space<vmem>>
      %dma_start3A_43 = arith.constant 0 : i32
      %dma_start3A_44 = tpu.memref_slice %arg6[%run_scoped3A_28, %dma_start3A_43] : memref<4x128xi32, #tpu.memory_space<vmem>> -> memref<1x128xi32, #tpu.memory_space<vmem>>
      %dma_start3A_45 = tpu.memref_squeeze %dma_start3A_44 : memref<1x128xi32, #tpu.memory_space<vmem>> -> memref<128xi32, #tpu.memory_space<vmem>>
      %dma_start3A_46 = arith.constant 0 : i32
      %dma_start3A_47 = tpu.memref_slice %arg10[%dma_start3A_46] : memref<100352xf32, #tpu.memory_space<vmem_shared>> -> memref<100352xf32, #tpu.memory_space<vmem_shared>>
      tpu.enqueue_indirect_dma source(%dma_start3A_42 : memref<128xf32, #tpu.memory_space<vmem>>) target(%dma_start3A_47 : memref<100352xf32, #tpu.memory_space<vmem_shared>>) offsets(%dma_start3A_45 : memref<128xi32, #tpu.memory_space<vmem>>) semaphore(%run_scoped3A_40 : memref<!tpu.dma_semaphore, #tpu.memory_space<semaphore_mem>>) {add = true}
      %dma_wait3A = arith.constant 0 : i32
      %dma_wait3A_48 = tpu.memref_slice %arg5[%run_scoped3A_27, %dma_wait3A] : memref<4x128xf32, #tpu.memory_space<vmem>> -> memref<1x128xf32, #tpu.memory_space<vmem>>
      %dma_wait3A_49 = tpu.memref_squeeze %dma_wait3A_48 : memref<1x128xf32, #tpu.memory_space<vmem>> -> memref<128xf32, #tpu.memory_space<vmem>>
      %dma_wait3A_50 = arith.constant 0 : i32
      %dma_wait3A_51 = tpu.memref_slice %arg6[%run_scoped3A_28, %dma_wait3A_50] : memref<4x128xi32, #tpu.memory_space<vmem>> -> memref<1x128xi32, #tpu.memory_space<vmem>>
      %dma_wait3A_52 = tpu.memref_squeeze %dma_wait3A_51 : memref<1x128xi32, #tpu.memory_space<vmem>> -> memref<128xi32, #tpu.memory_space<vmem>>
      %dma_wait3A_53 = arith.constant 0 : i32
      %dma_wait3A_54 = tpu.memref_slice %arg10[%dma_wait3A_53] : memref<100352xf32, #tpu.memory_space<vmem_shared>> -> memref<100352xf32, #tpu.memory_space<vmem_shared>>
      tpu.wait_indirect_dma semaphore(%run_scoped3A_40 : memref<!tpu.dma_semaphore, #tpu.memory_space<semaphore_mem>>) src(%dma_wait3A_49 : memref<128xf32, #tpu.memory_space<vmem>>) dst(%dma_wait3A_54 : memref<100352xf32, #tpu.memory_space<vmem_shared>>)
      tpu.yield
    }) : () -> ()
    %run_scoped3A_29 = arith.constant 3 : i32
    "tpu.region"() ({
      %run_scoped3A_40 = tpu.sem_alloc : memref<!tpu.dma_semaphore, #tpu.memory_space<semaphore_mem>>
      %dma_start3A = arith.constant 0 : i32
      %dma_start3A_41 = tpu.memref_slice %arg6[%run_scoped3A_29, %dma_start3A] : memref<4x128xi32, #tpu.memory_space<vmem>> -> memref<1x128xi32, #tpu.memory_space<vmem>>
      %dma_start3A_42 = tpu.memref_squeeze %dma_start3A_41 : memref<1x128xi32, #tpu.memory_space<vmem>> -> memref<128xi32, #tpu.memory_space<vmem>>
      %dma_start3A_43 = arith.constant 0 : i32
      %dma_start3A_44 = tpu.memref_slice %arg9[%dma_start3A_43] : memref<100352xf32, #tpu.memory_space<vmem_shared>> -> memref<100352xf32, #tpu.memory_space<vmem_shared>>
      tpu.enqueue_indirect_dma source(%arg7 : memref<128xf32, #tpu.memory_space<vmem>>) target(%dma_start3A_44 : memref<100352xf32, #tpu.memory_space<vmem_shared>>) offsets(%dma_start3A_42 : memref<128xi32, #tpu.memory_space<vmem>>) semaphore(%run_scoped3A_40 : memref<!tpu.dma_semaphore, #tpu.memory_space<semaphore_mem>>) {add = true}
      %dma_wait3A = arith.constant 0 : i32
      %dma_wait3A_45 = tpu.memref_slice %arg6[%run_scoped3A_29, %dma_wait3A] : memref<4x128xi32, #tpu.memory_space<vmem>> -> memref<1x128xi32, #tpu.memory_space<vmem>>
      %dma_wait3A_46 = tpu.memref_squeeze %dma_wait3A_45 : memref<1x128xi32, #tpu.memory_space<vmem>> -> memref<128xi32, #tpu.memory_space<vmem>>
      %dma_wait3A_47 = arith.constant 0 : i32
      %dma_wait3A_48 = tpu.memref_slice %arg9[%dma_wait3A_47] : memref<100352xf32, #tpu.memory_space<vmem_shared>> -> memref<100352xf32, #tpu.memory_space<vmem_shared>>
      tpu.wait_indirect_dma semaphore(%run_scoped3A_40 : memref<!tpu.dma_semaphore, #tpu.memory_space<semaphore_mem>>) src(%arg7 : memref<128xf32, #tpu.memory_space<vmem>>) dst(%dma_wait3A_48 : memref<100352xf32, #tpu.memory_space<vmem_shared>>)
      tpu.yield
    }) : () -> ()
    %run_scoped3A_30 = arith.constant 3 : i32
    %run_scoped3A_31 = arith.constant 3 : i32
    "tpu.region"() ({
      %run_scoped3A_40 = tpu.sem_alloc : memref<!tpu.dma_semaphore, #tpu.memory_space<semaphore_mem>>
      %dma_start3A = arith.constant 0 : i32
      %dma_start3A_41 = tpu.memref_slice %arg5[%run_scoped3A_30, %dma_start3A] : memref<4x128xf32, #tpu.memory_space<vmem>> -> memref<1x128xf32, #tpu.memory_space<vmem>>
      %dma_start3A_42 = tpu.memref_squeeze %dma_start3A_41 : memref<1x128xf32, #tpu.memory_space<vmem>> -> memref<128xf32, #tpu.memory_space<vmem>>
      %dma_start3A_43 = arith.constant 0 : i32
      %dma_start3A_44 = tpu.memref_slice %arg6[%run_scoped3A_31, %dma_start3A_43] : memref<4x128xi32, #tpu.memory_space<vmem>> -> memref<1x128xi32, #tpu.memory_space<vmem>>
      %dma_start3A_45 = tpu.memref_squeeze %dma_start3A_44 : memref<1x128xi32, #tpu.memory_space<vmem>> -> memref<128xi32, #tpu.memory_space<vmem>>
      %dma_start3A_46 = arith.constant 0 : i32
      %dma_start3A_47 = tpu.memref_slice %arg10[%dma_start3A_46] : memref<100352xf32, #tpu.memory_space<vmem_shared>> -> memref<100352xf32, #tpu.memory_space<vmem_shared>>
      tpu.enqueue_indirect_dma source(%dma_start3A_42 : memref<128xf32, #tpu.memory_space<vmem>>) target(%dma_start3A_47 : memref<100352xf32, #tpu.memory_space<vmem_shared>>) offsets(%dma_start3A_45 : memref<128xi32, #tpu.memory_space<vmem>>) semaphore(%run_scoped3A_40 : memref<!tpu.dma_semaphore, #tpu.memory_space<semaphore_mem>>) {add = true}
      %dma_wait3A = arith.constant 0 : i32
      %dma_wait3A_48 = tpu.memref_slice %arg5[%run_scoped3A_30, %dma_wait3A] : memref<4x128xf32, #tpu.memory_space<vmem>> -> memref<1x128xf32, #tpu.memory_space<vmem>>
      %dma_wait3A_49 = tpu.memref_squeeze %dma_wait3A_48 : memref<1x128xf32, #tpu.memory_space<vmem>> -> memref<128xf32, #tpu.memory_space<vmem>>
      %dma_wait3A_50 = arith.constant 0 : i32
      %dma_wait3A_51 = tpu.memref_slice %arg6[%run_scoped3A_31, %dma_wait3A_50] : memref<4x128xi32, #tpu.memory_space<vmem>> -> memref<1x128xi32, #tpu.memory_space<vmem>>
      %dma_wait3A_52 = tpu.memref_squeeze %dma_wait3A_51 : memref<1x128xi32, #tpu.memory_space<vmem>> -> memref<128xi32, #tpu.memory_space<vmem>>
      %dma_wait3A_53 = arith.constant 0 : i32
      %dma_wait3A_54 = tpu.memref_slice %arg10[%dma_wait3A_53] : memref<100352xf32, #tpu.memory_space<vmem_shared>> -> memref<100352xf32, #tpu.memory_space<vmem_shared>>
      tpu.wait_indirect_dma semaphore(%run_scoped3A_40 : memref<!tpu.dma_semaphore, #tpu.memory_space<semaphore_mem>>) src(%dma_wait3A_49 : memref<128xf32, #tpu.memory_space<vmem>>) dst(%dma_wait3A_54 : memref<100352xf32, #tpu.memory_space<vmem_shared>>)
      tpu.yield
    }) : () -> ()
    %barrier3A_32 = arith.constant 0 : index
    tpu.barrier barrier_id(%barrier3A_32)
    %mul3A_33 = arith.constant 200704 : i32
    %mul3A_34 = arith.muli %arg0, %mul3A_33 : i32
    %mul3A_35 = arith.constant 6272 : i32
    %mul3A_36 = arith.muli %arg1, %mul3A_35 : i32
    %add3A_37 = arith.addi %mul3A_34, %mul3A_36 : i32
    "tpu.region"() ({
      %run_scoped3A_40 = tpu.sem_alloc : memref<!tpu.dma_semaphore, #tpu.memory_space<semaphore_mem>>
      %dma_start3A = tpu.memref_slice %arg4[%add3A_37] : memref<401408xf32, #tpu.memory_space<hbm>> -> memref<6272xf32, #tpu.memory_space<hbm>>
      %dma_start3A_41 = tpu.memref_slice %arg9[%mul3A_20] : memref<100352xf32, #tpu.memory_space<vmem_shared>> -> memref<6272xf32, #tpu.memory_space<vmem_shared>>
      tpu.enqueue_dma source(%dma_start3A_41 : memref<6272xf32, #tpu.memory_space<vmem_shared>>) target(%dma_start3A : memref<6272xf32, #tpu.memory_space<hbm>>) target_semaphore(%run_scoped3A_40 : memref<!tpu.dma_semaphore, #tpu.memory_space<semaphore_mem>>)
      %dma_wait3A = tpu.memref_slice %arg4[%add3A_37] : memref<401408xf32, #tpu.memory_space<hbm>> -> memref<6272xf32, #tpu.memory_space<hbm>>
      %dma_wait3A_42 = tpu.memref_slice %arg9[%mul3A_20] : memref<100352xf32, #tpu.memory_space<vmem_shared>> -> memref<6272xf32, #tpu.memory_space<vmem_shared>>
      tpu.wait_dma2 semaphore(%run_scoped3A_40 : memref<!tpu.dma_semaphore, #tpu.memory_space<semaphore_mem>>) src(%dma_wait3A_42 : memref<6272xf32, #tpu.memory_space<vmem_shared>>) dst(%dma_wait3A : memref<6272xf32, #tpu.memory_space<hbm>>)
      tpu.yield
    }) : () -> ()
    %add3A_38 = arith.constant 100352 : i32
    %add3A_39 = arith.addi %add3A_37, %add3A_38 : i32
    "tpu.region"() ({
      %run_scoped3A_40 = tpu.sem_alloc : memref<!tpu.dma_semaphore, #tpu.memory_space<semaphore_mem>>
      %dma_start3A = tpu.memref_slice %arg4[%add3A_39] : memref<401408xf32, #tpu.memory_space<hbm>> -> memref<6272xf32, #tpu.memory_space<hbm>>
      %dma_start3A_41 = tpu.memref_slice %arg10[%mul3A_20] : memref<100352xf32, #tpu.memory_space<vmem_shared>> -> memref<6272xf32, #tpu.memory_space<vmem_shared>>
      tpu.enqueue_dma source(%dma_start3A_41 : memref<6272xf32, #tpu.memory_space<vmem_shared>>) target(%dma_start3A : memref<6272xf32, #tpu.memory_space<hbm>>) target_semaphore(%run_scoped3A_40 : memref<!tpu.dma_semaphore, #tpu.memory_space<semaphore_mem>>)
      %dma_wait3A = tpu.memref_slice %arg4[%add3A_39] : memref<401408xf32, #tpu.memory_space<hbm>> -> memref<6272xf32, #tpu.memory_space<hbm>>
      %dma_wait3A_42 = tpu.memref_slice %arg10[%mul3A_20] : memref<100352xf32, #tpu.memory_space<vmem_shared>> -> memref<6272xf32, #tpu.memory_space<vmem_shared>>
      tpu.wait_dma2 semaphore(%run_scoped3A_40 : memref<!tpu.dma_semaphore, #tpu.memory_space<semaphore_mem>>) src(%dma_wait3A_42 : memref<6272xf32, #tpu.memory_space<vmem_shared>>) dst(%dma_wait3A : memref<6272xf32, #tpu.memory_space<hbm>>)
      tpu.yield
    }) : () -> ()
    return
  }
}

#map = affine_map<(d0, d1) -> (0, 0)>
module attributes {stable_mosaic.version = 14 : i64} {
  func.func @_stage_a_body(%arg0: i32, %arg1: i32, %arg2: memref<16384x64xf32, #tpu.memory_space<hbm>>, %arg3: memref<128x128xf32, #tpu.memory_space<hbm>>, %arg4: memref<100000x64xf32, #tpu.memory_space<hbm>>, %arg5: memref<128x128xf32, #tpu.memory_space<hbm>>, %arg6: memref<128x128xi32, #tpu.memory_space<hbm>>, %arg7: memref<256x64xf32, #tpu.memory_space<vmem>>, %arg8: memref<256x64xf32, #tpu.memory_space<vmem>>, %arg9: memref<4x128xf32, #tpu.memory_space<vmem>>, %arg10: memref<4x128xi32, #tpu.memory_space<vmem>>, %arg11: memref<4x128xf32, #tpu.memory_space<vmem>>, %arg12: memref<32x128xf32, #tpu.memory_space<vmem>>, %arg13: memref<32x128xf32, #tpu.memory_space<vmem>>, %arg14: memref<32x128xf32, #tpu.memory_space<vmem>>, %arg15: memref<!tpu.dma_semaphore, #tpu.memory_space<semaphore_mem>>, %arg16: memref<!tpu.dma_semaphore, #tpu.memory_space<semaphore_mem>>) attributes {dimension_semantics = [#tpu.dimension_semantics<core_parallel>, #tpu.dimension_semantics<subcore_parallel>], iteration_bounds = array<i64: 2, 16>, scalar_prefetch = 0 : i64, scratch_operands = 10 : i64, tpu.core_type = #tpu.core_type<sc_vector_subcore>, window_params = [{transform_indices = #map}, {transform_indices = #map}, {transform_indices = #map}, {transform_indices = #map}, {transform_indices = #map}]} {
    %mul3A = arith.constant 16 : i32
    %mul3A_0 = arith.muli %arg0, %mul3A : i32
    %add3A = arith.addi %mul3A_0, %arg1 : i32
    %mul3A_1 = arith.constant 512 : i32
    %mul3A_2 = arith.muli %add3A, %mul3A_1 : i32
    %mul3A_3 = arith.constant 4 : i32
    %mul3A_4 = arith.muli %add3A, %mul3A_3 : i32
    "tpu.region"() ({
      %run_scoped3A = tpu.sem_alloc : memref<!tpu.dma_semaphore, #tpu.memory_space<semaphore_mem>>
      %dma_start3A_516 = arith.constant 0 : i32
      %dma_start3A_517 = tpu.memref_slice %arg3[%mul3A_4, %dma_start3A_516] : memref<128x128xf32, #tpu.memory_space<hbm>> -> memref<4x128xf32, #tpu.memory_space<hbm>>
      %dma_start3A_518 = arith.constant 0 : i32
      %dma_start3A_519 = tpu.memref_slice %arg3[%mul3A_4, %dma_start3A_518] : memref<128x128xf32, #tpu.memory_space<hbm>> -> memref<4x128xf32, #tpu.memory_space<hbm>>
      tpu.enqueue_dma source(%dma_start3A_519 : memref<4x128xf32, #tpu.memory_space<hbm>>) target(%arg9 : memref<4x128xf32, #tpu.memory_space<vmem>>) target_semaphore(%run_scoped3A : memref<!tpu.dma_semaphore, #tpu.memory_space<semaphore_mem>>)
      %dma_wait3A_520 = arith.constant 0 : i32
      %dma_wait3A_521 = tpu.memref_slice %arg3[%mul3A_4, %dma_wait3A_520] : memref<128x128xf32, #tpu.memory_space<hbm>> -> memref<4x128xf32, #tpu.memory_space<hbm>>
      %dma_wait3A_522 = arith.constant 0 : i32
      %dma_wait3A_523 = tpu.memref_slice %arg3[%mul3A_4, %dma_wait3A_522] : memref<128x128xf32, #tpu.memory_space<hbm>> -> memref<4x128xf32, #tpu.memory_space<hbm>>
      tpu.wait_dma2 semaphore(%run_scoped3A : memref<!tpu.dma_semaphore, #tpu.memory_space<semaphore_mem>>) src(%dma_wait3A_523 : memref<4x128xf32, #tpu.memory_space<hbm>>) dst(%arg9 : memref<4x128xf32, #tpu.memory_space<vmem>>)
      tpu.yield
    }) : () -> ()
    %get3A = arith.constant 0 : i32
    %get3A_5 = arith.index_cast %get3A : i32 to index
    %get3A_6 = arith.constant 0 : index
    %get3A_7 = tpu.vector_load %arg9[%get3A_5, %get3A_6] {strides = array<i32>} : memref<4x128xf32, #tpu.memory_space<vmem>>, vector<16xf32>,
    %convert_element_type3A = arith.fptosi %get3A_7 : vector<16xf32> to vector<16xi32>
    %swap3A = arith.constant 0 : i32
    %swap3A_8 = arith.index_cast %swap3A : i32 to index
    %swap3A_9 = arith.constant 0 : index
    %swap3A_10 = tpu.vector_load %arg10[%swap3A_8, %swap3A_9] {strides = array<i32>} : memref<4x128xi32, #tpu.memory_space<vmem>>, vector<16xi32>,
    tpu.vector_store %arg10[%swap3A_8, %swap3A_9], %convert_element_type3A {strides = array<i32>} : memref<4x128xi32, #tpu.memory_space<vmem>>, vector<16xi32>,
    %get3A_11 = arith.constant 0 : i32
    %get3A_12 = arith.index_cast %get3A_11 : i32 to index
    %get3A_13 = arith.constant 16 : index
    %get3A_14 = tpu.vector_load %arg9[%get3A_12, %get3A_13] {strides = array<i32>} : memref<4x128xf32, #tpu.memory_space<vmem>>, vector<16xf32>,
    %convert_element_type3A_15 = arith.fptosi %get3A_14 : vector<16xf32> to vector<16xi32>
    %swap3A_16 = arith.constant 0 : i32
    %swap3A_17 = arith.index_cast %swap3A_16 : i32 to index
    %swap3A_18 = arith.constant 16 : index
    %swap3A_19 = tpu.vector_load %arg10[%swap3A_17, %swap3A_18] {strides = array<i32>} : memref<4x128xi32, #tpu.memory_space<vmem>>, vector<16xi32>,
    tpu.vector_store %arg10[%swap3A_17, %swap3A_18], %convert_element_type3A_15 {strides = array<i32>} : memref<4x128xi32, #tpu.memory_space<vmem>>, vector<16xi32>,
    %get3A_20 = arith.constant 0 : i32
    %get3A_21 = arith.index_cast %get3A_20 : i32 to index
    %get3A_22 = arith.constant 32 : index
    %get3A_23 = tpu.vector_load %arg9[%get3A_21, %get3A_22] {strides = array<i32>} : memref<4x128xf32, #tpu.memory_space<vmem>>, vector<16xf32>,
    %convert_element_type3A_24 = arith.fptosi %get3A_23 : vector<16xf32> to vector<16xi32>
    %swap3A_25 = arith.constant 0 : i32
    %swap3A_26 = arith.index_cast %swap3A_25 : i32 to index
    %swap3A_27 = arith.constant 32 : index
    %swap3A_28 = tpu.vector_load %arg10[%swap3A_26, %swap3A_27] {strides = array<i32>} : memref<4x128xi32, #tpu.memory_space<vmem>>, vector<16xi32>,
    tpu.vector_store %arg10[%swap3A_26, %swap3A_27], %convert_element_type3A_24 {strides = array<i32>} : memref<4x128xi32, #tpu.memory_space<vmem>>, vector<16xi32>,
    %get3A_29 = arith.constant 0 : i32
    %get3A_30 = arith.index_cast %get3A_29 : i32 to index
    %get3A_31 = arith.constant 48 : index
    %get3A_32 = tpu.vector_load %arg9[%get3A_30, %get3A_31] {strides = array<i32>} : memref<4x128xf32, #tpu.memory_space<vmem>>, vector<16xf32>,
    %convert_element_type3A_33 = arith.fptosi %get3A_32 : vector<16xf32> to vector<16xi32>
    %swap3A_34 = arith.constant 0 : i32
    %swap3A_35 = arith.index_cast %swap3A_34 : i32 to index
    %swap3A_36 = arith.constant 48 : index
    %swap3A_37 = tpu.vector_load %arg10[%swap3A_35, %swap3A_36] {strides = array<i32>} : memref<4x128xi32, #tpu.memory_space<vmem>>, vector<16xi32>,
    tpu.vector_store %arg10[%swap3A_35, %swap3A_36], %convert_element_type3A_33 {strides = array<i32>} : memref<4x128xi32, #tpu.memory_space<vmem>>, vector<16xi32>,
    %get3A_38 = arith.constant 0 : i32
    %get3A_39 = arith.index_cast %get3A_38 : i32 to index
    %get3A_40 = arith.constant 64 : index
    %get3A_41 = tpu.vector_load %arg9[%get3A_39, %get3A_40] {strides = array<i32>} : memref<4x128xf32, #tpu.memory_space<vmem>>, vector<16xf32>,
    %convert_element_type3A_42 = arith.fptosi %get3A_41 : vector<16xf32> to vector<16xi32>
    %swap3A_43 = arith.constant 0 : i32
    %swap3A_44 = arith.index_cast %swap3A_43 : i32 to index
    %swap3A_45 = arith.constant 64 : index
    %swap3A_46 = tpu.vector_load %arg10[%swap3A_44, %swap3A_45] {strides = array<i32>} : memref<4x128xi32, #tpu.memory_space<vmem>>, vector<16xi32>,
    tpu.vector_store %arg10[%swap3A_44, %swap3A_45], %convert_element_type3A_42 {strides = array<i32>} : memref<4x128xi32, #tpu.memory_space<vmem>>, vector<16xi32>,
    %get3A_47 = arith.constant 0 : i32
    %get3A_48 = arith.index_cast %get3A_47 : i32 to index
    %get3A_49 = arith.constant 80 : index
    %get3A_50 = tpu.vector_load %arg9[%get3A_48, %get3A_49] {strides = array<i32>} : memref<4x128xf32, #tpu.memory_space<vmem>>, vector<16xf32>,
    %convert_element_type3A_51 = arith.fptosi %get3A_50 : vector<16xf32> to vector<16xi32>
    %swap3A_52 = arith.constant 0 : i32
    %swap3A_53 = arith.index_cast %swap3A_52 : i32 to index
    %swap3A_54 = arith.constant 80 : index
    %swap3A_55 = tpu.vector_load %arg10[%swap3A_53, %swap3A_54] {strides = array<i32>} : memref<4x128xi32, #tpu.memory_space<vmem>>, vector<16xi32>,
    tpu.vector_store %arg10[%swap3A_53, %swap3A_54], %convert_element_type3A_51 {strides = array<i32>} : memref<4x128xi32, #tpu.memory_space<vmem>>, vector<16xi32>,
    %get3A_56 = arith.constant 0 : i32
    %get3A_57 = arith.index_cast %get3A_56 : i32 to index
    %get3A_58 = arith.constant 96 : index
    %get3A_59 = tpu.vector_load %arg9[%get3A_57, %get3A_58] {strides = array<i32>} : memref<4x128xf32, #tpu.memory_space<vmem>>, vector<16xf32>,
    %convert_element_type3A_60 = arith.fptosi %get3A_59 : vector<16xf32> to vector<16xi32>
    %swap3A_61 = arith.constant 0 : i32
    %swap3A_62 = arith.index_cast %swap3A_61 : i32 to index
    %swap3A_63 = arith.constant 96 : index
    %swap3A_64 = tpu.vector_load %arg10[%swap3A_62, %swap3A_63] {strides = array<i32>} : memref<4x128xi32, #tpu.memory_space<vmem>>, vector<16xi32>,
    tpu.vector_store %arg10[%swap3A_62, %swap3A_63], %convert_element_type3A_60 {strides = array<i32>} : memref<4x128xi32, #tpu.memory_space<vmem>>, vector<16xi32>,
    %get3A_65 = arith.constant 0 : i32
    %get3A_66 = arith.index_cast %get3A_65 : i32 to index
    %get3A_67 = arith.constant 112 : index
    %get3A_68 = tpu.vector_load %arg9[%get3A_66, %get3A_67] {strides = array<i32>} : memref<4x128xf32, #tpu.memory_space<vmem>>, vector<16xf32>,
    %convert_element_type3A_69 = arith.fptosi %get3A_68 : vector<16xf32> to vector<16xi32>
    %swap3A_70 = arith.constant 0 : i32
    %swap3A_71 = arith.index_cast %swap3A_70 : i32 to index
    %swap3A_72 = arith.constant 112 : index
    %swap3A_73 = tpu.vector_load %arg10[%swap3A_71, %swap3A_72] {strides = array<i32>} : memref<4x128xi32, #tpu.memory_space<vmem>>, vector<16xi32>,
    tpu.vector_store %arg10[%swap3A_71, %swap3A_72], %convert_element_type3A_69 {strides = array<i32>} : memref<4x128xi32, #tpu.memory_space<vmem>>, vector<16xi32>,
    %get3A_74 = arith.constant 1 : i32
    %get3A_75 = arith.index_cast %get3A_74 : i32 to index
    %get3A_76 = arith.constant 0 : index
    %get3A_77 = tpu.vector_load %arg9[%get3A_75, %get3A_76] {strides = array<i32>} : memref<4x128xf32, #tpu.memory_space<vmem>>, vector<16xf32>,
    %convert_element_type3A_78 = arith.fptosi %get3A_77 : vector<16xf32> to vector<16xi32>
    %swap3A_79 = arith.constant 1 : i32
    %swap3A_80 = arith.index_cast %swap3A_79 : i32 to index
    %swap3A_81 = arith.constant 0 : index
    %swap3A_82 = tpu.vector_load %arg10[%swap3A_80, %swap3A_81] {strides = array<i32>} : memref<4x128xi32, #tpu.memory_space<vmem>>, vector<16xi32>,
    tpu.vector_store %arg10[%swap3A_80, %swap3A_81], %convert_element_type3A_78 {strides = array<i32>} : memref<4x128xi32, #tpu.memory_space<vmem>>, vector<16xi32>,
    %get3A_83 = arith.constant 1 : i32
    %get3A_84 = arith.index_cast %get3A_83 : i32 to index
    %get3A_85 = arith.constant 16 : index
    %get3A_86 = tpu.vector_load %arg9[%get3A_84, %get3A_85] {strides = array<i32>} : memref<4x128xf32, #tpu.memory_space<vmem>>, vector<16xf32>,
    %convert_element_type3A_87 = arith.fptosi %get3A_86 : vector<16xf32> to vector<16xi32>
    %swap3A_88 = arith.constant 1 : i32
    %swap3A_89 = arith.index_cast %swap3A_88 : i32 to index
    %swap3A_90 = arith.constant 16 : index
    %swap3A_91 = tpu.vector_load %arg10[%swap3A_89, %swap3A_90] {strides = array<i32>} : memref<4x128xi32, #tpu.memory_space<vmem>>, vector<16xi32>,
    tpu.vector_store %arg10[%swap3A_89, %swap3A_90], %convert_element_type3A_87 {strides = array<i32>} : memref<4x128xi32, #tpu.memory_space<vmem>>, vector<16xi32>,
    %get3A_92 = arith.constant 1 : i32
    %get3A_93 = arith.index_cast %get3A_92 : i32 to index
    %get3A_94 = arith.constant 32 : index
    %get3A_95 = tpu.vector_load %arg9[%get3A_93, %get3A_94] {strides = array<i32>} : memref<4x128xf32, #tpu.memory_space<vmem>>, vector<16xf32>,
    %convert_element_type3A_96 = arith.fptosi %get3A_95 : vector<16xf32> to vector<16xi32>
    %swap3A_97 = arith.constant 1 : i32
    %swap3A_98 = arith.index_cast %swap3A_97 : i32 to index
    %swap3A_99 = arith.constant 32 : index
    %swap3A_100 = tpu.vector_load %arg10[%swap3A_98, %swap3A_99] {strides = array<i32>} : memref<4x128xi32, #tpu.memory_space<vmem>>, vector<16xi32>,
    tpu.vector_store %arg10[%swap3A_98, %swap3A_99], %convert_element_type3A_96 {strides = array<i32>} : memref<4x128xi32, #tpu.memory_space<vmem>>, vector<16xi32>,
    %get3A_101 = arith.constant 1 : i32
    %get3A_102 = arith.index_cast %get3A_101 : i32 to index
    %get3A_103 = arith.constant 48 : index
    %get3A_104 = tpu.vector_load %arg9[%get3A_102, %get3A_103] {strides = array<i32>} : memref<4x128xf32, #tpu.memory_space<vmem>>, vector<16xf32>,
    %convert_element_type3A_105 = arith.fptosi %get3A_104 : vector<16xf32> to vector<16xi32>
    %swap3A_106 = arith.constant 1 : i32
    %swap3A_107 = arith.index_cast %swap3A_106 : i32 to index
    %swap3A_108 = arith.constant 48 : index
    %swap3A_109 = tpu.vector_load %arg10[%swap3A_107, %swap3A_108] {strides = array<i32>} : memref<4x128xi32, #tpu.memory_space<vmem>>, vector<16xi32>,
    tpu.vector_store %arg10[%swap3A_107, %swap3A_108], %convert_element_type3A_105 {strides = array<i32>} : memref<4x128xi32, #tpu.memory_space<vmem>>, vector<16xi32>,
    %get3A_110 = arith.constant 1 : i32
    %get3A_111 = arith.index_cast %get3A_110 : i32 to index
    %get3A_112 = arith.constant 64 : index
    %get3A_113 = tpu.vector_load %arg9[%get3A_111, %get3A_112] {strides = array<i32>} : memref<4x128xf32, #tpu.memory_space<vmem>>, vector<16xf32>,
    %convert_element_type3A_114 = arith.fptosi %get3A_113 : vector<16xf32> to vector<16xi32>
    %swap3A_115 = arith.constant 1 : i32
    %swap3A_116 = arith.index_cast %swap3A_115 : i32 to index
    %swap3A_117 = arith.constant 64 : index
    %swap3A_118 = tpu.vector_load %arg10[%swap3A_116, %swap3A_117] {strides = array<i32>} : memref<4x128xi32, #tpu.memory_space<vmem>>, vector<16xi32>,
    tpu.vector_store %arg10[%swap3A_116, %swap3A_117], %convert_element_type3A_114 {strides = array<i32>} : memref<4x128xi32, #tpu.memory_space<vmem>>, vector<16xi32>,
    %get3A_119 = arith.constant 1 : i32
    %get3A_120 = arith.index_cast %get3A_119 : i32 to index
    %get3A_121 = arith.constant 80 : index
    %get3A_122 = tpu.vector_load %arg9[%get3A_120, %get3A_121] {strides = array<i32>} : memref<4x128xf32, #tpu.memory_space<vmem>>, vector<16xf32>,
    %convert_element_type3A_123 = arith.fptosi %get3A_122 : vector<16xf32> to vector<16xi32>
    %swap3A_124 = arith.constant 1 : i32
    %swap3A_125 = arith.index_cast %swap3A_124 : i32 to index
    %swap3A_126 = arith.constant 80 : index
    %swap3A_127 = tpu.vector_load %arg10[%swap3A_125, %swap3A_126] {strides = array<i32>} : memref<4x128xi32, #tpu.memory_space<vmem>>, vector<16xi32>,
    tpu.vector_store %arg10[%swap3A_125, %swap3A_126], %convert_element_type3A_123 {strides = array<i32>} : memref<4x128xi32, #tpu.memory_space<vmem>>, vector<16xi32>,
    %get3A_128 = arith.constant 1 : i32
    %get3A_129 = arith.index_cast %get3A_128 : i32 to index
    %get3A_130 = arith.constant 96 : index
    %get3A_131 = tpu.vector_load %arg9[%get3A_129, %get3A_130] {strides = array<i32>} : memref<4x128xf32, #tpu.memory_space<vmem>>, vector<16xf32>,
    %convert_element_type3A_132 = arith.fptosi %get3A_131 : vector<16xf32> to vector<16xi32>
    %swap3A_133 = arith.constant 1 : i32
    %swap3A_134 = arith.index_cast %swap3A_133 : i32 to index
    %swap3A_135 = arith.constant 96 : index
    %swap3A_136 = tpu.vector_load %arg10[%swap3A_134, %swap3A_135] {strides = array<i32>} : memref<4x128xi32, #tpu.memory_space<vmem>>, vector<16xi32>,
    tpu.vector_store %arg10[%swap3A_134, %swap3A_135], %convert_element_type3A_132 {strides = array<i32>} : memref<4x128xi32, #tpu.memory_space<vmem>>, vector<16xi32>,
    %get3A_137 = arith.constant 1 : i32
    %get3A_138 = arith.index_cast %get3A_137 : i32 to index
    %get3A_139 = arith.constant 112 : index
    %get3A_140 = tpu.vector_load %arg9[%get3A_138, %get3A_139] {strides = array<i32>} : memref<4x128xf32, #tpu.memory_space<vmem>>, vector<16xf32>,
    %convert_element_type3A_141 = arith.fptosi %get3A_140 : vector<16xf32> to vector<16xi32>
    %swap3A_142 = arith.constant 1 : i32
    %swap3A_143 = arith.index_cast %swap3A_142 : i32 to index
    %swap3A_144 = arith.constant 112 : index
    %swap3A_145 = tpu.vector_load %arg10[%swap3A_143, %swap3A_144] {strides = array<i32>} : memref<4x128xi32, #tpu.memory_space<vmem>>, vector<16xi32>,
    tpu.vector_store %arg10[%swap3A_143, %swap3A_144], %convert_element_type3A_141 {strides = array<i32>} : memref<4x128xi32, #tpu.memory_space<vmem>>, vector<16xi32>,
    %get3A_146 = arith.constant 2 : i32
    %get3A_147 = arith.index_cast %get3A_146 : i32 to index
    %get3A_148 = arith.constant 0 : index
    %get3A_149 = tpu.vector_load %arg9[%get3A_147, %get3A_148] {strides = array<i32>} : memref<4x128xf32, #tpu.memory_space<vmem>>, vector<16xf32>,
    %convert_element_type3A_150 = arith.fptosi %get3A_149 : vector<16xf32> to vector<16xi32>
    %swap3A_151 = arith.constant 2 : i32
    %swap3A_152 = arith.index_cast %swap3A_151 : i32 to index
    %swap3A_153 = arith.constant 0 : index
    %swap3A_154 = tpu.vector_load %arg10[%swap3A_152, %swap3A_153] {strides = array<i32>} : memref<4x128xi32, #tpu.memory_space<vmem>>, vector<16xi32>,
    tpu.vector_store %arg10[%swap3A_152, %swap3A_153], %convert_element_type3A_150 {strides = array<i32>} : memref<4x128xi32, #tpu.memory_space<vmem>>, vector<16xi32>,
    %get3A_155 = arith.constant 2 : i32
    %get3A_156 = arith.index_cast %get3A_155 : i32 to index
    %get3A_157 = arith.constant 16 : index
    %get3A_158 = tpu.vector_load %arg9[%get3A_156, %get3A_157] {strides = array<i32>} : memref<4x128xf32, #tpu.memory_space<vmem>>, vector<16xf32>,
    %convert_element_type3A_159 = arith.fptosi %get3A_158 : vector<16xf32> to vector<16xi32>
    %swap3A_160 = arith.constant 2 : i32
    %swap3A_161 = arith.index_cast %swap3A_160 : i32 to index
    %swap3A_162 = arith.constant 16 : index
    %swap3A_163 = tpu.vector_load %arg10[%swap3A_161, %swap3A_162] {strides = array<i32>} : memref<4x128xi32, #tpu.memory_space<vmem>>, vector<16xi32>,
    tpu.vector_store %arg10[%swap3A_161, %swap3A_162], %convert_element_type3A_159 {strides = array<i32>} : memref<4x128xi32, #tpu.memory_space<vmem>>, vector<16xi32>,
    %get3A_164 = arith.constant 2 : i32
    %get3A_165 = arith.index_cast %get3A_164 : i32 to index
    %get3A_166 = arith.constant 32 : index
    %get3A_167 = tpu.vector_load %arg9[%get3A_165, %get3A_166] {strides = array<i32>} : memref<4x128xf32, #tpu.memory_space<vmem>>, vector<16xf32>,
    %convert_element_type3A_168 = arith.fptosi %get3A_167 : vector<16xf32> to vector<16xi32>
    %swap3A_169 = arith.constant 2 : i32
    %swap3A_170 = arith.index_cast %swap3A_169 : i32 to index
    %swap3A_171 = arith.constant 32 : index
    %swap3A_172 = tpu.vector_load %arg10[%swap3A_170, %swap3A_171] {strides = array<i32>} : memref<4x128xi32, #tpu.memory_space<vmem>>, vector<16xi32>,
    tpu.vector_store %arg10[%swap3A_170, %swap3A_171], %convert_element_type3A_168 {strides = array<i32>} : memref<4x128xi32, #tpu.memory_space<vmem>>, vector<16xi32>,
    %get3A_173 = arith.constant 2 : i32
    %get3A_174 = arith.index_cast %get3A_173 : i32 to index
    %get3A_175 = arith.constant 48 : index
    %get3A_176 = tpu.vector_load %arg9[%get3A_174, %get3A_175] {strides = array<i32>} : memref<4x128xf32, #tpu.memory_space<vmem>>, vector<16xf32>,
    %convert_element_type3A_177 = arith.fptosi %get3A_176 : vector<16xf32> to vector<16xi32>
    %swap3A_178 = arith.constant 2 : i32
    %swap3A_179 = arith.index_cast %swap3A_178 : i32 to index
    %swap3A_180 = arith.constant 48 : index
    %swap3A_181 = tpu.vector_load %arg10[%swap3A_179, %swap3A_180] {strides = array<i32>} : memref<4x128xi32, #tpu.memory_space<vmem>>, vector<16xi32>,
    tpu.vector_store %arg10[%swap3A_179, %swap3A_180], %convert_element_type3A_177 {strides = array<i32>} : memref<4x128xi32, #tpu.memory_space<vmem>>, vector<16xi32>,
    %get3A_182 = arith.constant 2 : i32
    %get3A_183 = arith.index_cast %get3A_182 : i32 to index
    %get3A_184 = arith.constant 64 : index
    %get3A_185 = tpu.vector_load %arg9[%get3A_183, %get3A_184] {strides = array<i32>} : memref<4x128xf32, #tpu.memory_space<vmem>>, vector<16xf32>,
    %convert_element_type3A_186 = arith.fptosi %get3A_185 : vector<16xf32> to vector<16xi32>
    %swap3A_187 = arith.constant 2 : i32
    %swap3A_188 = arith.index_cast %swap3A_187 : i32 to index
    %swap3A_189 = arith.constant 64 : index
    %swap3A_190 = tpu.vector_load %arg10[%swap3A_188, %swap3A_189] {strides = array<i32>} : memref<4x128xi32, #tpu.memory_space<vmem>>, vector<16xi32>,
    tpu.vector_store %arg10[%swap3A_188, %swap3A_189], %convert_element_type3A_186 {strides = array<i32>} : memref<4x128xi32, #tpu.memory_space<vmem>>, vector<16xi32>,
    %get3A_191 = arith.constant 2 : i32
    %get3A_192 = arith.index_cast %get3A_191 : i32 to index
    %get3A_193 = arith.constant 80 : index
    %get3A_194 = tpu.vector_load %arg9[%get3A_192, %get3A_193] {strides = array<i32>} : memref<4x128xf32, #tpu.memory_space<vmem>>, vector<16xf32>,
    %convert_element_type3A_195 = arith.fptosi %get3A_194 : vector<16xf32> to vector<16xi32>
    %swap3A_196 = arith.constant 2 : i32
    %swap3A_197 = arith.index_cast %swap3A_196 : i32 to index
    %swap3A_198 = arith.constant 80 : index
    %swap3A_199 = tpu.vector_load %arg10[%swap3A_197, %swap3A_198] {strides = array<i32>} : memref<4x128xi32, #tpu.memory_space<vmem>>, vector<16xi32>,
    tpu.vector_store %arg10[%swap3A_197, %swap3A_198], %convert_element_type3A_195 {strides = array<i32>} : memref<4x128xi32, #tpu.memory_space<vmem>>, vector<16xi32>,
    %get3A_200 = arith.constant 2 : i32
    %get3A_201 = arith.index_cast %get3A_200 : i32 to index
    %get3A_202 = arith.constant 96 : index
    %get3A_203 = tpu.vector_load %arg9[%get3A_201, %get3A_202] {strides = array<i32>} : memref<4x128xf32, #tpu.memory_space<vmem>>, vector<16xf32>,
    %convert_element_type3A_204 = arith.fptosi %get3A_203 : vector<16xf32> to vector<16xi32>
    %swap3A_205 = arith.constant 2 : i32
    %swap3A_206 = arith.index_cast %swap3A_205 : i32 to index
    %swap3A_207 = arith.constant 96 : index
    %swap3A_208 = tpu.vector_load %arg10[%swap3A_206, %swap3A_207] {strides = array<i32>} : memref<4x128xi32, #tpu.memory_space<vmem>>, vector<16xi32>,
    tpu.vector_store %arg10[%swap3A_206, %swap3A_207], %convert_element_type3A_204 {strides = array<i32>} : memref<4x128xi32, #tpu.memory_space<vmem>>, vector<16xi32>,
    %get3A_209 = arith.constant 2 : i32
    %get3A_210 = arith.index_cast %get3A_209 : i32 to index
    %get3A_211 = arith.constant 112 : index
    %get3A_212 = tpu.vector_load %arg9[%get3A_210, %get3A_211] {strides = array<i32>} : memref<4x128xf32, #tpu.memory_space<vmem>>, vector<16xf32>,
    %convert_element_type3A_213 = arith.fptosi %get3A_212 : vector<16xf32> to vector<16xi32>
    %swap3A_214 = arith.constant 2 : i32
    %swap3A_215 = arith.index_cast %swap3A_214 : i32 to index
    %swap3A_216 = arith.constant 112 : index
    %swap3A_217 = tpu.vector_load %arg10[%swap3A_215, %swap3A_216] {strides = array<i32>} : memref<4x128xi32, #tpu.memory_space<vmem>>, vector<16xi32>,
    tpu.vector_store %arg10[%swap3A_215, %swap3A_216], %convert_element_type3A_213 {strides = array<i32>} : memref<4x128xi32, #tpu.memory_space<vmem>>, vector<16xi32>,
    %get3A_218 = arith.constant 3 : i32
    %get3A_219 = arith.index_cast %get3A_218 : i32 to index
    %get3A_220 = arith.constant 0 : index
    %get3A_221 = tpu.vector_load %arg9[%get3A_219, %get3A_220] {strides = array<i32>} : memref<4x128xf32, #tpu.memory_space<vmem>>, vector<16xf32>,
    %convert_element_type3A_222 = arith.fptosi %get3A_221 : vector<16xf32> to vector<16xi32>
    %swap3A_223 = arith.constant 3 : i32
    %swap3A_224 = arith.index_cast %swap3A_223 : i32 to index
    %swap3A_225 = arith.constant 0 : index
    %swap3A_226 = tpu.vector_load %arg10[%swap3A_224, %swap3A_225] {strides = array<i32>} : memref<4x128xi32, #tpu.memory_space<vmem>>, vector<16xi32>,
    tpu.vector_store %arg10[%swap3A_224, %swap3A_225], %convert_element_type3A_222 {strides = array<i32>} : memref<4x128xi32, #tpu.memory_space<vmem>>, vector<16xi32>,
    %get3A_227 = arith.constant 3 : i32
    %get3A_228 = arith.index_cast %get3A_227 : i32 to index
    %get3A_229 = arith.constant 16 : index
    %get3A_230 = tpu.vector_load %arg9[%get3A_228, %get3A_229] {strides = array<i32>} : memref<4x128xf32, #tpu.memory_space<vmem>>, vector<16xf32>,
    %convert_element_type3A_231 = arith.fptosi %get3A_230 : vector<16xf32> to vector<16xi32>
    %swap3A_232 = arith.constant 3 : i32
    %swap3A_233 = arith.index_cast %swap3A_232 : i32 to index
    %swap3A_234 = arith.constant 16 : index
    %swap3A_235 = tpu.vector_load %arg10[%swap3A_233, %swap3A_234] {strides = array<i32>} : memref<4x128xi32, #tpu.memory_space<vmem>>, vector<16xi32>,
    tpu.vector_store %arg10[%swap3A_233, %swap3A_234], %convert_element_type3A_231 {strides = array<i32>} : memref<4x128xi32, #tpu.memory_space<vmem>>, vector<16xi32>,
    %get3A_236 = arith.constant 3 : i32
    %get3A_237 = arith.index_cast %get3A_236 : i32 to index
    %get3A_238 = arith.constant 32 : index
    %get3A_239 = tpu.vector_load %arg9[%get3A_237, %get3A_238] {strides = array<i32>} : memref<4x128xf32, #tpu.memory_space<vmem>>, vector<16xf32>,
    %convert_element_type3A_240 = arith.fptosi %get3A_239 : vector<16xf32> to vector<16xi32>
    %swap3A_241 = arith.constant 3 : i32
    %swap3A_242 = arith.index_cast %swap3A_241 : i32 to index
    %swap3A_243 = arith.constant 32 : index
    %swap3A_244 = tpu.vector_load %arg10[%swap3A_242, %swap3A_243] {strides = array<i32>} : memref<4x128xi32, #tpu.memory_space<vmem>>, vector<16xi32>,
    tpu.vector_store %arg10[%swap3A_242, %swap3A_243], %convert_element_type3A_240 {strides = array<i32>} : memref<4x128xi32, #tpu.memory_space<vmem>>, vector<16xi32>,
    %get3A_245 = arith.constant 3 : i32
    %get3A_246 = arith.index_cast %get3A_245 : i32 to index
    %get3A_247 = arith.constant 48 : index
    %get3A_248 = tpu.vector_load %arg9[%get3A_246, %get3A_247] {strides = array<i32>} : memref<4x128xf32, #tpu.memory_space<vmem>>, vector<16xf32>,
    %convert_element_type3A_249 = arith.fptosi %get3A_248 : vector<16xf32> to vector<16xi32>
    %swap3A_250 = arith.constant 3 : i32
    %swap3A_251 = arith.index_cast %swap3A_250 : i32 to index
    %swap3A_252 = arith.constant 48 : index
    %swap3A_253 = tpu.vector_load %arg10[%swap3A_251, %swap3A_252] {strides = array<i32>} : memref<4x128xi32, #tpu.memory_space<vmem>>, vector<16xi32>,
    tpu.vector_store %arg10[%swap3A_251, %swap3A_252], %convert_element_type3A_249 {strides = array<i32>} : memref<4x128xi32, #tpu.memory_space<vmem>>, vector<16xi32>,
    %get3A_254 = arith.constant 3 : i32
    %get3A_255 = arith.index_cast %get3A_254 : i32 to index
    %get3A_256 = arith.constant 64 : index
    %get3A_257 = tpu.vector_load %arg9[%get3A_255, %get3A_256] {strides = array<i32>} : memref<4x128xf32, #tpu.memory_space<vmem>>, vector<16xf32>,
    %convert_element_type3A_258 = arith.fptosi %get3A_257 : vector<16xf32> to vector<16xi32>
    %swap3A_259 = arith.constant 3 : i32
    %swap3A_260 = arith.index_cast %swap3A_259 : i32 to index
    %swap3A_261 = arith.constant 64 : index
    %swap3A_262 = tpu.vector_load %arg10[%swap3A_260, %swap3A_261] {strides = array<i32>} : memref<4x128xi32, #tpu.memory_space<vmem>>, vector<16xi32>,
    tpu.vector_store %arg10[%swap3A_260, %swap3A_261], %convert_element_type3A_258 {strides = array<i32>} : memref<4x128xi32, #tpu.memory_space<vmem>>, vector<16xi32>,
    %get3A_263 = arith.constant 3 : i32
    %get3A_264 = arith.index_cast %get3A_263 : i32 to index
    %get3A_265 = arith.constant 80 : index
    %get3A_266 = tpu.vector_load %arg9[%get3A_264, %get3A_265] {strides = array<i32>} : memref<4x128xf32, #tpu.memory_space<vmem>>, vector<16xf32>,
    %convert_element_type3A_267 = arith.fptosi %get3A_266 : vector<16xf32> to vector<16xi32>
    %swap3A_268 = arith.constant 3 : i32
    %swap3A_269 = arith.index_cast %swap3A_268 : i32 to index
    %swap3A_270 = arith.constant 80 : index
    %swap3A_271 = tpu.vector_load %arg10[%swap3A_269, %swap3A_270] {strides = array<i32>} : memref<4x128xi32, #tpu.memory_space<vmem>>, vector<16xi32>,
    tpu.vector_store %arg10[%swap3A_269, %swap3A_270], %convert_element_type3A_267 {strides = array<i32>} : memref<4x128xi32, #tpu.memory_space<vmem>>, vector<16xi32>,
    %get3A_272 = arith.constant 3 : i32
    %get3A_273 = arith.index_cast %get3A_272 : i32 to index
    %get3A_274 = arith.constant 96 : index
    %get3A_275 = tpu.vector_load %arg9[%get3A_273, %get3A_274] {strides = array<i32>} : memref<4x128xf32, #tpu.memory_space<vmem>>, vector<16xf32>,
    %convert_element_type3A_276 = arith.fptosi %get3A_275 : vector<16xf32> to vector<16xi32>
    %swap3A_277 = arith.constant 3 : i32
    %swap3A_278 = arith.index_cast %swap3A_277 : i32 to index
    %swap3A_279 = arith.constant 96 : index
    %swap3A_280 = tpu.vector_load %arg10[%swap3A_278, %swap3A_279] {strides = array<i32>} : memref<4x128xi32, #tpu.memory_space<vmem>>, vector<16xi32>,
    tpu.vector_store %arg10[%swap3A_278, %swap3A_279], %convert_element_type3A_276 {strides = array<i32>} : memref<4x128xi32, #tpu.memory_space<vmem>>, vector<16xi32>,
    %get3A_281 = arith.constant 3 : i32
    %get3A_282 = arith.index_cast %get3A_281 : i32 to index
    %get3A_283 = arith.constant 112 : index
    %get3A_284 = tpu.vector_load %arg9[%get3A_282, %get3A_283] {strides = array<i32>} : memref<4x128xf32, #tpu.memory_space<vmem>>, vector<16xf32>,
    %convert_element_type3A_285 = arith.fptosi %get3A_284 : vector<16xf32> to vector<16xi32>
    %swap3A_286 = arith.constant 3 : i32
    %swap3A_287 = arith.index_cast %swap3A_286 : i32 to index
    %swap3A_288 = arith.constant 112 : index
    %swap3A_289 = tpu.vector_load %arg10[%swap3A_287, %swap3A_288] {strides = array<i32>} : memref<4x128xi32, #tpu.memory_space<vmem>>, vector<16xi32>,
    tpu.vector_store %arg10[%swap3A_287, %swap3A_288], %convert_element_type3A_285 {strides = array<i32>} : memref<4x128xi32, #tpu.memory_space<vmem>>, vector<16xi32>,
    %broadcast_in_dim3A = arith.constant 0.000000e+00 : f32
    %broadcast_in_dim3A_290 = vector.broadcast %broadcast_in_dim3A : f32 to vector<16xf32>
    %iota3A = tpu.iota {dimensions = array<i32: 0>} : vector<16xi32>
    %add3A_291 = arith.constant 0 : i32
    %add3A_292 = arith.addi %mul3A_2, %add3A_291 : i32
    %dma_start3A = arith.constant 0 : i32
    %dma_start3A_293 = tpu.memref_slice %arg2[%add3A_292, %dma_start3A] : memref<16384x64xf32, #tpu.memory_space<hbm>> -> memref<256x64xf32, #tpu.memory_space<hbm>>
    %dma_start3A_294 = arith.constant 0 : i32
    %dma_start3A_295 = tpu.memref_slice %arg2[%add3A_292, %dma_start3A_294] : memref<16384x64xf32, #tpu.memory_space<hbm>> -> memref<256x64xf32, #tpu.memory_space<hbm>>
    tpu.enqueue_dma source(%dma_start3A_295 : memref<256x64xf32, #tpu.memory_space<hbm>>) target(%arg7 : memref<256x64xf32, #tpu.memory_space<vmem>>) target_semaphore(%arg16 : memref<!tpu.dma_semaphore, #tpu.memory_space<semaphore_mem>>)
    %scan3A = arith.constant 0 : i32
    %scan3A_296 = arith.constant 0 : i32
    %scan3A_297 = arith.constant 16 : i32
    %scan3A_298 = arith.addi %scan3A_296, %scan3A_297 : i32
    %scan3A_299 = arith.constant 1 : i32
    scf.for %scan3A_516 = %scan3A_296 to %scan3A_298 step %scan3A_299  : i32 {
      %mul3A_517 = arith.constant 16 : i32
      %mul3A_518 = arith.muli %scan3A_516, %mul3A_517 : i32
      %add3A_519 = arith.constant 0 : i32
      %add3A_520 = arith.addi %add3A_519, %mul3A_518 : i32
      %jit3A = arith.constant 128 : i32
      %div3A = arith.divsi %add3A_520, %jit3A : i32
      %sign3A = arith.constant 0 : i32
      %sign3A_521 = arith.cmpi sgt, %add3A_520, %sign3A : i32
      %sign3A_522 = arith.extui %sign3A_521 : i1 to i32
      %sign3A_523 = arith.constant 0 : i32
      %sign3A_524 = arith.cmpi slt, %add3A_520, %sign3A_523 : i32
      %sign3A_525 = arith.extui %sign3A_524 : i1 to i32
      %sign3A_526 = arith.subi %sign3A_522, %sign3A_525 : i32
      %sign3A_527 = arith.constant 0 : i32
      %sign3A_528 = arith.cmpi sgt, %jit3A, %sign3A_527 : i32
      %sign3A_529 = arith.extui %sign3A_528 : i1 to i32
      %sign3A_530 = arith.constant 0 : i32
      %sign3A_531 = arith.cmpi slt, %jit3A, %sign3A_530 : i32
      %sign3A_532 = arith.extui %sign3A_531 : i1 to i32
      %sign3A_533 = arith.subi %sign3A_529, %sign3A_532 : i32
      %ne3A = arith.cmpi ne, %sign3A_526, %sign3A_533 : i32
      %rem3A = arith.remsi %add3A_520, %jit3A : i32
      %ne3A_534 = arith.constant 0 : i32
      %ne3A_535 = arith.cmpi ne, %rem3A, %ne3A_534 : i32
      %and3A = arith.andi %ne3A, %ne3A_535 : i1
      %sub3A = arith.constant 1 : i32
      %sub3A_536 = arith.subi %div3A, %sub3A : i32
      %select_n3A = arith.select %and3A, %sub3A_536, %div3A : i32
      %jit3A_537 = arith.constant 128 : i32
      %eq3A = arith.constant 0 : i32
      %eq3A_538 = arith.cmpi eq, %jit3A_537, %eq3A : i32
      %jit3A_539 = arith.constant 1 : i32
      %select_n3A_540 = arith.select %eq3A_538, %jit3A_539, %jit3A_537 : i32
      %rem3A_541 = arith.remsi %add3A_520, %select_n3A_540 : i32
      %ne3A_542 = arith.constant 0 : i32
      %ne3A_543 = arith.cmpi ne, %rem3A_541, %ne3A_542 : i32
      %lt3A = arith.constant 0 : i32
      %lt3A_544 = arith.cmpi slt, %rem3A_541, %lt3A : i32
      %lt3A_545 = arith.constant 0 : i32
      %lt3A_546 = arith.cmpi slt, %select_n3A_540, %lt3A_545 : i32
      %ne3A_547 = arith.xori %lt3A_544, %lt3A_546 : i1
      %and3A_548 = arith.andi %ne3A_547, %ne3A_543 : i1
      %add3A_549 = arith.addi %rem3A_541, %select_n3A_540 : i32
      %select_n3A_550 = arith.select %and3A_548, %add3A_549, %rem3A_541 : i32
      %mul3A_551 = arith.constant 1 : i32
      %mul3A_552 = arith.muli %select_n3A_550, %mul3A_551 : i32
      %get3A_553 = arith.index_cast %select_n3A : i32 to index
      %get3A_554 = arith.index_cast %mul3A_552 : i32 to index
      %get3A_555 = tpu.vector_load %arg10[%get3A_553, %get3A_554] {strides = array<i32>} : memref<4x128xi32, #tpu.memory_space<vmem>>, vector<16xi32>,
      %slice3A = vector.extract_strided_slice %get3A_555 {offsets = [0], sizes = [1], strides = [1]} : vector<16xi32> to vector<1xi32>
      %squeeze3A = vector.extract %slice3A[0] : i32 from vector<1xi32>
      %mul3A_556 = arith.constant 16 : i32
      %mul3A_557 = arith.muli %scan3A_516, %mul3A_556 : i32
      %add3A_558 = arith.constant 0 : i32
      %add3A_559 = arith.addi %mul3A_557, %add3A_558 : i32
      %dma_start3A_560 = arith.constant 0 : i32
      %dma_start3A_561 = tpu.memref_slice %arg8[%add3A_559, %dma_start3A_560] : memref<256x64xf32, #tpu.memory_space<vmem>> -> memref<1x64xf32, #tpu.memory_space<vmem>>
      %dma_start3A_562 = tpu.memref_squeeze %dma_start3A_561 : memref<1x64xf32, #tpu.memory_space<vmem>> -> memref<64xf32, #tpu.memory_space<vmem>>
      %dma_start3A_563 = arith.constant 0 : i32
      %dma_start3A_564 = tpu.memref_slice %arg4[%squeeze3A, %dma_start3A_563] : memref<100000x64xf32, #tpu.memory_space<hbm>> -> memref<1x64xf32, #tpu.memory_space<hbm>>
      %dma_start3A_565 = tpu.memref_squeeze %dma_start3A_564 : memref<1x64xf32, #tpu.memory_space<hbm>> -> memref<64xf32, #tpu.memory_space<hbm>>
      %dma_start3A_566 = arith.constant 0 : i32
      %dma_start3A_567 = tpu.memref_slice %arg8[%add3A_559, %dma_start3A_566] : memref<256x64xf32, #tpu.memory_space<vmem>> -> memref<1x64xf32, #tpu.memory_space<vmem>>
      %dma_start3A_568 = tpu.memref_squeeze %dma_start3A_567 : memref<1x64xf32, #tpu.memory_space<vmem>> -> memref<64xf32, #tpu.memory_space<vmem>>
      %dma_start3A_569 = arith.constant 0 : i32
      %dma_start3A_570 = tpu.memref_slice %arg4[%squeeze3A, %dma_start3A_569] : memref<100000x64xf32, #tpu.memory_space<hbm>> -> memref<1x64xf32, #tpu.memory_space<hbm>>
      %dma_start3A_571 = tpu.memref_squeeze %dma_start3A_570 : memref<1x64xf32, #tpu.memory_space<hbm>> -> memref<64xf32, #tpu.memory_space<hbm>>
      tpu.enqueue_dma source(%dma_start3A_571 : memref<64xf32, #tpu.memory_space<hbm>>) target(%dma_start3A_568 : memref<64xf32, #tpu.memory_space<vmem>>) target_semaphore(%arg15 : memref<!tpu.dma_semaphore, #tpu.memory_space<semaphore_mem>>)
      %slice3A_572 = vector.extract_strided_slice %get3A_555 {offsets = [1], sizes = [1], strides = [1]} : vector<16xi32> to vector<1xi32>
      %squeeze3A_573 = vector.extract %slice3A_572[0] : i32 from vector<1xi32>
      %mul3A_574 = arith.constant 16 : i32
      %mul3A_575 = arith.muli %scan3A_516, %mul3A_574 : i32
      %add3A_576 = arith.constant 1 : i32
      %add3A_577 = arith.addi %mul3A_575, %add3A_576 : i32
      %dma_start3A_578 = arith.constant 0 : i32
      %dma_start3A_579 = tpu.memref_slice %arg8[%add3A_577, %dma_start3A_578] : memref<256x64xf32, #tpu.memory_space<vmem>> -> memref<1x64xf32, #tpu.memory_space<vmem>>
      %dma_start3A_580 = tpu.memref_squeeze %dma_start3A_579 : memref<1x64xf32, #tpu.memory_space<vmem>> -> memref<64xf32, #tpu.memory_space<vmem>>
      %dma_start3A_581 = arith.constant 0 : i32
      %dma_start3A_582 = tpu.memref_slice %arg4[%squeeze3A_573, %dma_start3A_581] : memref<100000x64xf32, #tpu.memory_space<hbm>> -> memref<1x64xf32, #tpu.memory_space<hbm>>
      %dma_start3A_583 = tpu.memref_squeeze %dma_start3A_582 : memref<1x64xf32, #tpu.memory_space<hbm>> -> memref<64xf32, #tpu.memory_space<hbm>>
      %dma_start3A_584 = arith.constant 0 : i32
      %dma_start3A_585 = tpu.memref_slice %arg8[%add3A_577, %dma_start3A_584] : memref<256x64xf32, #tpu.memory_space<vmem>> -> memref<1x64xf32, #tpu.memory_space<vmem>>
      %dma_start3A_586 = tpu.memref_squeeze %dma_start3A_585 : memref<1x64xf32, #tpu.memory_space<vmem>> -> memref<64xf32, #tpu.memory_space<vmem>>
      %dma_start3A_587 = arith.constant 0 : i32
      %dma_start3A_588 = tpu.memref_slice %arg4[%squeeze3A_573, %dma_start3A_587] : memref<100000x64xf32, #tpu.memory_space<hbm>> -> memref<1x64xf32, #tpu.memory_space<hbm>>
      %dma_start3A_589 = tpu.memref_squeeze %dma_start3A_588 : memref<1x64xf32, #tpu.memory_space<hbm>> -> memref<64xf32, #tpu.memory_space<hbm>>
      tpu.enqueue_dma source(%dma_start3A_589 : memref<64xf32, #tpu.memory_space<hbm>>) target(%dma_start3A_586 : memref<64xf32, #tpu.memory_space<vmem>>) target_semaphore(%arg15 : memref<!tpu.dma_semaphore, #tpu.memory_space<semaphore_mem>>)
      %slice3A_590 = vector.extract_strided_slice %get3A_555 {offsets = [2], sizes = [1], strides = [1]} : vector<16xi32> to vector<1xi32>
      %squeeze3A_591 = vector.extract %slice3A_590[0] : i32 from vector<1xi32>
      %mul3A_592 = arith.constant 16 : i32
      %mul3A_593 = arith.muli %scan3A_516, %mul3A_592 : i32
      %add3A_594 = arith.constant 2 : i32
      %add3A_595 = arith.addi %mul3A_593, %add3A_594 : i32
      %dma_start3A_596 = arith.constant 0 : i32
      %dma_start3A_597 = tpu.memref_slice %arg8[%add3A_595, %dma_start3A_596] : memref<256x64xf32, #tpu.memory_space<vmem>> -> memref<1x64xf32, #tpu.memory_space<vmem>>
      %dma_start3A_598 = tpu.memref_squeeze %dma_start3A_597 : memref<1x64xf32, #tpu.memory_space<vmem>> -> memref<64xf32, #tpu.memory_space<vmem>>
      %dma_start3A_599 = arith.constant 0 : i32
      %dma_start3A_600 = tpu.memref_slice %arg4[%squeeze3A_591, %dma_start3A_599] : memref<100000x64xf32, #tpu.memory_space<hbm>> -> memref<1x64xf32, #tpu.memory_space<hbm>>
      %dma_start3A_601 = tpu.memref_squeeze %dma_start3A_600 : memref<1x64xf32, #tpu.memory_space<hbm>> -> memref<64xf32, #tpu.memory_space<hbm>>
      %dma_start3A_602 = arith.constant 0 : i32
      %dma_start3A_603 = tpu.memref_slice %arg8[%add3A_595, %dma_start3A_602] : memref<256x64xf32, #tpu.memory_space<vmem>> -> memref<1x64xf32, #tpu.memory_space<vmem>>
      %dma_start3A_604 = tpu.memref_squeeze %dma_start3A_603 : memref<1x64xf32, #tpu.memory_space<vmem>> -> memref<64xf32, #tpu.memory_space<vmem>>
      %dma_start3A_605 = arith.constant 0 : i32
      %dma_start3A_606 = tpu.memref_slice %arg4[%squeeze3A_591, %dma_start3A_605] : memref<100000x64xf32, #tpu.memory_space<hbm>> -> memref<1x64xf32, #tpu.memory_space<hbm>>
      %dma_start3A_607 = tpu.memref_squeeze %dma_start3A_606 : memref<1x64xf32, #tpu.memory_space<hbm>> -> memref<64xf32, #tpu.memory_space<hbm>>
      tpu.enqueue_dma source(%dma_start3A_607 : memref<64xf32, #tpu.memory_space<hbm>>) target(%dma_start3A_604 : memref<64xf32, #tpu.memory_space<vmem>>) target_semaphore(%arg15 : memref<!tpu.dma_semaphore, #tpu.memory_space<semaphore_mem>>)
      %slice3A_608 = vector.extract_strided_slice %get3A_555 {offsets = [3], sizes = [1], strides = [1]} : vector<16xi32> to vector<1xi32>
      %squeeze3A_609 = vector.extract %slice3A_608[0] : i32 from vector<1xi32>
      %mul3A_610 = arith.constant 16 : i32
      %mul3A_611 = arith.muli %scan3A_516, %mul3A_610 : i32
      %add3A_612 = arith.constant 3 : i32
      %add3A_613 = arith.addi %mul3A_611, %add3A_612 : i32
      %dma_start3A_614 = arith.constant 0 : i32
      %dma_start3A_615 = tpu.memref_slice %arg8[%add3A_613, %dma_start3A_614] : memref<256x64xf32, #tpu.memory_space<vmem>> -> memref<1x64xf32, #tpu.memory_space<vmem>>
      %dma_start3A_616 = tpu.memref_squeeze %dma_start3A_615 : memref<1x64xf32, #tpu.memory_space<vmem>> -> memref<64xf32, #tpu.memory_space<vmem>>
      %dma_start3A_617 = arith.constant 0 : i32
      %dma_start3A_618 = tpu.memref_slice %arg4[%squeeze3A_609, %dma_start3A_617] : memref<100000x64xf32, #tpu.memory_space<hbm>> -> memref<1x64xf32, #tpu.memory_space<hbm>>
      %dma_start3A_619 = tpu.memref_squeeze %dma_start3A_618 : memref<1x64xf32, #tpu.memory_space<hbm>> -> memref<64xf32, #tpu.memory_space<hbm>>
      %dma_start3A_620 = arith.constant 0 : i32
      %dma_start3A_621 = tpu.memref_slice %arg8[%add3A_613, %dma_start3A_620] : memref<256x64xf32, #tpu.memory_space<vmem>> -> memref<1x64xf32, #tpu.memory_space<vmem>>
      %dma_start3A_622 = tpu.memref_squeeze %dma_start3A_621 : memref<1x64xf32, #tpu.memory_space<vmem>> -> memref<64xf32, #tpu.memory_space<vmem>>
      %dma_start3A_623 = arith.constant 0 : i32
      %dma_start3A_624 = tpu.memref_slice %arg4[%squeeze3A_609, %dma_start3A_623] : memref<100000x64xf32, #tpu.memory_space<hbm>> -> memref<1x64xf32, #tpu.memory_space<hbm>>
      %dma_start3A_625 = tpu.memref_squeeze %dma_start3A_624 : memref<1x64xf32, #tpu.memory_space<hbm>> -> memref<64xf32, #tpu.memory_space<hbm>>
      tpu.enqueue_dma source(%dma_start3A_625 : memref<64xf32, #tpu.memory_space<hbm>>) target(%dma_start3A_622 : memref<64xf32, #tpu.memory_space<vmem>>) target_semaphore(%arg15 : memref<!tpu.dma_semaphore, #tpu.memory_space<semaphore_mem>>)
      %slice3A_626 = vector.extract_strided_slice %get3A_555 {offsets = [4], sizes = [1], strides = [1]} : vector<16xi32> to vector<1xi32>
      %squeeze3A_627 = vector.extract %slice3A_626[0] : i32 from vector<1xi32>
      %mul3A_628 = arith.constant 16 : i32
      %mul3A_629 = arith.muli %scan3A_516, %mul3A_628 : i32
      %add3A_630 = arith.constant 4 : i32
      %add3A_631 = arith.addi %mul3A_629, %add3A_630 : i32
      %dma_start3A_632 = arith.constant 0 : i32
      %dma_start3A_633 = tpu.memref_slice %arg8[%add3A_631, %dma_start3A_632] : memref<256x64xf32, #tpu.memory_space<vmem>> -> memref<1x64xf32, #tpu.memory_space<vmem>>
      %dma_start3A_634 = tpu.memref_squeeze %dma_start3A_633 : memref<1x64xf32, #tpu.memory_space<vmem>> -> memref<64xf32, #tpu.memory_space<vmem>>
      %dma_start3A_635 = arith.constant 0 : i32
      %dma_start3A_636 = tpu.memref_slice %arg4[%squeeze3A_627, %dma_start3A_635] : memref<100000x64xf32, #tpu.memory_space<hbm>> -> memref<1x64xf32, #tpu.memory_space<hbm>>
      %dma_start3A_637 = tpu.memref_squeeze %dma_start3A_636 : memref<1x64xf32, #tpu.memory_space<hbm>> -> memref<64xf32, #tpu.memory_space<hbm>>
      %dma_start3A_638 = arith.constant 0 : i32
      %dma_start3A_639 = tpu.memref_slice %arg8[%add3A_631, %dma_start3A_638] : memref<256x64xf32, #tpu.memory_space<vmem>> -> memref<1x64xf32, #tpu.memory_space<vmem>>
      %dma_start3A_640 = tpu.memref_squeeze %dma_start3A_639 : memref<1x64xf32, #tpu.memory_space<vmem>> -> memref<64xf32, #tpu.memory_space<vmem>>
      %dma_start3A_641 = arith.constant 0 : i32
      %dma_start3A_642 = tpu.memref_slice %arg4[%squeeze3A_627, %dma_start3A_641] : memref<100000x64xf32, #tpu.memory_space<hbm>> -> memref<1x64xf32, #tpu.memory_space<hbm>>
      %dma_start3A_643 = tpu.memref_squeeze %dma_start3A_642 : memref<1x64xf32, #tpu.memory_space<hbm>> -> memref<64xf32, #tpu.memory_space<hbm>>
      tpu.enqueue_dma source(%dma_start3A_643 : memref<64xf32, #tpu.memory_space<hbm>>) target(%dma_start3A_640 : memref<64xf32, #tpu.memory_space<vmem>>) target_semaphore(%arg15 : memref<!tpu.dma_semaphore, #tpu.memory_space<semaphore_mem>>)
      %slice3A_644 = vector.extract_strided_slice %get3A_555 {offsets = [5], sizes = [1], strides = [1]} : vector<16xi32> to vector<1xi32>
      %squeeze3A_645 = vector.extract %slice3A_644[0] : i32 from vector<1xi32>
      %mul3A_646 = arith.constant 16 : i32
      %mul3A_647 = arith.muli %scan3A_516, %mul3A_646 : i32
      %add3A_648 = arith.constant 5 : i32
      %add3A_649 = arith.addi %mul3A_647, %add3A_648 : i32
      %dma_start3A_650 = arith.constant 0 : i32
      %dma_start3A_651 = tpu.memref_slice %arg8[%add3A_649, %dma_start3A_650] : memref<256x64xf32, #tpu.memory_space<vmem>> -> memref<1x64xf32, #tpu.memory_space<vmem>>
      %dma_start3A_652 = tpu.memref_squeeze %dma_start3A_651 : memref<1x64xf32, #tpu.memory_space<vmem>> -> memref<64xf32, #tpu.memory_space<vmem>>
      %dma_start3A_653 = arith.constant 0 : i32
      %dma_start3A_654 = tpu.memref_slice %arg4[%squeeze3A_645, %dma_start3A_653] : memref<100000x64xf32, #tpu.memory_space<hbm>> -> memref<1x64xf32, #tpu.memory_space<hbm>>
      %dma_start3A_655 = tpu.memref_squeeze %dma_start3A_654 : memref<1x64xf32, #tpu.memory_space<hbm>> -> memref<64xf32, #tpu.memory_space<hbm>>
      %dma_start3A_656 = arith.constant 0 : i32
      %dma_start3A_657 = tpu.memref_slice %arg8[%add3A_649, %dma_start3A_656] : memref<256x64xf32, #tpu.memory_space<vmem>> -> memref<1x64xf32, #tpu.memory_space<vmem>>
      %dma_start3A_658 = tpu.memref_squeeze %dma_start3A_657 : memref<1x64xf32, #tpu.memory_space<vmem>> -> memref<64xf32, #tpu.memory_space<vmem>>
      %dma_start3A_659 = arith.constant 0 : i32
      %dma_start3A_660 = tpu.memref_slice %arg4[%squeeze3A_645, %dma_start3A_659] : memref<100000x64xf32, #tpu.memory_space<hbm>> -> memref<1x64xf32, #tpu.memory_space<hbm>>
      %dma_start3A_661 = tpu.memref_squeeze %dma_start3A_660 : memref<1x64xf32, #tpu.memory_space<hbm>> -> memref<64xf32, #tpu.memory_space<hbm>>
      tpu.enqueue_dma source(%dma_start3A_661 : memref<64xf32, #tpu.memory_space<hbm>>) target(%dma_start3A_658 : memref<64xf32, #tpu.memory_space<vmem>>) target_semaphore(%arg15 : memref<!tpu.dma_semaphore, #tpu.memory_space<semaphore_mem>>)
      %slice3A_662 = vector.extract_strided_slice %get3A_555 {offsets = [6], sizes = [1], strides = [1]} : vector<16xi32> to vector<1xi32>
      %squeeze3A_663 = vector.extract %slice3A_662[0] : i32 from vector<1xi32>
      %mul3A_664 = arith.constant 16 : i32
      %mul3A_665 = arith.muli %scan3A_516, %mul3A_664 : i32
      %add3A_666 = arith.constant 6 : i32
      %add3A_667 = arith.addi %mul3A_665, %add3A_666 : i32
      %dma_start3A_668 = arith.constant 0 : i32
      %dma_start3A_669 = tpu.memref_slice %arg8[%add3A_667, %dma_start3A_668] : memref<256x64xf32, #tpu.memory_space<vmem>> -> memref<1x64xf32, #tpu.memory_space<vmem>>
      %dma_start3A_670 = tpu.memref_squeeze %dma_start3A_669 : memref<1x64xf32, #tpu.memory_space<vmem>> -> memref<64xf32, #tpu.memory_space<vmem>>
      %dma_start3A_671 = arith.constant 0 : i32
      %dma_start3A_672 = tpu.memref_slice %arg4[%squeeze3A_663, %dma_start3A_671] : memref<100000x64xf32, #tpu.memory_space<hbm>> -> memref<1x64xf32, #tpu.memory_space<hbm>>
      %dma_start3A_673 = tpu.memref_squeeze %dma_start3A_672 : memref<1x64xf32, #tpu.memory_space<hbm>> -> memref<64xf32, #tpu.memory_space<hbm>>
      %dma_start3A_674 = arith.constant 0 : i32
      %dma_start3A_675 = tpu.memref_slice %arg8[%add3A_667, %dma_start3A_674] : memref<256x64xf32, #tpu.memory_space<vmem>> -> memref<1x64xf32, #tpu.memory_space<vmem>>
      %dma_start3A_676 = tpu.memref_squeeze %dma_start3A_675 : memref<1x64xf32, #tpu.memory_space<vmem>> -> memref<64xf32, #tpu.memory_space<vmem>>
      %dma_start3A_677 = arith.constant 0 : i32
      %dma_start3A_678 = tpu.memref_slice %arg4[%squeeze3A_663, %dma_start3A_677] : memref<100000x64xf32, #tpu.memory_space<hbm>> -> memref<1x64xf32, #tpu.memory_space<hbm>>
      %dma_start3A_679 = tpu.memref_squeeze %dma_start3A_678 : memref<1x64xf32, #tpu.memory_space<hbm>> -> memref<64xf32, #tpu.memory_space<hbm>>
      tpu.enqueue_dma source(%dma_start3A_679 : memref<64xf32, #tpu.memory_space<hbm>>) target(%dma_start3A_676 : memref<64xf32, #tpu.memory_space<vmem>>) target_semaphore(%arg15 : memref<!tpu.dma_semaphore, #tpu.memory_space<semaphore_mem>>)
      %slice3A_680 = vector.extract_strided_slice %get3A_555 {offsets = [7], sizes = [1], strides = [1]} : vector<16xi32> to vector<1xi32>
      %squeeze3A_681 = vector.extract %slice3A_680[0] : i32 from vector<1xi32>
      %mul3A_682 = arith.constant 16 : i32
      %mul3A_683 = arith.muli %scan3A_516, %mul3A_682 : i32
      %add3A_684 = arith.constant 7 : i32
      %add3A_685 = arith.addi %mul3A_683, %add3A_684 : i32
      %dma_start3A_686 = arith.constant 0 : i32
      %dma_start3A_687 = tpu.memref_slice %arg8[%add3A_685, %dma_start3A_686] : memref<256x64xf32, #tpu.memory_space<vmem>> -> memref<1x64xf32, #tpu.memory_space<vmem>>
      %dma_start3A_688 = tpu.memref_squeeze %dma_start3A_687 : memref<1x64xf32, #tpu.memory_space<vmem>> -> memref<64xf32, #tpu.memory_space<vmem>>
      %dma_start3A_689 = arith.constant 0 : i32
      %dma_start3A_690 = tpu.memref_slice %arg4[%squeeze3A_681, %dma_start3A_689] : memref<100000x64xf32, #tpu.memory_space<hbm>> -> memref<1x64xf32, #tpu.memory_space<hbm>>
      %dma_start3A_691 = tpu.memref_squeeze %dma_start3A_690 : memref<1x64xf32, #tpu.memory_space<hbm>> -> memref<64xf32, #tpu.memory_space<hbm>>
      %dma_start3A_692 = arith.constant 0 : i32
      %dma_start3A_693 = tpu.memref_slice %arg8[%add3A_685, %dma_start3A_692] : memref<256x64xf32, #tpu.memory_space<vmem>> -> memref<1x64xf32, #tpu.memory_space<vmem>>
      %dma_start3A_694 = tpu.memref_squeeze %dma_start3A_693 : memref<1x64xf32, #tpu.memory_space<vmem>> -> memref<64xf32, #tpu.memory_space<vmem>>
      %dma_start3A_695 = arith.constant 0 : i32
      %dma_start3A_696 = tpu.memref_slice %arg4[%squeeze3A_681, %dma_start3A_695] : memref<100000x64xf32, #tpu.memory_space<hbm>> -> memref<1x64xf32, #tpu.memory_space<hbm>>
      %dma_start3A_697 = tpu.memref_squeeze %dma_start3A_696 : memref<1x64xf32, #tpu.memory_space<hbm>> -> memref<64xf32, #tpu.memory_space<hbm>>
      tpu.enqueue_dma source(%dma_start3A_697 : memref<64xf32, #tpu.memory_space<hbm>>) target(%dma_start3A_694 : memref<64xf32, #tpu.memory_space<vmem>>) target_semaphore(%arg15 : memref<!tpu.dma_semaphore, #tpu.memory_space<semaphore_mem>>)
      %slice3A_698 = vector.extract_strided_slice %get3A_555 {offsets = [8], sizes = [1], strides = [1]} : vector<16xi32> to vector<1xi32>
      %squeeze3A_699 = vector.extract %slice3A_698[0] : i32 from vector<1xi32>
      %mul3A_700 = arith.constant 16 : i32
      %mul3A_701 = arith.muli %scan3A_516, %mul3A_700 : i32
      %add3A_702 = arith.constant 8 : i32
      %add3A_703 = arith.addi %mul3A_701, %add3A_702 : i32
      %dma_start3A_704 = arith.constant 0 : i32
      %dma_start3A_705 = tpu.memref_slice %arg8[%add3A_703, %dma_start3A_704] : memref<256x64xf32, #tpu.memory_space<vmem>> -> memref<1x64xf32, #tpu.memory_space<vmem>>
      %dma_start3A_706 = tpu.memref_squeeze %dma_start3A_705 : memref<1x64xf32, #tpu.memory_space<vmem>> -> memref<64xf32, #tpu.memory_space<vmem>>
      %dma_start3A_707 = arith.constant 0 : i32
      %dma_start3A_708 = tpu.memref_slice %arg4[%squeeze3A_699, %dma_start3A_707] : memref<100000x64xf32, #tpu.memory_space<hbm>> -> memref<1x64xf32, #tpu.memory_space<hbm>>
      %dma_start3A_709 = tpu.memref_squeeze %dma_start3A_708 : memref<1x64xf32, #tpu.memory_space<hbm>> -> memref<64xf32, #tpu.memory_space<hbm>>
      %dma_start3A_710 = arith.constant 0 : i32
      %dma_start3A_711 = tpu.memref_slice %arg8[%add3A_703, %dma_start3A_710] : memref<256x64xf32, #tpu.memory_space<vmem>> -> memref<1x64xf32, #tpu.memory_space<vmem>>
      %dma_start3A_712 = tpu.memref_squeeze %dma_start3A_711 : memref<1x64xf32, #tpu.memory_space<vmem>> -> memref<64xf32, #tpu.memory_space<vmem>>
      %dma_start3A_713 = arith.constant 0 : i32
      %dma_start3A_714 = tpu.memref_slice %arg4[%squeeze3A_699, %dma_start3A_713] : memref<100000x64xf32, #tpu.memory_space<hbm>> -> memref<1x64xf32, #tpu.memory_space<hbm>>
      %dma_start3A_715 = tpu.memref_squeeze %dma_start3A_714 : memref<1x64xf32, #tpu.memory_space<hbm>> -> memref<64xf32, #tpu.memory_space<hbm>>
      tpu.enqueue_dma source(%dma_start3A_715 : memref<64xf32, #tpu.memory_space<hbm>>) target(%dma_start3A_712 : memref<64xf32, #tpu.memory_space<vmem>>) target_semaphore(%arg15 : memref<!tpu.dma_semaphore, #tpu.memory_space<semaphore_mem>>)
      %slice3A_716 = vector.extract_strided_slice %get3A_555 {offsets = [9], sizes = [1], strides = [1]} : vector<16xi32> to vector<1xi32>
      %squeeze3A_717 = vector.extract %slice3A_716[0] : i32 from vector<1xi32>
      %mul3A_718 = arith.constant 16 : i32
      %mul3A_719 = arith.muli %scan3A_516, %mul3A_718 : i32
      %add3A_720 = arith.constant 9 : i32
      %add3A_721 = arith.addi %mul3A_719, %add3A_720 : i32
      %dma_start3A_722 = arith.constant 0 : i32
      %dma_start3A_723 = tpu.memref_slice %arg8[%add3A_721, %dma_start3A_722] : memref<256x64xf32, #tpu.memory_space<vmem>> -> memref<1x64xf32, #tpu.memory_space<vmem>>
      %dma_start3A_724 = tpu.memref_squeeze %dma_start3A_723 : memref<1x64xf32, #tpu.memory_space<vmem>> -> memref<64xf32, #tpu.memory_space<vmem>>
      %dma_start3A_725 = arith.constant 0 : i32
      %dma_start3A_726 = tpu.memref_slice %arg4[%squeeze3A_717, %dma_start3A_725] : memref<100000x64xf32, #tpu.memory_space<hbm>> -> memref<1x64xf32, #tpu.memory_space<hbm>>
      %dma_start3A_727 = tpu.memref_squeeze %dma_start3A_726 : memref<1x64xf32, #tpu.memory_space<hbm>> -> memref<64xf32, #tpu.memory_space<hbm>>
      %dma_start3A_728 = arith.constant 0 : i32
      %dma_start3A_729 = tpu.memref_slice %arg8[%add3A_721, %dma_start3A_728] : memref<256x64xf32, #tpu.memory_space<vmem>> -> memref<1x64xf32, #tpu.memory_space<vmem>>
      %dma_start3A_730 = tpu.memref_squeeze %dma_start3A_729 : memref<1x64xf32, #tpu.memory_space<vmem>> -> memref<64xf32, #tpu.memory_space<vmem>>
      %dma_start3A_731 = arith.constant 0 : i32
      %dma_start3A_732 = tpu.memref_slice %arg4[%squeeze3A_717, %dma_start3A_731] : memref<100000x64xf32, #tpu.memory_space<hbm>> -> memref<1x64xf32, #tpu.memory_space<hbm>>
      %dma_start3A_733 = tpu.memref_squeeze %dma_start3A_732 : memref<1x64xf32, #tpu.memory_space<hbm>> -> memref<64xf32, #tpu.memory_space<hbm>>
      tpu.enqueue_dma source(%dma_start3A_733 : memref<64xf32, #tpu.memory_space<hbm>>) target(%dma_start3A_730 : memref<64xf32, #tpu.memory_space<vmem>>) target_semaphore(%arg15 : memref<!tpu.dma_semaphore, #tpu.memory_space<semaphore_mem>>)
      %slice3A_734 = vector.extract_strided_slice %get3A_555 {offsets = [10], sizes = [1], strides = [1]} : vector<16xi32> to vector<1xi32>
      %squeeze3A_735 = vector.extract %slice3A_734[0] : i32 from vector<1xi32>
      %mul3A_736 = arith.constant 16 : i32
      %mul3A_737 = arith.muli %scan3A_516, %mul3A_736 : i32
      %add3A_738 = arith.constant 10 : i32
      %add3A_739 = arith.addi %mul3A_737, %add3A_738 : i32
      %dma_start3A_740 = arith.constant 0 : i32
      %dma_start3A_741 = tpu.memref_slice %arg8[%add3A_739, %dma_start3A_740] : memref<256x64xf32, #tpu.memory_space<vmem>> -> memref<1x64xf32, #tpu.memory_space<vmem>>
      %dma_start3A_742 = tpu.memref_squeeze %dma_start3A_741 : memref<1x64xf32, #tpu.memory_space<vmem>> -> memref<64xf32, #tpu.memory_space<vmem>>
      %dma_start3A_743 = arith.constant 0 : i32
      %dma_start3A_744 = tpu.memref_slice %arg4[%squeeze3A_735, %dma_start3A_743] : memref<100000x64xf32, #tpu.memory_space<hbm>> -> memref<1x64xf32, #tpu.memory_space<hbm>>
      %dma_start3A_745 = tpu.memref_squeeze %dma_start3A_744 : memref<1x64xf32, #tpu.memory_space<hbm>> -> memref<64xf32, #tpu.memory_space<hbm>>
      %dma_start3A_746 = arith.constant 0 : i32
      %dma_start3A_747 = tpu.memref_slice %arg8[%add3A_739, %dma_start3A_746] : memref<256x64xf32, #tpu.memory_space<vmem>> -> memref<1x64xf32, #tpu.memory_space<vmem>>
      %dma_start3A_748 = tpu.memref_squeeze %dma_start3A_747 : memref<1x64xf32, #tpu.memory_space<vmem>> -> memref<64xf32, #tpu.memory_space<vmem>>
      %dma_start3A_749 = arith.constant 0 : i32
      %dma_start3A_750 = tpu.memref_slice %arg4[%squeeze3A_735, %dma_start3A_749] : memref<100000x64xf32, #tpu.memory_space<hbm>> -> memref<1x64xf32, #tpu.memory_space<hbm>>
      %dma_start3A_751 = tpu.memref_squeeze %dma_start3A_750 : memref<1x64xf32, #tpu.memory_space<hbm>> -> memref<64xf32, #tpu.memory_space<hbm>>
      tpu.enqueue_dma source(%dma_start3A_751 : memref<64xf32, #tpu.memory_space<hbm>>) target(%dma_start3A_748 : memref<64xf32, #tpu.memory_space<vmem>>) target_semaphore(%arg15 : memref<!tpu.dma_semaphore, #tpu.memory_space<semaphore_mem>>)
      %slice3A_752 = vector.extract_strided_slice %get3A_555 {offsets = [11], sizes = [1], strides = [1]} : vector<16xi32> to vector<1xi32>
      %squeeze3A_753 = vector.extract %slice3A_752[0] : i32 from vector<1xi32>
      %mul3A_754 = arith.constant 16 : i32
      %mul3A_755 = arith.muli %scan3A_516, %mul3A_754 : i32
      %add3A_756 = arith.constant 11 : i32
      %add3A_757 = arith.addi %mul3A_755, %add3A_756 : i32
      %dma_start3A_758 = arith.constant 0 : i32
      %dma_start3A_759 = tpu.memref_slice %arg8[%add3A_757, %dma_start3A_758] : memref<256x64xf32, #tpu.memory_space<vmem>> -> memref<1x64xf32, #tpu.memory_space<vmem>>
      %dma_start3A_760 = tpu.memref_squeeze %dma_start3A_759 : memref<1x64xf32, #tpu.memory_space<vmem>> -> memref<64xf32, #tpu.memory_space<vmem>>
      %dma_start3A_761 = arith.constant 0 : i32
      %dma_start3A_762 = tpu.memref_slice %arg4[%squeeze3A_753, %dma_start3A_761] : memref<100000x64xf32, #tpu.memory_space<hbm>> -> memref<1x64xf32, #tpu.memory_space<hbm>>
      %dma_start3A_763 = tpu.memref_squeeze %dma_start3A_762 : memref<1x64xf32, #tpu.memory_space<hbm>> -> memref<64xf32, #tpu.memory_space<hbm>>
      %dma_start3A_764 = arith.constant 0 : i32
      %dma_start3A_765 = tpu.memref_slice %arg8[%add3A_757, %dma_start3A_764] : memref<256x64xf32, #tpu.memory_space<vmem>> -> memref<1x64xf32, #tpu.memory_space<vmem>>
      %dma_start3A_766 = tpu.memref_squeeze %dma_start3A_765 : memref<1x64xf32, #tpu.memory_space<vmem>> -> memref<64xf32, #tpu.memory_space<vmem>>
      %dma_start3A_767 = arith.constant 0 : i32
      %dma_start3A_768 = tpu.memref_slice %arg4[%squeeze3A_753, %dma_start3A_767] : memref<100000x64xf32, #tpu.memory_space<hbm>> -> memref<1x64xf32, #tpu.memory_space<hbm>>
      %dma_start3A_769 = tpu.memref_squeeze %dma_start3A_768 : memref<1x64xf32, #tpu.memory_space<hbm>> -> memref<64xf32, #tpu.memory_space<hbm>>
      tpu.enqueue_dma source(%dma_start3A_769 : memref<64xf32, #tpu.memory_space<hbm>>) target(%dma_start3A_766 : memref<64xf32, #tpu.memory_space<vmem>>) target_semaphore(%arg15 : memref<!tpu.dma_semaphore, #tpu.memory_space<semaphore_mem>>)
      %slice3A_770 = vector.extract_strided_slice %get3A_555 {offsets = [12], sizes = [1], strides = [1]} : vector<16xi32> to vector<1xi32>
      %squeeze3A_771 = vector.extract %slice3A_770[0] : i32 from vector<1xi32>
      %mul3A_772 = arith.constant 16 : i32
      %mul3A_773 = arith.muli %scan3A_516, %mul3A_772 : i32
      %add3A_774 = arith.constant 12 : i32
      %add3A_775 = arith.addi %mul3A_773, %add3A_774 : i32
      %dma_start3A_776 = arith.constant 0 : i32
      %dma_start3A_777 = tpu.memref_slice %arg8[%add3A_775, %dma_start3A_776] : memref<256x64xf32, #tpu.memory_space<vmem>> -> memref<1x64xf32, #tpu.memory_space<vmem>>
      %dma_start3A_778 = tpu.memref_squeeze %dma_start3A_777 : memref<1x64xf32, #tpu.memory_space<vmem>> -> memref<64xf32, #tpu.memory_space<vmem>>
      %dma_start3A_779 = arith.constant 0 : i32
      %dma_start3A_780 = tpu.memref_slice %arg4[%squeeze3A_771, %dma_start3A_779] : memref<100000x64xf32, #tpu.memory_space<hbm>> -> memref<1x64xf32, #tpu.memory_space<hbm>>
      %dma_start3A_781 = tpu.memref_squeeze %dma_start3A_780 : memref<1x64xf32, #tpu.memory_space<hbm>> -> memref<64xf32, #tpu.memory_space<hbm>>
      %dma_start3A_782 = arith.constant 0 : i32
      %dma_start3A_783 = tpu.memref_slice %arg8[%add3A_775, %dma_start3A_782] : memref<256x64xf32, #tpu.memory_space<vmem>> -> memref<1x64xf32, #tpu.memory_space<vmem>>
      %dma_start3A_784 = tpu.memref_squeeze %dma_start3A_783 : memref<1x64xf32, #tpu.memory_space<vmem>> -> memref<64xf32, #tpu.memory_space<vmem>>
      %dma_start3A_785 = arith.constant 0 : i32
      %dma_start3A_786 = tpu.memref_slice %arg4[%squeeze3A_771, %dma_start3A_785] : memref<100000x64xf32, #tpu.memory_space<hbm>> -> memref<1x64xf32, #tpu.memory_space<hbm>>
      %dma_start3A_787 = tpu.memref_squeeze %dma_start3A_786 : memref<1x64xf32, #tpu.memory_space<hbm>> -> memref<64xf32, #tpu.memory_space<hbm>>
      tpu.enqueue_dma source(%dma_start3A_787 : memref<64xf32, #tpu.memory_space<hbm>>) target(%dma_start3A_784 : memref<64xf32, #tpu.memory_space<vmem>>) target_semaphore(%arg15 : memref<!tpu.dma_semaphore, #tpu.memory_space<semaphore_mem>>)
      %slice3A_788 = vector.extract_strided_slice %get3A_555 {offsets = [13], sizes = [1], strides = [1]} : vector<16xi32> to vector<1xi32>
      %squeeze3A_789 = vector.extract %slice3A_788[0] : i32 from vector<1xi32>
      %mul3A_790 = arith.constant 16 : i32
      %mul3A_791 = arith.muli %scan3A_516, %mul3A_790 : i32
      %add3A_792 = arith.constant 13 : i32
      %add3A_793 = arith.addi %mul3A_791, %add3A_792 : i32
      %dma_start3A_794 = arith.constant 0 : i32
      %dma_start3A_795 = tpu.memref_slice %arg8[%add3A_793, %dma_start3A_794] : memref<256x64xf32, #tpu.memory_space<vmem>> -> memref<1x64xf32, #tpu.memory_space<vmem>>
      %dma_start3A_796 = tpu.memref_squeeze %dma_start3A_795 : memref<1x64xf32, #tpu.memory_space<vmem>> -> memref<64xf32, #tpu.memory_space<vmem>>
      %dma_start3A_797 = arith.constant 0 : i32
      %dma_start3A_798 = tpu.memref_slice %arg4[%squeeze3A_789, %dma_start3A_797] : memref<100000x64xf32, #tpu.memory_space<hbm>> -> memref<1x64xf32, #tpu.memory_space<hbm>>
      %dma_start3A_799 = tpu.memref_squeeze %dma_start3A_798 : memref<1x64xf32, #tpu.memory_space<hbm>> -> memref<64xf32, #tpu.memory_space<hbm>>
      %dma_start3A_800 = arith.constant 0 : i32
      %dma_start3A_801 = tpu.memref_slice %arg8[%add3A_793, %dma_start3A_800] : memref<256x64xf32, #tpu.memory_space<vmem>> -> memref<1x64xf32, #tpu.memory_space<vmem>>
      %dma_start3A_802 = tpu.memref_squeeze %dma_start3A_801 : memref<1x64xf32, #tpu.memory_space<vmem>> -> memref<64xf32, #tpu.memory_space<vmem>>
      %dma_start3A_803 = arith.constant 0 : i32
      %dma_start3A_804 = tpu.memref_slice %arg4[%squeeze3A_789, %dma_start3A_803] : memref<100000x64xf32, #tpu.memory_space<hbm>> -> memref<1x64xf32, #tpu.memory_space<hbm>>
      %dma_start3A_805 = tpu.memref_squeeze %dma_start3A_804 : memref<1x64xf32, #tpu.memory_space<hbm>> -> memref<64xf32, #tpu.memory_space<hbm>>
      tpu.enqueue_dma source(%dma_start3A_805 : memref<64xf32, #tpu.memory_space<hbm>>) target(%dma_start3A_802 : memref<64xf32, #tpu.memory_space<vmem>>) target_semaphore(%arg15 : memref<!tpu.dma_semaphore, #tpu.memory_space<semaphore_mem>>)
      %slice3A_806 = vector.extract_strided_slice %get3A_555 {offsets = [14], sizes = [1], strides = [1]} : vector<16xi32> to vector<1xi32>
      %squeeze3A_807 = vector.extract %slice3A_806[0] : i32 from vector<1xi32>
      %mul3A_808 = arith.constant 16 : i32
      %mul3A_809 = arith.muli %scan3A_516, %mul3A_808 : i32
      %add3A_810 = arith.constant 14 : i32
      %add3A_811 = arith.addi %mul3A_809, %add3A_810 : i32
      %dma_start3A_812 = arith.constant 0 : i32
      %dma_start3A_813 = tpu.memref_slice %arg8[%add3A_811, %dma_start3A_812] : memref<256x64xf32, #tpu.memory_space<vmem>> -> memref<1x64xf32, #tpu.memory_space<vmem>>
      %dma_start3A_814 = tpu.memref_squeeze %dma_start3A_813 : memref<1x64xf32, #tpu.memory_space<vmem>> -> memref<64xf32, #tpu.memory_space<vmem>>
      %dma_start3A_815 = arith.constant 0 : i32
      %dma_start3A_816 = tpu.memref_slice %arg4[%squeeze3A_807, %dma_start3A_815] : memref<100000x64xf32, #tpu.memory_space<hbm>> -> memref<1x64xf32, #tpu.memory_space<hbm>>
      %dma_start3A_817 = tpu.memref_squeeze %dma_start3A_816 : memref<1x64xf32, #tpu.memory_space<hbm>> -> memref<64xf32, #tpu.memory_space<hbm>>
      %dma_start3A_818 = arith.constant 0 : i32
      %dma_start3A_819 = tpu.memref_slice %arg8[%add3A_811, %dma_start3A_818] : memref<256x64xf32, #tpu.memory_space<vmem>> -> memref<1x64xf32, #tpu.memory_space<vmem>>
      %dma_start3A_820 = tpu.memref_squeeze %dma_start3A_819 : memref<1x64xf32, #tpu.memory_space<vmem>> -> memref<64xf32, #tpu.memory_space<vmem>>
      %dma_start3A_821 = arith.constant 0 : i32
      %dma_start3A_822 = tpu.memref_slice %arg4[%squeeze3A_807, %dma_start3A_821] : memref<100000x64xf32, #tpu.memory_space<hbm>> -> memref<1x64xf32, #tpu.memory_space<hbm>>
      %dma_start3A_823 = tpu.memref_squeeze %dma_start3A_822 : memref<1x64xf32, #tpu.memory_space<hbm>> -> memref<64xf32, #tpu.memory_space<hbm>>
      tpu.enqueue_dma source(%dma_start3A_823 : memref<64xf32, #tpu.memory_space<hbm>>) target(%dma_start3A_820 : memref<64xf32, #tpu.memory_space<vmem>>) target_semaphore(%arg15 : memref<!tpu.dma_semaphore, #tpu.memory_space<semaphore_mem>>)
      %slice3A_824 = vector.extract_strided_slice %get3A_555 {offsets = [15], sizes = [1], strides = [1]} : vector<16xi32> to vector<1xi32>
      %squeeze3A_825 = vector.extract %slice3A_824[0] : i32 from vector<1xi32>
      %mul3A_826 = arith.constant 16 : i32
      %mul3A_827 = arith.muli %scan3A_516, %mul3A_826 : i32
      %add3A_828 = arith.constant 15 : i32
      %add3A_829 = arith.addi %mul3A_827, %add3A_828 : i32
      %dma_start3A_830 = arith.constant 0 : i32
      %dma_start3A_831 = tpu.memref_slice %arg8[%add3A_829, %dma_start3A_830] : memref<256x64xf32, #tpu.memory_space<vmem>> -> memref<1x64xf32, #tpu.memory_space<vmem>>
      %dma_start3A_832 = tpu.memref_squeeze %dma_start3A_831 : memref<1x64xf32, #tpu.memory_space<vmem>> -> memref<64xf32, #tpu.memory_space<vmem>>
      %dma_start3A_833 = arith.constant 0 : i32
      %dma_start3A_834 = tpu.memref_slice %arg4[%squeeze3A_825, %dma_start3A_833] : memref<100000x64xf32, #tpu.memory_space<hbm>> -> memref<1x64xf32, #tpu.memory_space<hbm>>
      %dma_start3A_835 = tpu.memref_squeeze %dma_start3A_834 : memref<1x64xf32, #tpu.memory_space<hbm>> -> memref<64xf32, #tpu.memory_space<hbm>>
      %dma_start3A_836 = arith.constant 0 : i32
      %dma_start3A_837 = tpu.memref_slice %arg8[%add3A_829, %dma_start3A_836] : memref<256x64xf32, #tpu.memory_space<vmem>> -> memref<1x64xf32, #tpu.memory_space<vmem>>
      %dma_start3A_838 = tpu.memref_squeeze %dma_start3A_837 : memref<1x64xf32, #tpu.memory_space<vmem>> -> memref<64xf32, #tpu.memory_space<vmem>>
      %dma_start3A_839 = arith.constant 0 : i32
      %dma_start3A_840 = tpu.memref_slice %arg4[%squeeze3A_825, %dma_start3A_839] : memref<100000x64xf32, #tpu.memory_space<hbm>> -> memref<1x64xf32, #tpu.memory_space<hbm>>
      %dma_start3A_841 = tpu.memref_squeeze %dma_start3A_840 : memref<1x64xf32, #tpu.memory_space<hbm>> -> memref<64xf32, #tpu.memory_space<hbm>>
      tpu.enqueue_dma source(%dma_start3A_841 : memref<64xf32, #tpu.memory_space<hbm>>) target(%dma_start3A_838 : memref<64xf32, #tpu.memory_space<vmem>>) target_semaphore(%arg15 : memref<!tpu.dma_semaphore, #tpu.memory_space<semaphore_mem>>)
      %ge3A = arith.constant 7 : i32
      %ge3A_842 = arith.cmpi sge, %scan3A_516, %ge3A : i32
      %convert_element_type3A_843 = arith.extui %ge3A_842 : i1 to i32
      %cond3A = arith.constant 0 : i32
      %cond3A_844 = arith.cmpi ne, %convert_element_type3A_843, %cond3A : i32
      scf.if %cond3A_844 {
        %dma_wait3A_845 = arith.constant 0 : i32
        %dma_wait3A_846 = arith.constant 0 : i32
        %dma_wait3A_847 = tpu.memref_slice %arg8[%dma_wait3A_845, %dma_wait3A_846] : memref<256x64xf32, #tpu.memory_space<vmem>> -> memref<16x64xf32, #tpu.memory_space<vmem>>
        %dma_wait3A_848 = arith.constant 0 : i32
        %dma_wait3A_849 = arith.constant 0 : i32
        %dma_wait3A_850 = tpu.memref_slice %arg4[%dma_wait3A_848, %dma_wait3A_849] : memref<100000x64xf32, #tpu.memory_space<hbm>> -> memref<16x64xf32, #tpu.memory_space<hbm>>
        %dma_wait3A_851 = arith.constant 0 : i32
        %dma_wait3A_852 = arith.constant 0 : i32
        %dma_wait3A_853 = tpu.memref_slice %arg8[%dma_wait3A_851, %dma_wait3A_852] : memref<256x64xf32, #tpu.memory_space<vmem>> -> memref<16x64xf32, #tpu.memory_space<vmem>>
        %dma_wait3A_854 = arith.constant 0 : i32
        %dma_wait3A_855 = arith.constant 0 : i32
        %dma_wait3A_856 = tpu.memref_slice %arg4[%dma_wait3A_854, %dma_wait3A_855] : memref<100000x64xf32, #tpu.memory_space<hbm>> -> memref<16x64xf32, #tpu.memory_space<hbm>>
        tpu.wait_dma2 semaphore(%arg15 : memref<!tpu.dma_semaphore, #tpu.memory_space<semaphore_mem>>) src(%dma_wait3A_856 : memref<16x64xf32, #tpu.memory_space<hbm>>) dst(%dma_wait3A_853 : memref<16x64xf32, #tpu.memory_space<vmem>>)
      } else {
      }
    }
    %scan3A_300 = arith.constant 16 : i32
    %dma_wait3A = arith.constant 0 : i32
    %dma_wait3A_301 = arith.constant 0 : i32
    %dma_wait3A_302 = tpu.memref_slice %arg8[%dma_wait3A, %dma_wait3A_301] : memref<256x64xf32, #tpu.memory_space<vmem>> -> memref<16x64xf32, #tpu.memory_space<vmem>>
    %dma_wait3A_303 = arith.constant 0 : i32
    %dma_wait3A_304 = arith.constant 0 : i32
    %dma_wait3A_305 = tpu.memref_slice %arg4[%dma_wait3A_303, %dma_wait3A_304] : memref<100000x64xf32, #tpu.memory_space<hbm>> -> memref<16x64xf32, #tpu.memory_space<hbm>>
    %dma_wait3A_306 = arith.constant 0 : i32
    %dma_wait3A_307 = arith.constant 0 : i32
    %dma_wait3A_308 = tpu.memref_slice %arg8[%dma_wait3A_306, %dma_wait3A_307] : memref<256x64xf32, #tpu.memory_space<vmem>> -> memref<16x64xf32, #tpu.memory_space<vmem>>
    %dma_wait3A_309 = arith.constant 0 : i32
    %dma_wait3A_310 = arith.constant 0 : i32
    %dma_wait3A_311 = tpu.memref_slice %arg4[%dma_wait3A_309, %dma_wait3A_310] : memref<100000x64xf32, #tpu.memory_space<hbm>> -> memref<16x64xf32, #tpu.memory_space<hbm>>
    tpu.wait_dma2 semaphore(%arg15 : memref<!tpu.dma_semaphore, #tpu.memory_space<semaphore_mem>>) src(%dma_wait3A_311 : memref<16x64xf32, #tpu.memory_space<hbm>>) dst(%dma_wait3A_308 : memref<16x64xf32, #tpu.memory_space<vmem>>)
    %dma_wait3A_312 = arith.constant 0 : i32
    %dma_wait3A_313 = arith.constant 0 : i32
    %dma_wait3A_314 = tpu.memref_slice %arg8[%dma_wait3A_312, %dma_wait3A_313] : memref<256x64xf32, #tpu.memory_space<vmem>> -> memref<16x64xf32, #tpu.memory_space<vmem>>
    %dma_wait3A_315 = arith.constant 0 : i32
    %dma_wait3A_316 = arith.constant 0 : i32
    %dma_wait3A_317 = tpu.memref_slice %arg4[%dma_wait3A_315, %dma_wait3A_316] : memref<100000x64xf32, #tpu.memory_space<hbm>> -> memref<16x64xf32, #tpu.memory_space<hbm>>
    %dma_wait3A_318 = arith.constant 0 : i32
    %dma_wait3A_319 = arith.constant 0 : i32
    %dma_wait3A_320 = tpu.memref_slice %arg8[%dma_wait3A_318, %dma_wait3A_319] : memref<256x64xf32, #tpu.memory_space<vmem>> -> memref<16x64xf32, #tpu.memory_space<vmem>>
    %dma_wait3A_321 = arith.constant 0 : i32
    %dma_wait3A_322 = arith.constant 0 : i32
    %dma_wait3A_323 = tpu.memref_slice %arg4[%dma_wait3A_321, %dma_wait3A_322] : memref<100000x64xf32, #tpu.memory_space<hbm>> -> memref<16x64xf32, #tpu.memory_space<hbm>>
    tpu.wait_dma2 semaphore(%arg15 : memref<!tpu.dma_semaphore, #tpu.memory_space<semaphore_mem>>) src(%dma_wait3A_323 : memref<16x64xf32, #tpu.memory_space<hbm>>) dst(%dma_wait3A_320 : memref<16x64xf32, #tpu.memory_space<vmem>>)
    %dma_wait3A_324 = arith.constant 0 : i32
    %dma_wait3A_325 = arith.constant 0 : i32
    %dma_wait3A_326 = tpu.memref_slice %arg8[%dma_wait3A_324, %dma_wait3A_325] : memref<256x64xf32, #tpu.memory_space<vmem>> -> memref<16x64xf32, #tpu.memory_space<vmem>>
    %dma_wait3A_327 = arith.constant 0 : i32
    %dma_wait3A_328 = arith.constant 0 : i32
    %dma_wait3A_329 = tpu.memref_slice %arg4[%dma_wait3A_327, %dma_wait3A_328] : memref<100000x64xf32, #tpu.memory_space<hbm>> -> memref<16x64xf32, #tpu.memory_space<hbm>>
    %dma_wait3A_330 = arith.constant 0 : i32
    %dma_wait3A_331 = arith.constant 0 : i32
    %dma_wait3A_332 = tpu.memref_slice %arg8[%dma_wait3A_330, %dma_wait3A_331] : memref<256x64xf32, #tpu.memory_space<vmem>> -> memref<16x64xf32, #tpu.memory_space<vmem>>
    %dma_wait3A_333 = arith.constant 0 : i32
    %dma_wait3A_334 = arith.constant 0 : i32
    %dma_wait3A_335 = tpu.memref_slice %arg4[%dma_wait3A_333, %dma_wait3A_334] : memref<100000x64xf32, #tpu.memory_space<hbm>> -> memref<16x64xf32, #tpu.memory_space<hbm>>
    tpu.wait_dma2 semaphore(%arg15 : memref<!tpu.dma_semaphore, #tpu.memory_space<semaphore_mem>>) src(%dma_wait3A_335 : memref<16x64xf32, #tpu.memory_space<hbm>>) dst(%dma_wait3A_332 : memref<16x64xf32, #tpu.memory_space<vmem>>)
    %dma_wait3A_336 = arith.constant 0 : i32
    %dma_wait3A_337 = arith.constant 0 : i32
    %dma_wait3A_338 = tpu.memref_slice %arg8[%dma_wait3A_336, %dma_wait3A_337] : memref<256x64xf32, #tpu.memory_space<vmem>> -> memref<16x64xf32, #tpu.memory_space<vmem>>
    %dma_wait3A_339 = arith.constant 0 : i32
    %dma_wait3A_340 = arith.constant 0 : i32
    %dma_wait3A_341 = tpu.memref_slice %arg4[%dma_wait3A_339, %dma_wait3A_340] : memref<100000x64xf32, #tpu.memory_space<hbm>> -> memref<16x64xf32, #tpu.memory_space<hbm>>
    %dma_wait3A_342 = arith.constant 0 : i32
    %dma_wait3A_343 = arith.constant 0 : i32
    %dma_wait3A_344 = tpu.memref_slice %arg8[%dma_wait3A_342, %dma_wait3A_343] : memref<256x64xf32, #tpu.memory_space<vmem>> -> memref<16x64xf32, #tpu.memory_space<vmem>>
    %dma_wait3A_345 = arith.constant 0 : i32
    %dma_wait3A_346 = arith.constant 0 : i32
    %dma_wait3A_347 = tpu.memref_slice %arg4[%dma_wait3A_345, %dma_wait3A_346] : memref<100000x64xf32, #tpu.memory_space<hbm>> -> memref<16x64xf32, #tpu.memory_space<hbm>>
    tpu.wait_dma2 semaphore(%arg15 : memref<!tpu.dma_semaphore, #tpu.memory_space<semaphore_mem>>) src(%dma_wait3A_347 : memref<16x64xf32, #tpu.memory_space<hbm>>) dst(%dma_wait3A_344 : memref<16x64xf32, #tpu.memory_space<vmem>>)
    %dma_wait3A_348 = arith.constant 0 : i32
    %dma_wait3A_349 = arith.constant 0 : i32
    %dma_wait3A_350 = tpu.memref_slice %arg8[%dma_wait3A_348, %dma_wait3A_349] : memref<256x64xf32, #tpu.memory_space<vmem>> -> memref<16x64xf32, #tpu.memory_space<vmem>>
    %dma_wait3A_351 = arith.constant 0 : i32
    %dma_wait3A_352 = arith.constant 0 : i32
    %dma_wait3A_353 = tpu.memref_slice %arg4[%dma_wait3A_351, %dma_wait3A_352] : memref<100000x64xf32, #tpu.memory_space<hbm>> -> memref<16x64xf32, #tpu.memory_space<hbm>>
    %dma_wait3A_354 = arith.constant 0 : i32
    %dma_wait3A_355 = arith.constant 0 : i32
    %dma_wait3A_356 = tpu.memref_slice %arg8[%dma_wait3A_354, %dma_wait3A_355] : memref<256x64xf32, #tpu.memory_space<vmem>> -> memref<16x64xf32, #tpu.memory_space<vmem>>
    %dma_wait3A_357 = arith.constant 0 : i32
    %dma_wait3A_358 = arith.constant 0 : i32
    %dma_wait3A_359 = tpu.memref_slice %arg4[%dma_wait3A_357, %dma_wait3A_358] : memref<100000x64xf32, #tpu.memory_space<hbm>> -> memref<16x64xf32, #tpu.memory_space<hbm>>
    tpu.wait_dma2 semaphore(%arg15 : memref<!tpu.dma_semaphore, #tpu.memory_space<semaphore_mem>>) src(%dma_wait3A_359 : memref<16x64xf32, #tpu.memory_space<hbm>>) dst(%dma_wait3A_356 : memref<16x64xf32, #tpu.memory_space<vmem>>)
    %dma_wait3A_360 = arith.constant 0 : i32
    %dma_wait3A_361 = arith.constant 0 : i32
    %dma_wait3A_362 = tpu.memref_slice %arg8[%dma_wait3A_360, %dma_wait3A_361] : memref<256x64xf32, #tpu.memory_space<vmem>> -> memref<16x64xf32, #tpu.memory_space<vmem>>
    %dma_wait3A_363 = arith.constant 0 : i32
    %dma_wait3A_364 = arith.constant 0 : i32
    %dma_wait3A_365 = tpu.memref_slice %arg4[%dma_wait3A_363, %dma_wait3A_364] : memref<100000x64xf32, #tpu.memory_space<hbm>> -> memref<16x64xf32, #tpu.memory_space<hbm>>
    %dma_wait3A_366 = arith.constant 0 : i32
    %dma_wait3A_367 = arith.constant 0 : i32
    %dma_wait3A_368 = tpu.memref_slice %arg8[%dma_wait3A_366, %dma_wait3A_367] : memref<256x64xf32, #tpu.memory_space<vmem>> -> memref<16x64xf32, #tpu.memory_space<vmem>>
    %dma_wait3A_369 = arith.constant 0 : i32
    %dma_wait3A_370 = arith.constant 0 : i32
    %dma_wait3A_371 = tpu.memref_slice %arg4[%dma_wait3A_369, %dma_wait3A_370] : memref<100000x64xf32, #tpu.memory_space<hbm>> -> memref<16x64xf32, #tpu.memory_space<hbm>>
    tpu.wait_dma2 semaphore(%arg15 : memref<!tpu.dma_semaphore, #tpu.memory_space<semaphore_mem>>) src(%dma_wait3A_371 : memref<16x64xf32, #tpu.memory_space<hbm>>) dst(%dma_wait3A_368 : memref<16x64xf32, #tpu.memory_space<vmem>>)
    %dma_wait3A_372 = arith.constant 0 : i32
    %dma_wait3A_373 = arith.constant 0 : i32
    %dma_wait3A_374 = tpu.memref_slice %arg8[%dma_wait3A_372, %dma_wait3A_373] : memref<256x64xf32, #tpu.memory_space<vmem>> -> memref<16x64xf32, #tpu.memory_space<vmem>>
    %dma_wait3A_375 = arith.constant 0 : i32
    %dma_wait3A_376 = arith.constant 0 : i32
    %dma_wait3A_377 = tpu.memref_slice %arg4[%dma_wait3A_375, %dma_wait3A_376] : memref<100000x64xf32, #tpu.memory_space<hbm>> -> memref<16x64xf32, #tpu.memory_space<hbm>>
    %dma_wait3A_378 = arith.constant 0 : i32
    %dma_wait3A_379 = arith.constant 0 : i32
    %dma_wait3A_380 = tpu.memref_slice %arg8[%dma_wait3A_378, %dma_wait3A_379] : memref<256x64xf32, #tpu.memory_space<vmem>> -> memref<16x64xf32, #tpu.memory_space<vmem>>
    %dma_wait3A_381 = arith.constant 0 : i32
    %dma_wait3A_382 = arith.constant 0 : i32
    %dma_wait3A_383 = tpu.memref_slice %arg4[%dma_wait3A_381, %dma_wait3A_382] : memref<100000x64xf32, #tpu.memory_space<hbm>> -> memref<16x64xf32, #tpu.memory_space<hbm>>
    tpu.wait_dma2 semaphore(%arg15 : memref<!tpu.dma_semaphore, #tpu.memory_space<semaphore_mem>>) src(%dma_wait3A_383 : memref<16x64xf32, #tpu.memory_space<hbm>>) dst(%dma_wait3A_380 : memref<16x64xf32, #tpu.memory_space<vmem>>)
    %dma_wait3A_384 = arith.constant 0 : i32
    %dma_wait3A_385 = tpu.memref_slice %arg2[%add3A_292, %dma_wait3A_384] : memref<16384x64xf32, #tpu.memory_space<hbm>> -> memref<256x64xf32, #tpu.memory_space<hbm>>
    %dma_wait3A_386 = arith.constant 0 : i32
    %dma_wait3A_387 = tpu.memref_slice %arg2[%add3A_292, %dma_wait3A_386] : memref<16384x64xf32, #tpu.memory_space<hbm>> -> memref<256x64xf32, #tpu.memory_space<hbm>>
    tpu.wait_dma2 semaphore(%arg16 : memref<!tpu.dma_semaphore, #tpu.memory_space<semaphore_mem>>) src(%dma_wait3A_387 : memref<256x64xf32, #tpu.memory_space<hbm>>) dst(%arg7 : memref<256x64xf32, #tpu.memory_space<vmem>>)
    %scan3A_388 = arith.constant 0 : i32
    %scan3A_389 = arith.constant 0 : i32
    %scan3A_390 = arith.constant 256 : i32
    %scan3A_391 = arith.addi %scan3A_389, %scan3A_390 : i32
    %scan3A_392 = arith.constant 1 : i32
    scf.for %scan3A_516 = %scan3A_389 to %scan3A_391 step %scan3A_392  : i32 {
      %get3A_517 = arith.index_cast %scan3A_516 : i32 to index
      %get3A_518 = arith.constant 0 : index
      %get3A_519 = tpu.vector_load %arg7[%get3A_517, %get3A_518] {strides = array<i32>} : memref<256x64xf32, #tpu.memory_space<vmem>>, vector<16xf32>,
      %get3A_520 = arith.index_cast %scan3A_516 : i32 to index
      %get3A_521 = arith.constant 0 : index
      %get3A_522 = tpu.vector_load %arg8[%get3A_520, %get3A_521] {strides = array<i32>} : memref<256x64xf32, #tpu.memory_space<vmem>>, vector<16xf32>,
      %mul3A_523 = arith.mulf %get3A_519, %get3A_519 : vector<16xf32>
      %add3A_524 = arith.addf %broadcast_in_dim3A_290, %mul3A_523 : vector<16xf32>
      %mul3A_525 = arith.mulf %get3A_519, %get3A_522 : vector<16xf32>
      %add3A_526 = arith.addf %broadcast_in_dim3A_290, %mul3A_525 : vector<16xf32>
      %mul3A_527 = arith.mulf %get3A_522, %get3A_522 : vector<16xf32>
      %add3A_528 = arith.addf %broadcast_in_dim3A_290, %mul3A_527 : vector<16xf32>
      %get3A_529 = arith.index_cast %scan3A_516 : i32 to index
      %get3A_530 = arith.constant 16 : index
      %get3A_531 = tpu.vector_load %arg7[%get3A_529, %get3A_530] {strides = array<i32>} : memref<256x64xf32, #tpu.memory_space<vmem>>, vector<16xf32>,
      %get3A_532 = arith.index_cast %scan3A_516 : i32 to index
      %get3A_533 = arith.constant 16 : index
      %get3A_534 = tpu.vector_load %arg8[%get3A_532, %get3A_533] {strides = array<i32>} : memref<256x64xf32, #tpu.memory_space<vmem>>, vector<16xf32>,
      %mul3A_535 = arith.mulf %get3A_531, %get3A_531 : vector<16xf32>
      %add3A_536 = arith.addf %add3A_524, %mul3A_535 : vector<16xf32>
      %mul3A_537 = arith.mulf %get3A_531, %get3A_534 : vector<16xf32>
      %add3A_538 = arith.addf %add3A_526, %mul3A_537 : vector<16xf32>
      %mul3A_539 = arith.mulf %get3A_534, %get3A_534 : vector<16xf32>
      %add3A_540 = arith.addf %add3A_528, %mul3A_539 : vector<16xf32>
      %get3A_541 = arith.index_cast %scan3A_516 : i32 to index
      %get3A_542 = arith.constant 32 : index
      %get3A_543 = tpu.vector_load %arg7[%get3A_541, %get3A_542] {strides = array<i32>} : memref<256x64xf32, #tpu.memory_space<vmem>>, vector<16xf32>,
      %get3A_544 = arith.index_cast %scan3A_516 : i32 to index
      %get3A_545 = arith.constant 32 : index
      %get3A_546 = tpu.vector_load %arg8[%get3A_544, %get3A_545] {strides = array<i32>} : memref<256x64xf32, #tpu.memory_space<vmem>>, vector<16xf32>,
      %mul3A_547 = arith.mulf %get3A_543, %get3A_543 : vector<16xf32>
      %add3A_548 = arith.addf %add3A_536, %mul3A_547 : vector<16xf32>
      %mul3A_549 = arith.mulf %get3A_543, %get3A_546 : vector<16xf32>
      %add3A_550 = arith.addf %add3A_538, %mul3A_549 : vector<16xf32>
      %mul3A_551 = arith.mulf %get3A_546, %get3A_546 : vector<16xf32>
      %add3A_552 = arith.addf %add3A_540, %mul3A_551 : vector<16xf32>
      %get3A_553 = arith.index_cast %scan3A_516 : i32 to index
      %get3A_554 = arith.constant 48 : index
      %get3A_555 = tpu.vector_load %arg7[%get3A_553, %get3A_554] {strides = array<i32>} : memref<256x64xf32, #tpu.memory_space<vmem>>, vector<16xf32>,
      %get3A_556 = arith.index_cast %scan3A_516 : i32 to index
      %get3A_557 = arith.constant 48 : index
      %get3A_558 = tpu.vector_load %arg8[%get3A_556, %get3A_557] {strides = array<i32>} : memref<256x64xf32, #tpu.memory_space<vmem>>, vector<16xf32>,
      %mul3A_559 = arith.mulf %get3A_555, %get3A_555 : vector<16xf32>
      %add3A_560 = arith.addf %add3A_548, %mul3A_559 : vector<16xf32>
      %mul3A_561 = arith.mulf %get3A_555, %get3A_558 : vector<16xf32>
      %add3A_562 = arith.addf %add3A_550, %mul3A_561 : vector<16xf32>
      %mul3A_563 = arith.mulf %get3A_558, %get3A_558 : vector<16xf32>
      %add3A_564 = arith.addf %add3A_552, %mul3A_563 : vector<16xf32>
      %jit3A = arith.constant 8 : i32
      %div3A = arith.divsi %scan3A_516, %jit3A : i32
      %sign3A = arith.constant 0 : i32
      %sign3A_565 = arith.cmpi sgt, %scan3A_516, %sign3A : i32
      %sign3A_566 = arith.extui %sign3A_565 : i1 to i32
      %sign3A_567 = arith.constant 0 : i32
      %sign3A_568 = arith.cmpi slt, %scan3A_516, %sign3A_567 : i32
      %sign3A_569 = arith.extui %sign3A_568 : i1 to i32
      %sign3A_570 = arith.subi %sign3A_566, %sign3A_569 : i32
      %sign3A_571 = arith.constant 0 : i32
      %sign3A_572 = arith.cmpi sgt, %jit3A, %sign3A_571 : i32
      %sign3A_573 = arith.extui %sign3A_572 : i1 to i32
      %sign3A_574 = arith.constant 0 : i32
      %sign3A_575 = arith.cmpi slt, %jit3A, %sign3A_574 : i32
      %sign3A_576 = arith.extui %sign3A_575 : i1 to i32
      %sign3A_577 = arith.subi %sign3A_573, %sign3A_576 : i32
      %ne3A = arith.cmpi ne, %sign3A_570, %sign3A_577 : i32
      %rem3A = arith.remsi %scan3A_516, %jit3A : i32
      %ne3A_578 = arith.constant 0 : i32
      %ne3A_579 = arith.cmpi ne, %rem3A, %ne3A_578 : i32
      %and3A = arith.andi %ne3A, %ne3A_579 : i1
      %sub3A = arith.constant 1 : i32
      %sub3A_580 = arith.subi %div3A, %sub3A : i32
      %select_n3A = arith.select %and3A, %sub3A_580, %div3A : i32
      %jit3A_581 = arith.constant 8 : i32
      %eq3A = arith.constant 0 : i32
      %eq3A_582 = arith.cmpi eq, %jit3A_581, %eq3A : i32
      %jit3A_583 = arith.constant 1 : i32
      %select_n3A_584 = arith.select %eq3A_582, %jit3A_583, %jit3A_581 : i32
      %rem3A_585 = arith.remsi %scan3A_516, %select_n3A_584 : i32
      %ne3A_586 = arith.constant 0 : i32
      %ne3A_587 = arith.cmpi ne, %rem3A_585, %ne3A_586 : i32
      %lt3A = arith.constant 0 : i32
      %lt3A_588 = arith.cmpi slt, %rem3A_585, %lt3A : i32
      %lt3A_589 = arith.constant 0 : i32
      %lt3A_590 = arith.cmpi slt, %select_n3A_584, %lt3A_589 : i32
      %ne3A_591 = arith.xori %lt3A_588, %lt3A_590 : i1
      %and3A_592 = arith.andi %ne3A_591, %ne3A_587 : i1
      %add3A_593 = arith.addi %rem3A_585, %select_n3A_584 : i32
      %select_n3A_594 = arith.select %and3A_592, %add3A_593, %rem3A_585 : i32
      %mul3A_595 = arith.constant 16 : i32
      %mul3A_596 = arith.muli %select_n3A_594, %mul3A_595 : i32
      %swap3A_597 = arith.index_cast %select_n3A : i32 to index
      %swap3A_598 = arith.index_cast %mul3A_596 : i32 to index
      %swap3A_599 = tpu.vector_load %arg12[%swap3A_597, %swap3A_598] {strides = array<i32>} : memref<32x128xf32, #tpu.memory_space<vmem>>, vector<16xf32>,
      tpu.vector_store %arg12[%swap3A_597, %swap3A_598], %add3A_560 {strides = array<i32>} : memref<32x128xf32, #tpu.memory_space<vmem>>, vector<16xf32>,
      %swap3A_600 = arith.index_cast %select_n3A : i32 to index
      %swap3A_601 = arith.index_cast %mul3A_596 : i32 to index
      %swap3A_602 = tpu.vector_load %arg13[%swap3A_600, %swap3A_601] {strides = array<i32>} : memref<32x128xf32, #tpu.memory_space<vmem>>, vector<16xf32>,
      tpu.vector_store %arg13[%swap3A_600, %swap3A_601], %add3A_562 {strides = array<i32>} : memref<32x128xf32, #tpu.memory_space<vmem>>, vector<16xf32>,
      %swap3A_603 = arith.index_cast %select_n3A : i32 to index
      %swap3A_604 = arith.index_cast %mul3A_596 : i32 to index
      %swap3A_605 = tpu.vector_load %arg14[%swap3A_603, %swap3A_604] {strides = array<i32>} : memref<32x128xf32, #tpu.memory_space<vmem>>, vector<16xf32>,
      tpu.vector_store %arg14[%swap3A_603, %swap3A_604], %add3A_564 {strides = array<i32>} : memref<32x128xf32, #tpu.memory_space<vmem>>, vector<16xf32>,
    }
    %scan3A_393 = arith.constant 256 : i32
    %scan3A_394 = arith.constant 0 : i32
    %scan3A_395 = arith.constant 0 : i32
    %scan3A_396 = arith.constant 16 : i32
    %scan3A_397 = arith.addi %scan3A_395, %scan3A_396 : i32
    %scan3A_398 = arith.constant 1 : i32
    scf.for %scan3A_516 = %scan3A_395 to %scan3A_397 step %scan3A_398  : i32 {
      %mul3A_517 = arith.constant 256 : i32
      %mul3A_518 = arith.muli %scan3A_516, %mul3A_517 : i32
      %mul3A_519 = arith.constant 16 : i32
      %mul3A_520 = vector.broadcast %mul3A_519 : i32 to vector<16xi32>
      %mul3A_521 = arith.muli %iota3A, %mul3A_520 : vector<16xi32>
      %add3A_522 = vector.broadcast %mul3A_518 : i32 to vector<16xi32>
      %add3A_523 = arith.addi %add3A_522, %mul3A_521 : vector<16xi32>
      %add3A_524 = arith.constant 0 : i32
      %add3A_525 = vector.broadcast %add3A_524 : i32 to vector<16xi32>
      %add3A_526 = arith.addi %add3A_523, %add3A_525 : vector<16xi32>
      %shift_right_logical3A = arith.constant 7 : i32
      %shift_right_logical3A_527 = vector.broadcast %shift_right_logical3A : i32 to vector<16xi32>
      %shift_right_logical3A_528 = arith.shrui %add3A_526, %shift_right_logical3A_527 : vector<16xi32>
      %and3A = arith.constant 127 : i32
      %and3A_529 = vector.broadcast %and3A : i32 to vector<16xi32>
      %and3A_530 = arith.andi %add3A_526, %and3A_529 : vector<16xi32>
      %gather3A = tpu.vector_load_idx %arg12[%shift_right_logical3A_528, %and3A_530] : memref<32x128xf32, #tpu.memory_space<vmem>>[vector<16xi32>, vector<16xi32>], vector<16xf32>,
      %add3A_531 = arith.addf %broadcast_in_dim3A_290, %gather3A : vector<16xf32>
      %gather3A_532 = tpu.vector_load_idx %arg13[%shift_right_logical3A_528, %and3A_530] : memref<32x128xf32, #tpu.memory_space<vmem>>[vector<16xi32>, vector<16xi32>], vector<16xf32>,
      %add3A_533 = arith.addf %broadcast_in_dim3A_290, %gather3A_532 : vector<16xf32>
      %gather3A_534 = tpu.vector_load_idx %arg14[%shift_right_logical3A_528, %and3A_530] : memref<32x128xf32, #tpu.memory_space<vmem>>[vector<16xi32>, vector<16xi32>], vector<16xf32>,
      %add3A_535 = arith.addf %broadcast_in_dim3A_290, %gather3A_534 : vector<16xf32>
      %add3A_536 = arith.constant 1 : i32
      %add3A_537 = vector.broadcast %add3A_536 : i32 to vector<16xi32>
      %add3A_538 = arith.addi %add3A_523, %add3A_537 : vector<16xi32>
      %shift_right_logical3A_539 = arith.constant 7 : i32
      %shift_right_logical3A_540 = vector.broadcast %shift_right_logical3A_539 : i32 to vector<16xi32>
      %shift_right_logical3A_541 = arith.shrui %add3A_538, %shift_right_logical3A_540 : vector<16xi32>
      %and3A_542 = arith.constant 127 : i32
      %and3A_543 = vector.broadcast %and3A_542 : i32 to vector<16xi32>
      %and3A_544 = arith.andi %add3A_538, %and3A_543 : vector<16xi32>
      %gather3A_545 = tpu.vector_load_idx %arg12[%shift_right_logical3A_541, %and3A_544] : memref<32x128xf32, #tpu.memory_space<vmem>>[vector<16xi32>, vector<16xi32>], vector<16xf32>,
      %add3A_546 = arith.addf %add3A_531, %gather3A_545 : vector<16xf32>
      %gather3A_547 = tpu.vector_load_idx %arg13[%shift_right_logical3A_541, %and3A_544] : memref<32x128xf32, #tpu.memory_space<vmem>>[vector<16xi32>, vector<16xi32>], vector<16xf32>,
      %add3A_548 = arith.addf %add3A_533, %gather3A_547 : vector<16xf32>
      %gather3A_549 = tpu.vector_load_idx %arg14[%shift_right_logical3A_541, %and3A_544] : memref<32x128xf32, #tpu.memory_space<vmem>>[vector<16xi32>, vector<16xi32>], vector<16xf32>,
      %add3A_550 = arith.addf %add3A_535, %gather3A_549 : vector<16xf32>
      %add3A_551 = arith.constant 2 : i32
      %add3A_552 = vector.broadcast %add3A_551 : i32 to vector<16xi32>
      %add3A_553 = arith.addi %add3A_523, %add3A_552 : vector<16xi32>
      %shift_right_logical3A_554 = arith.constant 7 : i32
      %shift_right_logical3A_555 = vector.broadcast %shift_right_logical3A_554 : i32 to vector<16xi32>
      %shift_right_logical3A_556 = arith.shrui %add3A_553, %shift_right_logical3A_555 : vector<16xi32>
      %and3A_557 = arith.constant 127 : i32
      %and3A_558 = vector.broadcast %and3A_557 : i32 to vector<16xi32>
      %and3A_559 = arith.andi %add3A_553, %and3A_558 : vector<16xi32>
      %gather3A_560 = tpu.vector_load_idx %arg12[%shift_right_logical3A_556, %and3A_559] : memref<32x128xf32, #tpu.memory_space<vmem>>[vector<16xi32>, vector<16xi32>], vector<16xf32>,
      %add3A_561 = arith.addf %add3A_546, %gather3A_560 : vector<16xf32>
      %gather3A_562 = tpu.vector_load_idx %arg13[%shift_right_logical3A_556, %and3A_559] : memref<32x128xf32, #tpu.memory_space<vmem>>[vector<16xi32>, vector<16xi32>], vector<16xf32>,
      %add3A_563 = arith.addf %add3A_548, %gather3A_562 : vector<16xf32>
      %gather3A_564 = tpu.vector_load_idx %arg14[%shift_right_logical3A_556, %and3A_559] : memref<32x128xf32, #tpu.memory_space<vmem>>[vector<16xi32>, vector<16xi32>], vector<16xf32>,
      %add3A_565 = arith.addf %add3A_550, %gather3A_564 : vector<16xf32>
      %add3A_566 = arith.constant 3 : i32
      %add3A_567 = vector.broadcast %add3A_566 : i32 to vector<16xi32>
      %add3A_568 = arith.addi %add3A_523, %add3A_567 : vector<16xi32>
      %shift_right_logical3A_569 = arith.constant 7 : i32
      %shift_right_logical3A_570 = vector.broadcast %shift_right_logical3A_569 : i32 to vector<16xi32>
      %shift_right_logical3A_571 = arith.shrui %add3A_568, %shift_right_logical3A_570 : vector<16xi32>
      %and3A_572 = arith.constant 127 : i32
      %and3A_573 = vector.broadcast %and3A_572 : i32 to vector<16xi32>
      %and3A_574 = arith.andi %add3A_568, %and3A_573 : vector<16xi32>
      %gather3A_575 = tpu.vector_load_idx %arg12[%shift_right_logical3A_571, %and3A_574] : memref<32x128xf32, #tpu.memory_space<vmem>>[vector<16xi32>, vector<16xi32>], vector<16xf32>,
      %add3A_576 = arith.addf %add3A_561, %gather3A_575 : vector<16xf32>
      %gather3A_577 = tpu.vector_load_idx %arg13[%shift_right_logical3A_571, %and3A_574] : memref<32x128xf32, #tpu.memory_space<vmem>>[vector<16xi32>, vector<16xi32>], vector<16xf32>,
      %add3A_578 = arith.addf %add3A_563, %gather3A_577 : vector<16xf32>
      %gather3A_579 = tpu.vector_load_idx %arg14[%shift_right_logical3A_571, %and3A_574] : memref<32x128xf32, #tpu.memory_space<vmem>>[vector<16xi32>, vector<16xi32>], vector<16xf32>,
      %add3A_580 = arith.addf %add3A_565, %gather3A_579 : vector<16xf32>
      %add3A_581 = arith.constant 4 : i32
      %add3A_582 = vector.broadcast %add3A_581 : i32 to vector<16xi32>
      %add3A_583 = arith.addi %add3A_523, %add3A_582 : vector<16xi32>
      %shift_right_logical3A_584 = arith.constant 7 : i32
      %shift_right_logical3A_585 = vector.broadcast %shift_right_logical3A_584 : i32 to vector<16xi32>
      %shift_right_logical3A_586 = arith.shrui %add3A_583, %shift_right_logical3A_585 : vector<16xi32>
      %and3A_587 = arith.constant 127 : i32
      %and3A_588 = vector.broadcast %and3A_587 : i32 to vector<16xi32>
      %and3A_589 = arith.andi %add3A_583, %and3A_588 : vector<16xi32>
      %gather3A_590 = tpu.vector_load_idx %arg12[%shift_right_logical3A_586, %and3A_589] : memref<32x128xf32, #tpu.memory_space<vmem>>[vector<16xi32>, vector<16xi32>], vector<16xf32>,
      %add3A_591 = arith.addf %add3A_576, %gather3A_590 : vector<16xf32>
      %gather3A_592 = tpu.vector_load_idx %arg13[%shift_right_logical3A_586, %and3A_589] : memref<32x128xf32, #tpu.memory_space<vmem>>[vector<16xi32>, vector<16xi32>], vector<16xf32>,
      %add3A_593 = arith.addf %add3A_578, %gather3A_592 : vector<16xf32>
      %gather3A_594 = tpu.vector_load_idx %arg14[%shift_right_logical3A_586, %and3A_589] : memref<32x128xf32, #tpu.memory_space<vmem>>[vector<16xi32>, vector<16xi32>], vector<16xf32>,
      %add3A_595 = arith.addf %add3A_580, %gather3A_594 : vector<16xf32>
      %add3A_596 = arith.constant 5 : i32
      %add3A_597 = vector.broadcast %add3A_596 : i32 to vector<16xi32>
      %add3A_598 = arith.addi %add3A_523, %add3A_597 : vector<16xi32>
      %shift_right_logical3A_599 = arith.constant 7 : i32
      %shift_right_logical3A_600 = vector.broadcast %shift_right_logical3A_599 : i32 to vector<16xi32>
      %shift_right_logical3A_601 = arith.shrui %add3A_598, %shift_right_logical3A_600 : vector<16xi32>
      %and3A_602 = arith.constant 127 : i32
      %and3A_603 = vector.broadcast %and3A_602 : i32 to vector<16xi32>
      %and3A_604 = arith.andi %add3A_598, %and3A_603 : vector<16xi32>
      %gather3A_605 = tpu.vector_load_idx %arg12[%shift_right_logical3A_601, %and3A_604] : memref<32x128xf32, #tpu.memory_space<vmem>>[vector<16xi32>, vector<16xi32>], vector<16xf32>,
      %add3A_606 = arith.addf %add3A_591, %gather3A_605 : vector<16xf32>
      %gather3A_607 = tpu.vector_load_idx %arg13[%shift_right_logical3A_601, %and3A_604] : memref<32x128xf32, #tpu.memory_space<vmem>>[vector<16xi32>, vector<16xi32>], vector<16xf32>,
      %add3A_608 = arith.addf %add3A_593, %gather3A_607 : vector<16xf32>
      %gather3A_609 = tpu.vector_load_idx %arg14[%shift_right_logical3A_601, %and3A_604] : memref<32x128xf32, #tpu.memory_space<vmem>>[vector<16xi32>, vector<16xi32>], vector<16xf32>,
      %add3A_610 = arith.addf %add3A_595, %gather3A_609 : vector<16xf32>
      %add3A_611 = arith.constant 6 : i32
      %add3A_612 = vector.broadcast %add3A_611 : i32 to vector<16xi32>
      %add3A_613 = arith.addi %add3A_523, %add3A_612 : vector<16xi32>
      %shift_right_logical3A_614 = arith.constant 7 : i32
      %shift_right_logical3A_615 = vector.broadcast %shift_right_logical3A_614 : i32 to vector<16xi32>
      %shift_right_logical3A_616 = arith.shrui %add3A_613, %shift_right_logical3A_615 : vector<16xi32>
      %and3A_617 = arith.constant 127 : i32
      %and3A_618 = vector.broadcast %and3A_617 : i32 to vector<16xi32>
      %and3A_619 = arith.andi %add3A_613, %and3A_618 : vector<16xi32>
      %gather3A_620 = tpu.vector_load_idx %arg12[%shift_right_logical3A_616, %and3A_619] : memref<32x128xf32, #tpu.memory_space<vmem>>[vector<16xi32>, vector<16xi32>], vector<16xf32>,
      %add3A_621 = arith.addf %add3A_606, %gather3A_620 : vector<16xf32>
      %gather3A_622 = tpu.vector_load_idx %arg13[%shift_right_logical3A_616, %and3A_619] : memref<32x128xf32, #tpu.memory_space<vmem>>[vector<16xi32>, vector<16xi32>], vector<16xf32>,
      %add3A_623 = arith.addf %add3A_608, %gather3A_622 : vector<16xf32>
      %gather3A_624 = tpu.vector_load_idx %arg14[%shift_right_logical3A_616, %and3A_619] : memref<32x128xf32, #tpu.memory_space<vmem>>[vector<16xi32>, vector<16xi32>], vector<16xf32>,
      %add3A_625 = arith.addf %add3A_610, %gather3A_624 : vector<16xf32>
      %add3A_626 = arith.constant 7 : i32
      %add3A_627 = vector.broadcast %add3A_626 : i32 to vector<16xi32>
      %add3A_628 = arith.addi %add3A_523, %add3A_627 : vector<16xi32>
      %shift_right_logical3A_629 = arith.constant 7 : i32
      %shift_right_logical3A_630 = vector.broadcast %shift_right_logical3A_629 : i32 to vector<16xi32>
      %shift_right_logical3A_631 = arith.shrui %add3A_628, %shift_right_logical3A_630 : vector<16xi32>
      %and3A_632 = arith.constant 127 : i32
      %and3A_633 = vector.broadcast %and3A_632 : i32 to vector<16xi32>
      %and3A_634 = arith.andi %add3A_628, %and3A_633 : vector<16xi32>
      %gather3A_635 = tpu.vector_load_idx %arg12[%shift_right_logical3A_631, %and3A_634] : memref<32x128xf32, #tpu.memory_space<vmem>>[vector<16xi32>, vector<16xi32>], vector<16xf32>,
      %add3A_636 = arith.addf %add3A_621, %gather3A_635 : vector<16xf32>
      %gather3A_637 = tpu.vector_load_idx %arg13[%shift_right_logical3A_631, %and3A_634] : memref<32x128xf32, #tpu.memory_space<vmem>>[vector<16xi32>, vector<16xi32>], vector<16xf32>,
      %add3A_638 = arith.addf %add3A_623, %gather3A_637 : vector<16xf32>
      %gather3A_639 = tpu.vector_load_idx %arg14[%shift_right_logical3A_631, %and3A_634] : memref<32x128xf32, #tpu.memory_space<vmem>>[vector<16xi32>, vector<16xi32>], vector<16xf32>,
      %add3A_640 = arith.addf %add3A_625, %gather3A_639 : vector<16xf32>
      %add3A_641 = arith.constant 8 : i32
      %add3A_642 = vector.broadcast %add3A_641 : i32 to vector<16xi32>
      %add3A_643 = arith.addi %add3A_523, %add3A_642 : vector<16xi32>
      %shift_right_logical3A_644 = arith.constant 7 : i32
      %shift_right_logical3A_645 = vector.broadcast %shift_right_logical3A_644 : i32 to vector<16xi32>
      %shift_right_logical3A_646 = arith.shrui %add3A_643, %shift_right_logical3A_645 : vector<16xi32>
      %and3A_647 = arith.constant 127 : i32
      %and3A_648 = vector.broadcast %and3A_647 : i32 to vector<16xi32>
      %and3A_649 = arith.andi %add3A_643, %and3A_648 : vector<16xi32>
      %gather3A_650 = tpu.vector_load_idx %arg12[%shift_right_logical3A_646, %and3A_649] : memref<32x128xf32, #tpu.memory_space<vmem>>[vector<16xi32>, vector<16xi32>], vector<16xf32>,
      %add3A_651 = arith.addf %add3A_636, %gather3A_650 : vector<16xf32>
      %gather3A_652 = tpu.vector_load_idx %arg13[%shift_right_logical3A_646, %and3A_649] : memref<32x128xf32, #tpu.memory_space<vmem>>[vector<16xi32>, vector<16xi32>], vector<16xf32>,
      %add3A_653 = arith.addf %add3A_638, %gather3A_652 : vector<16xf32>
      %gather3A_654 = tpu.vector_load_idx %arg14[%shift_right_logical3A_646, %and3A_649] : memref<32x128xf32, #tpu.memory_space<vmem>>[vector<16xi32>, vector<16xi32>], vector<16xf32>,
      %add3A_655 = arith.addf %add3A_640, %gather3A_654 : vector<16xf32>
      %add3A_656 = arith.constant 9 : i32
      %add3A_657 = vector.broadcast %add3A_656 : i32 to vector<16xi32>
      %add3A_658 = arith.addi %add3A_523, %add3A_657 : vector<16xi32>
      %shift_right_logical3A_659 = arith.constant 7 : i32
      %shift_right_logical3A_660 = vector.broadcast %shift_right_logical3A_659 : i32 to vector<16xi32>
      %shift_right_logical3A_661 = arith.shrui %add3A_658, %shift_right_logical3A_660 : vector<16xi32>
      %and3A_662 = arith.constant 127 : i32
      %and3A_663 = vector.broadcast %and3A_662 : i32 to vector<16xi32>
      %and3A_664 = arith.andi %add3A_658, %and3A_663 : vector<16xi32>
      %gather3A_665 = tpu.vector_load_idx %arg12[%shift_right_logical3A_661, %and3A_664] : memref<32x128xf32, #tpu.memory_space<vmem>>[vector<16xi32>, vector<16xi32>], vector<16xf32>,
      %add3A_666 = arith.addf %add3A_651, %gather3A_665 : vector<16xf32>
      %gather3A_667 = tpu.vector_load_idx %arg13[%shift_right_logical3A_661, %and3A_664] : memref<32x128xf32, #tpu.memory_space<vmem>>[vector<16xi32>, vector<16xi32>], vector<16xf32>,
      %add3A_668 = arith.addf %add3A_653, %gather3A_667 : vector<16xf32>
      %gather3A_669 = tpu.vector_load_idx %arg14[%shift_right_logical3A_661, %and3A_664] : memref<32x128xf32, #tpu.memory_space<vmem>>[vector<16xi32>, vector<16xi32>], vector<16xf32>,
      %add3A_670 = arith.addf %add3A_655, %gather3A_669 : vector<16xf32>
      %add3A_671 = arith.constant 10 : i32
      %add3A_672 = vector.broadcast %add3A_671 : i32 to vector<16xi32>
      %add3A_673 = arith.addi %add3A_523, %add3A_672 : vector<16xi32>
      %shift_right_logical3A_674 = arith.constant 7 : i32
      %shift_right_logical3A_675 = vector.broadcast %shift_right_logical3A_674 : i32 to vector<16xi32>
      %shift_right_logical3A_676 = arith.shrui %add3A_673, %shift_right_logical3A_675 : vector<16xi32>
      %and3A_677 = arith.constant 127 : i32
      %and3A_678 = vector.broadcast %and3A_677 : i32 to vector<16xi32>
      %and3A_679 = arith.andi %add3A_673, %and3A_678 : vector<16xi32>
      %gather3A_680 = tpu.vector_load_idx %arg12[%shift_right_logical3A_676, %and3A_679] : memref<32x128xf32, #tpu.memory_space<vmem>>[vector<16xi32>, vector<16xi32>], vector<16xf32>,
      %add3A_681 = arith.addf %add3A_666, %gather3A_680 : vector<16xf32>
      %gather3A_682 = tpu.vector_load_idx %arg13[%shift_right_logical3A_676, %and3A_679] : memref<32x128xf32, #tpu.memory_space<vmem>>[vector<16xi32>, vector<16xi32>], vector<16xf32>,
      %add3A_683 = arith.addf %add3A_668, %gather3A_682 : vector<16xf32>
      %gather3A_684 = tpu.vector_load_idx %arg14[%shift_right_logical3A_676, %and3A_679] : memref<32x128xf32, #tpu.memory_space<vmem>>[vector<16xi32>, vector<16xi32>], vector<16xf32>,
      %add3A_685 = arith.addf %add3A_670, %gather3A_684 : vector<16xf32>
      %add3A_686 = arith.constant 11 : i32
      %add3A_687 = vector.broadcast %add3A_686 : i32 to vector<16xi32>
      %add3A_688 = arith.addi %add3A_523, %add3A_687 : vector<16xi32>
      %shift_right_logical3A_689 = arith.constant 7 : i32
      %shift_right_logical3A_690 = vector.broadcast %shift_right_logical3A_689 : i32 to vector<16xi32>
      %shift_right_logical3A_691 = arith.shrui %add3A_688, %shift_right_logical3A_690 : vector<16xi32>
      %and3A_692 = arith.constant 127 : i32
      %and3A_693 = vector.broadcast %and3A_692 : i32 to vector<16xi32>
      %and3A_694 = arith.andi %add3A_688, %and3A_693 : vector<16xi32>
      %gather3A_695 = tpu.vector_load_idx %arg12[%shift_right_logical3A_691, %and3A_694] : memref<32x128xf32, #tpu.memory_space<vmem>>[vector<16xi32>, vector<16xi32>], vector<16xf32>,
      %add3A_696 = arith.addf %add3A_681, %gather3A_695 : vector<16xf32>
      %gather3A_697 = tpu.vector_load_idx %arg13[%shift_right_logical3A_691, %and3A_694] : memref<32x128xf32, #tpu.memory_space<vmem>>[vector<16xi32>, vector<16xi32>], vector<16xf32>,
      %add3A_698 = arith.addf %add3A_683, %gather3A_697 : vector<16xf32>
      %gather3A_699 = tpu.vector_load_idx %arg14[%shift_right_logical3A_691, %and3A_694] : memref<32x128xf32, #tpu.memory_space<vmem>>[vector<16xi32>, vector<16xi32>], vector<16xf32>,
      %add3A_700 = arith.addf %add3A_685, %gather3A_699 : vector<16xf32>
      %add3A_701 = arith.constant 12 : i32
      %add3A_702 = vector.broadcast %add3A_701 : i32 to vector<16xi32>
      %add3A_703 = arith.addi %add3A_523, %add3A_702 : vector<16xi32>
      %shift_right_logical3A_704 = arith.constant 7 : i32
      %shift_right_logical3A_705 = vector.broadcast %shift_right_logical3A_704 : i32 to vector<16xi32>
      %shift_right_logical3A_706 = arith.shrui %add3A_703, %shift_right_logical3A_705 : vector<16xi32>
      %and3A_707 = arith.constant 127 : i32
      %and3A_708 = vector.broadcast %and3A_707 : i32 to vector<16xi32>
      %and3A_709 = arith.andi %add3A_703, %and3A_708 : vector<16xi32>
      %gather3A_710 = tpu.vector_load_idx %arg12[%shift_right_logical3A_706, %and3A_709] : memref<32x128xf32, #tpu.memory_space<vmem>>[vector<16xi32>, vector<16xi32>], vector<16xf32>,
      %add3A_711 = arith.addf %add3A_696, %gather3A_710 : vector<16xf32>
      %gather3A_712 = tpu.vector_load_idx %arg13[%shift_right_logical3A_706, %and3A_709] : memref<32x128xf32, #tpu.memory_space<vmem>>[vector<16xi32>, vector<16xi32>], vector<16xf32>,
      %add3A_713 = arith.addf %add3A_698, %gather3A_712 : vector<16xf32>
      %gather3A_714 = tpu.vector_load_idx %arg14[%shift_right_logical3A_706, %and3A_709] : memref<32x128xf32, #tpu.memory_space<vmem>>[vector<16xi32>, vector<16xi32>], vector<16xf32>,
      %add3A_715 = arith.addf %add3A_700, %gather3A_714 : vector<16xf32>
      %add3A_716 = arith.constant 13 : i32
      %add3A_717 = vector.broadcast %add3A_716 : i32 to vector<16xi32>
      %add3A_718 = arith.addi %add3A_523, %add3A_717 : vector<16xi32>
      %shift_right_logical3A_719 = arith.constant 7 : i32
      %shift_right_logical3A_720 = vector.broadcast %shift_right_logical3A_719 : i32 to vector<16xi32>
      %shift_right_logical3A_721 = arith.shrui %add3A_718, %shift_right_logical3A_720 : vector<16xi32>
      %and3A_722 = arith.constant 127 : i32
      %and3A_723 = vector.broadcast %and3A_722 : i32 to vector<16xi32>
      %and3A_724 = arith.andi %add3A_718, %and3A_723 : vector<16xi32>
      %gather3A_725 = tpu.vector_load_idx %arg12[%shift_right_logical3A_721, %and3A_724] : memref<32x128xf32, #tpu.memory_space<vmem>>[vector<16xi32>, vector<16xi32>], vector<16xf32>,
      %add3A_726 = arith.addf %add3A_711, %gather3A_725 : vector<16xf32>
      %gather3A_727 = tpu.vector_load_idx %arg13[%shift_right_logical3A_721, %and3A_724] : memref<32x128xf32, #tpu.memory_space<vmem>>[vector<16xi32>, vector<16xi32>], vector<16xf32>,
      %add3A_728 = arith.addf %add3A_713, %gather3A_727 : vector<16xf32>
      %gather3A_729 = tpu.vector_load_idx %arg14[%shift_right_logical3A_721, %and3A_724] : memref<32x128xf32, #tpu.memory_space<vmem>>[vector<16xi32>, vector<16xi32>], vector<16xf32>,
      %add3A_730 = arith.addf %add3A_715, %gather3A_729 : vector<16xf32>
      %add3A_731 = arith.constant 14 : i32
      %add3A_732 = vector.broadcast %add3A_731 : i32 to vector<16xi32>
      %add3A_733 = arith.addi %add3A_523, %add3A_732 : vector<16xi32>
      %shift_right_logical3A_734 = arith.constant 7 : i32
      %shift_right_logical3A_735 = vector.broadcast %shift_right_logical3A_734 : i32 to vector<16xi32>
      %shift_right_logical3A_736 = arith.shrui %add3A_733, %shift_right_logical3A_735 : vector<16xi32>
      %and3A_737 = arith.constant 127 : i32
      %and3A_738 = vector.broadcast %and3A_737 : i32 to vector<16xi32>
      %and3A_739 = arith.andi %add3A_733, %and3A_738 : vector<16xi32>
      %gather3A_740 = tpu.vector_load_idx %arg12[%shift_right_logical3A_736, %and3A_739] : memref<32x128xf32, #tpu.memory_space<vmem>>[vector<16xi32>, vector<16xi32>], vector<16xf32>,
      %add3A_741 = arith.addf %add3A_726, %gather3A_740 : vector<16xf32>
      %gather3A_742 = tpu.vector_load_idx %arg13[%shift_right_logical3A_736, %and3A_739] : memref<32x128xf32, #tpu.memory_space<vmem>>[vector<16xi32>, vector<16xi32>], vector<16xf32>,
      %add3A_743 = arith.addf %add3A_728, %gather3A_742 : vector<16xf32>
      %gather3A_744 = tpu.vector_load_idx %arg14[%shift_right_logical3A_736, %and3A_739] : memref<32x128xf32, #tpu.memory_space<vmem>>[vector<16xi32>, vector<16xi32>], vector<16xf32>,
      %add3A_745 = arith.addf %add3A_730, %gather3A_744 : vector<16xf32>
      %add3A_746 = arith.constant 15 : i32
      %add3A_747 = vector.broadcast %add3A_746 : i32 to vector<16xi32>
      %add3A_748 = arith.addi %add3A_523, %add3A_747 : vector<16xi32>
      %shift_right_logical3A_749 = arith.constant 7 : i32
      %shift_right_logical3A_750 = vector.broadcast %shift_right_logical3A_749 : i32 to vector<16xi32>
      %shift_right_logical3A_751 = arith.shrui %add3A_748, %shift_right_logical3A_750 : vector<16xi32>
      %and3A_752 = arith.constant 127 : i32
      %and3A_753 = vector.broadcast %and3A_752 : i32 to vector<16xi32>
      %and3A_754 = arith.andi %add3A_748, %and3A_753 : vector<16xi32>
      %gather3A_755 = tpu.vector_load_idx %arg12[%shift_right_logical3A_751, %and3A_754] : memref<32x128xf32, #tpu.memory_space<vmem>>[vector<16xi32>, vector<16xi32>], vector<16xf32>,
      %add3A_756 = arith.addf %add3A_741, %gather3A_755 : vector<16xf32>
      %gather3A_757 = tpu.vector_load_idx %arg13[%shift_right_logical3A_751, %and3A_754] : memref<32x128xf32, #tpu.memory_space<vmem>>[vector<16xi32>, vector<16xi32>], vector<16xf32>,
      %add3A_758 = arith.addf %add3A_743, %gather3A_757 : vector<16xf32>
      %gather3A_759 = tpu.vector_load_idx %arg14[%shift_right_logical3A_751, %and3A_754] : memref<32x128xf32, #tpu.memory_space<vmem>>[vector<16xi32>, vector<16xi32>], vector<16xf32>,
      %add3A_760 = arith.addf %add3A_745, %gather3A_759 : vector<16xf32>
      %max3A = arith.constant 1.000000e-24 : f32
      %max3A_761 = vector.broadcast %max3A : f32 to vector<16xf32>
      %max3A_762 = arith.maximumf %add3A_756, %max3A_761 : vector<16xf32>
      %bitcast_convert_type3A = tpu.bitcast %max3A_762 : vector<16xf32> -> vector<16xi32>
      %shift_right_arithmetic3A = arith.constant 1 : i32
      %shift_right_arithmetic3A_763 = vector.broadcast %shift_right_arithmetic3A : i32 to vector<16xi32>
      %shift_right_arithmetic3A_764 = arith.shrsi %bitcast_convert_type3A, %shift_right_arithmetic3A_763 : vector<16xi32>
      %sub3A = arith.constant 1597463007 : i32
      %sub3A_765 = vector.broadcast %sub3A : i32 to vector<16xi32>
      %sub3A_766 = arith.subi %sub3A_765, %shift_right_arithmetic3A_764 : vector<16xi32>
      %bitcast_convert_type3A_767 = tpu.bitcast %sub3A_766 : vector<16xi32> -> vector<16xf32>
      %mul3A_768 = arith.constant 5.000000e-01 : f32
      %mul3A_769 = vector.broadcast %mul3A_768 : f32 to vector<16xf32>
      %mul3A_770 = arith.mulf %mul3A_769, %max3A_762 : vector<16xf32>
      %mul3A_771 = arith.mulf %mul3A_770, %bitcast_convert_type3A_767 : vector<16xf32>
      %mul3A_772 = arith.mulf %mul3A_771, %bitcast_convert_type3A_767 : vector<16xf32>
      %sub3A_773 = arith.constant 1.500000e+00 : f32
      %sub3A_774 = vector.broadcast %sub3A_773 : f32 to vector<16xf32>
      %sub3A_775 = arith.subf %sub3A_774, %mul3A_772 : vector<16xf32>
      %mul3A_776 = arith.mulf %bitcast_convert_type3A_767, %sub3A_775 : vector<16xf32>
      %mul3A_777 = arith.constant 5.000000e-01 : f32
      %mul3A_778 = vector.broadcast %mul3A_777 : f32 to vector<16xf32>
      %mul3A_779 = arith.mulf %mul3A_778, %max3A_762 : vector<16xf32>
      %mul3A_780 = arith.mulf %mul3A_779, %mul3A_776 : vector<16xf32>
      %mul3A_781 = arith.mulf %mul3A_780, %mul3A_776 : vector<16xf32>
      %sub3A_782 = arith.constant 1.500000e+00 : f32
      %sub3A_783 = vector.broadcast %sub3A_782 : f32 to vector<16xf32>
      %sub3A_784 = arith.subf %sub3A_783, %mul3A_781 : vector<16xf32>
      %mul3A_785 = arith.mulf %mul3A_776, %sub3A_784 : vector<16xf32>
      %mul3A_786 = arith.constant 5.000000e-01 : f32
      %mul3A_787 = vector.broadcast %mul3A_786 : f32 to vector<16xf32>
      %mul3A_788 = arith.mulf %mul3A_787, %max3A_762 : vector<16xf32>
      %mul3A_789 = arith.mulf %mul3A_788, %mul3A_785 : vector<16xf32>
      %mul3A_790 = arith.mulf %mul3A_789, %mul3A_785 : vector<16xf32>
      %sub3A_791 = arith.constant 1.500000e+00 : f32
      %sub3A_792 = vector.broadcast %sub3A_791 : f32 to vector<16xf32>
      %sub3A_793 = arith.subf %sub3A_792, %mul3A_790 : vector<16xf32>
      %mul3A_794 = arith.mulf %mul3A_785, %sub3A_793 : vector<16xf32>
      %mul3A_795 = arith.mulf %add3A_756, %mul3A_794 : vector<16xf32>
      %mul3A_796 = arith.mulf %mul3A_795, %mul3A_794 : vector<16xf32>
      %mul3A_797 = arith.constant 2.000000e+00 : f32
      %mul3A_798 = vector.broadcast %mul3A_797 : f32 to vector<16xf32>
      %mul3A_799 = arith.mulf %mul3A_798, %mul3A_794 : vector<16xf32>
      %mul3A_800 = arith.mulf %mul3A_799, %add3A_758 : vector<16xf32>
      %sub3A_801 = arith.subf %mul3A_796, %mul3A_800 : vector<16xf32>
      %add3A_802 = arith.addf %sub3A_801, %add3A_760 : vector<16xf32>
      %max3A_803 = arith.constant 0.000000e+00 : f32
      %max3A_804 = vector.broadcast %max3A_803 : f32 to vector<16xf32>
      %max3A_805 = arith.maximumf %add3A_802, %max3A_804 : vector<16xf32>
      %max3A_806 = arith.constant 1.000000e-36 : f32
      %max3A_807 = vector.broadcast %max3A_806 : f32 to vector<16xf32>
      %max3A_808 = arith.maximumf %max3A_805, %max3A_807 : vector<16xf32>
      %bitcast_convert_type3A_809 = tpu.bitcast %max3A_808 : vector<16xf32> -> vector<16xi32>
      %shift_right_arithmetic3A_810 = arith.constant 1 : i32
      %shift_right_arithmetic3A_811 = vector.broadcast %shift_right_arithmetic3A_810 : i32 to vector<16xi32>
      %shift_right_arithmetic3A_812 = arith.shrsi %bitcast_convert_type3A_809, %shift_right_arithmetic3A_811 : vector<16xi32>
      %sub3A_813 = arith.constant 1597463007 : i32
      %sub3A_814 = vector.broadcast %sub3A_813 : i32 to vector<16xi32>
      %sub3A_815 = arith.subi %sub3A_814, %shift_right_arithmetic3A_812 : vector<16xi32>
      %bitcast_convert_type3A_816 = tpu.bitcast %sub3A_815 : vector<16xi32> -> vector<16xf32>
      %mul3A_817 = arith.constant 5.000000e-01 : f32
      %mul3A_818 = vector.broadcast %mul3A_817 : f32 to vector<16xf32>
      %mul3A_819 = arith.mulf %mul3A_818, %max3A_808 : vector<16xf32>
      %mul3A_820 = arith.mulf %mul3A_819, %bitcast_convert_type3A_816 : vector<16xf32>
      %mul3A_821 = arith.mulf %mul3A_820, %bitcast_convert_type3A_816 : vector<16xf32>
      %sub3A_822 = arith.constant 1.500000e+00 : f32
      %sub3A_823 = vector.broadcast %sub3A_822 : f32 to vector<16xf32>
      %sub3A_824 = arith.subf %sub3A_823, %mul3A_821 : vector<16xf32>
      %mul3A_825 = arith.mulf %bitcast_convert_type3A_816, %sub3A_824 : vector<16xf32>
      %mul3A_826 = arith.constant 5.000000e-01 : f32
      %mul3A_827 = vector.broadcast %mul3A_826 : f32 to vector<16xf32>
      %mul3A_828 = arith.mulf %mul3A_827, %max3A_808 : vector<16xf32>
      %mul3A_829 = arith.mulf %mul3A_828, %mul3A_825 : vector<16xf32>
      %mul3A_830 = arith.mulf %mul3A_829, %mul3A_825 : vector<16xf32>
      %sub3A_831 = arith.constant 1.500000e+00 : f32
      %sub3A_832 = vector.broadcast %sub3A_831 : f32 to vector<16xf32>
      %sub3A_833 = arith.subf %sub3A_832, %mul3A_830 : vector<16xf32>
      %mul3A_834 = arith.mulf %mul3A_825, %sub3A_833 : vector<16xf32>
      %mul3A_835 = arith.constant 5.000000e-01 : f32
      %mul3A_836 = vector.broadcast %mul3A_835 : f32 to vector<16xf32>
      %mul3A_837 = arith.mulf %mul3A_836, %max3A_808 : vector<16xf32>
      %mul3A_838 = arith.mulf %mul3A_837, %mul3A_834 : vector<16xf32>
      %mul3A_839 = arith.mulf %mul3A_838, %mul3A_834 : vector<16xf32>
      %sub3A_840 = arith.constant 1.500000e+00 : f32
      %sub3A_841 = vector.broadcast %sub3A_840 : f32 to vector<16xf32>
      %sub3A_842 = arith.subf %sub3A_841, %mul3A_839 : vector<16xf32>
      %mul3A_843 = arith.mulf %mul3A_834, %sub3A_842 : vector<16xf32>
      %mul3A_844 = arith.mulf %max3A_805, %mul3A_843 : vector<16xf32>
      %mul3A_845 = arith.constant 16 : i32
      %mul3A_846 = arith.muli %scan3A_516, %mul3A_845 : i32
      %add3A_847 = arith.constant 0 : i32
      %add3A_848 = arith.addi %add3A_847, %mul3A_846 : i32
      %jit3A = arith.constant 128 : i32
      %div3A = arith.divsi %add3A_848, %jit3A : i32
      %sign3A = arith.constant 0 : i32
      %sign3A_849 = arith.cmpi sgt, %add3A_848, %sign3A : i32
      %sign3A_850 = arith.extui %sign3A_849 : i1 to i32
      %sign3A_851 = arith.constant 0 : i32
      %sign3A_852 = arith.cmpi slt, %add3A_848, %sign3A_851 : i32
      %sign3A_853 = arith.extui %sign3A_852 : i1 to i32
      %sign3A_854 = arith.subi %sign3A_850, %sign3A_853 : i32
      %sign3A_855 = arith.constant 0 : i32
      %sign3A_856 = arith.cmpi sgt, %jit3A, %sign3A_855 : i32
      %sign3A_857 = arith.extui %sign3A_856 : i1 to i32
      %sign3A_858 = arith.constant 0 : i32
      %sign3A_859 = arith.cmpi slt, %jit3A, %sign3A_858 : i32
      %sign3A_860 = arith.extui %sign3A_859 : i1 to i32
      %sign3A_861 = arith.subi %sign3A_857, %sign3A_860 : i32
      %ne3A = arith.cmpi ne, %sign3A_854, %sign3A_861 : i32
      %rem3A = arith.remsi %add3A_848, %jit3A : i32
      %ne3A_862 = arith.constant 0 : i32
      %ne3A_863 = arith.cmpi ne, %rem3A, %ne3A_862 : i32
      %and3A_864 = arith.andi %ne3A, %ne3A_863 : i1
      %sub3A_865 = arith.constant 1 : i32
      %sub3A_866 = arith.subi %div3A, %sub3A_865 : i32
      %select_n3A = arith.select %and3A_864, %sub3A_866, %div3A : i32
      %jit3A_867 = arith.constant 128 : i32
      %eq3A = arith.constant 0 : i32
      %eq3A_868 = arith.cmpi eq, %jit3A_867, %eq3A : i32
      %jit3A_869 = arith.constant 1 : i32
      %select_n3A_870 = arith.select %eq3A_868, %jit3A_869, %jit3A_867 : i32
      %rem3A_871 = arith.remsi %add3A_848, %select_n3A_870 : i32
      %ne3A_872 = arith.constant 0 : i32
      %ne3A_873 = arith.cmpi ne, %rem3A_871, %ne3A_872 : i32
      %lt3A = arith.constant 0 : i32
      %lt3A_874 = arith.cmpi slt, %rem3A_871, %lt3A : i32
      %lt3A_875 = arith.constant 0 : i32
      %lt3A_876 = arith.cmpi slt, %select_n3A_870, %lt3A_875 : i32
      %ne3A_877 = arith.xori %lt3A_874, %lt3A_876 : i1
      %and3A_878 = arith.andi %ne3A_877, %ne3A_873 : i1
      %add3A_879 = arith.addi %rem3A_871, %select_n3A_870 : i32
      %select_n3A_880 = arith.select %and3A_878, %add3A_879, %rem3A_871 : i32
      %mul3A_881 = arith.constant 1 : i32
      %mul3A_882 = arith.muli %select_n3A_880, %mul3A_881 : i32
      %swap3A_883 = arith.index_cast %select_n3A : i32 to index
      %swap3A_884 = arith.index_cast %mul3A_882 : i32 to index
      %swap3A_885 = tpu.vector_load %arg11[%swap3A_883, %swap3A_884] {strides = array<i32>} : memref<4x128xf32, #tpu.memory_space<vmem>>, vector<16xf32>,
      tpu.vector_store %arg11[%swap3A_883, %swap3A_884], %mul3A_844 {strides = array<i32>} : memref<4x128xf32, #tpu.memory_space<vmem>>, vector<16xf32>,
    }
    %scan3A_399 = arith.constant 16 : i32
    %add3A_400 = arith.constant 256 : i32
    %add3A_401 = arith.addi %mul3A_2, %add3A_400 : i32
    %dma_start3A_402 = arith.constant 0 : i32
    %dma_start3A_403 = tpu.memref_slice %arg2[%add3A_401, %dma_start3A_402] : memref<16384x64xf32, #tpu.memory_space<hbm>> -> memref<256x64xf32, #tpu.memory_space<hbm>>
    %dma_start3A_404 = arith.constant 0 : i32
    %dma_start3A_405 = tpu.memref_slice %arg2[%add3A_401, %dma_start3A_404] : memref<16384x64xf32, #tpu.memory_space<hbm>> -> memref<256x64xf32, #tpu.memory_space<hbm>>
    tpu.enqueue_dma source(%dma_start3A_405 : memref<256x64xf32, #tpu.memory_space<hbm>>) target(%arg7 : memref<256x64xf32, #tpu.memory_space<vmem>>) target_semaphore(%arg16 : memref<!tpu.dma_semaphore, #tpu.memory_space<semaphore_mem>>)
    %scan3A_406 = arith.constant 0 : i32
    %scan3A_407 = arith.constant 0 : i32
    %scan3A_408 = arith.constant 16 : i32
    %scan3A_409 = arith.addi %scan3A_407, %scan3A_408 : i32
    %scan3A_410 = arith.constant 1 : i32
    scf.for %scan3A_516 = %scan3A_407 to %scan3A_409 step %scan3A_410  : i32 {
      %mul3A_517 = arith.constant 16 : i32
      %mul3A_518 = arith.muli %scan3A_516, %mul3A_517 : i32
      %add3A_519 = arith.constant 256 : i32
      %add3A_520 = arith.addi %add3A_519, %mul3A_518 : i32
      %jit3A = arith.constant 128 : i32
      %div3A = arith.divsi %add3A_520, %jit3A : i32
      %sign3A = arith.constant 0 : i32
      %sign3A_521 = arith.cmpi sgt, %add3A_520, %sign3A : i32
      %sign3A_522 = arith.extui %sign3A_521 : i1 to i32
      %sign3A_523 = arith.constant 0 : i32
      %sign3A_524 = arith.cmpi slt, %add3A_520, %sign3A_523 : i32
      %sign3A_525 = arith.extui %sign3A_524 : i1 to i32
      %sign3A_526 = arith.subi %sign3A_522, %sign3A_525 : i32
      %sign3A_527 = arith.constant 0 : i32
      %sign3A_528 = arith.cmpi sgt, %jit3A, %sign3A_527 : i32
      %sign3A_529 = arith.extui %sign3A_528 : i1 to i32
      %sign3A_530 = arith.constant 0 : i32
      %sign3A_531 = arith.cmpi slt, %jit3A, %sign3A_530 : i32
      %sign3A_532 = arith.extui %sign3A_531 : i1 to i32
      %sign3A_533 = arith.subi %sign3A_529, %sign3A_532 : i32
      %ne3A = arith.cmpi ne, %sign3A_526, %sign3A_533 : i32
      %rem3A = arith.remsi %add3A_520, %jit3A : i32
      %ne3A_534 = arith.constant 0 : i32
      %ne3A_535 = arith.cmpi ne, %rem3A, %ne3A_534 : i32
      %and3A = arith.andi %ne3A, %ne3A_535 : i1
      %sub3A = arith.constant 1 : i32
      %sub3A_536 = arith.subi %div3A, %sub3A : i32
      %select_n3A = arith.select %and3A, %sub3A_536, %div3A : i32
      %jit3A_537 = arith.constant 128 : i32
      %eq3A = arith.constant 0 : i32
      %eq3A_538 = arith.cmpi eq, %jit3A_537, %eq3A : i32
      %jit3A_539 = arith.constant 1 : i32
      %select_n3A_540 = arith.select %eq3A_538, %jit3A_539, %jit3A_537 : i32
      %rem3A_541 = arith.remsi %add3A_520, %select_n3A_540 : i32
      %ne3A_542 = arith.constant 0 : i32
      %ne3A_543 = arith.cmpi ne, %rem3A_541, %ne3A_542 : i32
      %lt3A = arith.constant 0 : i32
      %lt3A_544 = arith.cmpi slt, %rem3A_541, %lt3A : i32
      %lt3A_545 = arith.constant 0 : i32
      %lt3A_546 = arith.cmpi slt, %select_n3A_540, %lt3A_545 : i32
      %ne3A_547 = arith.xori %lt3A_544, %lt3A_546 : i1
      %and3A_548 = arith.andi %ne3A_547, %ne3A_543 : i1
      %add3A_549 = arith.addi %rem3A_541, %select_n3A_540 : i32
      %select_n3A_550 = arith.select %and3A_548, %add3A_549, %rem3A_541 : i32
      %mul3A_551 = arith.constant 1 : i32
      %mul3A_552 = arith.muli %select_n3A_550, %mul3A_551 : i32
      %get3A_553 = arith.index_cast %select_n3A : i32 to index
      %get3A_554 = arith.index_cast %mul3A_552 : i32 to index
      %get3A_555 = tpu.vector_load %arg10[%get3A_553, %get3A_554] {strides = array<i32>} : memref<4x128xi32, #tpu.memory_space<vmem>>, vector<16xi32>,
      %slice3A = vector.extract_strided_slice %get3A_555 {offsets = [0], sizes = [1], strides = [1]} : vector<16xi32> to vector<1xi32>
      %squeeze3A = vector.extract %slice3A[0] : i32 from vector<1xi32>
      %mul3A_556 = arith.constant 16 : i32
      %mul3A_557 = arith.muli %scan3A_516, %mul3A_556 : i32
      %add3A_558 = arith.constant 0 : i32
      %add3A_559 = arith.addi %mul3A_557, %add3A_558 : i32
      %dma_start3A_560 = arith.constant 0 : i32
      %dma_start3A_561 = tpu.memref_slice %arg8[%add3A_559, %dma_start3A_560] : memref<256x64xf32, #tpu.memory_space<vmem>> -> memref<1x64xf32, #tpu.memory_space<vmem>>
      %dma_start3A_562 = tpu.memref_squeeze %dma_start3A_561 : memref<1x64xf32, #tpu.memory_space<vmem>> -> memref<64xf32, #tpu.memory_space<vmem>>
      %dma_start3A_563 = arith.constant 0 : i32
      %dma_start3A_564 = tpu.memref_slice %arg4[%squeeze3A, %dma_start3A_563] : memref<100000x64xf32, #tpu.memory_space<hbm>> -> memref<1x64xf32, #tpu.memory_space<hbm>>
      %dma_start3A_565 = tpu.memref_squeeze %dma_start3A_564 : memref<1x64xf32, #tpu.memory_space<hbm>> -> memref<64xf32, #tpu.memory_space<hbm>>
      %dma_start3A_566 = arith.constant 0 : i32
      %dma_start3A_567 = tpu.memref_slice %arg8[%add3A_559, %dma_start3A_566] : memref<256x64xf32, #tpu.memory_space<vmem>> -> memref<1x64xf32, #tpu.memory_space<vmem>>
      %dma_start3A_568 = tpu.memref_squeeze %dma_start3A_567 : memref<1x64xf32, #tpu.memory_space<vmem>> -> memref<64xf32, #tpu.memory_space<vmem>>
      %dma_start3A_569 = arith.constant 0 : i32
      %dma_start3A_570 = tpu.memref_slice %arg4[%squeeze3A, %dma_start3A_569] : memref<100000x64xf32, #tpu.memory_space<hbm>> -> memref<1x64xf32, #tpu.memory_space<hbm>>
      %dma_start3A_571 = tpu.memref_squeeze %dma_start3A_570 : memref<1x64xf32, #tpu.memory_space<hbm>> -> memref<64xf32, #tpu.memory_space<hbm>>
      tpu.enqueue_dma source(%dma_start3A_571 : memref<64xf32, #tpu.memory_space<hbm>>) target(%dma_start3A_568 : memref<64xf32, #tpu.memory_space<vmem>>) target_semaphore(%arg15 : memref<!tpu.dma_semaphore, #tpu.memory_space<semaphore_mem>>)
      %slice3A_572 = vector.extract_strided_slice %get3A_555 {offsets = [1], sizes = [1], strides = [1]} : vector<16xi32> to vector<1xi32>
      %squeeze3A_573 = vector.extract %slice3A_572[0] : i32 from vector<1xi32>
      %mul3A_574 = arith.constant 16 : i32
      %mul3A_575 = arith.muli %scan3A_516, %mul3A_574 : i32
      %add3A_576 = arith.constant 1 : i32
      %add3A_577 = arith.addi %mul3A_575, %add3A_576 : i32
      %dma_start3A_578 = arith.constant 0 : i32
      %dma_start3A_579 = tpu.memref_slice %arg8[%add3A_577, %dma_start3A_578] : memref<256x64xf32, #tpu.memory_space<vmem>> -> memref<1x64xf32, #tpu.memory_space<vmem>>
      %dma_start3A_580 = tpu.memref_squeeze %dma_start3A_579 : memref<1x64xf32, #tpu.memory_space<vmem>> -> memref<64xf32, #tpu.memory_space<vmem>>
      %dma_start3A_581 = arith.constant 0 : i32
      %dma_start3A_582 = tpu.memref_slice %arg4[%squeeze3A_573, %dma_start3A_581] : memref<100000x64xf32, #tpu.memory_space<hbm>> -> memref<1x64xf32, #tpu.memory_space<hbm>>
      %dma_start3A_583 = tpu.memref_squeeze %dma_start3A_582 : memref<1x64xf32, #tpu.memory_space<hbm>> -> memref<64xf32, #tpu.memory_space<hbm>>
      %dma_start3A_584 = arith.constant 0 : i32
      %dma_start3A_585 = tpu.memref_slice %arg8[%add3A_577, %dma_start3A_584] : memref<256x64xf32, #tpu.memory_space<vmem>> -> memref<1x64xf32, #tpu.memory_space<vmem>>
      %dma_start3A_586 = tpu.memref_squeeze %dma_start3A_585 : memref<1x64xf32, #tpu.memory_space<vmem>> -> memref<64xf32, #tpu.memory_space<vmem>>
      %dma_start3A_587 = arith.constant 0 : i32
      %dma_start3A_588 = tpu.memref_slice %arg4[%squeeze3A_573, %dma_start3A_587] : memref<100000x64xf32, #tpu.memory_space<hbm>> -> memref<1x64xf32, #tpu.memory_space<hbm>>
      %dma_start3A_589 = tpu.memref_squeeze %dma_start3A_588 : memref<1x64xf32, #tpu.memory_space<hbm>> -> memref<64xf32, #tpu.memory_space<hbm>>
      tpu.enqueue_dma source(%dma_start3A_589 : memref<64xf32, #tpu.memory_space<hbm>>) target(%dma_start3A_586 : memref<64xf32, #tpu.memory_space<vmem>>) target_semaphore(%arg15 : memref<!tpu.dma_semaphore, #tpu.memory_space<semaphore_mem>>)
      %slice3A_590 = vector.extract_strided_slice %get3A_555 {offsets = [2], sizes = [1], strides = [1]} : vector<16xi32> to vector<1xi32>
      %squeeze3A_591 = vector.extract %slice3A_590[0] : i32 from vector<1xi32>
      %mul3A_592 = arith.constant 16 : i32
      %mul3A_593 = arith.muli %scan3A_516, %mul3A_592 : i32
      %add3A_594 = arith.constant 2 : i32
      %add3A_595 = arith.addi %mul3A_593, %add3A_594 : i32
      %dma_start3A_596 = arith.constant 0 : i32
      %dma_start3A_597 = tpu.memref_slice %arg8[%add3A_595, %dma_start3A_596] : memref<256x64xf32, #tpu.memory_space<vmem>> -> memref<1x64xf32, #tpu.memory_space<vmem>>
      %dma_start3A_598 = tpu.memref_squeeze %dma_start3A_597 : memref<1x64xf32, #tpu.memory_space<vmem>> -> memref<64xf32, #tpu.memory_space<vmem>>
      %dma_start3A_599 = arith.constant 0 : i32
      %dma_start3A_600 = tpu.memref_slice %arg4[%squeeze3A_591, %dma_start3A_599] : memref<100000x64xf32, #tpu.memory_space<hbm>> -> memref<1x64xf32, #tpu.memory_space<hbm>>
      %dma_start3A_601 = tpu.memref_squeeze %dma_start3A_600 : memref<1x64xf32, #tpu.memory_space<hbm>> -> memref<64xf32, #tpu.memory_space<hbm>>
      %dma_start3A_602 = arith.constant 0 : i32
      %dma_start3A_603 = tpu.memref_slice %arg8[%add3A_595, %dma_start3A_602] : memref<256x64xf32, #tpu.memory_space<vmem>> -> memref<1x64xf32, #tpu.memory_space<vmem>>
      %dma_start3A_604 = tpu.memref_squeeze %dma_start3A_603 : memref<1x64xf32, #tpu.memory_space<vmem>> -> memref<64xf32, #tpu.memory_space<vmem>>
      %dma_start3A_605 = arith.constant 0 : i32
      %dma_start3A_606 = tpu.memref_slice %arg4[%squeeze3A_591, %dma_start3A_605] : memref<100000x64xf32, #tpu.memory_space<hbm>> -> memref<1x64xf32, #tpu.memory_space<hbm>>
      %dma_start3A_607 = tpu.memref_squeeze %dma_start3A_606 : memref<1x64xf32, #tpu.memory_space<hbm>> -> memref<64xf32, #tpu.memory_space<hbm>>
      tpu.enqueue_dma source(%dma_start3A_607 : memref<64xf32, #tpu.memory_space<hbm>>) target(%dma_start3A_604 : memref<64xf32, #tpu.memory_space<vmem>>) target_semaphore(%arg15 : memref<!tpu.dma_semaphore, #tpu.memory_space<semaphore_mem>>)
      %slice3A_608 = vector.extract_strided_slice %get3A_555 {offsets = [3], sizes = [1], strides = [1]} : vector<16xi32> to vector<1xi32>
      %squeeze3A_609 = vector.extract %slice3A_608[0] : i32 from vector<1xi32>
      %mul3A_610 = arith.constant 16 : i32
      %mul3A_611 = arith.muli %scan3A_516, %mul3A_610 : i32
      %add3A_612 = arith.constant 3 : i32
      %add3A_613 = arith.addi %mul3A_611, %add3A_612 : i32
      %dma_start3A_614 = arith.constant 0 : i32
      %dma_start3A_615 = tpu.memref_slice %arg8[%add3A_613, %dma_start3A_614] : memref<256x64xf32, #tpu.memory_space<vmem>> -> memref<1x64xf32, #tpu.memory_space<vmem>>
      %dma_start3A_616 = tpu.memref_squeeze %dma_start3A_615 : memref<1x64xf32, #tpu.memory_space<vmem>> -> memref<64xf32, #tpu.memory_space<vmem>>
      %dma_start3A_617 = arith.constant 0 : i32
      %dma_start3A_618 = tpu.memref_slice %arg4[%squeeze3A_609, %dma_start3A_617] : memref<100000x64xf32, #tpu.memory_space<hbm>> -> memref<1x64xf32, #tpu.memory_space<hbm>>
      %dma_start3A_619 = tpu.memref_squeeze %dma_start3A_618 : memref<1x64xf32, #tpu.memory_space<hbm>> -> memref<64xf32, #tpu.memory_space<hbm>>
      %dma_start3A_620 = arith.constant 0 : i32
      %dma_start3A_621 = tpu.memref_slice %arg8[%add3A_613, %dma_start3A_620] : memref<256x64xf32, #tpu.memory_space<vmem>> -> memref<1x64xf32, #tpu.memory_space<vmem>>
      %dma_start3A_622 = tpu.memref_squeeze %dma_start3A_621 : memref<1x64xf32, #tpu.memory_space<vmem>> -> memref<64xf32, #tpu.memory_space<vmem>>
      %dma_start3A_623 = arith.constant 0 : i32
      %dma_start3A_624 = tpu.memref_slice %arg4[%squeeze3A_609, %dma_start3A_623] : memref<100000x64xf32, #tpu.memory_space<hbm>> -> memref<1x64xf32, #tpu.memory_space<hbm>>
      %dma_start3A_625 = tpu.memref_squeeze %dma_start3A_624 : memref<1x64xf32, #tpu.memory_space<hbm>> -> memref<64xf32, #tpu.memory_space<hbm>>
      tpu.enqueue_dma source(%dma_start3A_625 : memref<64xf32, #tpu.memory_space<hbm>>) target(%dma_start3A_622 : memref<64xf32, #tpu.memory_space<vmem>>) target_semaphore(%arg15 : memref<!tpu.dma_semaphore, #tpu.memory_space<semaphore_mem>>)
      %slice3A_626 = vector.extract_strided_slice %get3A_555 {offsets = [4], sizes = [1], strides = [1]} : vector<16xi32> to vector<1xi32>
      %squeeze3A_627 = vector.extract %slice3A_626[0] : i32 from vector<1xi32>
      %mul3A_628 = arith.constant 16 : i32
      %mul3A_629 = arith.muli %scan3A_516, %mul3A_628 : i32
      %add3A_630 = arith.constant 4 : i32
      %add3A_631 = arith.addi %mul3A_629, %add3A_630 : i32
      %dma_start3A_632 = arith.constant 0 : i32
      %dma_start3A_633 = tpu.memref_slice %arg8[%add3A_631, %dma_start3A_632] : memref<256x64xf32, #tpu.memory_space<vmem>> -> memref<1x64xf32, #tpu.memory_space<vmem>>
      %dma_start3A_634 = tpu.memref_squeeze %dma_start3A_633 : memref<1x64xf32, #tpu.memory_space<vmem>> -> memref<64xf32, #tpu.memory_space<vmem>>
      %dma_start3A_635 = arith.constant 0 : i32
      %dma_start3A_636 = tpu.memref_slice %arg4[%squeeze3A_627, %dma_start3A_635] : memref<100000x64xf32, #tpu.memory_space<hbm>> -> memref<1x64xf32, #tpu.memory_space<hbm>>
      %dma_start3A_637 = tpu.memref_squeeze %dma_start3A_636 : memref<1x64xf32, #tpu.memory_space<hbm>> -> memref<64xf32, #tpu.memory_space<hbm>>
      %dma_start3A_638 = arith.constant 0 : i32
      %dma_start3A_639 = tpu.memref_slice %arg8[%add3A_631, %dma_start3A_638] : memref<256x64xf32, #tpu.memory_space<vmem>> -> memref<1x64xf32, #tpu.memory_space<vmem>>
      %dma_start3A_640 = tpu.memref_squeeze %dma_start3A_639 : memref<1x64xf32, #tpu.memory_space<vmem>> -> memref<64xf32, #tpu.memory_space<vmem>>
      %dma_start3A_641 = arith.constant 0 : i32
      %dma_start3A_642 = tpu.memref_slice %arg4[%squeeze3A_627, %dma_start3A_641] : memref<100000x64xf32, #tpu.memory_space<hbm>> -> memref<1x64xf32, #tpu.memory_space<hbm>>
      %dma_start3A_643 = tpu.memref_squeeze %dma_start3A_642 : memref<1x64xf32, #tpu.memory_space<hbm>> -> memref<64xf32, #tpu.memory_space<hbm>>
      tpu.enqueue_dma source(%dma_start3A_643 : memref<64xf32, #tpu.memory_space<hbm>>) target(%dma_start3A_640 : memref<64xf32, #tpu.memory_space<vmem>>) target_semaphore(%arg15 : memref<!tpu.dma_semaphore, #tpu.memory_space<semaphore_mem>>)
      %slice3A_644 = vector.extract_strided_slice %get3A_555 {offsets = [5], sizes = [1], strides = [1]} : vector<16xi32> to vector<1xi32>
      %squeeze3A_645 = vector.extract %slice3A_644[0] : i32 from vector<1xi32>
      %mul3A_646 = arith.constant 16 : i32
      %mul3A_647 = arith.muli %scan3A_516, %mul3A_646 : i32
      %add3A_648 = arith.constant 5 : i32
      %add3A_649 = arith.addi %mul3A_647, %add3A_648 : i32
      %dma_start3A_650 = arith.constant 0 : i32
      %dma_start3A_651 = tpu.memref_slice %arg8[%add3A_649, %dma_start3A_650] : memref<256x64xf32, #tpu.memory_space<vmem>> -> memref<1x64xf32, #tpu.memory_space<vmem>>
      %dma_start3A_652 = tpu.memref_squeeze %dma_start3A_651 : memref<1x64xf32, #tpu.memory_space<vmem>> -> memref<64xf32, #tpu.memory_space<vmem>>
      %dma_start3A_653 = arith.constant 0 : i32
      %dma_start3A_654 = tpu.memref_slice %arg4[%squeeze3A_645, %dma_start3A_653] : memref<100000x64xf32, #tpu.memory_space<hbm>> -> memref<1x64xf32, #tpu.memory_space<hbm>>
      %dma_start3A_655 = tpu.memref_squeeze %dma_start3A_654 : memref<1x64xf32, #tpu.memory_space<hbm>> -> memref<64xf32, #tpu.memory_space<hbm>>
      %dma_start3A_656 = arith.constant 0 : i32
      %dma_start3A_657 = tpu.memref_slice %arg8[%add3A_649, %dma_start3A_656] : memref<256x64xf32, #tpu.memory_space<vmem>> -> memref<1x64xf32, #tpu.memory_space<vmem>>
      %dma_start3A_658 = tpu.memref_squeeze %dma_start3A_657 : memref<1x64xf32, #tpu.memory_space<vmem>> -> memref<64xf32, #tpu.memory_space<vmem>>
      %dma_start3A_659 = arith.constant 0 : i32
      %dma_start3A_660 = tpu.memref_slice %arg4[%squeeze3A_645, %dma_start3A_659] : memref<100000x64xf32, #tpu.memory_space<hbm>> -> memref<1x64xf32, #tpu.memory_space<hbm>>
      %dma_start3A_661 = tpu.memref_squeeze %dma_start3A_660 : memref<1x64xf32, #tpu.memory_space<hbm>> -> memref<64xf32, #tpu.memory_space<hbm>>
      tpu.enqueue_dma source(%dma_start3A_661 : memref<64xf32, #tpu.memory_space<hbm>>) target(%dma_start3A_658 : memref<64xf32, #tpu.memory_space<vmem>>) target_semaphore(%arg15 : memref<!tpu.dma_semaphore, #tpu.memory_space<semaphore_mem>>)
      %slice3A_662 = vector.extract_strided_slice %get3A_555 {offsets = [6], sizes = [1], strides = [1]} : vector<16xi32> to vector<1xi32>
      %squeeze3A_663 = vector.extract %slice3A_662[0] : i32 from vector<1xi32>
      %mul3A_664 = arith.constant 16 : i32
      %mul3A_665 = arith.muli %scan3A_516, %mul3A_664 : i32
      %add3A_666 = arith.constant 6 : i32
      %add3A_667 = arith.addi %mul3A_665, %add3A_666 : i32
      %dma_start3A_668 = arith.constant 0 : i32
      %dma_start3A_669 = tpu.memref_slice %arg8[%add3A_667, %dma_start3A_668] : memref<256x64xf32, #tpu.memory_space<vmem>> -> memref<1x64xf32, #tpu.memory_space<vmem>>
      %dma_start3A_670 = tpu.memref_squeeze %dma_start3A_669 : memref<1x64xf32, #tpu.memory_space<vmem>> -> memref<64xf32, #tpu.memory_space<vmem>>
      %dma_start3A_671 = arith.constant 0 : i32
      %dma_start3A_672 = tpu.memref_slice %arg4[%squeeze3A_663, %dma_start3A_671] : memref<100000x64xf32, #tpu.memory_space<hbm>> -> memref<1x64xf32, #tpu.memory_space<hbm>>
      %dma_start3A_673 = tpu.memref_squeeze %dma_start3A_672 : memref<1x64xf32, #tpu.memory_space<hbm>> -> memref<64xf32, #tpu.memory_space<hbm>>
      %dma_start3A_674 = arith.constant 0 : i32
      %dma_start3A_675 = tpu.memref_slice %arg8[%add3A_667, %dma_start3A_674] : memref<256x64xf32, #tpu.memory_space<vmem>> -> memref<1x64xf32, #tpu.memory_space<vmem>>
      %dma_start3A_676 = tpu.memref_squeeze %dma_start3A_675 : memref<1x64xf32, #tpu.memory_space<vmem>> -> memref<64xf32, #tpu.memory_space<vmem>>
      %dma_start3A_677 = arith.constant 0 : i32
      %dma_start3A_678 = tpu.memref_slice %arg4[%squeeze3A_663, %dma_start3A_677] : memref<100000x64xf32, #tpu.memory_space<hbm>> -> memref<1x64xf32, #tpu.memory_space<hbm>>
      %dma_start3A_679 = tpu.memref_squeeze %dma_start3A_678 : memref<1x64xf32, #tpu.memory_space<hbm>> -> memref<64xf32, #tpu.memory_space<hbm>>
      tpu.enqueue_dma source(%dma_start3A_679 : memref<64xf32, #tpu.memory_space<hbm>>) target(%dma_start3A_676 : memref<64xf32, #tpu.memory_space<vmem>>) target_semaphore(%arg15 : memref<!tpu.dma_semaphore, #tpu.memory_space<semaphore_mem>>)
      %slice3A_680 = vector.extract_strided_slice %get3A_555 {offsets = [7], sizes = [1], strides = [1]} : vector<16xi32> to vector<1xi32>
      %squeeze3A_681 = vector.extract %slice3A_680[0] : i32 from vector<1xi32>
      %mul3A_682 = arith.constant 16 : i32
      %mul3A_683 = arith.muli %scan3A_516, %mul3A_682 : i32
      %add3A_684 = arith.constant 7 : i32
      %add3A_685 = arith.addi %mul3A_683, %add3A_684 : i32
      %dma_start3A_686 = arith.constant 0 : i32
      %dma_start3A_687 = tpu.memref_slice %arg8[%add3A_685, %dma_start3A_686] : memref<256x64xf32, #tpu.memory_space<vmem>> -> memref<1x64xf32, #tpu.memory_space<vmem>>
      %dma_start3A_688 = tpu.memref_squeeze %dma_start3A_687 : memref<1x64xf32, #tpu.memory_space<vmem>> -> memref<64xf32, #tpu.memory_space<vmem>>
      %dma_start3A_689 = arith.constant 0 : i32
      %dma_start3A_690 = tpu.memref_slice %arg4[%squeeze3A_681, %dma_start3A_689] : memref<100000x64xf32, #tpu.memory_space<hbm>> -> memref<1x64xf32, #tpu.memory_space<hbm>>
      %dma_start3A_691 = tpu.memref_squeeze %dma_start3A_690 : memref<1x64xf32, #tpu.memory_space<hbm>> -> memref<64xf32, #tpu.memory_space<hbm>>
      %dma_start3A_692 = arith.constant 0 : i32
      %dma_start3A_693 = tpu.memref_slice %arg8[%add3A_685, %dma_start3A_692] : memref<256x64xf32, #tpu.memory_space<vmem>> -> memref<1x64xf32, #tpu.memory_space<vmem>>
      %dma_start3A_694 = tpu.memref_squeeze %dma_start3A_693 : memref<1x64xf32, #tpu.memory_space<vmem>> -> memref<64xf32, #tpu.memory_space<vmem>>
      %dma_start3A_695 = arith.constant 0 : i32
      %dma_start3A_696 = tpu.memref_slice %arg4[%squeeze3A_681, %dma_start3A_695] : memref<100000x64xf32, #tpu.memory_space<hbm>> -> memref<1x64xf32, #tpu.memory_space<hbm>>
      %dma_start3A_697 = tpu.memref_squeeze %dma_start3A_696 : memref<1x64xf32, #tpu.memory_space<hbm>> -> memref<64xf32, #tpu.memory_space<hbm>>
      tpu.enqueue_dma source(%dma_start3A_697 : memref<64xf32, #tpu.memory_space<hbm>>) target(%dma_start3A_694 : memref<64xf32, #tpu.memory_space<vmem>>) target_semaphore(%arg15 : memref<!tpu.dma_semaphore, #tpu.memory_space<semaphore_mem>>)
      %slice3A_698 = vector.extract_strided_slice %get3A_555 {offsets = [8], sizes = [1], strides = [1]} : vector<16xi32> to vector<1xi32>
      %squeeze3A_699 = vector.extract %slice3A_698[0] : i32 from vector<1xi32>
      %mul3A_700 = arith.constant 16 : i32
      %mul3A_701 = arith.muli %scan3A_516, %mul3A_700 : i32
      %add3A_702 = arith.constant 8 : i32
      %add3A_703 = arith.addi %mul3A_701, %add3A_702 : i32
      %dma_start3A_704 = arith.constant 0 : i32
      %dma_start3A_705 = tpu.memref_slice %arg8[%add3A_703, %dma_start3A_704] : memref<256x64xf32, #tpu.memory_space<vmem>> -> memref<1x64xf32, #tpu.memory_space<vmem>>
      %dma_start3A_706 = tpu.memref_squeeze %dma_start3A_705 : memref<1x64xf32, #tpu.memory_space<vmem>> -> memref<64xf32, #tpu.memory_space<vmem>>
      %dma_start3A_707 = arith.constant 0 : i32
      %dma_start3A_708 = tpu.memref_slice %arg4[%squeeze3A_699, %dma_start3A_707] : memref<100000x64xf32, #tpu.memory_space<hbm>> -> memref<1x64xf32, #tpu.memory_space<hbm>>
      %dma_start3A_709 = tpu.memref_squeeze %dma_start3A_708 : memref<1x64xf32, #tpu.memory_space<hbm>> -> memref<64xf32, #tpu.memory_space<hbm>>
      %dma_start3A_710 = arith.constant 0 : i32
      %dma_start3A_711 = tpu.memref_slice %arg8[%add3A_703, %dma_start3A_710] : memref<256x64xf32, #tpu.memory_space<vmem>> -> memref<1x64xf32, #tpu.memory_space<vmem>>
      %dma_start3A_712 = tpu.memref_squeeze %dma_start3A_711 : memref<1x64xf32, #tpu.memory_space<vmem>> -> memref<64xf32, #tpu.memory_space<vmem>>
      %dma_start3A_713 = arith.constant 0 : i32
      %dma_start3A_714 = tpu.memref_slice %arg4[%squeeze3A_699, %dma_start3A_713] : memref<100000x64xf32, #tpu.memory_space<hbm>> -> memref<1x64xf32, #tpu.memory_space<hbm>>
      %dma_start3A_715 = tpu.memref_squeeze %dma_start3A_714 : memref<1x64xf32, #tpu.memory_space<hbm>> -> memref<64xf32, #tpu.memory_space<hbm>>
      tpu.enqueue_dma source(%dma_start3A_715 : memref<64xf32, #tpu.memory_space<hbm>>) target(%dma_start3A_712 : memref<64xf32, #tpu.memory_space<vmem>>) target_semaphore(%arg15 : memref<!tpu.dma_semaphore, #tpu.memory_space<semaphore_mem>>)
      %slice3A_716 = vector.extract_strided_slice %get3A_555 {offsets = [9], sizes = [1], strides = [1]} : vector<16xi32> to vector<1xi32>
      %squeeze3A_717 = vector.extract %slice3A_716[0] : i32 from vector<1xi32>
      %mul3A_718 = arith.constant 16 : i32
      %mul3A_719 = arith.muli %scan3A_516, %mul3A_718 : i32
      %add3A_720 = arith.constant 9 : i32
      %add3A_721 = arith.addi %mul3A_719, %add3A_720 : i32
      %dma_start3A_722 = arith.constant 0 : i32
      %dma_start3A_723 = tpu.memref_slice %arg8[%add3A_721, %dma_start3A_722] : memref<256x64xf32, #tpu.memory_space<vmem>> -> memref<1x64xf32, #tpu.memory_space<vmem>>
      %dma_start3A_724 = tpu.memref_squeeze %dma_start3A_723 : memref<1x64xf32, #tpu.memory_space<vmem>> -> memref<64xf32, #tpu.memory_space<vmem>>
      %dma_start3A_725 = arith.constant 0 : i32
      %dma_start3A_726 = tpu.memref_slice %arg4[%squeeze3A_717, %dma_start3A_725] : memref<100000x64xf32, #tpu.memory_space<hbm>> -> memref<1x64xf32, #tpu.memory_space<hbm>>
      %dma_start3A_727 = tpu.memref_squeeze %dma_start3A_726 : memref<1x64xf32, #tpu.memory_space<hbm>> -> memref<64xf32, #tpu.memory_space<hbm>>
      %dma_start3A_728 = arith.constant 0 : i32
      %dma_start3A_729 = tpu.memref_slice %arg8[%add3A_721, %dma_start3A_728] : memref<256x64xf32, #tpu.memory_space<vmem>> -> memref<1x64xf32, #tpu.memory_space<vmem>>
      %dma_start3A_730 = tpu.memref_squeeze %dma_start3A_729 : memref<1x64xf32, #tpu.memory_space<vmem>> -> memref<64xf32, #tpu.memory_space<vmem>>
      %dma_start3A_731 = arith.constant 0 : i32
      %dma_start3A_732 = tpu.memref_slice %arg4[%squeeze3A_717, %dma_start3A_731] : memref<100000x64xf32, #tpu.memory_space<hbm>> -> memref<1x64xf32, #tpu.memory_space<hbm>>
      %dma_start3A_733 = tpu.memref_squeeze %dma_start3A_732 : memref<1x64xf32, #tpu.memory_space<hbm>> -> memref<64xf32, #tpu.memory_space<hbm>>
      tpu.enqueue_dma source(%dma_start3A_733 : memref<64xf32, #tpu.memory_space<hbm>>) target(%dma_start3A_730 : memref<64xf32, #tpu.memory_space<vmem>>) target_semaphore(%arg15 : memref<!tpu.dma_semaphore, #tpu.memory_space<semaphore_mem>>)
      %slice3A_734 = vector.extract_strided_slice %get3A_555 {offsets = [10], sizes = [1], strides = [1]} : vector<16xi32> to vector<1xi32>
      %squeeze3A_735 = vector.extract %slice3A_734[0] : i32 from vector<1xi32>
      %mul3A_736 = arith.constant 16 : i32
      %mul3A_737 = arith.muli %scan3A_516, %mul3A_736 : i32
      %add3A_738 = arith.constant 10 : i32
      %add3A_739 = arith.addi %mul3A_737, %add3A_738 : i32
      %dma_start3A_740 = arith.constant 0 : i32
      %dma_start3A_741 = tpu.memref_slice %arg8[%add3A_739, %dma_start3A_740] : memref<256x64xf32, #tpu.memory_space<vmem>> -> memref<1x64xf32, #tpu.memory_space<vmem>>
      %dma_start3A_742 = tpu.memref_squeeze %dma_start3A_741 : memref<1x64xf32, #tpu.memory_space<vmem>> -> memref<64xf32, #tpu.memory_space<vmem>>
      %dma_start3A_743 = arith.constant 0 : i32
      %dma_start3A_744 = tpu.memref_slice %arg4[%squeeze3A_735, %dma_start3A_743] : memref<100000x64xf32, #tpu.memory_space<hbm>> -> memref<1x64xf32, #tpu.memory_space<hbm>>
      %dma_start3A_745 = tpu.memref_squeeze %dma_start3A_744 : memref<1x64xf32, #tpu.memory_space<hbm>> -> memref<64xf32, #tpu.memory_space<hbm>>
      %dma_start3A_746 = arith.constant 0 : i32
      %dma_start3A_747 = tpu.memref_slice %arg8[%add3A_739, %dma_start3A_746] : memref<256x64xf32, #tpu.memory_space<vmem>> -> memref<1x64xf32, #tpu.memory_space<vmem>>
      %dma_start3A_748 = tpu.memref_squeeze %dma_start3A_747 : memref<1x64xf32, #tpu.memory_space<vmem>> -> memref<64xf32, #tpu.memory_space<vmem>>
      %dma_start3A_749 = arith.constant 0 : i32
      %dma_start3A_750 = tpu.memref_slice %arg4[%squeeze3A_735, %dma_start3A_749] : memref<100000x64xf32, #tpu.memory_space<hbm>> -> memref<1x64xf32, #tpu.memory_space<hbm>>
      %dma_start3A_751 = tpu.memref_squeeze %dma_start3A_750 : memref<1x64xf32, #tpu.memory_space<hbm>> -> memref<64xf32, #tpu.memory_space<hbm>>
      tpu.enqueue_dma source(%dma_start3A_751 : memref<64xf32, #tpu.memory_space<hbm>>) target(%dma_start3A_748 : memref<64xf32, #tpu.memory_space<vmem>>) target_semaphore(%arg15 : memref<!tpu.dma_semaphore, #tpu.memory_space<semaphore_mem>>)
      %slice3A_752 = vector.extract_strided_slice %get3A_555 {offsets = [11], sizes = [1], strides = [1]} : vector<16xi32> to vector<1xi32>
      %squeeze3A_753 = vector.extract %slice3A_752[0] : i32 from vector<1xi32>
      %mul3A_754 = arith.constant 16 : i32
      %mul3A_755 = arith.muli %scan3A_516, %mul3A_754 : i32
      %add3A_756 = arith.constant 11 : i32
      %add3A_757 = arith.addi %mul3A_755, %add3A_756 : i32
      %dma_start3A_758 = arith.constant 0 : i32
      %dma_start3A_759 = tpu.memref_slice %arg8[%add3A_757, %dma_start3A_758] : memref<256x64xf32, #tpu.memory_space<vmem>> -> memref<1x64xf32, #tpu.memory_space<vmem>>
      %dma_start3A_760 = tpu.memref_squeeze %dma_start3A_759 : memref<1x64xf32, #tpu.memory_space<vmem>> -> memref<64xf32, #tpu.memory_space<vmem>>
      %dma_start3A_761 = arith.constant 0 : i32
      %dma_start3A_762 = tpu.memref_slice %arg4[%squeeze3A_753, %dma_start3A_761] : memref<100000x64xf32, #tpu.memory_space<hbm>> -> memref<1x64xf32, #tpu.memory_space<hbm>>
      %dma_start3A_763 = tpu.memref_squeeze %dma_start3A_762 : memref<1x64xf32, #tpu.memory_space<hbm>> -> memref<64xf32, #tpu.memory_space<hbm>>
      %dma_start3A_764 = arith.constant 0 : i32
      %dma_start3A_765 = tpu.memref_slice %arg8[%add3A_757, %dma_start3A_764] : memref<256x64xf32, #tpu.memory_space<vmem>> -> memref<1x64xf32, #tpu.memory_space<vmem>>
      %dma_start3A_766 = tpu.memref_squeeze %dma_start3A_765 : memref<1x64xf32, #tpu.memory_space<vmem>> -> memref<64xf32, #tpu.memory_space<vmem>>
      %dma_start3A_767 = arith.constant 0 : i32
      %dma_start3A_768 = tpu.memref_slice %arg4[%squeeze3A_753, %dma_start3A_767] : memref<100000x64xf32, #tpu.memory_space<hbm>> -> memref<1x64xf32, #tpu.memory_space<hbm>>
      %dma_start3A_769 = tpu.memref_squeeze %dma_start3A_768 : memref<1x64xf32, #tpu.memory_space<hbm>> -> memref<64xf32, #tpu.memory_space<hbm>>
      tpu.enqueue_dma source(%dma_start3A_769 : memref<64xf32, #tpu.memory_space<hbm>>) target(%dma_start3A_766 : memref<64xf32, #tpu.memory_space<vmem>>) target_semaphore(%arg15 : memref<!tpu.dma_semaphore, #tpu.memory_space<semaphore_mem>>)
      %slice3A_770 = vector.extract_strided_slice %get3A_555 {offsets = [12], sizes = [1], strides = [1]} : vector<16xi32> to vector<1xi32>
      %squeeze3A_771 = vector.extract %slice3A_770[0] : i32 from vector<1xi32>
      %mul3A_772 = arith.constant 16 : i32
      %mul3A_773 = arith.muli %scan3A_516, %mul3A_772 : i32
      %add3A_774 = arith.constant 12 : i32
      %add3A_775 = arith.addi %mul3A_773, %add3A_774 : i32
      %dma_start3A_776 = arith.constant 0 : i32
      %dma_start3A_777 = tpu.memref_slice %arg8[%add3A_775, %dma_start3A_776] : memref<256x64xf32, #tpu.memory_space<vmem>> -> memref<1x64xf32, #tpu.memory_space<vmem>>
      %dma_start3A_778 = tpu.memref_squeeze %dma_start3A_777 : memref<1x64xf32, #tpu.memory_space<vmem>> -> memref<64xf32, #tpu.memory_space<vmem>>
      %dma_start3A_779 = arith.constant 0 : i32
      %dma_start3A_780 = tpu.memref_slice %arg4[%squeeze3A_771, %dma_start3A_779] : memref<100000x64xf32, #tpu.memory_space<hbm>> -> memref<1x64xf32, #tpu.memory_space<hbm>>
      %dma_start3A_781 = tpu.memref_squeeze %dma_start3A_780 : memref<1x64xf32, #tpu.memory_space<hbm>> -> memref<64xf32, #tpu.memory_space<hbm>>
      %dma_start3A_782 = arith.constant 0 : i32
      %dma_start3A_783 = tpu.memref_slice %arg8[%add3A_775, %dma_start3A_782] : memref<256x64xf32, #tpu.memory_space<vmem>> -> memref<1x64xf32, #tpu.memory_space<vmem>>
      %dma_start3A_784 = tpu.memref_squeeze %dma_start3A_783 : memref<1x64xf32, #tpu.memory_space<vmem>> -> memref<64xf32, #tpu.memory_space<vmem>>
      %dma_start3A_785 = arith.constant 0 : i32
      %dma_start3A_786 = tpu.memref_slice %arg4[%squeeze3A_771, %dma_start3A_785] : memref<100000x64xf32, #tpu.memory_space<hbm>> -> memref<1x64xf32, #tpu.memory_space<hbm>>
      %dma_start3A_787 = tpu.memref_squeeze %dma_start3A_786 : memref<1x64xf32, #tpu.memory_space<hbm>> -> memref<64xf32, #tpu.memory_space<hbm>>
      tpu.enqueue_dma source(%dma_start3A_787 : memref<64xf32, #tpu.memory_space<hbm>>) target(%dma_start3A_784 : memref<64xf32, #tpu.memory_space<vmem>>) target_semaphore(%arg15 : memref<!tpu.dma_semaphore, #tpu.memory_space<semaphore_mem>>)
      %slice3A_788 = vector.extract_strided_slice %get3A_555 {offsets = [13], sizes = [1], strides = [1]} : vector<16xi32> to vector<1xi32>
      %squeeze3A_789 = vector.extract %slice3A_788[0] : i32 from vector<1xi32>
      %mul3A_790 = arith.constant 16 : i32
      %mul3A_791 = arith.muli %scan3A_516, %mul3A_790 : i32
      %add3A_792 = arith.constant 13 : i32
      %add3A_793 = arith.addi %mul3A_791, %add3A_792 : i32
      %dma_start3A_794 = arith.constant 0 : i32
      %dma_start3A_795 = tpu.memref_slice %arg8[%add3A_793, %dma_start3A_794] : memref<256x64xf32, #tpu.memory_space<vmem>> -> memref<1x64xf32, #tpu.memory_space<vmem>>
      %dma_start3A_796 = tpu.memref_squeeze %dma_start3A_795 : memref<1x64xf32, #tpu.memory_space<vmem>> -> memref<64xf32, #tpu.memory_space<vmem>>
      %dma_start3A_797 = arith.constant 0 : i32
      %dma_start3A_798 = tpu.memref_slice %arg4[%squeeze3A_789, %dma_start3A_797] : memref<100000x64xf32, #tpu.memory_space<hbm>> -> memref<1x64xf32, #tpu.memory_space<hbm>>
      %dma_start3A_799 = tpu.memref_squeeze %dma_start3A_798 : memref<1x64xf32, #tpu.memory_space<hbm>> -> memref<64xf32, #tpu.memory_space<hbm>>
      %dma_start3A_800 = arith.constant 0 : i32
      %dma_start3A_801 = tpu.memref_slice %arg8[%add3A_793, %dma_start3A_800] : memref<256x64xf32, #tpu.memory_space<vmem>> -> memref<1x64xf32, #tpu.memory_space<vmem>>
      %dma_start3A_802 = tpu.memref_squeeze %dma_start3A_801 : memref<1x64xf32, #tpu.memory_space<vmem>> -> memref<64xf32, #tpu.memory_space<vmem>>
      %dma_start3A_803 = arith.constant 0 : i32
      %dma_start3A_804 = tpu.memref_slice %arg4[%squeeze3A_789, %dma_start3A_803] : memref<100000x64xf32, #tpu.memory_space<hbm>> -> memref<1x64xf32, #tpu.memory_space<hbm>>
      %dma_start3A_805 = tpu.memref_squeeze %dma_start3A_804 : memref<1x64xf32, #tpu.memory_space<hbm>> -> memref<64xf32, #tpu.memory_space<hbm>>
      tpu.enqueue_dma source(%dma_start3A_805 : memref<64xf32, #tpu.memory_space<hbm>>) target(%dma_start3A_802 : memref<64xf32, #tpu.memory_space<vmem>>) target_semaphore(%arg15 : memref<!tpu.dma_semaphore, #tpu.memory_space<semaphore_mem>>)
      %slice3A_806 = vector.extract_strided_slice %get3A_555 {offsets = [14], sizes = [1], strides = [1]} : vector<16xi32> to vector<1xi32>
      %squeeze3A_807 = vector.extract %slice3A_806[0] : i32 from vector<1xi32>
      %mul3A_808 = arith.constant 16 : i32
      %mul3A_809 = arith.muli %scan3A_516, %mul3A_808 : i32
      %add3A_810 = arith.constant 14 : i32
      %add3A_811 = arith.addi %mul3A_809, %add3A_810 : i32
      %dma_start3A_812 = arith.constant 0 : i32
      %dma_start3A_813 = tpu.memref_slice %arg8[%add3A_811, %dma_start3A_812] : memref<256x64xf32, #tpu.memory_space<vmem>> -> memref<1x64xf32, #tpu.memory_space<vmem>>
      %dma_start3A_814 = tpu.memref_squeeze %dma_start3A_813 : memref<1x64xf32, #tpu.memory_space<vmem>> -> memref<64xf32, #tpu.memory_space<vmem>>
      %dma_start3A_815 = arith.constant 0 : i32
      %dma_start3A_816 = tpu.memref_slice %arg4[%squeeze3A_807, %dma_start3A_815] : memref<100000x64xf32, #tpu.memory_space<hbm>> -> memref<1x64xf32, #tpu.memory_space<hbm>>
      %dma_start3A_817 = tpu.memref_squeeze %dma_start3A_816 : memref<1x64xf32, #tpu.memory_space<hbm>> -> memref<64xf32, #tpu.memory_space<hbm>>
      %dma_start3A_818 = arith.constant 0 : i32
      %dma_start3A_819 = tpu.memref_slice %arg8[%add3A_811, %dma_start3A_818] : memref<256x64xf32, #tpu.memory_space<vmem>> -> memref<1x64xf32, #tpu.memory_space<vmem>>
      %dma_start3A_820 = tpu.memref_squeeze %dma_start3A_819 : memref<1x64xf32, #tpu.memory_space<vmem>> -> memref<64xf32, #tpu.memory_space<vmem>>
      %dma_start3A_821 = arith.constant 0 : i32
      %dma_start3A_822 = tpu.memref_slice %arg4[%squeeze3A_807, %dma_start3A_821] : memref<100000x64xf32, #tpu.memory_space<hbm>> -> memref<1x64xf32, #tpu.memory_space<hbm>>
      %dma_start3A_823 = tpu.memref_squeeze %dma_start3A_822 : memref<1x64xf32, #tpu.memory_space<hbm>> -> memref<64xf32, #tpu.memory_space<hbm>>
      tpu.enqueue_dma source(%dma_start3A_823 : memref<64xf32, #tpu.memory_space<hbm>>) target(%dma_start3A_820 : memref<64xf32, #tpu.memory_space<vmem>>) target_semaphore(%arg15 : memref<!tpu.dma_semaphore, #tpu.memory_space<semaphore_mem>>)
      %slice3A_824 = vector.extract_strided_slice %get3A_555 {offsets = [15], sizes = [1], strides = [1]} : vector<16xi32> to vector<1xi32>
      %squeeze3A_825 = vector.extract %slice3A_824[0] : i32 from vector<1xi32>
      %mul3A_826 = arith.constant 16 : i32
      %mul3A_827 = arith.muli %scan3A_516, %mul3A_826 : i32
      %add3A_828 = arith.constant 15 : i32
      %add3A_829 = arith.addi %mul3A_827, %add3A_828 : i32
      %dma_start3A_830 = arith.constant 0 : i32
      %dma_start3A_831 = tpu.memref_slice %arg8[%add3A_829, %dma_start3A_830] : memref<256x64xf32, #tpu.memory_space<vmem>> -> memref<1x64xf32, #tpu.memory_space<vmem>>
      %dma_start3A_832 = tpu.memref_squeeze %dma_start3A_831 : memref<1x64xf32, #tpu.memory_space<vmem>> -> memref<64xf32, #tpu.memory_space<vmem>>
      %dma_start3A_833 = arith.constant 0 : i32
      %dma_start3A_834 = tpu.memref_slice %arg4[%squeeze3A_825, %dma_start3A_833] : memref<100000x64xf32, #tpu.memory_space<hbm>> -> memref<1x64xf32, #tpu.memory_space<hbm>>
      %dma_start3A_835 = tpu.memref_squeeze %dma_start3A_834 : memref<1x64xf32, #tpu.memory_space<hbm>> -> memref<64xf32, #tpu.memory_space<hbm>>
      %dma_start3A_836 = arith.constant 0 : i32
      %dma_start3A_837 = tpu.memref_slice %arg8[%add3A_829, %dma_start3A_836] : memref<256x64xf32, #tpu.memory_space<vmem>> -> memref<1x64xf32, #tpu.memory_space<vmem>>
      %dma_start3A_838 = tpu.memref_squeeze %dma_start3A_837 : memref<1x64xf32, #tpu.memory_space<vmem>> -> memref<64xf32, #tpu.memory_space<vmem>>
      %dma_start3A_839 = arith.constant 0 : i32
      %dma_start3A_840 = tpu.memref_slice %arg4[%squeeze3A_825, %dma_start3A_839] : memref<100000x64xf32, #tpu.memory_space<hbm>> -> memref<1x64xf32, #tpu.memory_space<hbm>>
      %dma_start3A_841 = tpu.memref_squeeze %dma_start3A_840 : memref<1x64xf32, #tpu.memory_space<hbm>> -> memref<64xf32, #tpu.memory_space<hbm>>
      tpu.enqueue_dma source(%dma_start3A_841 : memref<64xf32, #tpu.memory_space<hbm>>) target(%dma_start3A_838 : memref<64xf32, #tpu.memory_space<vmem>>) target_semaphore(%arg15 : memref<!tpu.dma_semaphore, #tpu.memory_space<semaphore_mem>>)
      %ge3A = arith.constant 7 : i32
      %ge3A_842 = arith.cmpi sge, %scan3A_516, %ge3A : i32
      %convert_element_type3A_843 = arith.extui %ge3A_842 : i1 to i32
      %cond3A = arith.constant 0 : i32
      %cond3A_844 = arith.cmpi ne, %convert_element_type3A_843, %cond3A : i32
      scf.if %cond3A_844 {
        %dma_wait3A_845 = arith.constant 0 : i32
        %dma_wait3A_846 = arith.constant 0 : i32
        %dma_wait3A_847 = tpu.memref_slice %arg8[%dma_wait3A_845, %dma_wait3A_846] : memref<256x64xf32, #tpu.memory_space<vmem>> -> memref<16x64xf32, #tpu.memory_space<vmem>>
        %dma_wait3A_848 = arith.constant 0 : i32
        %dma_wait3A_849 = arith.constant 0 : i32
        %dma_wait3A_850 = tpu.memref_slice %arg4[%dma_wait3A_848, %dma_wait3A_849] : memref<100000x64xf32, #tpu.memory_space<hbm>> -> memref<16x64xf32, #tpu.memory_space<hbm>>
        %dma_wait3A_851 = arith.constant 0 : i32
        %dma_wait3A_852 = arith.constant 0 : i32
        %dma_wait3A_853 = tpu.memref_slice %arg8[%dma_wait3A_851, %dma_wait3A_852] : memref<256x64xf32, #tpu.memory_space<vmem>> -> memref<16x64xf32, #tpu.memory_space<vmem>>
        %dma_wait3A_854 = arith.constant 0 : i32
        %dma_wait3A_855 = arith.constant 0 : i32
        %dma_wait3A_856 = tpu.memref_slice %arg4[%dma_wait3A_854, %dma_wait3A_855] : memref<100000x64xf32, #tpu.memory_space<hbm>> -> memref<16x64xf32, #tpu.memory_space<hbm>>
        tpu.wait_dma2 semaphore(%arg15 : memref<!tpu.dma_semaphore, #tpu.memory_space<semaphore_mem>>) src(%dma_wait3A_856 : memref<16x64xf32, #tpu.memory_space<hbm>>) dst(%dma_wait3A_853 : memref<16x64xf32, #tpu.memory_space<vmem>>)
      } else {
      }
    }
    %scan3A_411 = arith.constant 16 : i32
    %dma_wait3A_412 = arith.constant 0 : i32
    %dma_wait3A_413 = arith.constant 0 : i32
    %dma_wait3A_414 = tpu.memref_slice %arg8[%dma_wait3A_412, %dma_wait3A_413] : memref<256x64xf32, #tpu.memory_space<vmem>> -> memref<16x64xf32, #tpu.memory_space<vmem>>
    %dma_wait3A_415 = arith.constant 0 : i32
    %dma_wait3A_416 = arith.constant 0 : i32
    %dma_wait3A_417 = tpu.memref_slice %arg4[%dma_wait3A_415, %dma_wait3A_416] : memref<100000x64xf32, #tpu.memory_space<hbm>> -> memref<16x64xf32, #tpu.memory_space<hbm>>
    %dma_wait3A_418 = arith.constant 0 : i32
    %dma_wait3A_419 = arith.constant 0 : i32
    %dma_wait3A_420 = tpu.memref_slice %arg8[%dma_wait3A_418, %dma_wait3A_419] : memref<256x64xf32, #tpu.memory_space<vmem>> -> memref<16x64xf32, #tpu.memory_space<vmem>>
    %dma_wait3A_421 = arith.constant 0 : i32
    %dma_wait3A_422 = arith.constant 0 : i32
    %dma_wait3A_423 = tpu.memref_slice %arg4[%dma_wait3A_421, %dma_wait3A_422] : memref<100000x64xf32, #tpu.memory_space<hbm>> -> memref<16x64xf32, #tpu.memory_space<hbm>>
    tpu.wait_dma2 semaphore(%arg15 : memref<!tpu.dma_semaphore, #tpu.memory_space<semaphore_mem>>) src(%dma_wait3A_423 : memref<16x64xf32, #tpu.memory_space<hbm>>) dst(%dma_wait3A_420 : memref<16x64xf32, #tpu.memory_space<vmem>>)
    %dma_wait3A_424 = arith.constant 0 : i32
    %dma_wait3A_425 = arith.constant 0 : i32
    %dma_wait3A_426 = tpu.memref_slice %arg8[%dma_wait3A_424, %dma_wait3A_425] : memref<256x64xf32, #tpu.memory_space<vmem>> -> memref<16x64xf32, #tpu.memory_space<vmem>>
    %dma_wait3A_427 = arith.constant 0 : i32
    %dma_wait3A_428 = arith.constant 0 : i32
    %dma_wait3A_429 = tpu.memref_slice %arg4[%dma_wait3A_427, %dma_wait3A_428] : memref<100000x64xf32, #tpu.memory_space<hbm>> -> memref<16x64xf32, #tpu.memory_space<hbm>>
    %dma_wait3A_430 = arith.constant 0 : i32
    %dma_wait3A_431 = arith.constant 0 : i32
    %dma_wait3A_432 = tpu.memref_slice %arg8[%dma_wait3A_430, %dma_wait3A_431] : memref<256x64xf32, #tpu.memory_space<vmem>> -> memref<16x64xf32, #tpu.memory_space<vmem>>
    %dma_wait3A_433 = arith.constant 0 : i32
    %dma_wait3A_434 = arith.constant 0 : i32
    %dma_wait3A_435 = tpu.memref_slice %arg4[%dma_wait3A_433, %dma_wait3A_434] : memref<100000x64xf32, #tpu.memory_space<hbm>> -> memref<16x64xf32, #tpu.memory_space<hbm>>
    tpu.wait_dma2 semaphore(%arg15 : memref<!tpu.dma_semaphore, #tpu.memory_space<semaphore_mem>>) src(%dma_wait3A_435 : memref<16x64xf32, #tpu.memory_space<hbm>>) dst(%dma_wait3A_432 : memref<16x64xf32, #tpu.memory_space<vmem>>)
    %dma_wait3A_436 = arith.constant 0 : i32
    %dma_wait3A_437 = arith.constant 0 : i32
    %dma_wait3A_438 = tpu.memref_slice %arg8[%dma_wait3A_436, %dma_wait3A_437] : memref<256x64xf32, #tpu.memory_space<vmem>> -> memref<16x64xf32, #tpu.memory_space<vmem>>
    %dma_wait3A_439 = arith.constant 0 : i32
    %dma_wait3A_440 = arith.constant 0 : i32
    %dma_wait3A_441 = tpu.memref_slice %arg4[%dma_wait3A_439, %dma_wait3A_440] : memref<100000x64xf32, #tpu.memory_space<hbm>> -> memref<16x64xf32, #tpu.memory_space<hbm>>
    %dma_wait3A_442 = arith.constant 0 : i32
    %dma_wait3A_443 = arith.constant 0 : i32
    %dma_wait3A_444 = tpu.memref_slice %arg8[%dma_wait3A_442, %dma_wait3A_443] : memref<256x64xf32, #tpu.memory_space<vmem>> -> memref<16x64xf32, #tpu.memory_space<vmem>>
    %dma_wait3A_445 = arith.constant 0 : i32
    %dma_wait3A_446 = arith.constant 0 : i32
    %dma_wait3A_447 = tpu.memref_slice %arg4[%dma_wait3A_445, %dma_wait3A_446] : memref<100000x64xf32, #tpu.memory_space<hbm>> -> memref<16x64xf32, #tpu.memory_space<hbm>>
    tpu.wait_dma2 semaphore(%arg15 : memref<!tpu.dma_semaphore, #tpu.memory_space<semaphore_mem>>) src(%dma_wait3A_447 : memref<16x64xf32, #tpu.memory_space<hbm>>) dst(%dma_wait3A_444 : memref<16x64xf32, #tpu.memory_space<vmem>>)
    %dma_wait3A_448 = arith.constant 0 : i32
    %dma_wait3A_449 = arith.constant 0 : i32
    %dma_wait3A_450 = tpu.memref_slice %arg8[%dma_wait3A_448, %dma_wait3A_449] : memref<256x64xf32, #tpu.memory_space<vmem>> -> memref<16x64xf32, #tpu.memory_space<vmem>>
    %dma_wait3A_451 = arith.constant 0 : i32
    %dma_wait3A_452 = arith.constant 0 : i32
    %dma_wait3A_453 = tpu.memref_slice %arg4[%dma_wait3A_451, %dma_wait3A_452] : memref<100000x64xf32, #tpu.memory_space<hbm>> -> memref<16x64xf32, #tpu.memory_space<hbm>>
    %dma_wait3A_454 = arith.constant 0 : i32
    %dma_wait3A_455 = arith.constant 0 : i32
    %dma_wait3A_456 = tpu.memref_slice %arg8[%dma_wait3A_454, %dma_wait3A_455] : memref<256x64xf32, #tpu.memory_space<vmem>> -> memref<16x64xf32, #tpu.memory_space<vmem>>
    %dma_wait3A_457 = arith.constant 0 : i32
    %dma_wait3A_458 = arith.constant 0 : i32
    %dma_wait3A_459 = tpu.memref_slice %arg4[%dma_wait3A_457, %dma_wait3A_458] : memref<100000x64xf32, #tpu.memory_space<hbm>> -> memref<16x64xf32, #tpu.memory_space<hbm>>
    tpu.wait_dma2 semaphore(%arg15 : memref<!tpu.dma_semaphore, #tpu.memory_space<semaphore_mem>>) src(%dma_wait3A_459 : memref<16x64xf32, #tpu.memory_space<hbm>>) dst(%dma_wait3A_456 : memref<16x64xf32, #tpu.memory_space<vmem>>)
    %dma_wait3A_460 = arith.constant 0 : i32
    %dma_wait3A_461 = arith.constant 0 : i32
    %dma_wait3A_462 = tpu.memref_slice %arg8[%dma_wait3A_460, %dma_wait3A_461] : memref<256x64xf32, #tpu.memory_space<vmem>> -> memref<16x64xf32, #tpu.memory_space<vmem>>
    %dma_wait3A_463 = arith.constant 0 : i32
    %dma_wait3A_464 = arith.constant 0 : i32
    %dma_wait3A_465 = tpu.memref_slice %arg4[%dma_wait3A_463, %dma_wait3A_464] : memref<100000x64xf32, #tpu.memory_space<hbm>> -> memref<16x64xf32, #tpu.memory_space<hbm>>
    %dma_wait3A_466 = arith.constant 0 : i32
    %dma_wait3A_467 = arith.constant 0 : i32
    %dma_wait3A_468 = tpu.memref_slice %arg8[%dma_wait3A_466, %dma_wait3A_467] : memref<256x64xf32, #tpu.memory_space<vmem>> -> memref<16x64xf32, #tpu.memory_space<vmem>>
    %dma_wait3A_469 = arith.constant 0 : i32
    %dma_wait3A_470 = arith.constant 0 : i32
    %dma_wait3A_471 = tpu.memref_slice %arg4[%dma_wait3A_469, %dma_wait3A_470] : memref<100000x64xf32, #tpu.memory_space<hbm>> -> memref<16x64xf32, #tpu.memory_space<hbm>>
    tpu.wait_dma2 semaphore(%arg15 : memref<!tpu.dma_semaphore, #tpu.memory_space<semaphore_mem>>) src(%dma_wait3A_471 : memref<16x64xf32, #tpu.memory_space<hbm>>) dst(%dma_wait3A_468 : memref<16x64xf32, #tpu.memory_space<vmem>>)
    %dma_wait3A_472 = arith.constant 0 : i32
    %dma_wait3A_473 = arith.constant 0 : i32
    %dma_wait3A_474 = tpu.memref_slice %arg8[%dma_wait3A_472, %dma_wait3A_473] : memref<256x64xf32, #tpu.memory_space<vmem>> -> memref<16x64xf32, #tpu.memory_space<vmem>>
    %dma_wait3A_475 = arith.constant 0 : i32
    %dma_wait3A_476 = arith.constant 0 : i32
    %dma_wait3A_477 = tpu.memref_slice %arg4[%dma_wait3A_475, %dma_wait3A_476] : memref<100000x64xf32, #tpu.memory_space<hbm>> -> memref<16x64xf32, #tpu.memory_space<hbm>>
    %dma_wait3A_478 = arith.constant 0 : i32
    %dma_wait3A_479 = arith.constant 0 : i32
    %dma_wait3A_480 = tpu.memref_slice %arg8[%dma_wait3A_478, %dma_wait3A_479] : memref<256x64xf32, #tpu.memory_space<vmem>> -> memref<16x64xf32, #tpu.memory_space<vmem>>
    %dma_wait3A_481 = arith.constant 0 : i32
    %dma_wait3A_482 = arith.constant 0 : i32
    %dma_wait3A_483 = tpu.memref_slice %arg4[%dma_wait3A_481, %dma_wait3A_482] : memref<100000x64xf32, #tpu.memory_space<hbm>> -> memref<16x64xf32, #tpu.memory_space<hbm>>
    tpu.wait_dma2 semaphore(%arg15 : memref<!tpu.dma_semaphore, #tpu.memory_space<semaphore_mem>>) src(%dma_wait3A_483 : memref<16x64xf32, #tpu.memory_space<hbm>>) dst(%dma_wait3A_480 : memref<16x64xf32, #tpu.memory_space<vmem>>)
    %dma_wait3A_484 = arith.constant 0 : i32
    %dma_wait3A_485 = arith.constant 0 : i32
    %dma_wait3A_486 = tpu.memref_slice %arg8[%dma_wait3A_484, %dma_wait3A_485] : memref<256x64xf32, #tpu.memory_space<vmem>> -> memref<16x64xf32, #tpu.memory_space<vmem>>
    %dma_wait3A_487 = arith.constant 0 : i32
    %dma_wait3A_488 = arith.constant 0 : i32
    %dma_wait3A_489 = tpu.memref_slice %arg4[%dma_wait3A_487, %dma_wait3A_488] : memref<100000x64xf32, #tpu.memory_space<hbm>> -> memref<16x64xf32, #tpu.memory_space<hbm>>
    %dma_wait3A_490 = arith.constant 0 : i32
    %dma_wait3A_491 = arith.constant 0 : i32
    %dma_wait3A_492 = tpu.memref_slice %arg8[%dma_wait3A_490, %dma_wait3A_491] : memref<256x64xf32, #tpu.memory_space<vmem>> -> memref<16x64xf32, #tpu.memory_space<vmem>>
    %dma_wait3A_493 = arith.constant 0 : i32
    %dma_wait3A_494 = arith.constant 0 : i32
    %dma_wait3A_495 = tpu.memref_slice %arg4[%dma_wait3A_493, %dma_wait3A_494] : memref<100000x64xf32, #tpu.memory_space<hbm>> -> memref<16x64xf32, #tpu.memory_space<hbm>>
    tpu.wait_dma2 semaphore(%arg15 : memref<!tpu.dma_semaphore, #tpu.memory_space<semaphore_mem>>) src(%dma_wait3A_495 : memref<16x64xf32, #tpu.memory_space<hbm>>) dst(%dma_wait3A_492 : memref<16x64xf32, #tpu.memory_space<vmem>>)
    %dma_wait3A_496 = arith.constant 0 : i32
    %dma_wait3A_497 = tpu.memref_slice %arg2[%add3A_401, %dma_wait3A_496] : memref<16384x64xf32, #tpu.memory_space<hbm>> -> memref<256x64xf32, #tpu.memory_space<hbm>>
    %dma_wait3A_498 = arith.constant 0 : i32
    %dma_wait3A_499 = tpu.memref_slice %arg2[%add3A_401, %dma_wait3A_498] : memref<16384x64xf32, #tpu.memory_space<hbm>> -> memref<256x64xf32, #tpu.memory_space<hbm>>
    tpu.wait_dma2 semaphore(%arg16 : memref<!tpu.dma_semaphore, #tpu.memory_space<semaphore_mem>>) src(%dma_wait3A_499 : memref<256x64xf32, #tpu.memory_space<hbm>>) dst(%arg7 : memref<256x64xf32, #tpu.memory_space<vmem>>)
    %scan3A_500 = arith.constant 0 : i32
    %scan3A_501 = arith.constant 0 : i32
    %scan3A_502 = arith.constant 256 : i32
    %scan3A_503 = arith.addi %scan3A_501, %scan3A_502 : i32
    %scan3A_504 = arith.constant 1 : i32
    scf.for %scan3A_516 = %scan3A_501 to %scan3A_503 step %scan3A_504  : i32 {
      %get3A_517 = arith.index_cast %scan3A_516 : i32 to index
      %get3A_518 = arith.constant 0 : index
      %get3A_519 = tpu.vector_load %arg7[%get3A_517, %get3A_518] {strides = array<i32>} : memref<256x64xf32, #tpu.memory_space<vmem>>, vector<16xf32>,
      %get3A_520 = arith.index_cast %scan3A_516 : i32 to index
      %get3A_521 = arith.constant 0 : index
      %get3A_522 = tpu.vector_load %arg8[%get3A_520, %get3A_521] {strides = array<i32>} : memref<256x64xf32, #tpu.memory_space<vmem>>, vector<16xf32>,
      %mul3A_523 = arith.mulf %get3A_519, %get3A_519 : vector<16xf32>
      %add3A_524 = arith.addf %broadcast_in_dim3A_290, %mul3A_523 : vector<16xf32>
      %mul3A_525 = arith.mulf %get3A_519, %get3A_522 : vector<16xf32>
      %add3A_526 = arith.addf %broadcast_in_dim3A_290, %mul3A_525 : vector<16xf32>
      %mul3A_527 = arith.mulf %get3A_522, %get3A_522 : vector<16xf32>
      %add3A_528 = arith.addf %broadcast_in_dim3A_290, %mul3A_527 : vector<16xf32>
      %get3A_529 = arith.index_cast %scan3A_516 : i32 to index
      %get3A_530 = arith.constant 16 : index
      %get3A_531 = tpu.vector_load %arg7[%get3A_529, %get3A_530] {strides = array<i32>} : memref<256x64xf32, #tpu.memory_space<vmem>>, vector<16xf32>,
      %get3A_532 = arith.index_cast %scan3A_516 : i32 to index
      %get3A_533 = arith.constant 16 : index
      %get3A_534 = tpu.vector_load %arg8[%get3A_532, %get3A_533] {strides = array<i32>} : memref<256x64xf32, #tpu.memory_space<vmem>>, vector<16xf32>,
      %mul3A_535 = arith.mulf %get3A_531, %get3A_531 : vector<16xf32>
      %add3A_536 = arith.addf %add3A_524, %mul3A_535 : vector<16xf32>
      %mul3A_537 = arith.mulf %get3A_531, %get3A_534 : vector<16xf32>
      %add3A_538 = arith.addf %add3A_526, %mul3A_537 : vector<16xf32>
      %mul3A_539 = arith.mulf %get3A_534, %get3A_534 : vector<16xf32>
      %add3A_540 = arith.addf %add3A_528, %mul3A_539 : vector<16xf32>
      %get3A_541 = arith.index_cast %scan3A_516 : i32 to index
      %get3A_542 = arith.constant 32 : index
      %get3A_543 = tpu.vector_load %arg7[%get3A_541, %get3A_542] {strides = array<i32>} : memref<256x64xf32, #tpu.memory_space<vmem>>, vector<16xf32>,
      %get3A_544 = arith.index_cast %scan3A_516 : i32 to index
      %get3A_545 = arith.constant 32 : index
      %get3A_546 = tpu.vector_load %arg8[%get3A_544, %get3A_545] {strides = array<i32>} : memref<256x64xf32, #tpu.memory_space<vmem>>, vector<16xf32>,
      %mul3A_547 = arith.mulf %get3A_543, %get3A_543 : vector<16xf32>
      %add3A_548 = arith.addf %add3A_536, %mul3A_547 : vector<16xf32>
      %mul3A_549 = arith.mulf %get3A_543, %get3A_546 : vector<16xf32>
      %add3A_550 = arith.addf %add3A_538, %mul3A_549 : vector<16xf32>
      %mul3A_551 = arith.mulf %get3A_546, %get3A_546 : vector<16xf32>
      %add3A_552 = arith.addf %add3A_540, %mul3A_551 : vector<16xf32>
      %get3A_553 = arith.index_cast %scan3A_516 : i32 to index
      %get3A_554 = arith.constant 48 : index
      %get3A_555 = tpu.vector_load %arg7[%get3A_553, %get3A_554] {strides = array<i32>} : memref<256x64xf32, #tpu.memory_space<vmem>>, vector<16xf32>,
      %get3A_556 = arith.index_cast %scan3A_516 : i32 to index
      %get3A_557 = arith.constant 48 : index
      %get3A_558 = tpu.vector_load %arg8[%get3A_556, %get3A_557] {strides = array<i32>} : memref<256x64xf32, #tpu.memory_space<vmem>>, vector<16xf32>,
      %mul3A_559 = arith.mulf %get3A_555, %get3A_555 : vector<16xf32>
      %add3A_560 = arith.addf %add3A_548, %mul3A_559 : vector<16xf32>
      %mul3A_561 = arith.mulf %get3A_555, %get3A_558 : vector<16xf32>
      %add3A_562 = arith.addf %add3A_550, %mul3A_561 : vector<16xf32>
      %mul3A_563 = arith.mulf %get3A_558, %get3A_558 : vector<16xf32>
      %add3A_564 = arith.addf %add3A_552, %mul3A_563 : vector<16xf32>
      %jit3A = arith.constant 8 : i32
      %div3A = arith.divsi %scan3A_516, %jit3A : i32
      %sign3A = arith.constant 0 : i32
      %sign3A_565 = arith.cmpi sgt, %scan3A_516, %sign3A : i32
      %sign3A_566 = arith.extui %sign3A_565 : i1 to i32
      %sign3A_567 = arith.constant 0 : i32
      %sign3A_568 = arith.cmpi slt, %scan3A_516, %sign3A_567 : i32
      %sign3A_569 = arith.extui %sign3A_568 : i1 to i32
      %sign3A_570 = arith.subi %sign3A_566, %sign3A_569 : i32
      %sign3A_571 = arith.constant 0 : i32
      %sign3A_572 = arith.cmpi sgt, %jit3A, %sign3A_571 : i32
      %sign3A_573 = arith.extui %sign3A_572 : i1 to i32
      %sign3A_574 = arith.constant 0 : i32
      %sign3A_575 = arith.cmpi slt, %jit3A, %sign3A_574 : i32
      %sign3A_576 = arith.extui %sign3A_575 : i1 to i32
      %sign3A_577 = arith.subi %sign3A_573, %sign3A_576 : i32
      %ne3A = arith.cmpi ne, %sign3A_570, %sign3A_577 : i32
      %rem3A = arith.remsi %scan3A_516, %jit3A : i32
      %ne3A_578 = arith.constant 0 : i32
      %ne3A_579 = arith.cmpi ne, %rem3A, %ne3A_578 : i32
      %and3A = arith.andi %ne3A, %ne3A_579 : i1
      %sub3A = arith.constant 1 : i32
      %sub3A_580 = arith.subi %div3A, %sub3A : i32
      %select_n3A = arith.select %and3A, %sub3A_580, %div3A : i32
      %jit3A_581 = arith.constant 8 : i32
      %eq3A = arith.constant 0 : i32
      %eq3A_582 = arith.cmpi eq, %jit3A_581, %eq3A : i32
      %jit3A_583 = arith.constant 1 : i32
      %select_n3A_584 = arith.select %eq3A_582, %jit3A_583, %jit3A_581 : i32
      %rem3A_585 = arith.remsi %scan3A_516, %select_n3A_584 : i32
      %ne3A_586 = arith.constant 0 : i32
      %ne3A_587 = arith.cmpi ne, %rem3A_585, %ne3A_586 : i32
      %lt3A = arith.constant 0 : i32
      %lt3A_588 = arith.cmpi slt, %rem3A_585, %lt3A : i32
      %lt3A_589 = arith.constant 0 : i32
      %lt3A_590 = arith.cmpi slt, %select_n3A_584, %lt3A_589 : i32
      %ne3A_591 = arith.xori %lt3A_588, %lt3A_590 : i1
      %and3A_592 = arith.andi %ne3A_591, %ne3A_587 : i1
      %add3A_593 = arith.addi %rem3A_585, %select_n3A_584 : i32
      %select_n3A_594 = arith.select %and3A_592, %add3A_593, %rem3A_585 : i32
      %mul3A_595 = arith.constant 16 : i32
      %mul3A_596 = arith.muli %select_n3A_594, %mul3A_595 : i32
      %swap3A_597 = arith.index_cast %select_n3A : i32 to index
      %swap3A_598 = arith.index_cast %mul3A_596 : i32 to index
      %swap3A_599 = tpu.vector_load %arg12[%swap3A_597, %swap3A_598] {strides = array<i32>} : memref<32x128xf32, #tpu.memory_space<vmem>>, vector<16xf32>,
      tpu.vector_store %arg12[%swap3A_597, %swap3A_598], %add3A_560 {strides = array<i32>} : memref<32x128xf32, #tpu.memory_space<vmem>>, vector<16xf32>,
      %swap3A_600 = arith.index_cast %select_n3A : i32 to index
      %swap3A_601 = arith.index_cast %mul3A_596 : i32 to index
      %swap3A_602 = tpu.vector_load %arg13[%swap3A_600, %swap3A_601] {strides = array<i32>} : memref<32x128xf32, #tpu.memory_space<vmem>>, vector<16xf32>,
      tpu.vector_store %arg13[%swap3A_600, %swap3A_601], %add3A_562 {strides = array<i32>} : memref<32x128xf32, #tpu.memory_space<vmem>>, vector<16xf32>,
      %swap3A_603 = arith.index_cast %select_n3A : i32 to index
      %swap3A_604 = arith.index_cast %mul3A_596 : i32 to index
      %swap3A_605 = tpu.vector_load %arg14[%swap3A_603, %swap3A_604] {strides = array<i32>} : memref<32x128xf32, #tpu.memory_space<vmem>>, vector<16xf32>,
      tpu.vector_store %arg14[%swap3A_603, %swap3A_604], %add3A_564 {strides = array<i32>} : memref<32x128xf32, #tpu.memory_space<vmem>>, vector<16xf32>,
    }
    %scan3A_505 = arith.constant 256 : i32
    %scan3A_506 = arith.constant 0 : i32
    %scan3A_507 = arith.constant 0 : i32
    %scan3A_508 = arith.constant 16 : i32
    %scan3A_509 = arith.addi %scan3A_507, %scan3A_508 : i32
    %scan3A_510 = arith.constant 1 : i32
    scf.for %scan3A_516 = %scan3A_507 to %scan3A_509 step %scan3A_510  : i32 {
      %mul3A_517 = arith.constant 256 : i32
      %mul3A_518 = arith.muli %scan3A_516, %mul3A_517 : i32
      %mul3A_519 = arith.constant 16 : i32
      %mul3A_520 = vector.broadcast %mul3A_519 : i32 to vector<16xi32>
      %mul3A_521 = arith.muli %iota3A, %mul3A_520 : vector<16xi32>
      %add3A_522 = vector.broadcast %mul3A_518 : i32 to vector<16xi32>
      %add3A_523 = arith.addi %add3A_522, %mul3A_521 : vector<16xi32>
      %add3A_524 = arith.constant 0 : i32
      %add3A_525 = vector.broadcast %add3A_524 : i32 to vector<16xi32>
      %add3A_526 = arith.addi %add3A_523, %add3A_525 : vector<16xi32>
      %shift_right_logical3A = arith.constant 7 : i32
      %shift_right_logical3A_527 = vector.broadcast %shift_right_logical3A : i32 to vector<16xi32>
      %shift_right_logical3A_528 = arith.shrui %add3A_526, %shift_right_logical3A_527 : vector<16xi32>
      %and3A = arith.constant 127 : i32
      %and3A_529 = vector.broadcast %and3A : i32 to vector<16xi32>
      %and3A_530 = arith.andi %add3A_526, %and3A_529 : vector<16xi32>
      %gather3A = tpu.vector_load_idx %arg12[%shift_right_logical3A_528, %and3A_530] : memref<32x128xf32, #tpu.memory_space<vmem>>[vector<16xi32>, vector<16xi32>], vector<16xf32>,
      %add3A_531 = arith.addf %broadcast_in_dim3A_290, %gather3A : vector<16xf32>
      %gather3A_532 = tpu.vector_load_idx %arg13[%shift_right_logical3A_528, %and3A_530] : memref<32x128xf32, #tpu.memory_space<vmem>>[vector<16xi32>, vector<16xi32>], vector<16xf32>,
      %add3A_533 = arith.addf %broadcast_in_dim3A_290, %gather3A_532 : vector<16xf32>
      %gather3A_534 = tpu.vector_load_idx %arg14[%shift_right_logical3A_528, %and3A_530] : memref<32x128xf32, #tpu.memory_space<vmem>>[vector<16xi32>, vector<16xi32>], vector<16xf32>,
      %add3A_535 = arith.addf %broadcast_in_dim3A_290, %gather3A_534 : vector<16xf32>
      %add3A_536 = arith.constant 1 : i32
      %add3A_537 = vector.broadcast %add3A_536 : i32 to vector<16xi32>
      %add3A_538 = arith.addi %add3A_523, %add3A_537 : vector<16xi32>
      %shift_right_logical3A_539 = arith.constant 7 : i32
      %shift_right_logical3A_540 = vector.broadcast %shift_right_logical3A_539 : i32 to vector<16xi32>
      %shift_right_logical3A_541 = arith.shrui %add3A_538, %shift_right_logical3A_540 : vector<16xi32>
      %and3A_542 = arith.constant 127 : i32
      %and3A_543 = vector.broadcast %and3A_542 : i32 to vector<16xi32>
      %and3A_544 = arith.andi %add3A_538, %and3A_543 : vector<16xi32>
      %gather3A_545 = tpu.vector_load_idx %arg12[%shift_right_logical3A_541, %and3A_544] : memref<32x128xf32, #tpu.memory_space<vmem>>[vector<16xi32>, vector<16xi32>], vector<16xf32>,
      %add3A_546 = arith.addf %add3A_531, %gather3A_545 : vector<16xf32>
      %gather3A_547 = tpu.vector_load_idx %arg13[%shift_right_logical3A_541, %and3A_544] : memref<32x128xf32, #tpu.memory_space<vmem>>[vector<16xi32>, vector<16xi32>], vector<16xf32>,
      %add3A_548 = arith.addf %add3A_533, %gather3A_547 : vector<16xf32>
      %gather3A_549 = tpu.vector_load_idx %arg14[%shift_right_logical3A_541, %and3A_544] : memref<32x128xf32, #tpu.memory_space<vmem>>[vector<16xi32>, vector<16xi32>], vector<16xf32>,
      %add3A_550 = arith.addf %add3A_535, %gather3A_549 : vector<16xf32>
      %add3A_551 = arith.constant 2 : i32
      %add3A_552 = vector.broadcast %add3A_551 : i32 to vector<16xi32>
      %add3A_553 = arith.addi %add3A_523, %add3A_552 : vector<16xi32>
      %shift_right_logical3A_554 = arith.constant 7 : i32
      %shift_right_logical3A_555 = vector.broadcast %shift_right_logical3A_554 : i32 to vector<16xi32>
      %shift_right_logical3A_556 = arith.shrui %add3A_553, %shift_right_logical3A_555 : vector<16xi32>
      %and3A_557 = arith.constant 127 : i32
      %and3A_558 = vector.broadcast %and3A_557 : i32 to vector<16xi32>
      %and3A_559 = arith.andi %add3A_553, %and3A_558 : vector<16xi32>
      %gather3A_560 = tpu.vector_load_idx %arg12[%shift_right_logical3A_556, %and3A_559] : memref<32x128xf32, #tpu.memory_space<vmem>>[vector<16xi32>, vector<16xi32>], vector<16xf32>,
      %add3A_561 = arith.addf %add3A_546, %gather3A_560 : vector<16xf32>
      %gather3A_562 = tpu.vector_load_idx %arg13[%shift_right_logical3A_556, %and3A_559] : memref<32x128xf32, #tpu.memory_space<vmem>>[vector<16xi32>, vector<16xi32>], vector<16xf32>,
      %add3A_563 = arith.addf %add3A_548, %gather3A_562 : vector<16xf32>
      %gather3A_564 = tpu.vector_load_idx %arg14[%shift_right_logical3A_556, %and3A_559] : memref<32x128xf32, #tpu.memory_space<vmem>>[vector<16xi32>, vector<16xi32>], vector<16xf32>,
      %add3A_565 = arith.addf %add3A_550, %gather3A_564 : vector<16xf32>
      %add3A_566 = arith.constant 3 : i32
      %add3A_567 = vector.broadcast %add3A_566 : i32 to vector<16xi32>
      %add3A_568 = arith.addi %add3A_523, %add3A_567 : vector<16xi32>
      %shift_right_logical3A_569 = arith.constant 7 : i32
      %shift_right_logical3A_570 = vector.broadcast %shift_right_logical3A_569 : i32 to vector<16xi32>
      %shift_right_logical3A_571 = arith.shrui %add3A_568, %shift_right_logical3A_570 : vector<16xi32>
      %and3A_572 = arith.constant 127 : i32
      %and3A_573 = vector.broadcast %and3A_572 : i32 to vector<16xi32>
      %and3A_574 = arith.andi %add3A_568, %and3A_573 : vector<16xi32>
      %gather3A_575 = tpu.vector_load_idx %arg12[%shift_right_logical3A_571, %and3A_574] : memref<32x128xf32, #tpu.memory_space<vmem>>[vector<16xi32>, vector<16xi32>], vector<16xf32>,
      %add3A_576 = arith.addf %add3A_561, %gather3A_575 : vector<16xf32>
      %gather3A_577 = tpu.vector_load_idx %arg13[%shift_right_logical3A_571, %and3A_574] : memref<32x128xf32, #tpu.memory_space<vmem>>[vector<16xi32>, vector<16xi32>], vector<16xf32>,
      %add3A_578 = arith.addf %add3A_563, %gather3A_577 : vector<16xf32>
      %gather3A_579 = tpu.vector_load_idx %arg14[%shift_right_logical3A_571, %and3A_574] : memref<32x128xf32, #tpu.memory_space<vmem>>[vector<16xi32>, vector<16xi32>], vector<16xf32>,
      %add3A_580 = arith.addf %add3A_565, %gather3A_579 : vector<16xf32>
      %add3A_581 = arith.constant 4 : i32
      %add3A_582 = vector.broadcast %add3A_581 : i32 to vector<16xi32>
      %add3A_583 = arith.addi %add3A_523, %add3A_582 : vector<16xi32>
      %shift_right_logical3A_584 = arith.constant 7 : i32
      %shift_right_logical3A_585 = vector.broadcast %shift_right_logical3A_584 : i32 to vector<16xi32>
      %shift_right_logical3A_586 = arith.shrui %add3A_583, %shift_right_logical3A_585 : vector<16xi32>
      %and3A_587 = arith.constant 127 : i32
      %and3A_588 = vector.broadcast %and3A_587 : i32 to vector<16xi32>
      %and3A_589 = arith.andi %add3A_583, %and3A_588 : vector<16xi32>
      %gather3A_590 = tpu.vector_load_idx %arg12[%shift_right_logical3A_586, %and3A_589] : memref<32x128xf32, #tpu.memory_space<vmem>>[vector<16xi32>, vector<16xi32>], vector<16xf32>,
      %add3A_591 = arith.addf %add3A_576, %gather3A_590 : vector<16xf32>
      %gather3A_592 = tpu.vector_load_idx %arg13[%shift_right_logical3A_586, %and3A_589] : memref<32x128xf32, #tpu.memory_space<vmem>>[vector<16xi32>, vector<16xi32>], vector<16xf32>,
      %add3A_593 = arith.addf %add3A_578, %gather3A_592 : vector<16xf32>
      %gather3A_594 = tpu.vector_load_idx %arg14[%shift_right_logical3A_586, %and3A_589] : memref<32x128xf32, #tpu.memory_space<vmem>>[vector<16xi32>, vector<16xi32>], vector<16xf32>,
      %add3A_595 = arith.addf %add3A_580, %gather3A_594 : vector<16xf32>
      %add3A_596 = arith.constant 5 : i32
      %add3A_597 = vector.broadcast %add3A_596 : i32 to vector<16xi32>
      %add3A_598 = arith.addi %add3A_523, %add3A_597 : vector<16xi32>
      %shift_right_logical3A_599 = arith.constant 7 : i32
      %shift_right_logical3A_600 = vector.broadcast %shift_right_logical3A_599 : i32 to vector<16xi32>
      %shift_right_logical3A_601 = arith.shrui %add3A_598, %shift_right_logical3A_600 : vector<16xi32>
      %and3A_602 = arith.constant 127 : i32
      %and3A_603 = vector.broadcast %and3A_602 : i32 to vector<16xi32>
      %and3A_604 = arith.andi %add3A_598, %and3A_603 : vector<16xi32>
      %gather3A_605 = tpu.vector_load_idx %arg12[%shift_right_logical3A_601, %and3A_604] : memref<32x128xf32, #tpu.memory_space<vmem>>[vector<16xi32>, vector<16xi32>], vector<16xf32>,
      %add3A_606 = arith.addf %add3A_591, %gather3A_605 : vector<16xf32>
      %gather3A_607 = tpu.vector_load_idx %arg13[%shift_right_logical3A_601, %and3A_604] : memref<32x128xf32, #tpu.memory_space<vmem>>[vector<16xi32>, vector<16xi32>], vector<16xf32>,
      %add3A_608 = arith.addf %add3A_593, %gather3A_607 : vector<16xf32>
      %gather3A_609 = tpu.vector_load_idx %arg14[%shift_right_logical3A_601, %and3A_604] : memref<32x128xf32, #tpu.memory_space<vmem>>[vector<16xi32>, vector<16xi32>], vector<16xf32>,
      %add3A_610 = arith.addf %add3A_595, %gather3A_609 : vector<16xf32>
      %add3A_611 = arith.constant 6 : i32
      %add3A_612 = vector.broadcast %add3A_611 : i32 to vector<16xi32>
      %add3A_613 = arith.addi %add3A_523, %add3A_612 : vector<16xi32>
      %shift_right_logical3A_614 = arith.constant 7 : i32
      %shift_right_logical3A_615 = vector.broadcast %shift_right_logical3A_614 : i32 to vector<16xi32>
      %shift_right_logical3A_616 = arith.shrui %add3A_613, %shift_right_logical3A_615 : vector<16xi32>
      %and3A_617 = arith.constant 127 : i32
      %and3A_618 = vector.broadcast %and3A_617 : i32 to vector<16xi32>
      %and3A_619 = arith.andi %add3A_613, %and3A_618 : vector<16xi32>
      %gather3A_620 = tpu.vector_load_idx %arg12[%shift_right_logical3A_616, %and3A_619] : memref<32x128xf32, #tpu.memory_space<vmem>>[vector<16xi32>, vector<16xi32>], vector<16xf32>,
      %add3A_621 = arith.addf %add3A_606, %gather3A_620 : vector<16xf32>
      %gather3A_622 = tpu.vector_load_idx %arg13[%shift_right_logical3A_616, %and3A_619] : memref<32x128xf32, #tpu.memory_space<vmem>>[vector<16xi32>, vector<16xi32>], vector<16xf32>,
      %add3A_623 = arith.addf %add3A_608, %gather3A_622 : vector<16xf32>
      %gather3A_624 = tpu.vector_load_idx %arg14[%shift_right_logical3A_616, %and3A_619] : memref<32x128xf32, #tpu.memory_space<vmem>>[vector<16xi32>, vector<16xi32>], vector<16xf32>,
      %add3A_625 = arith.addf %add3A_610, %gather3A_624 : vector<16xf32>
      %add3A_626 = arith.constant 7 : i32
      %add3A_627 = vector.broadcast %add3A_626 : i32 to vector<16xi32>
      %add3A_628 = arith.addi %add3A_523, %add3A_627 : vector<16xi32>
      %shift_right_logical3A_629 = arith.constant 7 : i32
      %shift_right_logical3A_630 = vector.broadcast %shift_right_logical3A_629 : i32 to vector<16xi32>
      %shift_right_logical3A_631 = arith.shrui %add3A_628, %shift_right_logical3A_630 : vector<16xi32>
      %and3A_632 = arith.constant 127 : i32
      %and3A_633 = vector.broadcast %and3A_632 : i32 to vector<16xi32>
      %and3A_634 = arith.andi %add3A_628, %and3A_633 : vector<16xi32>
      %gather3A_635 = tpu.vector_load_idx %arg12[%shift_right_logical3A_631, %and3A_634] : memref<32x128xf32, #tpu.memory_space<vmem>>[vector<16xi32>, vector<16xi32>], vector<16xf32>,
      %add3A_636 = arith.addf %add3A_621, %gather3A_635 : vector<16xf32>
      %gather3A_637 = tpu.vector_load_idx %arg13[%shift_right_logical3A_631, %and3A_634] : memref<32x128xf32, #tpu.memory_space<vmem>>[vector<16xi32>, vector<16xi32>], vector<16xf32>,
      %add3A_638 = arith.addf %add3A_623, %gather3A_637 : vector<16xf32>
      %gather3A_639 = tpu.vector_load_idx %arg14[%shift_right_logical3A_631, %and3A_634] : memref<32x128xf32, #tpu.memory_space<vmem>>[vector<16xi32>, vector<16xi32>], vector<16xf32>,
      %add3A_640 = arith.addf %add3A_625, %gather3A_639 : vector<16xf32>
      %add3A_641 = arith.constant 8 : i32
      %add3A_642 = vector.broadcast %add3A_641 : i32 to vector<16xi32>
      %add3A_643 = arith.addi %add3A_523, %add3A_642 : vector<16xi32>
      %shift_right_logical3A_644 = arith.constant 7 : i32
      %shift_right_logical3A_645 = vector.broadcast %shift_right_logical3A_644 : i32 to vector<16xi32>
      %shift_right_logical3A_646 = arith.shrui %add3A_643, %shift_right_logical3A_645 : vector<16xi32>
      %and3A_647 = arith.constant 127 : i32
      %and3A_648 = vector.broadcast %and3A_647 : i32 to vector<16xi32>
      %and3A_649 = arith.andi %add3A_643, %and3A_648 : vector<16xi32>
      %gather3A_650 = tpu.vector_load_idx %arg12[%shift_right_logical3A_646, %and3A_649] : memref<32x128xf32, #tpu.memory_space<vmem>>[vector<16xi32>, vector<16xi32>], vector<16xf32>,
      %add3A_651 = arith.addf %add3A_636, %gather3A_650 : vector<16xf32>
      %gather3A_652 = tpu.vector_load_idx %arg13[%shift_right_logical3A_646, %and3A_649] : memref<32x128xf32, #tpu.memory_space<vmem>>[vector<16xi32>, vector<16xi32>], vector<16xf32>,
      %add3A_653 = arith.addf %add3A_638, %gather3A_652 : vector<16xf32>
      %gather3A_654 = tpu.vector_load_idx %arg14[%shift_right_logical3A_646, %and3A_649] : memref<32x128xf32, #tpu.memory_space<vmem>>[vector<16xi32>, vector<16xi32>], vector<16xf32>,
      %add3A_655 = arith.addf %add3A_640, %gather3A_654 : vector<16xf32>
      %add3A_656 = arith.constant 9 : i32
      %add3A_657 = vector.broadcast %add3A_656 : i32 to vector<16xi32>
      %add3A_658 = arith.addi %add3A_523, %add3A_657 : vector<16xi32>
      %shift_right_logical3A_659 = arith.constant 7 : i32
      %shift_right_logical3A_660 = vector.broadcast %shift_right_logical3A_659 : i32 to vector<16xi32>
      %shift_right_logical3A_661 = arith.shrui %add3A_658, %shift_right_logical3A_660 : vector<16xi32>
      %and3A_662 = arith.constant 127 : i32
      %and3A_663 = vector.broadcast %and3A_662 : i32 to vector<16xi32>
      %and3A_664 = arith.andi %add3A_658, %and3A_663 : vector<16xi32>
      %gather3A_665 = tpu.vector_load_idx %arg12[%shift_right_logical3A_661, %and3A_664] : memref<32x128xf32, #tpu.memory_space<vmem>>[vector<16xi32>, vector<16xi32>], vector<16xf32>,
      %add3A_666 = arith.addf %add3A_651, %gather3A_665 : vector<16xf32>
      %gather3A_667 = tpu.vector_load_idx %arg13[%shift_right_logical3A_661, %and3A_664] : memref<32x128xf32, #tpu.memory_space<vmem>>[vector<16xi32>, vector<16xi32>], vector<16xf32>,
      %add3A_668 = arith.addf %add3A_653, %gather3A_667 : vector<16xf32>
      %gather3A_669 = tpu.vector_load_idx %arg14[%shift_right_logical3A_661, %and3A_664] : memref<32x128xf32, #tpu.memory_space<vmem>>[vector<16xi32>, vector<16xi32>], vector<16xf32>,
      %add3A_670 = arith.addf %add3A_655, %gather3A_669 : vector<16xf32>
      %add3A_671 = arith.constant 10 : i32
      %add3A_672 = vector.broadcast %add3A_671 : i32 to vector<16xi32>
      %add3A_673 = arith.addi %add3A_523, %add3A_672 : vector<16xi32>
      %shift_right_logical3A_674 = arith.constant 7 : i32
      %shift_right_logical3A_675 = vector.broadcast %shift_right_logical3A_674 : i32 to vector<16xi32>
      %shift_right_logical3A_676 = arith.shrui %add3A_673, %shift_right_logical3A_675 : vector<16xi32>
      %and3A_677 = arith.constant 127 : i32
      %and3A_678 = vector.broadcast %and3A_677 : i32 to vector<16xi32>
      %and3A_679 = arith.andi %add3A_673, %and3A_678 : vector<16xi32>
      %gather3A_680 = tpu.vector_load_idx %arg12[%shift_right_logical3A_676, %and3A_679] : memref<32x128xf32, #tpu.memory_space<vmem>>[vector<16xi32>, vector<16xi32>], vector<16xf32>,
      %add3A_681 = arith.addf %add3A_666, %gather3A_680 : vector<16xf32>
      %gather3A_682 = tpu.vector_load_idx %arg13[%shift_right_logical3A_676, %and3A_679] : memref<32x128xf32, #tpu.memory_space<vmem>>[vector<16xi32>, vector<16xi32>], vector<16xf32>,
      %add3A_683 = arith.addf %add3A_668, %gather3A_682 : vector<16xf32>
      %gather3A_684 = tpu.vector_load_idx %arg14[%shift_right_logical3A_676, %and3A_679] : memref<32x128xf32, #tpu.memory_space<vmem>>[vector<16xi32>, vector<16xi32>], vector<16xf32>,
      %add3A_685 = arith.addf %add3A_670, %gather3A_684 : vector<16xf32>
      %add3A_686 = arith.constant 11 : i32
      %add3A_687 = vector.broadcast %add3A_686 : i32 to vector<16xi32>
      %add3A_688 = arith.addi %add3A_523, %add3A_687 : vector<16xi32>
      %shift_right_logical3A_689 = arith.constant 7 : i32
      %shift_right_logical3A_690 = vector.broadcast %shift_right_logical3A_689 : i32 to vector<16xi32>
      %shift_right_logical3A_691 = arith.shrui %add3A_688, %shift_right_logical3A_690 : vector<16xi32>
      %and3A_692 = arith.constant 127 : i32
      %and3A_693 = vector.broadcast %and3A_692 : i32 to vector<16xi32>
      %and3A_694 = arith.andi %add3A_688, %and3A_693 : vector<16xi32>
      %gather3A_695 = tpu.vector_load_idx %arg12[%shift_right_logical3A_691, %and3A_694] : memref<32x128xf32, #tpu.memory_space<vmem>>[vector<16xi32>, vector<16xi32>], vector<16xf32>,
      %add3A_696 = arith.addf %add3A_681, %gather3A_695 : vector<16xf32>
      %gather3A_697 = tpu.vector_load_idx %arg13[%shift_right_logical3A_691, %and3A_694] : memref<32x128xf32, #tpu.memory_space<vmem>>[vector<16xi32>, vector<16xi32>], vector<16xf32>,
      %add3A_698 = arith.addf %add3A_683, %gather3A_697 : vector<16xf32>
      %gather3A_699 = tpu.vector_load_idx %arg14[%shift_right_logical3A_691, %and3A_694] : memref<32x128xf32, #tpu.memory_space<vmem>>[vector<16xi32>, vector<16xi32>], vector<16xf32>,
      %add3A_700 = arith.addf %add3A_685, %gather3A_699 : vector<16xf32>
      %add3A_701 = arith.constant 12 : i32
      %add3A_702 = vector.broadcast %add3A_701 : i32 to vector<16xi32>
      %add3A_703 = arith.addi %add3A_523, %add3A_702 : vector<16xi32>
      %shift_right_logical3A_704 = arith.constant 7 : i32
      %shift_right_logical3A_705 = vector.broadcast %shift_right_logical3A_704 : i32 to vector<16xi32>
      %shift_right_logical3A_706 = arith.shrui %add3A_703, %shift_right_logical3A_705 : vector<16xi32>
      %and3A_707 = arith.constant 127 : i32
      %and3A_708 = vector.broadcast %and3A_707 : i32 to vector<16xi32>
      %and3A_709 = arith.andi %add3A_703, %and3A_708 : vector<16xi32>
      %gather3A_710 = tpu.vector_load_idx %arg12[%shift_right_logical3A_706, %and3A_709] : memref<32x128xf32, #tpu.memory_space<vmem>>[vector<16xi32>, vector<16xi32>], vector<16xf32>,
      %add3A_711 = arith.addf %add3A_696, %gather3A_710 : vector<16xf32>
      %gather3A_712 = tpu.vector_load_idx %arg13[%shift_right_logical3A_706, %and3A_709] : memref<32x128xf32, #tpu.memory_space<vmem>>[vector<16xi32>, vector<16xi32>], vector<16xf32>,
      %add3A_713 = arith.addf %add3A_698, %gather3A_712 : vector<16xf32>
      %gather3A_714 = tpu.vector_load_idx %arg14[%shift_right_logical3A_706, %and3A_709] : memref<32x128xf32, #tpu.memory_space<vmem>>[vector<16xi32>, vector<16xi32>], vector<16xf32>,
      %add3A_715 = arith.addf %add3A_700, %gather3A_714 : vector<16xf32>
      %add3A_716 = arith.constant 13 : i32
      %add3A_717 = vector.broadcast %add3A_716 : i32 to vector<16xi32>
      %add3A_718 = arith.addi %add3A_523, %add3A_717 : vector<16xi32>
      %shift_right_logical3A_719 = arith.constant 7 : i32
      %shift_right_logical3A_720 = vector.broadcast %shift_right_logical3A_719 : i32 to vector<16xi32>
      %shift_right_logical3A_721 = arith.shrui %add3A_718, %shift_right_logical3A_720 : vector<16xi32>
      %and3A_722 = arith.constant 127 : i32
      %and3A_723 = vector.broadcast %and3A_722 : i32 to vector<16xi32>
      %and3A_724 = arith.andi %add3A_718, %and3A_723 : vector<16xi32>
      %gather3A_725 = tpu.vector_load_idx %arg12[%shift_right_logical3A_721, %and3A_724] : memref<32x128xf32, #tpu.memory_space<vmem>>[vector<16xi32>, vector<16xi32>], vector<16xf32>,
      %add3A_726 = arith.addf %add3A_711, %gather3A_725 : vector<16xf32>
      %gather3A_727 = tpu.vector_load_idx %arg13[%shift_right_logical3A_721, %and3A_724] : memref<32x128xf32, #tpu.memory_space<vmem>>[vector<16xi32>, vector<16xi32>], vector<16xf32>,
      %add3A_728 = arith.addf %add3A_713, %gather3A_727 : vector<16xf32>
      %gather3A_729 = tpu.vector_load_idx %arg14[%shift_right_logical3A_721, %and3A_724] : memref<32x128xf32, #tpu.memory_space<vmem>>[vector<16xi32>, vector<16xi32>], vector<16xf32>,
      %add3A_730 = arith.addf %add3A_715, %gather3A_729 : vector<16xf32>
      %add3A_731 = arith.constant 14 : i32
      %add3A_732 = vector.broadcast %add3A_731 : i32 to vector<16xi32>
      %add3A_733 = arith.addi %add3A_523, %add3A_732 : vector<16xi32>
      %shift_right_logical3A_734 = arith.constant 7 : i32
      %shift_right_logical3A_735 = vector.broadcast %shift_right_logical3A_734 : i32 to vector<16xi32>
      %shift_right_logical3A_736 = arith.shrui %add3A_733, %shift_right_logical3A_735 : vector<16xi32>
      %and3A_737 = arith.constant 127 : i32
      %and3A_738 = vector.broadcast %and3A_737 : i32 to vector<16xi32>
      %and3A_739 = arith.andi %add3A_733, %and3A_738 : vector<16xi32>
      %gather3A_740 = tpu.vector_load_idx %arg12[%shift_right_logical3A_736, %and3A_739] : memref<32x128xf32, #tpu.memory_space<vmem>>[vector<16xi32>, vector<16xi32>], vector<16xf32>,
      %add3A_741 = arith.addf %add3A_726, %gather3A_740 : vector<16xf32>
      %gather3A_742 = tpu.vector_load_idx %arg13[%shift_right_logical3A_736, %and3A_739] : memref<32x128xf32, #tpu.memory_space<vmem>>[vector<16xi32>, vector<16xi32>], vector<16xf32>,
      %add3A_743 = arith.addf %add3A_728, %gather3A_742 : vector<16xf32>
      %gather3A_744 = tpu.vector_load_idx %arg14[%shift_right_logical3A_736, %and3A_739] : memref<32x128xf32, #tpu.memory_space<vmem>>[vector<16xi32>, vector<16xi32>], vector<16xf32>,
      %add3A_745 = arith.addf %add3A_730, %gather3A_744 : vector<16xf32>
      %add3A_746 = arith.constant 15 : i32
      %add3A_747 = vector.broadcast %add3A_746 : i32 to vector<16xi32>
      %add3A_748 = arith.addi %add3A_523, %add3A_747 : vector<16xi32>
      %shift_right_logical3A_749 = arith.constant 7 : i32
      %shift_right_logical3A_750 = vector.broadcast %shift_right_logical3A_749 : i32 to vector<16xi32>
      %shift_right_logical3A_751 = arith.shrui %add3A_748, %shift_right_logical3A_750 : vector<16xi32>
      %and3A_752 = arith.constant 127 : i32
      %and3A_753 = vector.broadcast %and3A_752 : i32 to vector<16xi32>
      %and3A_754 = arith.andi %add3A_748, %and3A_753 : vector<16xi32>
      %gather3A_755 = tpu.vector_load_idx %arg12[%shift_right_logical3A_751, %and3A_754] : memref<32x128xf32, #tpu.memory_space<vmem>>[vector<16xi32>, vector<16xi32>], vector<16xf32>,
      %add3A_756 = arith.addf %add3A_741, %gather3A_755 : vector<16xf32>
      %gather3A_757 = tpu.vector_load_idx %arg13[%shift_right_logical3A_751, %and3A_754] : memref<32x128xf32, #tpu.memory_space<vmem>>[vector<16xi32>, vector<16xi32>], vector<16xf32>,
      %add3A_758 = arith.addf %add3A_743, %gather3A_757 : vector<16xf32>
      %gather3A_759 = tpu.vector_load_idx %arg14[%shift_right_logical3A_751, %and3A_754] : memref<32x128xf32, #tpu.memory_space<vmem>>[vector<16xi32>, vector<16xi32>], vector<16xf32>,
      %add3A_760 = arith.addf %add3A_745, %gather3A_759 : vector<16xf32>
      %max3A = arith.constant 1.000000e-24 : f32
      %max3A_761 = vector.broadcast %max3A : f32 to vector<16xf32>
      %max3A_762 = arith.maximumf %add3A_756, %max3A_761 : vector<16xf32>
      %bitcast_convert_type3A = tpu.bitcast %max3A_762 : vector<16xf32> -> vector<16xi32>
      %shift_right_arithmetic3A = arith.constant 1 : i32
      %shift_right_arithmetic3A_763 = vector.broadcast %shift_right_arithmetic3A : i32 to vector<16xi32>
      %shift_right_arithmetic3A_764 = arith.shrsi %bitcast_convert_type3A, %shift_right_arithmetic3A_763 : vector<16xi32>
      %sub3A = arith.constant 1597463007 : i32
      %sub3A_765 = vector.broadcast %sub3A : i32 to vector<16xi32>
      %sub3A_766 = arith.subi %sub3A_765, %shift_right_arithmetic3A_764 : vector<16xi32>
      %bitcast_convert_type3A_767 = tpu.bitcast %sub3A_766 : vector<16xi32> -> vector<16xf32>
      %mul3A_768 = arith.constant 5.000000e-01 : f32
      %mul3A_769 = vector.broadcast %mul3A_768 : f32 to vector<16xf32>
      %mul3A_770 = arith.mulf %mul3A_769, %max3A_762 : vector<16xf32>
      %mul3A_771 = arith.mulf %mul3A_770, %bitcast_convert_type3A_767 : vector<16xf32>
      %mul3A_772 = arith.mulf %mul3A_771, %bitcast_convert_type3A_767 : vector<16xf32>
      %sub3A_773 = arith.constant 1.500000e+00 : f32
      %sub3A_774 = vector.broadcast %sub3A_773 : f32 to vector<16xf32>
      %sub3A_775 = arith.subf %sub3A_774, %mul3A_772 : vector<16xf32>
      %mul3A_776 = arith.mulf %bitcast_convert_type3A_767, %sub3A_775 : vector<16xf32>
      %mul3A_777 = arith.constant 5.000000e-01 : f32
      %mul3A_778 = vector.broadcast %mul3A_777 : f32 to vector<16xf32>
      %mul3A_779 = arith.mulf %mul3A_778, %max3A_762 : vector<16xf32>
      %mul3A_780 = arith.mulf %mul3A_779, %mul3A_776 : vector<16xf32>
      %mul3A_781 = arith.mulf %mul3A_780, %mul3A_776 : vector<16xf32>
      %sub3A_782 = arith.constant 1.500000e+00 : f32
      %sub3A_783 = vector.broadcast %sub3A_782 : f32 to vector<16xf32>
      %sub3A_784 = arith.subf %sub3A_783, %mul3A_781 : vector<16xf32>
      %mul3A_785 = arith.mulf %mul3A_776, %sub3A_784 : vector<16xf32>
      %mul3A_786 = arith.constant 5.000000e-01 : f32
      %mul3A_787 = vector.broadcast %mul3A_786 : f32 to vector<16xf32>
      %mul3A_788 = arith.mulf %mul3A_787, %max3A_762 : vector<16xf32>
      %mul3A_789 = arith.mulf %mul3A_788, %mul3A_785 : vector<16xf32>
      %mul3A_790 = arith.mulf %mul3A_789, %mul3A_785 : vector<16xf32>
      %sub3A_791 = arith.constant 1.500000e+00 : f32
      %sub3A_792 = vector.broadcast %sub3A_791 : f32 to vector<16xf32>
      %sub3A_793 = arith.subf %sub3A_792, %mul3A_790 : vector<16xf32>
      %mul3A_794 = arith.mulf %mul3A_785, %sub3A_793 : vector<16xf32>
      %mul3A_795 = arith.mulf %add3A_756, %mul3A_794 : vector<16xf32>
      %mul3A_796 = arith.mulf %mul3A_795, %mul3A_794 : vector<16xf32>
      %mul3A_797 = arith.constant 2.000000e+00 : f32
      %mul3A_798 = vector.broadcast %mul3A_797 : f32 to vector<16xf32>
      %mul3A_799 = arith.mulf %mul3A_798, %mul3A_794 : vector<16xf32>
      %mul3A_800 = arith.mulf %mul3A_799, %add3A_758 : vector<16xf32>
      %sub3A_801 = arith.subf %mul3A_796, %mul3A_800 : vector<16xf32>
      %add3A_802 = arith.addf %sub3A_801, %add3A_760 : vector<16xf32>
      %max3A_803 = arith.constant 0.000000e+00 : f32
      %max3A_804 = vector.broadcast %max3A_803 : f32 to vector<16xf32>
      %max3A_805 = arith.maximumf %add3A_802, %max3A_804 : vector<16xf32>
      %max3A_806 = arith.constant 1.000000e-36 : f32
      %max3A_807 = vector.broadcast %max3A_806 : f32 to vector<16xf32>
      %max3A_808 = arith.maximumf %max3A_805, %max3A_807 : vector<16xf32>
      %bitcast_convert_type3A_809 = tpu.bitcast %max3A_808 : vector<16xf32> -> vector<16xi32>
      %shift_right_arithmetic3A_810 = arith.constant 1 : i32
      %shift_right_arithmetic3A_811 = vector.broadcast %shift_right_arithmetic3A_810 : i32 to vector<16xi32>
      %shift_right_arithmetic3A_812 = arith.shrsi %bitcast_convert_type3A_809, %shift_right_arithmetic3A_811 : vector<16xi32>
      %sub3A_813 = arith.constant 1597463007 : i32
      %sub3A_814 = vector.broadcast %sub3A_813 : i32 to vector<16xi32>
      %sub3A_815 = arith.subi %sub3A_814, %shift_right_arithmetic3A_812 : vector<16xi32>
      %bitcast_convert_type3A_816 = tpu.bitcast %sub3A_815 : vector<16xi32> -> vector<16xf32>
      %mul3A_817 = arith.constant 5.000000e-01 : f32
      %mul3A_818 = vector.broadcast %mul3A_817 : f32 to vector<16xf32>
      %mul3A_819 = arith.mulf %mul3A_818, %max3A_808 : vector<16xf32>
      %mul3A_820 = arith.mulf %mul3A_819, %bitcast_convert_type3A_816 : vector<16xf32>
      %mul3A_821 = arith.mulf %mul3A_820, %bitcast_convert_type3A_816 : vector<16xf32>
      %sub3A_822 = arith.constant 1.500000e+00 : f32
      %sub3A_823 = vector.broadcast %sub3A_822 : f32 to vector<16xf32>
      %sub3A_824 = arith.subf %sub3A_823, %mul3A_821 : vector<16xf32>
      %mul3A_825 = arith.mulf %bitcast_convert_type3A_816, %sub3A_824 : vector<16xf32>
      %mul3A_826 = arith.constant 5.000000e-01 : f32
      %mul3A_827 = vector.broadcast %mul3A_826 : f32 to vector<16xf32>
      %mul3A_828 = arith.mulf %mul3A_827, %max3A_808 : vector<16xf32>
      %mul3A_829 = arith.mulf %mul3A_828, %mul3A_825 : vector<16xf32>
      %mul3A_830 = arith.mulf %mul3A_829, %mul3A_825 : vector<16xf32>
      %sub3A_831 = arith.constant 1.500000e+00 : f32
      %sub3A_832 = vector.broadcast %sub3A_831 : f32 to vector<16xf32>
      %sub3A_833 = arith.subf %sub3A_832, %mul3A_830 : vector<16xf32>
      %mul3A_834 = arith.mulf %mul3A_825, %sub3A_833 : vector<16xf32>
      %mul3A_835 = arith.constant 5.000000e-01 : f32
      %mul3A_836 = vector.broadcast %mul3A_835 : f32 to vector<16xf32>
      %mul3A_837 = arith.mulf %mul3A_836, %max3A_808 : vector<16xf32>
      %mul3A_838 = arith.mulf %mul3A_837, %mul3A_834 : vector<16xf32>
      %mul3A_839 = arith.mulf %mul3A_838, %mul3A_834 : vector<16xf32>
      %sub3A_840 = arith.constant 1.500000e+00 : f32
      %sub3A_841 = vector.broadcast %sub3A_840 : f32 to vector<16xf32>
      %sub3A_842 = arith.subf %sub3A_841, %mul3A_839 : vector<16xf32>
      %mul3A_843 = arith.mulf %mul3A_834, %sub3A_842 : vector<16xf32>
      %mul3A_844 = arith.mulf %max3A_805, %mul3A_843 : vector<16xf32>
      %mul3A_845 = arith.constant 16 : i32
      %mul3A_846 = arith.muli %scan3A_516, %mul3A_845 : i32
      %add3A_847 = arith.constant 256 : i32
      %add3A_848 = arith.addi %add3A_847, %mul3A_846 : i32
      %jit3A = arith.constant 128 : i32
      %div3A = arith.divsi %add3A_848, %jit3A : i32
      %sign3A = arith.constant 0 : i32
      %sign3A_849 = arith.cmpi sgt, %add3A_848, %sign3A : i32
      %sign3A_850 = arith.extui %sign3A_849 : i1 to i32
      %sign3A_851 = arith.constant 0 : i32
      %sign3A_852 = arith.cmpi slt, %add3A_848, %sign3A_851 : i32
      %sign3A_853 = arith.extui %sign3A_852 : i1 to i32
      %sign3A_854 = arith.subi %sign3A_850, %sign3A_853 : i32
      %sign3A_855 = arith.constant 0 : i32
      %sign3A_856 = arith.cmpi sgt, %jit3A, %sign3A_855 : i32
      %sign3A_857 = arith.extui %sign3A_856 : i1 to i32
      %sign3A_858 = arith.constant 0 : i32
      %sign3A_859 = arith.cmpi slt, %jit3A, %sign3A_858 : i32
      %sign3A_860 = arith.extui %sign3A_859 : i1 to i32
      %sign3A_861 = arith.subi %sign3A_857, %sign3A_860 : i32
      %ne3A = arith.cmpi ne, %sign3A_854, %sign3A_861 : i32
      %rem3A = arith.remsi %add3A_848, %jit3A : i32
      %ne3A_862 = arith.constant 0 : i32
      %ne3A_863 = arith.cmpi ne, %rem3A, %ne3A_862 : i32
      %and3A_864 = arith.andi %ne3A, %ne3A_863 : i1
      %sub3A_865 = arith.constant 1 : i32
      %sub3A_866 = arith.subi %div3A, %sub3A_865 : i32
      %select_n3A = arith.select %and3A_864, %sub3A_866, %div3A : i32
      %jit3A_867 = arith.constant 128 : i32
      %eq3A = arith.constant 0 : i32
      %eq3A_868 = arith.cmpi eq, %jit3A_867, %eq3A : i32
      %jit3A_869 = arith.constant 1 : i32
      %select_n3A_870 = arith.select %eq3A_868, %jit3A_869, %jit3A_867 : i32
      %rem3A_871 = arith.remsi %add3A_848, %select_n3A_870 : i32
      %ne3A_872 = arith.constant 0 : i32
      %ne3A_873 = arith.cmpi ne, %rem3A_871, %ne3A_872 : i32
      %lt3A = arith.constant 0 : i32
      %lt3A_874 = arith.cmpi slt, %rem3A_871, %lt3A : i32
      %lt3A_875 = arith.constant 0 : i32
      %lt3A_876 = arith.cmpi slt, %select_n3A_870, %lt3A_875 : i32
      %ne3A_877 = arith.xori %lt3A_874, %lt3A_876 : i1
      %and3A_878 = arith.andi %ne3A_877, %ne3A_873 : i1
      %add3A_879 = arith.addi %rem3A_871, %select_n3A_870 : i32
      %select_n3A_880 = arith.select %and3A_878, %add3A_879, %rem3A_871 : i32
      %mul3A_881 = arith.constant 1 : i32
      %mul3A_882 = arith.muli %select_n3A_880, %mul3A_881 : i32
      %swap3A_883 = arith.index_cast %select_n3A : i32 to index
      %swap3A_884 = arith.index_cast %mul3A_882 : i32 to index
      %swap3A_885 = tpu.vector_load %arg11[%swap3A_883, %swap3A_884] {strides = array<i32>} : memref<4x128xf32, #tpu.memory_space<vmem>>, vector<16xf32>,
      tpu.vector_store %arg11[%swap3A_883, %swap3A_884], %mul3A_844 {strides = array<i32>} : memref<4x128xf32, #tpu.memory_space<vmem>>, vector<16xf32>,
    }
    %scan3A_511 = arith.constant 16 : i32
    %mul3A_512 = arith.constant 4 : i32
    %mul3A_513 = arith.muli %add3A, %mul3A_512 : i32
    "tpu.region"() ({
      %run_scoped3A = tpu.sem_alloc : memref<!tpu.dma_semaphore, #tpu.memory_space<semaphore_mem>>
      %dma_start3A_516 = arith.constant 0 : i32
      %dma_start3A_517 = tpu.memref_slice %arg5[%mul3A_513, %dma_start3A_516] : memref<128x128xf32, #tpu.memory_space<hbm>> -> memref<4x128xf32, #tpu.memory_space<hbm>>
      %dma_start3A_518 = arith.constant 0 : i32
      %dma_start3A_519 = tpu.memref_slice %arg5[%mul3A_513, %dma_start3A_518] : memref<128x128xf32, #tpu.memory_space<hbm>> -> memref<4x128xf32, #tpu.memory_space<hbm>>
      tpu.enqueue_dma source(%arg11 : memref<4x128xf32, #tpu.memory_space<vmem>>) target(%dma_start3A_519 : memref<4x128xf32, #tpu.memory_space<hbm>>) target_semaphore(%run_scoped3A : memref<!tpu.dma_semaphore, #tpu.memory_space<semaphore_mem>>)
      %dma_wait3A_520 = arith.constant 0 : i32
      %dma_wait3A_521 = tpu.memref_slice %arg5[%mul3A_513, %dma_wait3A_520] : memref<128x128xf32, #tpu.memory_space<hbm>> -> memref<4x128xf32, #tpu.memory_space<hbm>>
      %dma_wait3A_522 = arith.constant 0 : i32
      %dma_wait3A_523 = tpu.memref_slice %arg5[%mul3A_513, %dma_wait3A_522] : memref<128x128xf32, #tpu.memory_space<hbm>> -> memref<4x128xf32, #tpu.memory_space<hbm>>
      tpu.wait_dma2 semaphore(%run_scoped3A : memref<!tpu.dma_semaphore, #tpu.memory_space<semaphore_mem>>) src(%arg11 : memref<4x128xf32, #tpu.memory_space<vmem>>) dst(%dma_wait3A_523 : memref<4x128xf32, #tpu.memory_space<hbm>>)
      tpu.yield
    }) : () -> ()
    %mul3A_514 = arith.constant 4 : i32
    %mul3A_515 = arith.muli %add3A, %mul3A_514 : i32
    "tpu.region"() ({
      %run_scoped3A = tpu.sem_alloc : memref<!tpu.dma_semaphore, #tpu.memory_space<semaphore_mem>>
      %dma_start3A_516 = arith.constant 0 : i32
      %dma_start3A_517 = tpu.memref_slice %arg6[%mul3A_515, %dma_start3A_516] : memref<128x128xi32, #tpu.memory_space<hbm>> -> memref<4x128xi32, #tpu.memory_space<hbm>>
      %dma_start3A_518 = arith.constant 0 : i32
      %dma_start3A_519 = tpu.memref_slice %arg6[%mul3A_515, %dma_start3A_518] : memref<128x128xi32, #tpu.memory_space<hbm>> -> memref<4x128xi32, #tpu.memory_space<hbm>>
      tpu.enqueue_dma source(%arg10 : memref<4x128xi32, #tpu.memory_space<vmem>>) target(%dma_start3A_519 : memref<4x128xi32, #tpu.memory_space<hbm>>) target_semaphore(%run_scoped3A : memref<!tpu.dma_semaphore, #tpu.memory_space<semaphore_mem>>)
      %dma_wait3A_520 = arith.constant 0 : i32
      %dma_wait3A_521 = tpu.memref_slice %arg6[%mul3A_515, %dma_wait3A_520] : memref<128x128xi32, #tpu.memory_space<hbm>> -> memref<4x128xi32, #tpu.memory_space<hbm>>
      %dma_wait3A_522 = arith.constant 0 : i32
      %dma_wait3A_523 = tpu.memref_slice %arg6[%mul3A_515, %dma_wait3A_522] : memref<128x128xi32, #tpu.memory_space<hbm>> -> memref<4x128xi32, #tpu.memory_space<hbm>>
      tpu.wait_dma2 semaphore(%run_scoped3A : memref<!tpu.dma_semaphore, #tpu.memory_space<semaphore_mem>>) src(%arg10 : memref<4x128xi32, #tpu.memory_space<vmem>>) dst(%dma_wait3A_523 : memref<4x128xi32, #tpu.memory_space<hbm>>)
      tpu.yield
    }) : () -> ()
    return
  }
}

module attributes {stable_mosaic.version = 14 : i64} {
  func.func @_combine_body(%arg0: memref<4x784x128xf32, #tpu.memory_space<vmem>>, %arg1: memref<1x1xf32, #tpu.memory_space<vmem>>) attributes {dimension_semantics = [], scalar_prefetch = 0 : i64, scratch_operands = 0 : i64, tpu.core_type = #tpu.core_type<tc>} {
    %get3A = arith.constant 0 : index
    %get3A_0 = arith.constant 0 : index
    %get3A_1 = arith.constant 0 : index
    %get3A_2 = vector.load %arg0[%get3A, %get3A_0, %get3A_1] : memref<4x784x128xf32, #tpu.memory_space<vmem>>, vector<1x784x128xf32>
    %get3A_3 = vector.shape_cast %get3A_2 : vector<1x784x128xf32> to vector<784x128xf32>
    %get3A_4 = arith.constant 2 : index
    %get3A_5 = arith.constant 0 : index
    %get3A_6 = arith.constant 0 : index
    %get3A_7 = vector.load %arg0[%get3A_4, %get3A_5, %get3A_6] : memref<4x784x128xf32, #tpu.memory_space<vmem>>, vector<1x784x128xf32>
    %get3A_8 = vector.shape_cast %get3A_7 : vector<1x784x128xf32> to vector<784x128xf32>
    %add3A = arith.addf %get3A_3, %get3A_8 : vector<784x128xf32>
    %get3A_9 = arith.constant 1 : index
    %get3A_10 = arith.constant 0 : index
    %get3A_11 = arith.constant 0 : index
    %get3A_12 = vector.load %arg0[%get3A_9, %get3A_10, %get3A_11] : memref<4x784x128xf32, #tpu.memory_space<vmem>>, vector<1x784x128xf32>
    %get3A_13 = vector.shape_cast %get3A_12 : vector<1x784x128xf32> to vector<784x128xf32>
    %get3A_14 = arith.constant 3 : index
    %get3A_15 = arith.constant 0 : index
    %get3A_16 = arith.constant 0 : index
    %get3A_17 = vector.load %arg0[%get3A_14, %get3A_15, %get3A_16] : memref<4x784x128xf32, #tpu.memory_space<vmem>>, vector<1x784x128xf32>
    %get3A_18 = vector.shape_cast %get3A_17 : vector<1x784x128xf32> to vector<784x128xf32>
    %add3A_19 = arith.addf %get3A_13, %get3A_18 : vector<784x128xf32>
    %max3A = arith.constant 1.000000e+00 : f32
    %max3A_20 = vector.broadcast %max3A : f32 to vector<784x128xf32>
    %max3A_21 = arith.maximumf %add3A, %max3A_20 : vector<784x128xf32>
    %div3A = arith.divf %add3A_19, %max3A_21 : vector<784x128xf32>
    %reduce_sum3A = vector.shape_cast %div3A : vector<784x128xf32> to vector<1x784x128xf32>
    %reduce_sum3A_22 = arith.constant dense<0.000000e+00> : vector<1xf32>
    %reduce_sum3A_23 = vector.multi_reduction <add>, %reduce_sum3A, %reduce_sum3A_22 [1, 2] : vector<1x784x128xf32> to vector<1xf32>
    %reduce_sum3A_24 = vector.shape_cast %reduce_sum3A_23 : vector<1xf32> to vector<1x1x1xf32>
    %reduce_sum3A_25 = vector.extract %reduce_sum3A_24[0, 0, 0] : f32 from vector<1x1x1xf32>
    %reshape3A = vector.broadcast %reduce_sum3A_25 : f32 to vector<1x1xf32>
    %swap3A = arith.constant 0 : index
    %swap3A_26 = arith.constant 0 : index
    %swap3A_27 = vector.load %arg1[%swap3A, %swap3A_26] : memref<1x1xf32, #tpu.memory_space<vmem>>, vector<1x1xf32>
    tpu.vector_store %arg1[%swap3A, %swap3A_26], %reshape3A {strides = array<i32>} : memref<1x1xf32, #tpu.memory_space<vmem>>, vector<1x1xf32>,
    return
  }
}

</mosaic_0001>

<sc_bundles>
// kernel: kernel.5.cloned.1.call-start
scs
__scs_entry_jumppad:
0x0: {  	(pc) =	sbr.rel $0x88, $3  }
0x1: {  	(tag) =	ssettag $0x0;
	lr =	simm.s32 $0x1  }
0x2: {  	[smem:$0x3F9E] =	sst lr;
	_ =	strace $0xD0000000  }
0x3: {  	_ = 	snop  }
0x4: {  	_ = 	snop  }
0x5: {  	_ = 	snop  }
0x6: {  	_ = 	snop  }
0x7: {  	_ = 	snop  }
__scs_overlays_trampoline_lowered:
0x8: {  	[smem:$0x3FAD] =	sst s0  }
0x9: {  	[smem:$0x3FAE] =	sst s1  }
0xa: {  	[smem:$0x3FAF] =	sst s2  }
0xb: {  	[smem:$0x3FB0] =	sst s3  }
0xc: {  	[smem:$0x3FB1] =	sst s4  }
0xd: {  	[smem:$0x3FB2] =	sst s5  }
0xe: {  	[smem:$0x3FB3] =	sst s6  }
0xf: {  	[smem:$0x3FB4] =	sst s7  }
0x10: {  	[smem:$0x3FB5] =	sst s8  }
0x11: {  	[smem:$0x3FB6] =	sst s9;
	s0 =	simm.s32 @!p0 $0x0  }
0x12: {  	s1 =	sld [smem:$0x3F9C];
	s0 =	simm.s32 @p0 $0x1  }
0x13: {  	[smem:$0x3FB7] =	sst s0;
	s0 =	simm.s32 @!p1 $0x0  }
0x14: {  	s2 =	sld [smem:$0x3F9B];
	s0 =	simm.s32 @p1 $0x1  }
0x15: {  	[smem:$0x3FB8] =	sst s0;
	s0 =	simm.s32 @!p2 $0x0  }
0x16: {  	s3 =	sld [smem:$0x3FDB];
	s0 =	simm.s32 @p2 $0x1  }
0x17: {  	s4 =	simm.s32 $0x1BF5;
	[smem:$0x3FBA] =	sst s0  }
0x18: {  	s0 =	sld [smem:$0x3F9D];
	_ =	swait.ge [sflag:s4], $0x0  }
0x19: {  	s7 =	sld [smem:$0x3F9E]  }
0x1a: {  	s8 =	sadd.s32 $0xFFFFE003, lr  }
0x1b: {  	s9 =	sadd.s32 $0xFFFFFEF7, lr;
	s5 =	simm.s32 $0xFFFFFFFF;
	p2 =	slt.u32 s8, $0xFFFFF086  }
0x1c: {  	p1 =	slt.u32 s9, $0xF7A;
	s5 =	simm.s32 @!p2 $0x0  }
0x1d: {  	s5 =	simm.s32 @p1 $0x1;
	p0 =	seq.s32 s7, s2  }
0x1e: {  	s7 =	smul.u32 @!p0 $0xF7A, s2;
	p2 =	seq.s32 @!p0 s5, $0x0  }
0x1f: {  	s9 =	smul.u32 $0xF7A, s1;
	s8 =	simm.s32 @!p0 $0x1BF5;
	p2 =	por !p2, p0  }
0x20: {  	[sflag:s8] =	ssyncset.s32 @!p0 $0xFFFFF086;
	s6 =	sadd.s32 @!p0 s3, s7;
	s7 =	simm.s32 @!p0 $0x108  }
0x21: {  	s3 =	sadd.s32 s3, s9;
	s6 =	sadd.s32 @!p0 $0x88, s6;
	s7 =	simm.s32 @p2 $0x1082  }
0x22: {  	[simem:s7], [sflag:s8] =	dma.local @!p0 [hbm:s6], $0xF7A  }
0x23: {  	s9 =	sor.u32 $0xD0000000, s2;
	s6 =	simm.s32 $0x108;
	_ =	swait.ge @!p0 [sflag:s8], $0x0  }
0x24: {  	s3 =	sadd.s32 $0x88, s3;
	s6 =	simm.s32 @!p1 $0x1082;
	[sflag:s4] =	ssyncset.s32 $0xFFFFF086  }
0x25: {  	[simem:s6], [sflag:s4] =	dma.local [hbm:s3], $0xF7A  }
0x26: {  	[smem:$0x3F9E] =	sst s1;
	(tag) =	ssettag s2;
	_ =	strace s9  }
0x27: {  	s1 =	sld [smem:$0x3FAE]  }
0x28: {  	s2 =	sld [smem:$0x3FAF]  }
0x29: {  	s4 =	sld [smem:$0x3FB1]  }
0x2a: {  	p0 =	seq.s32 s5, $0x0;
	s5 =	sld [smem:$0x3FB2]  }
0x2b: {  	s6 =	sld [smem:$0x3FB3]  }
0x2c: {  	s7 =	sld [smem:$0x3FB4]  }
0x2d: {  	s3 =	simm.s32 $0x108;
	s8 =	sld [smem:$0x3FB5]  }
0x2e: {  	s3 =	simm.s32 @!p0 $0x1082;
	s9 =	sld [smem:$0x3FB6]  }
0x2f: {  	lr =	sadd.s32 s0, s3;
	s0 =	sld [smem:$0x3FAD]  }
0x30: {  	s3 =	sld [smem:$0x3FB0]  }
0x31: {  	[smem:$0x3FB9] =	sst s10  }
0x32: {  	s10 =	sld [smem:$0x3FB7];
	_ =	sdelay $0x3  }
0x33: {  	p0 =	seq.s32 s10, $0x1;
	s10 =	sld [smem:$0x3FB9];
	_ =	sdelay $0x3  }
0x34: {  	[smem:$0x3FB9] =	sst s10  }
0x35: {  	s10 =	sld [smem:$0x3FB8];
	_ =	sdelay $0x3  }
0x36: {  	p1 =	seq.s32 s10, $0x1;
	s10 =	sld [smem:$0x3FB9];
	_ =	sdelay $0x3  }
0x37: {  	[smem:$0x3FB9] =	sst s10  }
0x38: {  	s10 =	sld [smem:$0x3FBA]  }
0x39: {  	_ = 	snop;
	(pc) =	sbr.ind lr, $3  }
0x3a: {  	_ = 	snop  }
0x3b: {  	_ = 	snop  }
0x3c: {  	p2 =	seq.s32 s10, $0x1;
	s10 =	sld [smem:$0x3FB9]  }
0x3d: {  	_ =	shalt  }
0x3e: {  	_ =	shalt  }
0x3f: {  	_ =	shalt  }
0x40: {  	_ =	shalt  }
0x41: {  	_ =	shalt  }
0x42: {  	_ =	shalt  }
0x43: {  	_ =	shalt  }
0x44: {  	_ =	shalt  }
0x45: {  	_ =	shalt  }
0x46: {  	_ =	shalt  }
0x47: {  	_ =	shalt  }
0x48: {  	_ =	shalt  }
0x49: {  	_ =	shalt  }
0x4a: {  	_ =	shalt  }
0x4b: {  	_ =	shalt  }
0x4c: {  	_ =	shalt  }
0x4d: {  	_ =	shalt  }
0x4e: {  	_ =	shalt  }
0x4f: {  	_ =	shalt  }
0x50: {  	_ =	shalt  }
0x51: {  	_ =	shalt  }
0x52: {  	_ =	shalt  }
0x53: {  	_ =	shalt  }
0x54: {  	_ =	shalt  }
0x55: {  	_ =	shalt  }
0x56: {  	_ =	shalt  }
0x57: {  	_ =	shalt  }
0x58: {  	_ =	shalt  }
0x59: {  	_ =	shalt  }
0x5a: {  	_ =	shalt  }
0x5b: {  	_ =	shalt  }
0x5c: {  	_ =	shalt  }
0x5d: {  	_ =	shalt  }
0x5e: {  	_ =	shalt  }
0x5f: {  	_ =	shalt  }
0x60: {  	_ =	shalt  }
0x61: {  	_ =	shalt  }
0x62: {  	_ =	shalt  }
0x63: {  	_ =	shalt  }
0x64: {  	_ =	shalt  }
0x65: {  	_ =	shalt  }
0x66: {  	_ =	shalt  }
0x67: {  	_ =	shalt  }
0x68: {  	_ =	shalt  }
0x69: {  	_ =	shalt  }
0x6a: {  	_ =	shalt  }
0x6b: {  	_ =	shalt  }
0x6c: {  	_ =	shalt  }
0x6d: {  	_ =	shalt  }
0x6e: {  	_ =	shalt  }
0x6f: {  	_ =	shalt  }
0x70: {  	_ =	shalt  }
0x71: {  	_ =	shalt  }
0x72: {  	_ =	shalt  }
0x73: {  	_ =	shalt  }
0x74: {  	_ =	shalt  }
0x75: {  	_ =	shalt  }
0x76: {  	_ =	shalt  }
0x77: {  	_ =	shalt  }
0x78: {  	_ =	shalt  }
0x79: {  	_ =	shalt  }
0x7a: {  	_ =	shalt  }
0x7b: {  	_ =	shalt  }
0x7c: {  	_ =	shalt  }
0x7d: {  	_ =	shalt  }
0x7e: {  	_ =	shalt  }
0x7f: {  	_ =	shalt  }
0x80: {  	_ =	shalt  }
0x81: {  	_ =	shalt  }
0x82: {  	_ =	shalt  }
0x83: {  	_ =	shalt  }
0x84: {  	_ =	shalt  }
0x85: {  	_ =	shalt  }
0x86: {  	_ =	shalt  }
0x87: {  	_ =	shalt  }
.Lfunc_end0:
.L_simem_size_0:
called_computation_lowered:
.L_overlay_start_0:
0x88: {  	s2 =	sld [smem:$0x3FD9]  }
0x89: {  	s3 =	sld [smem:$0x3FFE];
	_ =	sdelay $0x1  }
0x8a: {  	s1 =	srdreg.scid  }
0x8b: {  	s0 =	sand.u32 $0x1, s1  }
0x8c: {  	s17 =	sshll.u32 s0, $0xA;
	s2 =	sadd.s32 s3, s2  }
0x8d: {  	s2 =	sadd.s32 s2, s17  }
0x8e: {  	[smem:$0x3FC5] =	sst s2  }
0x8f: {  	_ = 	snop  }
0x90: {  	s2 =	sld [smem:$0x3FC8];
	(tm) =	ssettm $0x1  }
0x91: {  	s18 =	sld [smem:$0x3FFB];
	_ =	sdelay $0x3  }
0x92: {  	_ =	strace s18  }
0x93: {  	s3 =	sld [smem:$0x3FFC];
	_ =	sdelay $0x3  }
0x94: {  	_ =	strace s3  }
0x95: {  	s3 =	sld [smem:$0x3FFD];
	_ =	sdelay $0x3  }
0x96: {  	_ =	strace s3  }
0x97: {  	_ =	strace $0x8FFFFFFF  }
0x98: {  	s19 =	sld [smem:$0x3FDB];
	_ =	sdelay $0x1  }
0x99: {  	s4 =	simm.s32 $_scs_section_size  }
0x9a: {  	s5 =	simm.s32 $_size__tile_overlayer_lowered;
	s6 =	simm.s32 $_tile_overlayer_lowered  }
0x9b: {  	s22 =	simm.s32 $0x1BFF;
	s21 =	sshll.u32 s6, $0x1;
	s3 =	sadd.s32 s4, s19  }
0x9c: {  	s7 =	simm.s32 $0x0;
	s20 =	sshll.u32 s5, $0x1;
	s5 =	sadd.s32 s21, s3  }
0x9d: {  	[timem:s7], [sflag:s22] =	dma.local [hbm:s5], s20  }
0x9e: {  	_ =	swait.ge [sflag:s22], s20  }
0x9f: {  	s4 =	ssub.s32 $0x0, s20;
	[sflag:s22] =	ssyncset.done $0x0  }
0xa0: {  	[sflag:s22] =	ssyncadd.s32 s4;
	_ =	sdelay $0x1  }
0xa1: {  	s23 =	simm.s32 $0x1B8B  }
0xa2: {  	_ =	swait.ge [sflag:s23], $0x1  }
0xa3: {  	[sflag:s23] =	ssyncset.done $0x0  }
0xa4: {  	s25 =	simm.s32 $0x1B8E;
	s24 =	sld [smem:$0x3FFE];
	[sflag:s23] =	ssyncadd.s32 $0xFFFFFFFF  }
0xa5: {  	s26 =	simm.s32 $execute0_lowered;
	[smem:$0x3FD2] =	sst s25  }
0xa6: {  	s5 =	sshll.u32 s26, $0x1;
	_ =	strace $0x80000046;
	[dreg:$0x1] =	wrdreg $0xFFFFFFFF  }
0xa7: {  	s28 =	simm.s32 $_size_execute0_lowered;
	s3 =	sadd.s32 s3, s5;
	[dreg:$0x0] =	wrdreg $0x0  }
0xa8: {  	s5 =	sshll.u32 s28, $0x1;
	[dreg:$0x2] =	wrdreg s3  }
0xa9: {  	[dreg:$0x3] =	wrdreg s5  }
0xaa: {  	[dreg:$0x4] =	wrdreg $0xC0  }
0xab: {  	_ =	task [dreg:s7], $0x5FFFF  }
0xac: {  	[dreg:$0x1] =	wrdreg $0xFFFFFFFF  }
0xad: {  	[dreg:$0x0] =	wrdreg $0x60  }
0xae: {  	[dreg:$0x2] =	wrdreg s24  }
0xaf: {  	[dreg:$0x3] =	wrdreg s2  }
0xb0: {  	[dreg:$0x4] =	wrdreg $0x9  }
0xb1: {  	_ =	task.clear_ibuf [dreg:s7], $0x5FFFF;
	_ =	strace $0x90000046  }
0xb2: {  	s29 =	simm.s32 $0x9;
	_ =	strace $0x80000048  }
0xb3: {  	_ =	swait.ge [sflag:s29], $0x1  }
0xb4: {  	[sflag:s29] =	ssyncadd.s32 $0xFFFFFFFF  }
0xb5: {  	_ =	strace $0x90000048  }
0xb6: {  	_ =	sfence  }
0xb7: {  	s30 =	sld [smem:$0x0];
	_ =	sdelay $0x2  }
0xb8: {  	s31 =	sshll.u32 s1, $0xD;
	s1 =	sshrl.u32 s1, $0x2  }
0xb9: {  	s3 =	sand.u32 $0x4000, s31;
	s1 =	sadd.s32 s1, s30  }
0xba: {  	s0 =	sor.u32 s3, s0;
	s1 =	sshll.u32 s1, $0x11  }
0xbb: {  	s0 =	sor.u32 s1, s0  }
0xbc: {  	s0 =	sadd.s32 $0x8F2B, s0  }
0xbd: {  	[sflag:s0] =	ssyncadd.remote.s32 $0x1  }
0xbe: {  	_ =	sfence.sel $0xFFFF  }
0xbf: {  	[dreg:$0x0] =	wrdreg $0xFFFFFFFF;
	(pc) =	sbr.abs _section_cstart, $3  }
0xc0: {  	[dreg:$0x1] =	wrdreg $0xFFFFFFFF  }
0xc1: {  	_ =	task.clear_ibuf [dreg:s7], $0x2FFFF;
	_ =	strace $0x9FFFFFFF  }
0xc2: {  	(tm) =	ssettm $0x7FFFFFFF  }
0xc3: {  	_ =	shalt  }
tec
execute0_lowered:
.L_overlay_start_1:
0x0: {  	(tag) =	ssettag $0x1  }
0x1: {  	s0 =	rddreg [dreg:$0x0];
	s2 =	srdreg.scid  }
0x2: {  	s1 =	rddreg [dreg:$0x1];
	s8 =	simm.s32 $0x0;
	s3 =	sand.u32 $0x1, s2  }
0x3: {  	s25 =	stileid.u32;
	[smem:$0x7FF] =	sst s8;
	s4 =	sshll.u32 s3, $0x4  }
0x4: {  	s6 =	sshll.u32 s25, $0x6;
	_ =	strace $0x80000047;
	s4 =	sor.u32 s25, s4  }
0x5: {  	v0 =	vlaneseq.u32;
	s6 =	sand.u32 $0x40, s6;
	s7 =	ssub.s32 $0x2, s3;
	s5 =	sshll.u32 s4, $0xD  }
0x6: {  	v1 =	vand.u32 $0x7, v0;
	v0 =	vmul.u32 $0x10, v0;
	s3 =	sadd.s32 $0x40E00, s0;
	s4 =	sshll.u32 s4, $0x6;
	s5 =	sadd.s32 s5, s0  }
0x7: {  	s26 =	sshrl.u32 s7, $0x1;
	s4 =	sand.u32 $0x780, s4;
	s28 =	sadd.s32 $0xE00, s5  }
0x8: {  	v1 =	vmul.u32 $0x10, v1;
	v2 =	vor.u32 $0x1, v0;
	s4 =	sor.u32 s6, s4;
	s29 =	sadd.s32 $0x1E00, s5;
	[dreg:$0x4] =	wrdreg s28  }
0x9: {  	v3 =	vor.u32 $0x2, v0;
	v4 =	vor.u32 $0x3, v0;
	v5 =	vor.u32 $0x4, v0;
	s6 =	ssub.s32 s7, s26;
	s1 =	sadd.s32 s1, s4;
	[dreg:$0x5] =	wrdreg s29  }
0xa: {  	v6 =	vor.u32 $0x5, v0;
	v7 =	vor.u32 $0x6, v0;
	v8 =	vor.u32 $0x7, v0;
	s0 =	sadd.s32 s4, s0;
	s31 =	smax.u32 s6, $0x1;
	[dreg:$0x3] =	wrdreg s1  }
0xb: {  	v9 =	vor.u32 $0x8, v0;
	v10 =	vor.u32 $0x9, v0;
	v11 =	vor.u32 $0xA, v0;
	s30 =	sadd.s32 $0x1C7800, s0;
	[dreg:$0x8] =	wrdreg s31  }
0xc: {  	s16 =	simm.s32 $0x12600;
	v12 =	vor.u32 $0xB, v0;
	v13 =	vor.u32 $0xC, v0;
	v14 =	vor.u32 $0xD, v0;
	s0 =	sadd.s32 $0x1C8000, s0;
	[dreg:$0x6] =	wrdreg s30  }
0xd: {  	s2 =	simm.s32 $0x3;
	v15 =	vor.u32 $0xE, v0;
	v16 =	vor.u32 $0xF, v0;
	v1 =	vor.u32 $0xFFFFFF80, v1;
	s1 =	simm.s32 $0x0;
	[dreg:$0x7] =	wrdreg s0  }
.LBB2_1:
0xe: {  	[dreg:$0x9] =	wrdreg s1  }
0xf: {  	s0 =	rddreg [dreg:$0x3];
	s26 =	simm.s32 $0x10000  }
0x10: {  	[tilespmem:s26], [sflag:$0x3] =	stream.linear.gather [hbm4b:s0+s8], $0x200, $0x38;
	[tilespmem:$0x13600] =	vst v63  }
0x11: {  	_ =	swait.ge [sflag:s2], $0x200  }
0x12: {  	[sflag:s2] =	ssyncset.done $0x0  }
0x13: {  	[sflag:s2] =	ssyncadd.s32 $0xFFFFFE00  }
0x14: {  	v17 =	vld [tilespmem:$0x10000]  }
0x15: {  	v18 =	vld [tilespmem:$0x10010]  }
0x16: {  	v19 =	vld [tilespmem:$0x10020]  }
0x17: {  	v20 =	vld [tilespmem:$0x10030]  }
0x18: {  	v21 =	vld [tilespmem:$0x10040]  }
0x19: {  	v22 =	vld [tilespmem:$0x10050];
	v17 =	vtrunc.f32 v17  }
0x1a: {  	v23 =	vld [tilespmem:$0x10060];
	v18 =	vtrunc.f32 v18;
	v17 =	vcvt.f32.s32 v17  }
0x1b: {  	v24 =	vld [tilespmem:$0x10070];
	v19 =	vtrunc.f32 v19;
	v18 =	vcvt.f32.s32 v18  }
0x1c: {  	v40 =	vld [tilespmem:$0x10080];
	[tilespmem:$0x10200] =	vst v17;
	v17 =	vcvt.f32.s32 v19;
	v19 =	vtrunc.f32 v20  }
0x1d: {  	v41 =	vld [tilespmem:$0x10090];
	[tilespmem:$0x10210] =	vst v18;
	v18 =	vcvt.f32.s32 v19;
	v19 =	vtrunc.f32 v21  }
0x1e: {  	v42 =	vld [tilespmem:$0x100A0];
	[tilespmem:$0x10220] =	vst v17;
	v17 =	vcvt.f32.s32 v19;
	v19 =	vtrunc.f32 v22  }
0x1f: {  	v43 =	vld [tilespmem:$0x100B0];
	[tilespmem:$0x10230] =	vst v18;
	v18 =	vcvt.f32.s32 v19;
	v19 =	vtrunc.f32 v23  }
0x20: {  	v44 =	vld [tilespmem:$0x100C0];
	[tilespmem:$0x10240] =	vst v17;
	v17 =	vcvt.f32.s32 v19;
	v19 =	vtrunc.f32 v24  }
0x21: {  	v45 =	vld [tilespmem:$0x100D0];
	[tilespmem:$0x10250] =	vst v18;
	v18 =	vcvt.f32.s32 v19;
	v19 =	vtrunc.f32 v40  }
0x22: {  	v46 =	vld [tilespmem:$0x100E0];
	[tilespmem:$0x10260] =	vst v17;
	v17 =	vcvt.f32.s32 v19;
	v19 =	vtrunc.f32 v41  }
0x23: {  	v47 =	vld [tilespmem:$0x100F0];
	[tilespmem:$0x10270] =	vst v18;
	v18 =	vcvt.f32.s32 v19;
	v19 =	vtrunc.f32 v42  }
0x24: {  	v48 =	vld [tilespmem:$0x10100];
	[tilespmem:$0x10280] =	vst v17;
	v17 =	vcvt.f32.s32 v19;
	v19 =	vtrunc.f32 v43  }
0x25: {  	v49 =	vld [tilespmem:$0x10110];
	[tilespmem:$0x10290] =	vst v18;
	v18 =	vcvt.f32.s32 v19;
	v19 =	vtrunc.f32 v44  }
0x26: {  	v50 =	vld [tilespmem:$0x10120];
	[tilespmem:$0x102A0] =	vst v17;
	v17 =	vcvt.f32.s32 v19;
	v19 =	vtrunc.f32 v45  }
0x27: {  	v51 =	vld [tilespmem:$0x10130];
	[tilespmem:$0x102B0] =	vst v18;
	v18 =	vcvt.f32.s32 v19;
	v19 =	vtrunc.f32 v46  }
0x28: {  	v52 =	vld [tilespmem:$0x10140];
	[tilespmem:$0x102C0] =	vst v17;
	v17 =	vcvt.f32.s32 v19;
	v19 =	vtrunc.f32 v47  }
0x29: {  	v53 =	vld [tilespmem:$0x10150];
	[tilespmem:$0x102D0] =	vst v18;
	v18 =	vcvt.f32.s32 v19;
	v19 =	vtrunc.f32 v48  }
0x2a: {  	v54 =	vld [tilespmem:$0x10160];
	[tilespmem:$0x102E0] =	vst v17;
	v17 =	vcvt.f32.s32 v19;
	v19 =	vtrunc.f32 v49  }
0x2b: {  	v55 =	vld [tilespmem:$0x10170];
	[tilespmem:$0x102F0] =	vst v18;
	v18 =	vcvt.f32.s32 v19;
	v19 =	vtrunc.f32 v50  }
0x2c: {  	v56 =	vld [tilespmem:$0x10180];
	[tilespmem:$0x10300] =	vst v17;
	v17 =	vcvt.f32.s32 v19;
	v19 =	vtrunc.f32 v51  }
0x2d: {  	v57 =	vld [tilespmem:$0x10190];
	[tilespmem:$0x10310] =	vst v18;
	v18 =	vcvt.f32.s32 v19;
	v19 =	vtrunc.f32 v52  }
0x2e: {  	v58 =	vld [tilespmem:$0x101A0];
	[tilespmem:$0x10320] =	vst v17;
	v17 =	vcvt.f32.s32 v19;
	v19 =	vtrunc.f32 v53  }
0x2f: {  	v59 =	vld [tilespmem:$0x101B0];
	[tilespmem:$0x10330] =	vst v18;
	v18 =	vcvt.f32.s32 v19;
	v19 =	vtrunc.f32 v54  }
0x30: {  	v60 =	vld [tilespmem:$0x101C0];
	[tilespmem:$0x10340] =	vst v17;
	v17 =	vcvt.f32.s32 v19;
	v19 =	vtrunc.f32 v55  }
0x31: {  	v61 =	vld [tilespmem:$0x101D0];
	[tilespmem:$0x10350] =	vst v18;
	v18 =	vcvt.f32.s32 v19;
	v19 =	vtrunc.f32 v56  }
0x32: {  	v62 =	vld [tilespmem:$0x101E0];
	[tilespmem:$0x10360] =	vst v17;
	v17 =	vcvt.f32.s32 v19;
	v19 =	vtrunc.f32 v57  }
0x33: {  	v63 =	vld [tilespmem:$0x101F0];
	[tilespmem:$0x10370] =	vst v18;
	v18 =	vcvt.f32.s32 v19;
	v19 =	vtrunc.f32 v58  }
0x34: {  	[tilespmem:$0x10380] =	vst v17;
	v17 =	vcvt.f32.s32 v19;
	v19 =	vtrunc.f32 v59  }
0x35: {  	[tilespmem:$0x10390] =	vst v18;
	v18 =	vcvt.f32.s32 v19;
	v19 =	vtrunc.f32 v60  }
0x36: {  	[tilespmem:$0x103A0] =	vst v17;
	v17 =	vcvt.f32.s32 v19;
	v19 =	vtrunc.f32 v61  }
0x37: {  	[tilespmem:$0x103B0] =	vst v18;
	v18 =	vcvt.f32.s32 v19;
	v19 =	vtrunc.f32 v62  }
0x38: {  	[tilespmem:$0x103C0] =	vst v17;
	v17 =	vcvt.f32.s32 v19;
	v19 =	vtrunc.f32 v63  }
0x39: {  	s30 =	sand.u32 $0x200, s8;
	[tilespmem:$0x103D0] =	vst v18;
	v18 =	vcvt.f32.s32 v19  }
0x3a: {  	s31 =	sand.u32 $0x70, s8;
	s0 =	sshrl.u32 s30, $0x2;
	[tilespmem:$0x103E0] =	vst v17  }
0x3b: {  	s0 =	sor.u32 s31, s0;
	s29 =	rddreg [dreg:$0x4];
	[tilespmem:$0x103F0] =	vst v18  }
0x3c: {  	[tilespmem:s8], [sflag:$0x2] =	stream.linear.gather [hbm4b:s29+s8], $0x8000, $0x38;
	[tilespmem:$0x13600] =	vst v63  }
0x3d: {  	v17 =	vld [tilespmem:s0+$0x10200];
	_ =	sdelay $0x4  }
0x3e: {  	v17 =	vshll.u32 v17, $0x4  }
0x3f: {  	(v2sf) =	vpush v17, $0x1  }
0x40: {  	(v2sf) =	vpush v17, $0x0  }
0x41: {  	s21 =	simm.s32 $0x2000;
	s24 =	simm.s32 $0x40;
	s23 =	simm.s32 $0x10;
	(v2sf) =	vpush v17, $0x3  }
0x42: {  	s15 =	simm.s32 $0x0;
	s25 =	simm.s32 $0x4000;
	s22 =	simm.s32 $0x0;
	(v2sf) =	vpush v17, $0x2  }
0x43: {  	s20 =	simm.s32 $0x0;
	s28 =	sand.u32 $0x200, s24;
	s26 =	simm.s32 $0x20;
	(v2sf) =	vpush v17, $0x4  }
.LBB2_2:
0x44: {  	s7 =	sadd.s32 $0x8080, s22;
	s31 =	sadd.s32 $0x8580, s22  }
0x45: {  	s29 =	smov.u32 s21;
	s21 =	smov.u32 s25;
	s25 =	sadd.s32 $0x2000, s25  }
0x46: {  	s18 =	sadd.s32 $0x8380, s22;
	s0 =	sadd.s32 $0x8600, s22;
	p0 =	sne.s32 s25, $0x20000  }
0x47: {  	s5 =	sadd.s32 $0x8280, s22;
	s17 =	sadd.s32 $0x8400, s22;
	s30 =	sadd.s32 $0x8680, s22  }
0x48: {  	s8 =	sadd.s32 $0x8000, s22;
	s9 =	sadd.s32 $0x8200, s22;
	(v2sf) =	vpush v17, $0x5  }
0x49: {  	s6 =	sadd.s32 $0x8300, s22  }
0x4a: {  	s13 =	sadd.s32 $0x8100, s22;
	s10 =	sadd.s32 $0x8500, s22;
	(v2sf) =	vpush v17, $0x6  }
0x4b: {  	s4 =	sadd.s32 $0x8480, s22  }
0x4c: {  	(v2sf) =	vpush v17, $0x7;
	_ =	sdelay $0x1  }
0x4d: {  	s11 =	sadd.s32 $0x8180, s22;
	s19 =	spop (v2sf);
	(v2sf) =	vpush v17, $0x8  }
0x4e: {  	s1 =	sadd.s32 $0x8780, s22;
	p1 =	slt.u32 s20, $0x7;
	s12 =	spop (v2sf)  }
0x4f: {  	s19 =	sand.u32 $0x1FFFFFF0, s19;
	s12 =	sand.u32 $0x1FFFFFF0, s12;
	s2 =	spop (v2sf);
	(v2sf) =	vpush v17, $0x9  }
0x50: {  	s19 =	sadd.s32 s3, s19;
	s12 =	sadd.s32 s3, s12;
	s14 =	spop (v2sf)  }
0x51: {  	[tilespmem:s8], [sflag:$0x1] =	stream.linear.gather [hbm4b:s12+s15], $0x80, $0x38;
	(v2sf) =	vpush v17, $0xA;
	[tilespmem:$0x13600] =	vst v63  }
0x52: {  	s2 =	sand.u32 $0x1FFFFFF0, s2;
	s8 =	sand.u32 $0x1FFFFFF0, s14;
	s12 =	spop (v2sf)  }
0x53: {  	[tilespmem:s7], [sflag:$0x1] =	stream.linear.gather [hbm4b:s19+s15], $0x80, $0x38;
	(v2sf) =	vpush v17, $0xB;
	[tilespmem:$0x13600] =	vst v63  }
0x54: {  	s2 =	sadd.s32 s3, s2;
	s7 =	sadd.s32 s3, s8;
	s8 =	sand.u32 $0x1FFFFFF0, s12  }
0x55: {  	[tilespmem:s13], [sflag:$0x1] =	stream.linear.gather [hbm4b:s7+s15], $0x80, $0x38;
	(v2sf) =	vpush v17, $0xC;
	[tilespmem:$0x13600] =	vst v63  }
0x56: {  	s23 =	sand.u32 $0x70, s23;
	s28 =	sshrl.u32 s28, $0x2;
	s7 =	spop (v2sf)  }
0x57: {  	[tilespmem:s11], [sflag:$0x1] =	stream.linear.gather [hbm4b:s2+s15], $0x80, $0x38;
	(v2sf) =	vpush v17, $0xD;
	[tilespmem:$0x13600] =	vst v63  }
0x58: {  	s2 =	sadd.s32 s3, s8;
	s7 =	sand.u32 $0x1FFFFFF0, s7;
	s8 =	spop (v2sf)  }
0x59: {  	[tilespmem:s9], [sflag:$0x1] =	stream.linear.gather [hbm4b:s2+s15], $0x80, $0x38;
	(v2sf) =	vpush v17, $0xE;
	[tilespmem:$0x13600] =	vst v63  }
0x5a: {  	s2 =	sadd.s32 s3, s7;
	s7 =	sand.u32 $0x1FFFFFF0, s8;
	s8 =	spop (v2sf)  }
0x5b: {  	[tilespmem:s5], [sflag:$0x1] =	stream.linear.gather [hbm4b:s2+s15], $0x80, $0x38;
	(v2sf) =	vpush v17, $0xF;
	[tilespmem:$0x13600] =	vst v63  }
0x5c: {  	s2 =	sadd.s32 s3, s7;
	s5 =	sand.u32 $0x1FFFFFF0, s8;
	s7 =	spop (v2sf)  }
0x5d: {  	[tilespmem:s6], [sflag:$0x1] =	stream.linear.gather [hbm4b:s2+s15], $0x80, $0x38;
	[tilespmem:$0x13600] =	vst v63  }
0x5e: {  	s2 =	sadd.s32 s3, s5;
	s5 =	sand.u32 $0x1FFFFFF0, s7;
	s6 =	spop (v2sf)  }
0x5f: {  	[tilespmem:s18], [sflag:$0x1] =	stream.linear.gather [hbm4b:s2+s15], $0x80, $0x38;
	[tilespmem:$0x13600] =	vst v63  }
0x60: {  	s2 =	sadd.s32 s3, s5;
	s5 =	sand.u32 $0x1FFFFFF0, s6;
	s6 =	spop (v2sf)  }
0x61: {  	[tilespmem:s17], [sflag:$0x1] =	stream.linear.gather [hbm4b:s2+s15], $0x80, $0x38;
	[tilespmem:$0x13600] =	vst v63  }
0x62: {  	s2 =	sadd.s32 s3, s5;
	s5 =	sand.u32 $0x1FFFFFF0, s6;
	s6 =	spop (v2sf)  }
0x63: {  	[tilespmem:s4], [sflag:$0x1] =	stream.linear.gather [hbm4b:s2+s15], $0x80, $0x38;
	[tilespmem:$0x13600] =	vst v63  }
0x64: {  	s2 =	sadd.s32 s3, s5;
	s4 =	sand.u32 $0x1FFFFFF0, s6;
	s5 =	spop (v2sf)  }
0x65: {  	[tilespmem:s10], [sflag:$0x1] =	stream.linear.gather [hbm4b:s2+s15], $0x80, $0x38;
	[tilespmem:$0x13600] =	vst v63  }
0x66: {  	s2 =	sadd.s32 s3, s4;
	s4 =	sand.u32 $0x1FFFFFF0, s5;
	s5 =	spop (v2sf)  }
0x67: {  	[tilespmem:s31], [sflag:$0x1] =	stream.linear.gather [hbm4b:s2+s15], $0x80, $0x38;
	[tilespmem:$0x13600] =	vst v63  }
0x68: {  	s2 =	sadd.s32 s3, s4;
	s4 =	sand.u32 $0x1FFFFFF0, s5;
	s5 =	spop (v2sf)  }
0x69: {  	[tilespmem:s0], [sflag:$0x1] =	stream.linear.gather [hbm4b:s2+s15], $0x80, $0x38;
	[tilespmem:$0x13600] =	vst v63  }
0x6a: {  	s0 =	sadd.s32 s3, s4;
	s2 =	sand.u32 $0x1FFFFFF0, s5;
	s4 =	spop (v2sf)  }
0x6b: {  	[tilespmem:s30], [sflag:$0x1] =	stream.linear.gather [hbm4b:s0+s15], $0x80, $0x38;
	[tilespmem:$0x13600] =	vst v63  }
0x6c: {  	s2 =	sadd.s32 s3, s2;
	s0 =	sadd.s32 $0x8700, s22;
	s4 =	sand.u32 $0x1FFFFFF0, s4  }
0x6d: {  	[tilespmem:s0], [sflag:$0x1] =	stream.linear.gather [hbm4b:s2+s15], $0x80, $0x38;
	[tilespmem:$0x13600] =	vst v63  }
0x6e: {  	s0 =	sor.u32 s23, s28;
	s2 =	sadd.s32 s3, s4;
	s4 =	simm.s32 @!p1 $0x1  }
0x6f: {  	[tilespmem:s1], [sflag:$0x1] =	stream.linear.gather [hbm4b:s2+s15], $0x80, $0x38;
	[tilespmem:$0x13600] =	vst v63  }
0x70: {  	s20 =	sadd.s32 $0x1, s20;
	s23 =	smov.u32 s26;
	_ =	swait.ge @!p1 [sflag:s4], $0x800  }
0x71: {  	[sflag:s4] =	ssyncset.done @!p1 $0x0  }
0x72: {  	[sflag:s4] =	ssyncadd.s32 @!p1 $0xFFFFF800  }
0x73: {  	v17 =	vld [tilespmem:s0+$0x10200];
	_ =	sdelay $0x4  }
0x74: {  	v17 =	vshll.u32 v17, $0x4  }
0x75: {  	(v2sf) =	vpush v17, $0x1  }
.Ltmp0:
0x76: {  	(v2sf) =	vpush v17, $0x0;
	(pc) =	sbr.rel @p0 .LBB2_2-.Ltmp0, $4  }
0x77: {  	(v2sf) =	vpush v17, $0x3  }
0x78: {  	(v2sf) =	vpush v17, $0x2  }
0x79: {  	s24 =	sadd.s32 $0x40, s24  }
0x7a: {  	s22 =	sshra.s32 s29, $0x2;
	s28 =	sand.u32 $0x200, s24;
	s26 =	sadd.s32 $0x10, s26;
	(v2sf) =	vpush v17, $0x4  }
0x7b: {  	_ =	sdelay $0x8  }
0x7c: {  	s0 =	spop (v2sf);
	(v2sf) =	vpush v17, $0x5;
	_ =	sdelay $0x1  }
0x7d: {  	(v2sf) =	vpush v17, $0x6;
	_ =	sdelay $0x1  }
0x7e: {  	s1 =	spop (v2sf);
	(v2sf) =	vpush v17, $0x7  }
0x7f: {  	s2 =	sadd.s32 $0x8000, s22;
	s1 =	sand.u32 $0x1FFFFFF0, s1  }
0x80: {  	s0 =	sand.u32 $0x1FFFFFF0, s0;
	s31 =	spop (v2sf);
	s1 =	sadd.s32 s3, s1  }
0x81: {  	[tilespmem:s2], [sflag:$0x1] =	stream.linear.gather [hbm4b:s1+s15], $0x80, $0x38;
	[tilespmem:$0x13600] =	vst v63  }
0x82: {  	s30 =	sadd.s32 $0x8080, s22;
	s0 =	sadd.s32 s3, s0;
	s4 =	spop (v2sf)  }
0x83: {  	[tilespmem:s30], [sflag:$0x1] =	stream.linear.gather [hbm4b:s0+s15], $0x80, $0x38;
	[tilespmem:$0x13600] =	vst v63  }
0x84: {  	s8 =	spop (v2sf);
	(v2sf) =	vpush v17, $0x8;
	s0 =	sand.u32 $0x1FFFFFF0, s4  }
0x85: {  	s5 =	sadd.s32 $0x8100, s22;
	s6 =	sand.u32 $0x1FFFFFF0, s31;
	s0 =	sadd.s32 s3, s0  }
0x86: {  	[tilespmem:s5], [sflag:$0x1] =	stream.linear.gather [hbm4b:s0+s15], $0x80, $0x38;
	[tilespmem:$0x13600] =	vst v63  }
0x87: {  	s7 =	sadd.s32 $0x8180, s22;
	s0 =	sadd.s32 s3, s6  }
0x88: {  	[tilespmem:s7], [sflag:$0x1] =	stream.linear.gather [hbm4b:s0+s15], $0x80, $0x38;
	[tilespmem:$0x13600] =	vst v63  }
0x89: {  	s10 =	spop (v2sf);
	(v2sf) =	vpush v17, $0x9  }
0x8a: {  	s0 =	sand.u32 $0x1FFFFFF0, s8  }
0x8b: {  	s9 =	sadd.s32 $0x8200, s22;
	s0 =	sadd.s32 s3, s0;
	s12 =	spop (v2sf);
	(v2sf) =	vpush v17, $0xA  }
0x8c: {  	[tilespmem:s9], [sflag:$0x1] =	stream.linear.gather [hbm4b:s0+s15], $0x80, $0x38;
	[tilespmem:$0x13600] =	vst v63  }
0x8d: {  	s0 =	sand.u32 $0x1FFFFFF0, s10;
	s14 =	spop (v2sf);
	(v2sf) =	vpush v17, $0xB  }
0x8e: {  	s11 =	sadd.s32 $0x8280, s22;
	s0 =	sadd.s32 s3, s0  }
0x8f: {  	[tilespmem:s11], [sflag:$0x1] =	stream.linear.gather [hbm4b:s0+s15], $0x80, $0x38;
	[tilespmem:$0x13600] =	vst v63  }
0x90: {  	s0 =	sand.u32 $0x1FFFFFF0, s12  }
0x91: {  	s13 =	sadd.s32 $0x8300, s22;
	s0 =	sadd.s32 s3, s0  }
0x92: {  	[tilespmem:s13], [sflag:$0x1] =	stream.linear.gather [hbm4b:s0+s15], $0x80, $0x38;
	[tilespmem:$0x13600] =	vst v63  }
0x93: {  	s18 =	spop (v2sf);
	(v2sf) =	vpush v17, $0xC  }
0x94: {  	s0 =	sand.u32 $0x1FFFFFF0, s14  }
0x95: {  	s17 =	sadd.s32 $0x8380, s22;
	s0 =	sadd.s32 s3, s0  }
0x96: {  	[tilespmem:s17], [sflag:$0x1] =	stream.linear.gather [hbm4b:s0+s15], $0x80, $0x38;
	[tilespmem:$0x13600] =	vst v63  }
0x97: {  	s0 =	sand.u32 $0x1FFFFFF0, s18  }
0x98: {  	s19 =	sadd.s32 $0x8400, s22;
	s0 =	sadd.s32 s3, s0;
	s24 =	spop (v2sf);
	(v2sf) =	vpush v17, $0xD  }
0x99: {  	[tilespmem:s19], [sflag:$0x1] =	stream.linear.gather [hbm4b:s0+s15], $0x80, $0x38;
	[tilespmem:$0x13600] =	vst v63  }
0x9a: {  	s26 =	spop (v2sf);
	(v2sf) =	vpush v17, $0xE  }
0x9b: {  	s0 =	sand.u32 $0x1FFFFFF0, s24  }
0x9c: {  	s25 =	sadd.s32 $0x8480, s22;
	s0 =	sadd.s32 s3, s0;
	s30 =	spop (v2sf)  }
0x9d: {  	(v2sf) =	vpush v17, $0xF;
	[tilespmem:s25], [sflag:$0x1] =	stream.linear.gather [hbm4b:s0+s15], $0x80, $0x38;
	[tilespmem:$0x13600] =	vst v63  }
0x9e: {  	s0 =	sand.u32 $0x1FFFFFF0, s26  }
0x9f: {  	s29 =	sadd.s32 $0x8500, s22;
	s0 =	sadd.s32 s3, s0  }
0xa0: {  	[tilespmem:s29], [sflag:$0x1] =	stream.linear.gather [hbm4b:s0+s15], $0x80, $0x38;
	[tilespmem:$0x13600] =	vst v63  }
0xa1: {  	s0 =	sand.u32 $0x1FFFFFF0, s30  }
0xa2: {  	s31 =	sadd.s32 $0x8580, s22;
	s1 =	spop (v2sf);
	s0 =	sadd.s32 s3, s0  }
0xa3: {  	[tilespmem:s31], [sflag:$0x1] =	stream.linear.gather [hbm4b:s0+s15], $0x80, $0x38;
	[tilespmem:$0x13600] =	vst v63  }
0xa4: {  	s0 =	sand.u32 $0x1FFFFFF0, s1  }
0xa5: {  	s2 =	sadd.s32 $0x8600, s22;
	s0 =	sadd.s32 s3, s0  }
0xa6: {  	[tilespmem:s2], [sflag:$0x1] =	stream.linear.gather [hbm4b:s0+s15], $0x80, $0x38;
	[tilespmem:$0x13600] =	vst v63  }
0xa7: {  	s4 =	spop (v2sf)  }
0xa8: {  	s0 =	sand.u32 $0x1FFFFFF0, s4  }
0xa9: {  	s5 =	sadd.s32 $0x8680, s22;
	s6 =	spop (v2sf);
	s0 =	sadd.s32 s3, s0  }
0xaa: {  	[tilespmem:s5], [sflag:$0x1] =	stream.linear.gather [hbm4b:s0+s15], $0x80, $0x38;
	[tilespmem:$0x13600] =	vst v63  }
0xab: {  	s0 =	sand.u32 $0x1FFFFFF0, s6  }
0xac: {  	s7 =	sadd.s32 $0x8700, s22;
	s8 =	spop (v2sf);
	s0 =	sadd.s32 s3, s0  }
0xad: {  	[tilespmem:s7], [sflag:$0x1] =	stream.linear.gather [hbm4b:s0+s15], $0x80, $0x38;
	[tilespmem:$0x13600] =	vst v63  }
0xae: {  	s0 =	sand.u32 $0x1FFFFFF0, s8  }
0xaf: {  	p0 =	slt.u32 s20, $0x7;
	s9 =	sadd.s32 $0x8780, s22;
	s0 =	sadd.s32 s3, s0  }
0xb0: {  	[tilespmem:s9], [sflag:$0x1] =	stream.linear.gather [hbm4b:s0+s15], $0x80, $0x38;
	[tilespmem:$0x13600] =	vst v63  }
0xb1: {  	s0 =	simm.s32 @!p0 $0x1  }
0xb2: {  	_ =	swait.ge @!p0 [sflag:s0], $0x800  }
0xb3: {  	s10 =	sand.u32 $0x70, s23;
	s11 =	sshrl.u32 s28, $0x2;
	[sflag:s0] =	ssyncset.done @!p0 $0x0  }
0xb4: {  	s1 =	sor.u32 s10, s11;
	[sflag:s0] =	ssyncadd.s32 @!p0 $0xFFFFF800  }
0xb5: {  	v17 =	vld [tilespmem:s1+$0x10200];
	_ =	sdelay $0x4  }
0xb6: {  	v17 =	vshll.u32 v17, $0x4  }
0xb7: {  	(v2sf) =	vpush v17, $0x1  }
0xb8: {  	(v2sf) =	vpush v17, $0x0;
	_ =	sdelay $0x1  }
0xb9: {  	(v2sf) =	vpush v17, $0x3;
	_ =	sdelay $0x1  }
0xba: {  	(v2sf) =	vpush v17, $0x2;
	_ =	sdelay $0x2  }
0xbb: {  	(v2sf) =	vpush v17, $0x4;
	_ =	sdelay $0x1  }
0xbc: {  	(v2sf) =	vpush v17, $0x5;
	_ =	sdelay $0x1  }
0xbd: {  	(v2sf) =	vpush v17, $0x6;
	_ =	sdelay $0x1  }
0xbe: {  	s20 =	sadd.s32 $0x1, s20;
	s0 =	sshra.s32 s21, $0x2  }
0xbf: {  	s4 =	sadd.s32 $0x8000, s0;
	s14 =	sadd.s32 $0x8080, s0;
	s12 =	spop (v2sf)  }
0xc0: {  	s19 =	sadd.s32 $0x8100, s0;
	s23 =	sadd.s32 $0x8180, s0;
	(v2sf) =	vpush v17, $0x7;
	s13 =	spop (v2sf)  }
0xc1: {  	s24 =	sadd.s32 $0x8200, s0;
	s29 =	sadd.s32 $0x8280, s0;
	s2 =	sand.u32 $0x1FFFFFF0, s13  }
0xc2: {  	s1 =	sand.u32 $0x1FFFFFF0, s12;
	(v2sf) =	vpush v17, $0x8;
	s17 =	spop (v2sf);
	s2 =	sadd.s32 s3, s2  }
0xc3: {  	(v2sf) =	vpush v17, $0x9;
	[tilespmem:s4], [sflag:$0x1] =	stream.linear.gather [hbm4b:s2+s15], $0x80, $0x38;
	[tilespmem:$0x13600] =	vst v63  }
0xc4: {  	s30 =	sadd.s32 $0x8300, s0;
	s1 =	sadd.s32 s3, s1;
	s18 =	spop (v2sf)  }
0xc5: {  	(v2sf) =	vpush v17, $0xA;
	[tilespmem:s14], [sflag:$0x1] =	stream.linear.gather [hbm4b:s1+s15], $0x80, $0x38;
	[tilespmem:$0x13600] =	vst v63  }
0xc6: {  	s6 =	sadd.s32 $0x8380, s0;
	s7 =	sadd.s32 $0x8400, s0;
	s1 =	sand.u32 $0x1FFFFFF0, s18  }
0xc7: {  	s21 =	sand.u32 $0x1FFFFFF0, s17;
	s22 =	spop (v2sf);
	(v2sf) =	vpush v17, $0xB;
	s1 =	sadd.s32 s3, s1  }
0xc8: {  	[tilespmem:s19], [sflag:$0x1] =	stream.linear.gather [hbm4b:s1+s15], $0x80, $0x38;
	[tilespmem:$0x13600] =	vst v63  }
0xc9: {  	s2 =	sand.u32 $0x1FFFFFF0, s22;
	s25 =	spop (v2sf);
	(v2sf) =	vpush v17, $0xC;
	s1 =	sadd.s32 s3, s21  }
0xca: {  	[tilespmem:s23], [sflag:$0x1] =	stream.linear.gather [hbm4b:s1+s15], $0x80, $0x38;
	[tilespmem:$0x13600] =	vst v63  }
0xcb: {  	s2 =	sadd.s32 s3, s2;
	s26 =	sand.u32 $0x1FFFFFF0, s25;
	s28 =	spop (v2sf);
	(v2sf) =	vpush v17, $0xD  }
0xcc: {  	[tilespmem:s24], [sflag:$0x1] =	stream.linear.gather [hbm4b:s2+s15], $0x80, $0x38;
	[tilespmem:$0x13600] =	vst v63  }
0xcd: {  	s11 =	sadd.s32 $0x8480, s0;
	s1 =	sadd.s32 s3, s26;
	s2 =	sand.u32 $0x1FFFFFF0, s28  }
0xce: {  	[tilespmem:s29], [sflag:$0x1] =	stream.linear.gather [hbm4b:s1+s15], $0x80, $0x38;
	[tilespmem:$0x13600] =	vst v63  }
0xcf: {  	s12 =	sadd.s32 $0x8500, s0;
	s2 =	sadd.s32 s3, s2;
	s31 =	spop (v2sf);
	(v2sf) =	vpush v17, $0xE  }
0xd0: {  	[tilespmem:s30], [sflag:$0x1] =	stream.linear.gather [hbm4b:s2+s15], $0x80, $0x38;
	[tilespmem:$0x13600] =	vst v63  }
0xd1: {  	s18 =	sadd.s32 $0x8580, s0;
	s4 =	sand.u32 $0x1FFFFFF0, s31;
	s5 =	spop (v2sf);
	(v2sf) =	vpush v17, $0xF  }
0xd2: {  	s1 =	sadd.s32 s3, s4;
	s2 =	sand.u32 $0x1FFFFFF0, s5;
	s8 =	spop (v2sf)  }
0xd3: {  	[tilespmem:s6], [sflag:$0x1] =	stream.linear.gather [hbm4b:s1+s15], $0x80, $0x38;
	[tilespmem:$0x13600] =	vst v63  }
0xd4: {  	s2 =	sadd.s32 s3, s2;
	s9 =	sand.u32 $0x1FFFFFF0, s8;
	s10 =	spop (v2sf)  }
0xd5: {  	[tilespmem:s7], [sflag:$0x1] =	stream.linear.gather [hbm4b:s2+s15], $0x80, $0x38;
	[tilespmem:$0x13600] =	vst v63  }
0xd6: {  	s1 =	sadd.s32 s3, s9;
	s13 =	spop (v2sf);
	s2 =	sand.u32 $0x1FFFFFF0, s10  }
0xd7: {  	[tilespmem:s11], [sflag:$0x1] =	stream.linear.gather [hbm4b:s1+s15], $0x80, $0x38;
	[tilespmem:$0x13600] =	vst v63  }
0xd8: {  	s14 =	sand.u32 $0x1FFFFFF0, s13;
	s17 =	spop (v2sf);
	s2 =	sadd.s32 s3, s2  }
0xd9: {  	[tilespmem:s12], [sflag:$0x1] =	stream.linear.gather [hbm4b:s2+s15], $0x80, $0x38;
	[tilespmem:$0x13600] =	vst v63  }
0xda: {  	s22 =	spop (v2sf);
	s1 =	sadd.s32 s3, s14;
	s2 =	sand.u32 $0x1FFFFFF0, s17  }
0xdb: {  	[tilespmem:s18], [sflag:$0x1] =	stream.linear.gather [hbm4b:s1+s15], $0x80, $0x38;
	[tilespmem:$0x13600] =	vst v63  }
0xdc: {  	s19 =	sadd.s32 $0x8600, s0;
	s23 =	sand.u32 $0x1FFFFFF0, s22;
	s2 =	sadd.s32 s3, s2  }
0xdd: {  	[tilespmem:s19], [sflag:$0x1] =	stream.linear.gather [hbm4b:s2+s15], $0x80, $0x38;
	[tilespmem:$0x13600] =	vst v63  }
0xde: {  	s21 =	sadd.s32 $0x8680, s0;
	s1 =	sadd.s32 s3, s23;
	s24 =	spop (v2sf)  }
0xdf: {  	[tilespmem:s21], [sflag:$0x1] =	stream.linear.gather [hbm4b:s1+s15], $0x80, $0x38;
	[tilespmem:$0x13600] =	vst v63  }
0xe0: {  	p0 =	slt.u32 s20, $0x7;
	s4 =	sand.u32 $0x1FFFFFF0, s24;
	s5 =	spop (v2sf)  }
0xe1: {  	s25 =	sadd.s32 $0x8700, s0;
	s26 =	sadd.s32 s3, s4;
	s28 =	sand.u32 $0x1FFFFFF0, s5  }
0xe2: {  	[tilespmem:s25], [sflag:$0x1] =	stream.linear.gather [hbm4b:s26+s15], $0x80, $0x38;
	[tilespmem:$0x13600] =	vst v63  }
0xe3: {  	s0 =	sadd.s32 $0x8780, s0;
	s2 =	simm.s32 @!p0 $0x1;
	s29 =	sadd.s32 s3, s28  }
0xe4: {  	[tilespmem:s0], [sflag:$0x1] =	stream.linear.gather [hbm4b:s29+s15], $0x80, $0x38;
	[tilespmem:$0x13600] =	vst v63  }
0xe5: {  	_ =	swait.ge @!p0 [sflag:s2], $0x800  }
0xe6: {  	[sflag:s2] =	ssyncset.done @!p0 $0x0  }
0xe7: {  	s30 =	simm.s32 $0x1;
	[sflag:s2] =	ssyncadd.s32 @!p0 $0xFFFFF800  }
0xe8: {  	_ =	swait.ge [sflag:s30], $0x800  }
0xe9: {  	[sflag:s30] =	ssyncset.done $0x0  }
0xea: {  	[sflag:s30] =	ssyncadd.s32 $0xFFFFF800  }
0xeb: {  	_ =	swait.ge [sflag:s30], $0x800  }
0xec: {  	[sflag:s30] =	ssyncset.done $0x0  }
0xed: {  	[sflag:s30] =	ssyncadd.s32 $0xFFFFF800  }
0xee: {  	_ =	swait.ge [sflag:s30], $0x800  }
0xef: {  	[sflag:s30] =	ssyncset.done $0x0  }
0xf0: {  	[sflag:s30] =	ssyncadd.s32 $0xFFFFF800  }
0xf1: {  	_ =	swait.ge [sflag:s30], $0x800  }
0xf2: {  	[sflag:s30] =	ssyncset.done $0x0  }
0xf3: {  	[sflag:s30] =	ssyncadd.s32 $0xFFFFF800  }
0xf4: {  	_ =	swait.ge [sflag:s30], $0x800  }
0xf5: {  	[sflag:s30] =	ssyncset.done $0x0  }
0xf6: {  	[sflag:s30] =	ssyncadd.s32 $0xFFFFF800  }
0xf7: {  	_ =	swait.ge [sflag:s30], $0x800  }
0xf8: {  	[sflag:s30] =	ssyncset.done $0x0  }
0xf9: {  	[sflag:s30] =	ssyncadd.s32 $0xFFFFF800  }
0xfa: {  	_ =	swait.ge [sflag:s30], $0x800  }
0xfb: {  	[sflag:s30] =	ssyncset.done $0x0  }
0xfc: {  	s31 =	simm.s32 $0x2;
	[sflag:s30] =	ssyncadd.s32 $0xFFFFF800  }
0xfd: {  	_ =	swait.ge [sflag:s31], $0x8000  }
0xfe: {  	[sflag:s31] =	ssyncset.done $0x0  }
0xff: {  	s0 =	simm.s32 $0x20;
	[sflag:s31] =	ssyncadd.s32 $0xFFFF8000  }
0x100: {  	s1 =	simm.s32 $0x8020;
	v17 =	vld [tilespmem:s0+$0xFFFFFFE0]  }
0x101: {  	v18 =	vld [tilespmem:s1+$0xFFFFFFE0]  }
0x102: {  	v19 =	vld [tilespmem:s1+$0xFFFFFFF0]  }
0x103: {  	v20 =	vld [tilespmem:s0+$0xFFFFFFF0]  }
0x104: {  	v21 =	vld [tilespmem:s1+$0x0]  }
0x105: {  	v22 =	vld [tilespmem:s0+$0x0]  }
0x106: {  	v24 =	vld [tilespmem:s1+$0x10];
	v23 =	vmul.f32 v18, v17;
	v18 =	vmul.f32 v18, v18  }
0x107: {  	v26 =	vld [tilespmem:s0+$0x10];
	v17 =	vmul.f32 v17, v17;
	v25 =	vmul.f32 v19, v19  }
0x108: {  	v27 =	vmul.f32 v20, v20;
	v19 =	vmul.f32 v19, v20  }
0x109: {  	v20 =	vmul.f32 v21, v21;
	v23 =	vadd.f32 $0.0e+00, v23;
	v18 =	vadd.f32 v25, v18  }
0x10a: {  	v61 =	vmul.f32 v22, v22;
	v21 =	vmul.f32 v21, v22;
	v17 =	vadd.f32 v27, v17  }
0x10b: {  	v19 =	vadd.f32 v19, v23;
	v18 =	vadd.f32 v20, v18;
	v20 =	vmul.f32 v24, v24  }
0x10c: {  	v62 =	vmul.f32 v26, v26;
	v17 =	vadd.f32 v61, v17  }
0x10d: {  	v63 =	vmul.f32 v24, v26;
	v19 =	vadd.f32 v21, v19;
	v20 =	vadd.f32 v20, v18  }
0x10e: {  	s5 =	simm.s32 $0x0;
	v18 =	vadd.f32 v62, v17  }
0x10f: {  	s20 =	simm.s32 $0x0;
	s4 =	simm.s32 $0x40;
	v17 =	vadd.f32 v63, v19;
	[tilespmem:s5+$0x12600] =	vst v20  }
.LBB2_4:
0x110: {  	p0 =	sne.s32 s4, $0x3FC0;
	[tilespmem:s5+$0x10600] =	vst v18;
	s1 =	sadd.s32 $0x80, s1;
	s0 =	sadd.s32 $0x80, s0  }
0x111: {  	s2 =	smov.u32 s4;
	s4 =	sadd.s32 $0x40, s4;
	[tilespmem:s5+$0x11600] =	vst v17  }
0x112: {  	v17 =	vld [tilespmem:s0+$0xFFFFFFE0]  }
0x113: {  	v18 =	vld [tilespmem:s1+$0xFFFFFFE0]  }
0x114: {  	v19 =	vld [tilespmem:s1+$0xFFFFFFF0]  }
0x115: {  	v20 =	vld [tilespmem:s0+$0xFFFFFFF0]  }
0x116: {  	v21 =	vld [tilespmem:s1+$0x0]  }
0x117: {  	v22 =	vld [tilespmem:s0+$0x0]  }
0x118: {  	v23 =	vmul.f32 v18, v17;
	v18 =	vmul.f32 v18, v18;
	v24 =	vld [tilespmem:s1+$0x10]  }
0x119: {  	v17 =	vmul.f32 v17, v17;
	v25 =	vmul.f32 v19, v19;
	v26 =	vld [tilespmem:s0+$0x10]  }
0x11a: {  	v23 =	vadd.f32 $0.0e+00, v23;
	v27 =	vmul.f32 v20, v20;
	v19 =	vmul.f32 v19, v20  }
0x11b: {  	v18 =	vadd.f32 v25, v18;
	v20 =	vmul.f32 v21, v21  }
0x11c: {  	v17 =	vadd.f32 v27, v17;
	v19 =	vadd.f32 v19, v23;
	v23 =	vmul.f32 v22, v22  }
.Ltmp1:
0x11d: {  	v21 =	vmul.f32 v21, v22;
	v18 =	vadd.f32 v20, v18;
	v20 =	vmul.f32 v24, v24;
	(pc) =	sbr.rel @p0 .LBB2_4-.Ltmp1, $4  }
0x11e: {  	v17 =	vadd.f32 v23, v17;
	v22 =	vmul.f32 v26, v26  }
0x11f: {  	v19 =	vadd.f32 v21, v19;
	v21 =	vmul.f32 v24, v26;
	v20 =	vadd.f32 v20, v18  }
0x120: {  	s5 =	sshra.s32 s2, $0x2;
	v18 =	vadd.f32 v22, v17  }
0x121: {  	v17 =	vadd.f32 v21, v19;
	[tilespmem:s5+$0x12600] =	vst v20  }
0x122: {  	v19 =	vor.u32 s20, v0  }
0x123: {  	v19 =	vand.u32 v1, v19;
	_ =	sdelay $0x1  }
0x124: {  	v20 =	vor.u32 s20, v2  }
0x125: {  	[tilespmem:s5+$0x10600] =	vst v18  }
0x126: {  	s4 =	simm.s32 $0x10600;
	[tilespmem:s5+$0x11600] =	vst v17;
	v17 =	vor.u32 s20, v3  }
0x127: {  	v18 =	vld.idx.msk [tilespmem:v19+s4+$0x0], $0xffff  }
0x128: {  	v21 =	vor.u32 s20, v4  }
0x129: {  	v22 =	vld.idx.msk [tilespmem:v20+s4+$0x0], $0xffff  }
0x12a: {  	v23 =	vor.u32 s20, v5  }
0x12b: {  	v24 =	vld.idx.msk [tilespmem:v17+s4+$0x0], $0xffff  }
0x12c: {  	v25 =	vor.u32 s20, v6;
	v18 =	vadd.f32 $0.0e+00, v18  }
0x12d: {  	v26 =	vld.idx.msk [tilespmem:v21+s4+$0x0], $0xffff  }
0x12e: {  	v27 =	vor.u32 s20, v7;
	v18 =	vadd.f32 v22, v18  }
0x12f: {  	v22 =	vld.idx.msk [tilespmem:v23+s4+$0x0], $0xffff  }
0x130: {  	v28 =	vor.u32 s20, v8;
	v18 =	vadd.f32 v24, v18  }
0x131: {  	v47 =	vld.idx.msk [tilespmem:v25+s4+$0x0], $0xffff  }
0x132: {  	v29 =	vor.u32 s20, v9;
	v18 =	vadd.f32 v26, v18  }
0x133: {  	v48 =	vld.idx.msk [tilespmem:v27+s4+$0x0], $0xffff  }
0x134: {  	v30 =	vor.u32 s20, v10;
	v18 =	vadd.f32 v22, v18  }
0x135: {  	v22 =	vld.idx.msk [tilespmem:v28+s4+$0x0], $0xffff  }
0x136: {  	v31 =	vor.u32 s20, v11;
	v18 =	vadd.f32 v47, v18  }
0x137: {  	v49 =	vld.idx.msk [tilespmem:v29+s4+$0x0], $0xffff  }
0x138: {  	v32 =	vor.u32 s20, v12;
	v18 =	vadd.f32 v48, v18  }
0x139: {  	v50 =	vld.idx.msk [tilespmem:v30+s4+$0x0], $0xffff  }
0x13a: {  	v33 =	vor.u32 s20, v13;
	v18 =	vadd.f32 v22, v18  }
0x13b: {  	v22 =	vld.idx.msk [tilespmem:v31+s4+$0x0], $0xffff  }
0x13c: {  	v34 =	vor.u32 s20, v14;
	v18 =	vadd.f32 v49, v18  }
0x13d: {  	v51 =	vld.idx.msk [tilespmem:v32+s4+$0x0], $0xffff  }
0x13e: {  	v35 =	vor.u32 s20, v15;
	v18 =	vadd.f32 v50, v18  }
0x13f: {  	v52 =	vld.idx.msk [tilespmem:v33+s4+$0x0], $0xffff  }
0x140: {  	v36 =	vor.u32 s20, v16;
	v18 =	vadd.f32 v22, v18  }
0x141: {  	v22 =	vld.idx.msk [tilespmem:v34+s4+$0x0], $0xffff  }
0x142: {  	v18 =	vadd.f32 v51, v18  }
0x143: {  	s5 =	simm.s32 $0x11600;
	v53 =	vld.idx.msk [tilespmem:v35+s4+$0x0], $0xffff  }
0x144: {  	v37 =	vld.idx.msk [tilespmem:v19+s5+$0x0], $0xffff;
	v18 =	vadd.f32 v52, v18  }
0x145: {  	v54 =	vld.idx.msk [tilespmem:v36+s4+$0x0], $0xffff  }
0x146: {  	v38 =	vld.idx.msk [tilespmem:v20+s5+$0x0], $0xffff;
	v18 =	vadd.f32 v22, v18  }
0x147: {  	v19 =	vld.idx.msk [tilespmem:v19+s16+$0x0], $0xffff  }
0x148: {  	v22 =	vld.idx.msk [tilespmem:v17+s5+$0x0], $0xffff;
	v18 =	vadd.f32 v53, v18  }
0x149: {  	v20 =	vld.idx.msk [tilespmem:v20+s16+$0x0], $0xffff;
	v55 =	vadd.f32 $0.0e+00, v37  }
0x14a: {  	v56 =	vld.idx.msk [tilespmem:v21+s5+$0x0], $0xffff;
	v18 =	vadd.f32 v54, v18  }
0x14b: {  	v24 =	vadd.f32 v38, v55;
	v17 =	vld.idx.msk [tilespmem:v17+s16+$0x0], $0xffff  }
0x14c: {  	v57 =	vld.idx.msk [tilespmem:v23+s5+$0x0], $0xffff;
	v19 =	vadd.f32 $0.0e+00, v19;
	v58 =	vmax.f32 v18, $1.000000020e-24  }
0x14d: {  	v21 =	vld.idx.msk [tilespmem:v21+s16+$0x0], $0xffff;
	v22 =	vadd.f32 v22, v24;
	v59 =	vshra.s32 v58, $0x1;
	v38 =	vmul.f32 $5.000000000e-01, v58  }
0x14e: {  	v39 =	vld.idx.msk [tilespmem:v25+s5+$0x0], $0xffff;
	v19 =	vadd.f32 v20, v19;
	v20 =	vsub.s32 $0x5F3759DF, v59  }
0x14f: {  	v23 =	vld.idx.msk [tilespmem:v23+s16+$0x0], $0xffff;
	v22 =	vadd.f32 v56, v22;
	v24 =	vmul.f32 v20, v38  }
0x150: {  	v60 =	vld.idx.msk [tilespmem:v27+s5+$0x0], $0xffff;
	v17 =	vadd.f32 v17, v19  }
0x151: {  	v19 =	vld.idx.msk [tilespmem:v25+s16+$0x0], $0xffff;
	v22 =	vadd.f32 v57, v22;
	v24 =	vmul.f32 v20, v24  }
0x152: {  	v61 =	vld.idx.msk [tilespmem:v28+s5+$0x0], $0xffff;
	v17 =	vadd.f32 v21, v17  }
0x153: {  	v21 =	vld.idx.msk [tilespmem:v27+s16+$0x0], $0xffff;
	v22 =	vadd.f32 v39, v22;
	v24 =	vsub.f32 $1.500000000e+00, v24  }
0x154: {  	v62 =	vld.idx.msk [tilespmem:v29+s5+$0x0], $0xffff;
	v17 =	vadd.f32 v23, v17  }
0x155: {  	v23 =	vld.idx.msk [tilespmem:v28+s16+$0x0], $0xffff;
	v22 =	vadd.f32 v60, v22;
	v20 =	vmul.f32 v20, v24  }
0x156: {  	v63 =	vld.idx.msk [tilespmem:v30+s5+$0x0], $0xffff;
	v17 =	vadd.f32 v19, v17  }
0x157: {  	v19 =	vld.idx.msk [tilespmem:v29+s16+$0x0], $0xffff;
	v22 =	vadd.f32 v61, v22;
	v37 =	vmul.f32 v20, v38  }
0x158: {  	v39 =	vld.idx.msk [tilespmem:v31+s5+$0x0], $0xffff;
	v17 =	vadd.f32 v21, v17  }
0x159: {  	v21 =	vld.idx.msk [tilespmem:v30+s16+$0x0], $0xffff;
	v22 =	vadd.f32 v62, v22;
	v25 =	vmul.f32 v37, v20  }
0x15a: {  	v40 =	vld.idx.msk [tilespmem:v32+s5+$0x0], $0xffff;
	v17 =	vadd.f32 v23, v17  }
0x15b: {  	v23 =	vld.idx.msk [tilespmem:v31+s16+$0x0], $0xffff;
	v22 =	vadd.f32 v63, v22;
	v41 =	vsub.f32 $1.500000000e+00, v25  }
0x15c: {  	v42 =	vld.idx.msk [tilespmem:v33+s5+$0x0], $0xffff;
	v17 =	vadd.f32 v19, v17  }
0x15d: {  	v19 =	vld.idx.msk [tilespmem:v32+s16+$0x0], $0xffff;
	v22 =	vadd.f32 v39, v22;
	v20 =	vmul.f32 v41, v20  }
0x15e: {  	v43 =	vld.idx.msk [tilespmem:v34+s5+$0x0], $0xffff;
	v17 =	vadd.f32 v21, v17  }
0x15f: {  	v21 =	vld.idx.msk [tilespmem:v33+s16+$0x0], $0xffff;
	v22 =	vadd.f32 v40, v22;
	v44 =	vmul.f32 v20, v38  }
0x160: {  	v45 =	vld.idx.msk [tilespmem:v35+s5+$0x0], $0xffff;
	v17 =	vadd.f32 v23, v17  }
0x161: {  	v23 =	vld.idx.msk [tilespmem:v34+s16+$0x0], $0xffff;
	v22 =	vadd.f32 v42, v22;
	v46 =	vmul.f32 v44, v20  }
0x162: {  	v47 =	vld.idx.msk [tilespmem:v36+s5+$0x0], $0xffff;
	v17 =	vadd.f32 v19, v17  }
0x163: {  	v19 =	vadd.f32 v43, v22;
	v22 =	vsub.f32 $1.500000000e+00, v46  }
0x164: {  	v48 =	vld.idx.msk [tilespmem:v35+s16+$0x0], $0xffff;
	v17 =	vadd.f32 v21, v17  }
0x165: {  	v19 =	vadd.f32 v45, v19;
	v20 =	vmul.f32 v22, v20  }
0x166: {  	v21 =	vld.idx.msk [tilespmem:v36+s16+$0x0], $0xffff;
	v17 =	vadd.f32 v23, v17  }
0x167: {  	v19 =	vadd.f32 v47, v19;
	v18 =	vmul.f32 v20, v18;
	v22 =	vadd.f32 v20, v20;
	_ =	sdelay $0x1  }
0x168: {  	v17 =	vadd.f32 v48, v17;
	v18 =	vmul.f32 v18, v20;
	v19 =	vmul.f32 v22, v19;
	_ =	sdelay $0x1  }
0x169: {  	v17 =	vadd.f32 v21, v17;
	v18 =	vsub.f32 v18, v19;
	_ =	sdelay $0x1  }
0x16a: {  	v17 =	vadd.f32 v18, v17;
	_ =	sdelay $0x1  }
0x16b: {  	v18 =	vmax.f32 v17, $1.000000040e-36  }
0x16c: {  	v19 =	vshra.s32 v18, $0x1;
	v18 =	vmul.f32 $5.000000000e-01, v18  }
0x16d: {  	v19 =	vsub.s32 $0x5F3759DF, v19  }
0x16e: {  	v20 =	vmul.f32 v19, v18;
	_ =	sdelay $0x1  }
0x16f: {  	v20 =	vmul.f32 v19, v20;
	_ =	sdelay $0x1  }
0x170: {  	v20 =	vsub.f32 $1.500000000e+00, v20;
	_ =	sdelay $0x1  }
0x171: {  	v19 =	vmul.f32 v19, v20;
	_ =	sdelay $0x1  }
0x172: {  	v20 =	vmul.f32 v19, v18;
	_ =	sdelay $0x1  }
0x173: {  	v20 =	vmul.f32 v20, v19;
	_ =	sdelay $0x1  }
0x174: {  	v20 =	vsub.f32 $1.500000000e+00, v20;
	_ =	sdelay $0x1  }
0x175: {  	v19 =	vmul.f32 v20, v19;
	_ =	sdelay $0x1  }
0x176: {  	v18 =	vmul.f32 v19, v18;
	_ =	sdelay $0x1  }
0x177: {  	v18 =	vmul.f32 v18, v19;
	_ =	sdelay $0x1  }
0x178: {  	s0 =	simm.s32 $0x100;
	v18 =	vsub.f32 $1.500000000e+00, v18  }
0x179: {  	v20 =	vor.u32 s0, v0  }
0x17a: {  	v20 =	vand.u32 v1, v20;
	v18 =	vmul.f32 v18, v19  }
0x17b: {  	s1 =	sand.u32 $0x200, s20;
	v17 =	vmax.f32 v17, $0.0e+00  }
0x17c: {  	s2 =	sand.u32 $0x70, s20;
	s1 =	sshrl.u32 s1, $0x2;
	v19 =	vor.u32 s0, v2;
	v17 =	vmul.f32 v18, v17  }
0x17d: {  	s1 =	sor.u32 s2, s1  }
0x17e: {  	v18 =	vor.u32 s0, v3;
	[tilespmem:s1+$0x10400] =	vst v17  }
0x17f: {  	v17 =	vld.idx.msk [tilespmem:v20+s4+$0x0], $0xffff  }
0x180: {  	v21 =	vor.u32 s0, v4  }
0x181: {  	v22 =	vld.idx.msk [tilespmem:v19+s4+$0x0], $0xffff  }
0x182: {  	v23 =	vor.u32 s0, v5  }
0x183: {  	v49 =	vld.idx.msk [tilespmem:v18+s4+$0x0], $0xffff  }
0x184: {  	v25 =	vor.u32 s0, v6;
	v17 =	vadd.f32 $0.0e+00, v17  }
0x185: {  	v50 =	vld.idx.msk [tilespmem:v21+s4+$0x0], $0xffff  }
0x186: {  	v51 =	vor.u32 s0, v7;
	v17 =	vadd.f32 v22, v17  }
0x187: {  	v22 =	vld.idx.msk [tilespmem:v23+s4+$0x0], $0xffff  }
0x188: {  	v28 =	vor.u32 s0, v8;
	v17 =	vadd.f32 v49, v17  }
0x189: {  	v52 =	vld.idx.msk [tilespmem:v25+s4+$0x0], $0xffff  }
0x18a: {  	v53 =	vor.u32 s0, v9;
	v17 =	vadd.f32 v50, v17  }
0x18b: {  	v54 =	vld.idx.msk [tilespmem:v51+s4+$0x0], $0xffff  }
0x18c: {  	v55 =	vor.u32 s0, v10;
	v17 =	vadd.f32 v22, v17  }
0x18d: {  	v22 =	vld.idx.msk [tilespmem:v28+s4+$0x0], $0xffff  }
0x18e: {  	v56 =	vor.u32 s0, v11;
	v17 =	vadd.f32 v52, v17  }
0x18f: {  	v57 =	vld.idx.msk [tilespmem:v53+s4+$0x0], $0xffff  }
0x190: {  	v58 =	vor.u32 s0, v12;
	v17 =	vadd.f32 v54, v17  }
0x191: {  	v59 =	vld.idx.msk [tilespmem:v55+s4+$0x0], $0xffff  }
0x192: {  	v60 =	vor.u32 s0, v13;
	v17 =	vadd.f32 v22, v17  }
0x193: {  	v22 =	vld.idx.msk [tilespmem:v56+s4+$0x0], $0xffff  }
0x194: {  	v34 =	vor.u32 s0, v14;
	v17 =	vadd.f32 v57, v17  }
0x195: {  	v61 =	vld.idx.msk [tilespmem:v58+s4+$0x0], $0xffff  }
0x196: {  	v35 =	vor.u32 s0, v15;
	v17 =	vadd.f32 v59, v17  }
0x197: {  	v62 =	vld.idx.msk [tilespmem:v60+s4+$0x0], $0xffff  }
0x198: {  	v36 =	vor.u32 s0, v16;
	v17 =	vadd.f32 v22, v17  }
0x199: {  	v22 =	vld.idx.msk [tilespmem:v34+s4+$0x0], $0xffff  }
0x19a: {  	v17 =	vadd.f32 v61, v17  }
0x19b: {  	v63 =	vld.idx.msk [tilespmem:v35+s4+$0x0], $0xffff  }
0x19c: {  	v40 =	vld.idx.msk [tilespmem:v20+s5+$0x0], $0xffff;
	v17 =	vadd.f32 v62, v17  }
0x19d: {  	v41 =	vld.idx.msk [tilespmem:v36+s4+$0x0], $0xffff  }
0x19e: {  	v42 =	vld.idx.msk [tilespmem:v19+s5+$0x0], $0xffff;
	v17 =	vadd.f32 v22, v17  }
0x19f: {  	v20 =	vld.idx.msk [tilespmem:v20+s16+$0x0], $0xffff  }
0x1a0: {  	v22 =	vld.idx.msk [tilespmem:v18+s5+$0x0], $0xffff;
	v17 =	vadd.f32 v63, v17  }
0x1a1: {  	v19 =	vld.idx.msk [tilespmem:v19+s16+$0x0], $0xffff;
	v43 =	vadd.f32 $0.0e+00, v40  }
0x1a2: {  	v44 =	vld.idx.msk [tilespmem:v21+s5+$0x0], $0xffff;
	v17 =	vadd.f32 v41, v17  }
0x1a3: {  	v24 =	vadd.f32 v42, v43;
	v18 =	vld.idx.msk [tilespmem:v18+s16+$0x0], $0xffff  }
0x1a4: {  	v45 =	vld.idx.msk [tilespmem:v23+s5+$0x0], $0xffff;
	v20 =	vadd.f32 $0.0e+00, v20;
	v46 =	vmax.f32 v17, $1.000000020e-24  }
0x1a5: {  	v21 =	vld.idx.msk [tilespmem:v21+s16+$0x0], $0xffff;
	v22 =	vadd.f32 v22, v24;
	v47 =	vshra.s32 v46, $0x1;
	v38 =	vmul.f32 $5.000000000e-01, v46  }
0x1a6: {  	v48 =	vld.idx.msk [tilespmem:v25+s5+$0x0], $0xffff;
	v19 =	vadd.f32 v19, v20;
	v20 =	vsub.s32 $0x5F3759DF, v47  }
0x1a7: {  	v23 =	vld.idx.msk [tilespmem:v23+s16+$0x0], $0xffff;
	v22 =	vadd.f32 v44, v22;
	v24 =	vmul.f32 v20, v38  }
0x1a8: {  	v49 =	vld.idx.msk [tilespmem:v51+s5+$0x0], $0xffff;
	v18 =	vadd.f32 v18, v19  }
0x1a9: {  	v19 =	vld.idx.msk [tilespmem:v25+s16+$0x0], $0xffff;
	v22 =	vadd.f32 v45, v22;
	v24 =	vmul.f32 v20, v24  }
0x1aa: {  	v50 =	vld.idx.msk [tilespmem:v28+s5+$0x0], $0xffff;
	v18 =	vadd.f32 v21, v18  }
0x1ab: {  	v21 =	vld.idx.msk [tilespmem:v51+s16+$0x0], $0xffff;
	v22 =	vadd.f32 v48, v22;
	v24 =	vsub.f32 $1.500000000e+00, v24  }
0x1ac: {  	v51 =	vld.idx.msk [tilespmem:v53+s5+$0x0], $0xffff;
	v18 =	vadd.f32 v23, v18  }
0x1ad: {  	v23 =	vld.idx.msk [tilespmem:v28+s16+$0x0], $0xffff;
	v22 =	vadd.f32 v49, v22;
	v20 =	vmul.f32 v20, v24  }
0x1ae: {  	v52 =	vld.idx.msk [tilespmem:v55+s5+$0x0], $0xffff;
	v18 =	vadd.f32 v19, v18  }
0x1af: {  	v19 =	vld.idx.msk [tilespmem:v53+s16+$0x0], $0xffff;
	v22 =	vadd.f32 v50, v22;
	v53 =	vmul.f32 v20, v38  }
0x1b0: {  	v54 =	vld.idx.msk [tilespmem:v56+s5+$0x0], $0xffff;
	v18 =	vadd.f32 v21, v18  }
0x1b1: {  	v21 =	vld.idx.msk [tilespmem:v55+s16+$0x0], $0xffff;
	v22 =	vadd.f32 v51, v22;
	v25 =	vmul.f32 v53, v20  }
0x1b2: {  	v55 =	vld.idx.msk [tilespmem:v58+s5+$0x0], $0xffff;
	v18 =	vadd.f32 v23, v18  }
0x1b3: {  	v23 =	vld.idx.msk [tilespmem:v56+s16+$0x0], $0xffff;
	v22 =	vadd.f32 v52, v22;
	v56 =	vsub.f32 $1.500000000e+00, v25  }
0x1b4: {  	v57 =	vld.idx.msk [tilespmem:v60+s5+$0x0], $0xffff;
	v18 =	vadd.f32 v19, v18  }
0x1b5: {  	v19 =	vld.idx.msk [tilespmem:v58+s16+$0x0], $0xffff;
	v22 =	vadd.f32 v54, v22;
	v20 =	vmul.f32 v56, v20  }
0x1b6: {  	v58 =	vld.idx.msk [tilespmem:v34+s5+$0x0], $0xffff;
	v18 =	vadd.f32 v21, v18  }
0x1b7: {  	v21 =	vld.idx.msk [tilespmem:v60+s16+$0x0], $0xffff;
	v22 =	vadd.f32 v55, v22;
	v59 =	vmul.f32 v20, v38  }
0x1b8: {  	v60 =	vld.idx.msk [tilespmem:v35+s5+$0x0], $0xffff;
	v18 =	vadd.f32 v23, v18  }
0x1b9: {  	v23 =	vld.idx.msk [tilespmem:v34+s16+$0x0], $0xffff;
	v22 =	vadd.f32 v57, v22;
	v61 =	vmul.f32 v59, v20  }
0x1ba: {  	v62 =	vld.idx.msk [tilespmem:v36+s5+$0x0], $0xffff;
	v18 =	vadd.f32 v19, v18  }
0x1bb: {  	v19 =	vadd.f32 v58, v22;
	v22 =	vsub.f32 $1.500000000e+00, v61  }
0x1bc: {  	v63 =	vld.idx.msk [tilespmem:v35+s16+$0x0], $0xffff;
	v18 =	vadd.f32 v21, v18  }
0x1bd: {  	v19 =	vadd.f32 v60, v19;
	v20 =	vmul.f32 v22, v20  }
0x1be: {  	v21 =	vld.idx.msk [tilespmem:v36+s16+$0x0], $0xffff;
	v18 =	vadd.f32 v23, v18  }
0x1bf: {  	v19 =	vadd.f32 v62, v19;
	v17 =	vmul.f32 v20, v17;
	v22 =	vadd.f32 v20, v20;
	_ =	sdelay $0x1  }
0x1c0: {  	v18 =	vadd.f32 v63, v18;
	v17 =	vmul.f32 v17, v20;
	v19 =	vmul.f32 v22, v19;
	_ =	sdelay $0x1  }
0x1c1: {  	v18 =	vadd.f32 v21, v18;
	v17 =	vsub.f32 v17, v19;
	_ =	sdelay $0x1  }
0x1c2: {  	v17 =	vadd.f32 v17, v18;
	_ =	sdelay $0x1  }
0x1c3: {  	v18 =	vmax.f32 v17, $1.000000040e-36  }
0x1c4: {  	v19 =	vshra.s32 v18, $0x1;
	v20 =	vmul.f32 $5.000000000e-01, v18  }
0x1c5: {  	v18 =	vsub.s32 $0x5F3759DF, v19  }
0x1c6: {  	v19 =	vmul.f32 v18, v20;
	_ =	sdelay $0x1  }
0x1c7: {  	v19 =	vmul.f32 v18, v19;
	_ =	sdelay $0x1  }
0x1c8: {  	v19 =	vsub.f32 $1.500000000e+00, v19;
	_ =	sdelay $0x1  }
0x1c9: {  	v18 =	vmul.f32 v18, v19;
	_ =	sdelay $0x1  }
0x1ca: {  	v19 =	vmul.f32 v18, v20;
	_ =	sdelay $0x1  }
0x1cb: {  	v19 =	vmul.f32 v19, v18;
	_ =	sdelay $0x1  }
0x1cc: {  	v19 =	vsub.f32 $1.500000000e+00, v19;
	_ =	sdelay $0x1  }
0x1cd: {  	v18 =	vmul.f32 v19, v18;
	_ =	sdelay $0x1  }
0x1ce: {  	v19 =	vmul.f32 v18, v20;
	_ =	sdelay $0x1  }
0x1cf: {  	v19 =	vmul.f32 v19, v18;
	_ =	sdelay $0x1  }
0x1d0: {  	s22 =	simm.s32 $0x200;
	v19 =	vsub.f32 $1.500000000e+00, v19  }
0x1d1: {  	s23 =	simm.s32 $0x40;
	s21 =	simm.s32 $0x80;
	s24 =	simm.s32 $0xC0;
	v20 =	vor.u32 s22, v0  }
.LBB2_6:
0x1d2: {  	p0 =	sne.s32 s24, $0x3C0;
	v20 =	vand.u32 v1, v20;
	v18 =	vmul.f32 v19, v18  }
0x1d3: {  	v17 =	vmax.f32 v17, $0.0e+00;
	s0 =	sand.u32 $0x200, s23;
	s20 =	sadd.s32 $0x10, s20;
	s23 =	smov.u32 s21  }
0x1d4: {  	v19 =	vor.u32 s22, v2;
	s21 =	smov.u32 s24;
	s1 =	sand.u32 $0x70, s20;
	s0 =	sshrl.u32 s0, $0x2;
	v17 =	vmul.f32 v18, v17  }
0x1d5: {  	s0 =	sor.u32 s1, s0  }
0x1d6: {  	v18 =	vor.u32 s22, v3;
	[tilespmem:s0+$0x10400] =	vst v17  }
0x1d7: {  	v17 =	vld.idx.msk [tilespmem:v20+s4+$0x0], $0xffff  }
0x1d8: {  	v21 =	vor.u32 s22, v4  }
0x1d9: {  	v22 =	vld.idx.msk [tilespmem:v19+s4+$0x0], $0xffff  }
0x1da: {  	v23 =	vor.u32 s22, v5  }
0x1db: {  	v24 =	vld.idx.msk [tilespmem:v18+s4+$0x0], $0xffff  }
0x1dc: {  	v25 =	vor.u32 s22, v6  }
0x1dd: {  	v17 =	vadd.f32 $0.0e+00, v17;
	v26 =	vld.idx.msk [tilespmem:v21+s4+$0x0], $0xffff  }
0x1de: {  	v27 =	vor.u32 s22, v7  }
0x1df: {  	v17 =	vadd.f32 v22, v17;
	v22 =	vld.idx.msk [tilespmem:v23+s4+$0x0], $0xffff  }
0x1e0: {  	v28 =	vor.u32 s22, v8  }
0x1e1: {  	v17 =	vadd.f32 v24, v17;
	v24 =	vld.idx.msk [tilespmem:v25+s4+$0x0], $0xffff  }
0x1e2: {  	v29 =	vor.u32 s22, v9  }
0x1e3: {  	v17 =	vadd.f32 v26, v17;
	v26 =	vld.idx.msk [tilespmem:v27+s4+$0x0], $0xffff  }
0x1e4: {  	v30 =	vor.u32 s22, v10  }
0x1e5: {  	v17 =	vadd.f32 v22, v17;
	v22 =	vld.idx.msk [tilespmem:v28+s4+$0x0], $0xffff  }
0x1e6: {  	v31 =	vor.u32 s22, v11  }
0x1e7: {  	v17 =	vadd.f32 v24, v17;
	v24 =	vld.idx.msk [tilespmem:v29+s4+$0x0], $0xffff  }
0x1e8: {  	v32 =	vor.u32 s22, v12  }
0x1e9: {  	v17 =	vadd.f32 v26, v17;
	v26 =	vld.idx.msk [tilespmem:v30+s4+$0x0], $0xffff  }
0x1ea: {  	v33 =	vor.u32 s22, v13  }
0x1eb: {  	v17 =	vadd.f32 v22, v17;
	v22 =	vld.idx.msk [tilespmem:v31+s4+$0x0], $0xffff  }
0x1ec: {  	v34 =	vor.u32 s22, v14  }
0x1ed: {  	v17 =	vadd.f32 v24, v17;
	v24 =	vld.idx.msk [tilespmem:v32+s4+$0x0], $0xffff  }
0x1ee: {  	v35 =	vor.u32 s22, v15  }
0x1ef: {  	v17 =	vadd.f32 v26, v17;
	v26 =	vld.idx.msk [tilespmem:v33+s4+$0x0], $0xffff  }
0x1f0: {  	v36 =	vor.u32 s22, v16  }
0x1f1: {  	v17 =	vadd.f32 v22, v17;
	v22 =	vld.idx.msk [tilespmem:v34+s4+$0x0], $0xffff;
	_ =	sdelay $0x1  }
0x1f2: {  	v17 =	vadd.f32 v24, v17;
	v24 =	vld.idx.msk [tilespmem:v35+s4+$0x0], $0xffff  }
0x1f3: {  	v37 =	vld.idx.msk [tilespmem:v20+s5+$0x0], $0xffff  }
0x1f4: {  	v17 =	vadd.f32 v26, v17;
	v26 =	vld.idx.msk [tilespmem:v36+s4+$0x0], $0xffff  }
0x1f5: {  	v38 =	vld.idx.msk [tilespmem:v19+s5+$0x0], $0xffff  }
0x1f6: {  	v17 =	vadd.f32 v22, v17;
	v20 =	vld.idx.msk [tilespmem:v20+s16+$0x0], $0xffff  }
0x1f7: {  	v22 =	vld.idx.msk [tilespmem:v18+s5+$0x0], $0xffff  }
0x1f8: {  	v17 =	vadd.f32 v24, v17;
	v19 =	vld.idx.msk [tilespmem:v19+s16+$0x0], $0xffff  }
0x1f9: {  	v24 =	vadd.f32 $0.0e+00, v37;
	v37 =	vld.idx.msk [tilespmem:v21+s5+$0x0], $0xffff  }
0x1fa: {  	v17 =	vadd.f32 v26, v17;
	v18 =	vld.idx.msk [tilespmem:v18+s16+$0x0], $0xffff  }
0x1fb: {  	v24 =	vadd.f32 v38, v24;
	v26 =	vld.idx.msk [tilespmem:v23+s5+$0x0], $0xffff  }
0x1fc: {  	v20 =	vadd.f32 $0.0e+00, v20;
	v38 =	vmax.f32 v17, $1.000000020e-24;
	v21 =	vld.idx.msk [tilespmem:v21+s16+$0x0], $0xffff  }
0x1fd: {  	v22 =	vadd.f32 v22, v24;
	v39 =	vshra.s32 v38, $0x1;
	v38 =	vmul.f32 $5.000000000e-01, v38;
	v24 =	vld.idx.msk [tilespmem:v25+s5+$0x0], $0xffff  }
0x1fe: {  	v19 =	vadd.f32 v19, v20;
	v20 =	vld.idx.msk [tilespmem:v23+s16+$0x0], $0xffff;
	v23 =	vsub.s32 $0x5F3759DF, v39  }
0x1ff: {  	v22 =	vadd.f32 v37, v22;
	v37 =	vld.idx.msk [tilespmem:v27+s5+$0x0], $0xffff;
	v39 =	vmul.f32 v23, v38  }
0x200: {  	v18 =	vadd.f32 v18, v19;
	v19 =	vld.idx.msk [tilespmem:v25+s16+$0x0], $0xffff  }
0x201: {  	v22 =	vadd.f32 v26, v22;
	v25 =	vld.idx.msk [tilespmem:v28+s5+$0x0], $0xffff;
	v26 =	vmul.f32 v23, v39  }
0x202: {  	v18 =	vadd.f32 v21, v18;
	v21 =	vld.idx.msk [tilespmem:v27+s16+$0x0], $0xffff  }
0x203: {  	v22 =	vadd.f32 v24, v22;
	v24 =	vld.idx.msk [tilespmem:v29+s5+$0x0], $0xffff;
	v26 =	vsub.f32 $1.500000000e+00, v26  }
0x204: {  	v18 =	vadd.f32 v20, v18;
	v20 =	vld.idx.msk [tilespmem:v28+s16+$0x0], $0xffff  }
0x205: {  	v22 =	vadd.f32 v37, v22;
	v27 =	vld.idx.msk [tilespmem:v30+s5+$0x0], $0xffff;
	v23 =	vmul.f32 v23, v26  }
0x206: {  	v18 =	vadd.f32 v19, v18;
	v19 =	vld.idx.msk [tilespmem:v29+s16+$0x0], $0xffff  }
0x207: {  	v22 =	vadd.f32 v25, v22;
	v25 =	vld.idx.msk [tilespmem:v31+s5+$0x0], $0xffff;
	v26 =	vmul.f32 v23, v38  }
0x208: {  	v18 =	vadd.f32 v21, v18;
	v21 =	vld.idx.msk [tilespmem:v30+s16+$0x0], $0xffff  }
0x209: {  	v22 =	vadd.f32 v24, v22;
	v24 =	vld.idx.msk [tilespmem:v32+s5+$0x0], $0xffff;
	v26 =	vmul.f32 v26, v23  }
0x20a: {  	v18 =	vadd.f32 v20, v18;
	v20 =	vld.idx.msk [tilespmem:v31+s16+$0x0], $0xffff  }
0x20b: {  	v22 =	vadd.f32 v27, v22;
	v27 =	vld.idx.msk [tilespmem:v33+s5+$0x0], $0xffff;
	v26 =	vsub.f32 $1.500000000e+00, v26  }
0x20c: {  	v18 =	vadd.f32 v19, v18;
	v19 =	vld.idx.msk [tilespmem:v32+s16+$0x0], $0xffff  }
0x20d: {  	v22 =	vadd.f32 v25, v22;
	v25 =	vld.idx.msk [tilespmem:v34+s5+$0x0], $0xffff;
	v23 =	vmul.f32 v26, v23  }
0x20e: {  	v18 =	vadd.f32 v21, v18;
	v21 =	vld.idx.msk [tilespmem:v33+s16+$0x0], $0xffff  }
0x20f: {  	v22 =	vadd.f32 v24, v22;
	v24 =	vld.idx.msk [tilespmem:v35+s5+$0x0], $0xffff;
	v26 =	vmul.f32 v23, v38  }
0x210: {  	v18 =	vadd.f32 v20, v18;
	v20 =	vld.idx.msk [tilespmem:v34+s16+$0x0], $0xffff  }
0x211: {  	v22 =	vadd.f32 v27, v22;
	v27 =	vld.idx.msk [tilespmem:v36+s5+$0x0], $0xffff;
	v26 =	vmul.f32 v26, v23  }
0x212: {  	v18 =	vadd.f32 v19, v18  }
0x213: {  	v19 =	vadd.f32 v25, v22;
	v22 =	vld.idx.msk [tilespmem:v35+s16+$0x0], $0xffff;
	v25 =	vsub.f32 $1.500000000e+00, v26  }
0x214: {  	v18 =	vadd.f32 v21, v18  }
0x215: {  	v19 =	vadd.f32 v24, v19;
	v21 =	vld.idx.msk [tilespmem:v36+s16+$0x0], $0xffff;
	v23 =	vmul.f32 v25, v23  }
0x216: {  	v18 =	vadd.f32 v20, v18  }
0x217: {  	v19 =	vadd.f32 v27, v19;
	v17 =	vmul.f32 v23, v17;
	v20 =	vadd.f32 v23, v23;
	_ =	sdelay $0x1  }
0x218: {  	v18 =	vadd.f32 v22, v18;
	v17 =	vmul.f32 v17, v23;
	v19 =	vmul.f32 v20, v19;
	_ =	sdelay $0x1  }
0x219: {  	v18 =	vadd.f32 v21, v18;
	v17 =	vsub.f32 v17, v19;
	_ =	sdelay $0x1  }
0x21a: {  	v17 =	vadd.f32 v17, v18;
	_ =	sdelay $0x1  }
0x21b: {  	v18 =	vmax.f32 v17, $1.000000040e-36  }
0x21c: {  	v19 =	vshra.s32 v18, $0x1;
	v20 =	vmul.f32 $5.000000000e-01, v18  }
0x21d: {  	v18 =	vsub.s32 $0x5F3759DF, v19  }
0x21e: {  	v19 =	vmul.f32 v18, v20;
	_ =	sdelay $0x1  }
0x21f: {  	v19 =	vmul.f32 v18, v19;
	_ =	sdelay $0x1  }
0x220: {  	v19 =	vsub.f32 $1.500000000e+00, v19;
	_ =	sdelay $0x1  }
0x221: {  	v18 =	vmul.f32 v18, v19;
	_ =	sdelay $0x1  }
0x222: {  	v19 =	vmul.f32 v18, v20;
	_ =	sdelay $0x1  }
0x223: {  	v19 =	vmul.f32 v19, v18;
	_ =	sdelay $0x1  }
0x224: {  	v19 =	vsub.f32 $1.500000000e+00, v19;
	_ =	sdelay $0x1  }
0x225: {  	v18 =	vmul.f32 v19, v18;
	_ =	sdelay $0x1  }
0x226: {  	v19 =	vmul.f32 v18, v20  }
.Ltmp2:
0x227: {  	(pc) =	sbr.rel @p0 .LBB2_6-.Ltmp2, $3  }
0x228: {  	v19 =	vmul.f32 v19, v18;
	_ =	sdelay $0x1  }
0x229: {  	s22 =	sadd.s32 $0x100, s22;
	v19 =	vsub.f32 $1.500000000e+00, v19  }
0x22a: {  	s24 =	sadd.s32 $0x40, s24;
	v20 =	vor.u32 s22, v0  }
0x22b: {  	v20 =	vand.u32 v1, v20;
	v18 =	vmul.f32 v19, v18  }
0x22c: {  	v17 =	vmax.f32 v17, $0.0e+00;
	s0 =	sand.u32 $0x200, s23;
	s20 =	sadd.s32 $0x10, s20  }
0x22d: {  	v19 =	vor.u32 s22, v2;
	s1 =	sand.u32 $0x70, s20;
	s0 =	sshrl.u32 s0, $0x2;
	v17 =	vmul.f32 v18, v17  }
0x22e: {  	s0 =	sor.u32 s1, s0  }
0x22f: {  	v18 =	vor.u32 s22, v3;
	[tilespmem:s0+$0x10400] =	vst v17  }
0x230: {  	v17 =	vld.idx.msk [tilespmem:v20+s4+$0x0], $0xffff  }
0x231: {  	v21 =	vor.u32 s22, v4  }
0x232: {  	v22 =	vld.idx.msk [tilespmem:v19+s4+$0x0], $0xffff  }
0x233: {  	v23 =	vor.u32 s22, v5  }
0x234: {  	v24 =	vld.idx.msk [tilespmem:v18+s4+$0x0], $0xffff  }
0x235: {  	v25 =	vor.u32 s22, v6;
	v17 =	vadd.f32 $0.0e+00, v17  }
0x236: {  	v26 =	vld.idx.msk [tilespmem:v21+s4+$0x0], $0xffff  }
0x237: {  	v27 =	vor.u32 s22, v7;
	v17 =	vadd.f32 v22, v17  }
0x238: {  	v45 =	vld.idx.msk [tilespmem:v23+s4+$0x0], $0xffff  }
0x239: {  	v28 =	vor.u32 s22, v8;
	v17 =	vadd.f32 v24, v17  }
0x23a: {  	v46 =	vld.idx.msk [tilespmem:v25+s4+$0x0], $0xffff  }
0x23b: {  	v29 =	vor.u32 s22, v9;
	v17 =	vadd.f32 v26, v17  }
0x23c: {  	v47 =	vld.idx.msk [tilespmem:v27+s4+$0x0], $0xffff  }
0x23d: {  	v30 =	vor.u32 s22, v10;
	v17 =	vadd.f32 v45, v17  }
0x23e: {  	v48 =	vld.idx.msk [tilespmem:v28+s4+$0x0], $0xffff  }
0x23f: {  	v31 =	vor.u32 s22, v11;
	v17 =	vadd.f32 v46, v17  }
0x240: {  	v49 =	vld.idx.msk [tilespmem:v29+s4+$0x0], $0xffff  }
0x241: {  	v32 =	vor.u32 s22, v12;
	v17 =	vadd.f32 v47, v17  }
0x242: {  	v50 =	vld.idx.msk [tilespmem:v30+s4+$0x0], $0xffff  }
0x243: {  	v33 =	vor.u32 s22, v13;
	v17 =	vadd.f32 v48, v17  }
0x244: {  	v51 =	vld.idx.msk [tilespmem:v31+s4+$0x0], $0xffff  }
0x245: {  	v34 =	vor.u32 s22, v14;
	v17 =	vadd.f32 v49, v17  }
0x246: {  	v52 =	vld.idx.msk [tilespmem:v32+s4+$0x0], $0xffff  }
0x247: {  	v35 =	vor.u32 s22, v15;
	v17 =	vadd.f32 v50, v17  }
0x248: {  	v53 =	vld.idx.msk [tilespmem:v33+s4+$0x0], $0xffff  }
0x249: {  	v36 =	vor.u32 s22, v16;
	v17 =	vadd.f32 v51, v17  }
0x24a: {  	v54 =	vld.idx.msk [tilespmem:v34+s4+$0x0], $0xffff  }
0x24b: {  	v17 =	vadd.f32 v52, v17  }
0x24c: {  	v55 =	vld.idx.msk [tilespmem:v35+s4+$0x0], $0xffff  }
0x24d: {  	v37 =	vld.idx.msk [tilespmem:v20+s5+$0x0], $0xffff;
	v17 =	vadd.f32 v53, v17  }
0x24e: {  	v56 =	vld.idx.msk [tilespmem:v36+s4+$0x0], $0xffff  }
0x24f: {  	v38 =	vld.idx.msk [tilespmem:v19+s5+$0x0], $0xffff;
	v17 =	vadd.f32 v54, v17  }
0x250: {  	v20 =	vld.idx.msk [tilespmem:v20+s16+$0x0], $0xffff  }
0x251: {  	v57 =	vld.idx.msk [tilespmem:v18+s5+$0x0], $0xffff;
	v17 =	vadd.f32 v55, v17  }
0x252: {  	v19 =	vld.idx.msk [tilespmem:v19+s16+$0x0], $0xffff;
	v58 =	vadd.f32 $0.0e+00, v37  }
0x253: {  	v59 =	vld.idx.msk [tilespmem:v21+s5+$0x0], $0xffff;
	v17 =	vadd.f32 v56, v17  }
0x254: {  	v18 =	vld.idx.msk [tilespmem:v18+s16+$0x0], $0xffff;
	v24 =	vadd.f32 v38, v58  }
0x255: {  	v60 =	vld.idx.msk [tilespmem:v23+s5+$0x0], $0xffff;
	v20 =	vadd.f32 $0.0e+00, v20;
	v61 =	vmax.f32 v17, $1.000000020e-24  }
0x256: {  	v21 =	vld.idx.msk [tilespmem:v21+s16+$0x0], $0xffff;
	v22 =	vadd.f32 v57, v24;
	v62 =	vshra.s32 v61, $0x1;
	v38 =	vmul.f32 $5.000000000e-01, v61  }
0x257: {  	v39 =	vld.idx.msk [tilespmem:v25+s5+$0x0], $0xffff;
	v19 =	vadd.f32 v19, v20;
	v63 =	vsub.s32 $0x5F3759DF, v62  }
0x258: {  	v23 =	vld.idx.msk [tilespmem:v23+s16+$0x0], $0xffff;
	v22 =	vadd.f32 v59, v22;
	v24 =	vmul.f32 v63, v38  }
0x259: {  	v40 =	vld.idx.msk [tilespmem:v27+s5+$0x0], $0xffff;
	v18 =	vadd.f32 v18, v19  }
0x25a: {  	v19 =	vld.idx.msk [tilespmem:v25+s16+$0x0], $0xffff;
	v22 =	vadd.f32 v60, v22;
	v24 =	vmul.f32 v63, v24  }
0x25b: {  	v41 =	vld.idx.msk [tilespmem:v28+s5+$0x0], $0xffff;
	v18 =	vadd.f32 v21, v18  }
0x25c: {  	v42 =	vld.idx.msk [tilespmem:v27+s16+$0x0], $0xffff;
	v22 =	vadd.f32 v39, v22;
	v24 =	vsub.f32 $1.500000000e+00, v24  }
0x25d: {  	v43 =	vld.idx.msk [tilespmem:v29+s5+$0x0], $0xffff;
	v18 =	vadd.f32 v23, v18  }
0x25e: {  	v44 =	vld.idx.msk [tilespmem:v28+s16+$0x0], $0xffff;
	v22 =	vadd.f32 v40, v22;
	v20 =	vmul.f32 v63, v24  }
0x25f: {  	v45 =	vld.idx.msk [tilespmem:v30+s5+$0x0], $0xffff;
	v18 =	vadd.f32 v19, v18  }
0x260: {  	v19 =	vld.idx.msk [tilespmem:v29+s16+$0x0], $0xffff;
	v22 =	vadd.f32 v41, v22;
	v46 =	vmul.f32 v20, v38  }
0x261: {  	v47 =	vld.idx.msk [tilespmem:v31+s5+$0x0], $0xffff;
	v18 =	vadd.f32 v42, v18  }
0x262: {  	v48 =	vld.idx.msk [tilespmem:v30+s16+$0x0], $0xffff;
	v22 =	vadd.f32 v43, v22;
	v25 =	vmul.f32 v46, v20  }
0x263: {  	v18 =	vadd.f32 v44, v18;
	v49 =	vld.idx.msk [tilespmem:v32+s5+$0x0], $0xffff  }
0x264: {  	v50 =	vld.idx.msk [tilespmem:v31+s16+$0x0], $0xffff;
	v22 =	vadd.f32 v45, v22;
	v51 =	vsub.f32 $1.500000000e+00, v25  }
0x265: {  	v18 =	vadd.f32 v19, v18;
	v52 =	vld.idx.msk [tilespmem:v33+s5+$0x0], $0xffff  }
0x266: {  	v19 =	vld.idx.msk [tilespmem:v32+s16+$0x0], $0xffff;
	v22 =	vadd.f32 v47, v22;
	v20 =	vmul.f32 v51, v20  }
0x267: {  	v18 =	vadd.f32 v48, v18;
	v53 =	vld.idx.msk [tilespmem:v34+s5+$0x0], $0xffff  }
0x268: {  	v22 =	vadd.f32 v49, v22;
	v54 =	vld.idx.msk [tilespmem:v33+s16+$0x0], $0xffff;
	v55 =	vmul.f32 v20, v38  }
0x269: {  	v18 =	vadd.f32 v50, v18;
	v56 =	vld.idx.msk [tilespmem:v35+s5+$0x0], $0xffff  }
0x26a: {  	v57 =	vld.idx.msk [tilespmem:v34+s16+$0x0], $0xffff;
	v22 =	vadd.f32 v52, v22;
	v58 =	vmul.f32 v55, v20  }
0x26b: {  	v59 =	vld.idx.msk [tilespmem:v36+s5+$0x0], $0xffff;
	v18 =	vadd.f32 v19, v18  }
0x26c: {  	v19 =	vadd.f32 v53, v22;
	v60 =	vsub.f32 $1.500000000e+00, v58  }
0x26d: {  	v18 =	vadd.f32 v54, v18;
	v61 =	vld.idx.msk [tilespmem:v35+s16+$0x0], $0xffff  }
0x26e: {  	v19 =	vadd.f32 v56, v19;
	v20 =	vmul.f32 v60, v20  }
0x26f: {  	v18 =	vadd.f32 v57, v18;
	v62 =	vld.idx.msk [tilespmem:v36+s16+$0x0], $0xffff  }
0x270: {  	v19 =	vadd.f32 v59, v19;
	v17 =	vmul.f32 v20, v17;
	v22 =	vadd.f32 v20, v20;
	_ =	sdelay $0x1  }
0x271: {  	v18 =	vadd.f32 v61, v18;
	v17 =	vmul.f32 v17, v20;
	v19 =	vmul.f32 v22, v19;
	_ =	sdelay $0x1  }
0x272: {  	v18 =	vadd.f32 v62, v18;
	v17 =	vsub.f32 v17, v19;
	_ =	sdelay $0x1  }
0x273: {  	v17 =	vadd.f32 v17, v18;
	_ =	sdelay $0x1  }
0x274: {  	v18 =	vmax.f32 v17, $1.000000040e-36  }
0x275: {  	v19 =	vshra.s32 v18, $0x1;
	v18 =	vmul.f32 $5.000000000e-01, v18  }
0x276: {  	v19 =	vsub.s32 $0x5F3759DF, v19  }
0x277: {  	v63 =	vmul.f32 v19, v18;
	_ =	sdelay $0x1  }
0x278: {  	v20 =	vmul.f32 v19, v63;
	_ =	sdelay $0x1  }
0x279: {  	v20 =	vsub.f32 $1.500000000e+00, v20;
	_ =	sdelay $0x1  }
0x27a: {  	v19 =	vmul.f32 v19, v20;
	_ =	sdelay $0x1  }
0x27b: {  	v20 =	vmul.f32 v19, v18;
	_ =	sdelay $0x1  }
0x27c: {  	v20 =	vmul.f32 v20, v19;
	_ =	sdelay $0x1  }
0x27d: {  	v20 =	vsub.f32 $1.500000000e+00, v20;
	_ =	sdelay $0x1  }
0x27e: {  	v19 =	vmul.f32 v20, v19;
	_ =	sdelay $0x1  }
0x27f: {  	v18 =	vmul.f32 v19, v18;
	_ =	sdelay $0x1  }
0x280: {  	v18 =	vmul.f32 v18, v19;
	_ =	sdelay $0x1  }
0x281: {  	v18 =	vsub.f32 $1.500000000e+00, v18;
	_ =	sdelay $0x1  }
0x282: {  	v18 =	vmul.f32 v18, v19  }
0x283: {  	s25 =	sand.u32 $0x200, s21;
	s26 =	sadd.s32 $0x10, s20;
	v17 =	vmax.f32 v17, $0.0e+00  }
0x284: {  	s20 =	simm.s32 $0x0;
	s1 =	sand.u32 $0x70, s26;
	s0 =	sshrl.u32 s25, $0x2;
	v17 =	vmul.f32 v18, v17  }
0x285: {  	s30 =	sand.u32 $0x200, s20;
	s0 =	sor.u32 s1, s0  }
0x286: {  	s29 =	rddreg [dreg:$0x5];
	s31 =	sand.u32 $0x70, s20;
	[tilespmem:s0+$0x10400] =	vst v17;
	s0 =	sshrl.u32 s30, $0x2  }
0x287: {  	[tilespmem:s20], [sflag:$0x2] =	stream.linear.gather [hbm4b:s29+s20], $0x8000, $0x38;
	[tilespmem:$0x13600] =	vst v63  }
0x288: {  	s0 =	sor.u32 s31, s0  }
0x289: {  	v17 =	vld [tilespmem:s0+$0x10300];
	_ =	sdelay $0x4  }
0x28a: {  	v17 =	vshll.u32 v17, $0x4  }
0x28b: {  	(v2sf) =	vpush v17, $0x1  }
0x28c: {  	(v2sf) =	vpush v17, $0x0  }
0x28d: {  	s21 =	simm.s32 $0x2000;
	s23 =	simm.s32 $0x10;
	(v2sf) =	vpush v17, $0x3  }
0x28e: {  	s24 =	simm.s32 $0x4000;
	s15 =	simm.s32 $0x0;
	s25 =	simm.s32 $0x40;
	(v2sf) =	vpush v17, $0x2  }
0x28f: {  	s26 =	simm.s32 $0x20;
	s22 =	simm.s32 $0x0;
	s28 =	sand.u32 $0x200, s25;
	(v2sf) =	vpush v17, $0x4  }
.LBB2_8:
0x290: {  	s2 =	sadd.s32 $0x8080, s22;
	s31 =	sadd.s32 $0x8580, s22  }
0x291: {  	s29 =	smov.u32 s21;
	s21 =	smov.u32 s24;
	s24 =	sadd.s32 $0x2000, s24  }
0x292: {  	s18 =	sadd.s32 $0x8380, s22;
	s0 =	sadd.s32 $0x8600, s22;
	p0 =	sne.s32 s24, $0x20000  }
0x293: {  	s5 =	sadd.s32 $0x8280, s22;
	s17 =	sadd.s32 $0x8400, s22;
	s30 =	sadd.s32 $0x8680, s22  }
0x294: {  	s7 =	sadd.s32 $0x8000, s22;
	s8 =	sadd.s32 $0x8200, s22;
	(v2sf) =	vpush v17, $0x5  }
0x295: {  	s6 =	sadd.s32 $0x8300, s22  }
0x296: {  	s9 =	sadd.s32 $0x8100, s22;
	s10 =	sadd.s32 $0x8500, s22;
	(v2sf) =	vpush v17, $0x6  }
0x297: {  	s4 =	sadd.s32 $0x8480, s22  }
0x298: {  	(v2sf) =	vpush v17, $0x7;
	_ =	sdelay $0x1  }
0x299: {  	s11 =	sadd.s32 $0x8180, s22;
	s12 =	spop (v2sf);
	(v2sf) =	vpush v17, $0x8  }
0x29a: {  	s1 =	sadd.s32 $0x8780, s22;
	p1 =	slt.u32 s20, $0x7;
	s13 =	spop (v2sf)  }
0x29b: {  	s12 =	sand.u32 $0x1FFFFFF0, s12;
	s13 =	sand.u32 $0x1FFFFFF0, s13;
	s14 =	spop (v2sf);
	(v2sf) =	vpush v17, $0x9  }
0x29c: {  	s12 =	sadd.s32 s3, s12;
	s13 =	sadd.s32 s3, s13;
	s19 =	spop (v2sf)  }
0x29d: {  	[tilespmem:s7], [sflag:$0x1] =	stream.linear.gather [hbm4b:s13+s15], $0x80, $0x38;
	(v2sf) =	vpush v17, $0xA;
	[tilespmem:$0x13600] =	vst v63  }
0x29e: {  	s7 =	sand.u32 $0x1FFFFFF0, s19;
	s13 =	sand.u32 $0x1FFFFFF0, s14;
	s14 =	spop (v2sf)  }
0x29f: {  	[tilespmem:s2], [sflag:$0x1] =	stream.linear.gather [hbm4b:s12+s15], $0x80, $0x38;
	(v2sf) =	vpush v17, $0xB;
	[tilespmem:$0x13600] =	vst v63  }
0x2a0: {  	s2 =	sadd.s32 s3, s7;
	s7 =	sadd.s32 s3, s13;
	s12 =	sand.u32 $0x1FFFFFF0, s14  }
0x2a1: {  	[tilespmem:s9], [sflag:$0x1] =	stream.linear.gather [hbm4b:s2+s15], $0x80, $0x38;
	(v2sf) =	vpush v17, $0xC;
	[tilespmem:$0x13600] =	vst v63  }
0x2a2: {  	s23 =	sand.u32 $0x70, s23;
	s28 =	sshrl.u32 s28, $0x2;
	s2 =	spop (v2sf)  }
0x2a3: {  	[tilespmem:s11], [sflag:$0x1] =	stream.linear.gather [hbm4b:s7+s15], $0x80, $0x38;
	(v2sf) =	vpush v17, $0xD;
	[tilespmem:$0x13600] =	vst v63  }
0x2a4: {  	s7 =	sadd.s32 s3, s12;
	s2 =	sand.u32 $0x1FFFFFF0, s2;
	s9 =	spop (v2sf)  }
0x2a5: {  	[tilespmem:s8], [sflag:$0x1] =	stream.linear.gather [hbm4b:s7+s15], $0x80, $0x38;
	(v2sf) =	vpush v17, $0xE;
	[tilespmem:$0x13600] =	vst v63  }
0x2a6: {  	s2 =	sadd.s32 s3, s2;
	s7 =	sand.u32 $0x1FFFFFF0, s9;
	s8 =	spop (v2sf)  }
0x2a7: {  	[tilespmem:s5], [sflag:$0x1] =	stream.linear.gather [hbm4b:s2+s15], $0x80, $0x38;
	(v2sf) =	vpush v17, $0xF;
	[tilespmem:$0x13600] =	vst v63  }
0x2a8: {  	s2 =	sadd.s32 s3, s7;
	s5 =	sand.u32 $0x1FFFFFF0, s8;
	s7 =	spop (v2sf)  }
0x2a9: {  	[tilespmem:s6], [sflag:$0x1] =	stream.linear.gather [hbm4b:s2+s15], $0x80, $0x38;
	[tilespmem:$0x13600] =	vst v63  }
0x2aa: {  	s2 =	sadd.s32 s3, s5;
	s5 =	sand.u32 $0x1FFFFFF0, s7;
	s6 =	spop (v2sf)  }
0x2ab: {  	[tilespmem:s18], [sflag:$0x1] =	stream.linear.gather [hbm4b:s2+s15], $0x80, $0x38;
	[tilespmem:$0x13600] =	vst v63  }
0x2ac: {  	s2 =	sadd.s32 s3, s5;
	s5 =	sand.u32 $0x1FFFFFF0, s6;
	s6 =	spop (v2sf)  }
0x2ad: {  	[tilespmem:s17], [sflag:$0x1] =	stream.linear.gather [hbm4b:s2+s15], $0x80, $0x38;
	[tilespmem:$0x13600] =	vst v63  }
0x2ae: {  	s2 =	sadd.s32 s3, s5;
	s5 =	sand.u32 $0x1FFFFFF0, s6;
	s6 =	spop (v2sf)  }
0x2af: {  	[tilespmem:s4], [sflag:$0x1] =	stream.linear.gather [hbm4b:s2+s15], $0x80, $0x38;
	[tilespmem:$0x13600] =	vst v63  }
0x2b0: {  	s2 =	sadd.s32 s3, s5;
	s4 =	sand.u32 $0x1FFFFFF0, s6;
	s5 =	spop (v2sf)  }
0x2b1: {  	[tilespmem:s10], [sflag:$0x1] =	stream.linear.gather [hbm4b:s2+s15], $0x80, $0x38;
	[tilespmem:$0x13600] =	vst v63  }
0x2b2: {  	s2 =	sadd.s32 s3, s4;
	s4 =	sand.u32 $0x1FFFFFF0, s5;
	s5 =	spop (v2sf)  }
0x2b3: {  	[tilespmem:s31], [sflag:$0x1] =	stream.linear.gather [hbm4b:s2+s15], $0x80, $0x38;
	[tilespmem:$0x13600] =	vst v63  }
0x2b4: {  	s2 =	sadd.s32 s3, s4;
	s4 =	sand.u32 $0x1FFFFFF0, s5;
	s5 =	spop (v2sf)  }
0x2b5: {  	[tilespmem:s0], [sflag:$0x1] =	stream.linear.gather [hbm4b:s2+s15], $0x80, $0x38;
	[tilespmem:$0x13600] =	vst v63  }
0x2b6: {  	s0 =	sadd.s32 s3, s4;
	s2 =	sand.u32 $0x1FFFFFF0, s5;
	s4 =	spop (v2sf)  }
0x2b7: {  	[tilespmem:s30], [sflag:$0x1] =	stream.linear.gather [hbm4b:s0+s15], $0x80, $0x38;
	[tilespmem:$0x13600] =	vst v63  }
0x2b8: {  	s2 =	sadd.s32 s3, s2;
	s0 =	sadd.s32 $0x8700, s22;
	s4 =	sand.u32 $0x1FFFFFF0, s4  }
0x2b9: {  	[tilespmem:s0], [sflag:$0x1] =	stream.linear.gather [hbm4b:s2+s15], $0x80, $0x38;
	[tilespmem:$0x13600] =	vst v63  }
0x2ba: {  	s0 =	sor.u32 s23, s28;
	s2 =	sadd.s32 s3, s4;
	s4 =	simm.s32 @!p1 $0x1  }
0x2bb: {  	[tilespmem:s1], [sflag:$0x1] =	stream.linear.gather [hbm4b:s2+s15], $0x80, $0x38;
	[tilespmem:$0x13600] =	vst v63  }
0x2bc: {  	s20 =	sadd.s32 $0x1, s20;
	s23 =	smov.u32 s26;
	_ =	swait.ge @!p1 [sflag:s4], $0x800  }
0x2bd: {  	[sflag:s4] =	ssyncset.done @!p1 $0x0  }
0x2be: {  	[sflag:s4] =	ssyncadd.s32 @!p1 $0xFFFFF800  }
0x2bf: {  	v17 =	vld [tilespmem:s0+$0x10300];
	_ =	sdelay $0x4  }
0x2c0: {  	v17 =	vshll.u32 v17, $0x4  }
0x2c1: {  	(v2sf) =	vpush v17, $0x1  }
.Ltmp3:
0x2c2: {  	(v2sf) =	vpush v17, $0x0;
	(pc) =	sbr.rel @p0 .LBB2_8-.Ltmp3, $4  }
0x2c3: {  	(v2sf) =	vpush v17, $0x3  }
0x2c4: {  	(v2sf) =	vpush v17, $0x2  }
0x2c5: {  	s25 =	sadd.s32 $0x40, s25  }
0x2c6: {  	s22 =	sshra.s32 s29, $0x2;
	s28 =	sand.u32 $0x200, s25;
	s26 =	sadd.s32 $0x10, s26;
	(v2sf) =	vpush v17, $0x4  }
0x2c7: {  	_ =	sdelay $0x8  }
0x2c8: {  	s0 =	spop (v2sf);
	(v2sf) =	vpush v17, $0x5;
	_ =	sdelay $0x1  }
0x2c9: {  	(v2sf) =	vpush v17, $0x6;
	_ =	sdelay $0x1  }
0x2ca: {  	s1 =	spop (v2sf);
	(v2sf) =	vpush v17, $0x7  }
0x2cb: {  	s2 =	sadd.s32 $0x8000, s22;
	s1 =	sand.u32 $0x1FFFFFF0, s1  }
0x2cc: {  	s0 =	sand.u32 $0x1FFFFFF0, s0;
	s31 =	spop (v2sf);
	s1 =	sadd.s32 s3, s1  }
0x2cd: {  	[tilespmem:s2], [sflag:$0x1] =	stream.linear.gather [hbm4b:s1+s15], $0x80, $0x38;
	[tilespmem:$0x13600] =	vst v63  }
0x2ce: {  	s30 =	sadd.s32 $0x8080, s22;
	s0 =	sadd.s32 s3, s0;
	s4 =	spop (v2sf)  }
0x2cf: {  	[tilespmem:s30], [sflag:$0x1] =	stream.linear.gather [hbm4b:s0+s15], $0x80, $0x38;
	[tilespmem:$0x13600] =	vst v63  }
0x2d0: {  	s8 =	spop (v2sf);
	(v2sf) =	vpush v17, $0x8;
	s0 =	sand.u32 $0x1FFFFFF0, s4  }
0x2d1: {  	s5 =	sadd.s32 $0x8100, s22;
	s6 =	sand.u32 $0x1FFFFFF0, s31;
	s0 =	sadd.s32 s3, s0  }
0x2d2: {  	[tilespmem:s5], [sflag:$0x1] =	stream.linear.gather [hbm4b:s0+s15], $0x80, $0x38;
	[tilespmem:$0x13600] =	vst v63  }
0x2d3: {  	s7 =	sadd.s32 $0x8180, s22;
	s0 =	sadd.s32 s3, s6  }
0x2d4: {  	[tilespmem:s7], [sflag:$0x1] =	stream.linear.gather [hbm4b:s0+s15], $0x80, $0x38;
	[tilespmem:$0x13600] =	vst v63  }
0x2d5: {  	s10 =	spop (v2sf);
	(v2sf) =	vpush v17, $0x9  }
0x2d6: {  	s0 =	sand.u32 $0x1FFFFFF0, s8  }
0x2d7: {  	s9 =	sadd.s32 $0x8200, s22;
	s0 =	sadd.s32 s3, s0;
	s12 =	spop (v2sf);
	(v2sf) =	vpush v17, $0xA  }
0x2d8: {  	[tilespmem:s9], [sflag:$0x1] =	stream.linear.gather [hbm4b:s0+s15], $0x80, $0x38;
	[tilespmem:$0x13600] =	vst v63  }
0x2d9: {  	s0 =	sand.u32 $0x1FFFFFF0, s10;
	s14 =	spop (v2sf);
	(v2sf) =	vpush v17, $0xB  }
0x2da: {  	s11 =	sadd.s32 $0x8280, s22;
	s0 =	sadd.s32 s3, s0  }
0x2db: {  	[tilespmem:s11], [sflag:$0x1] =	stream.linear.gather [hbm4b:s0+s15], $0x80, $0x38;
	[tilespmem:$0x13600] =	vst v63  }
0x2dc: {  	s0 =	sand.u32 $0x1FFFFFF0, s12  }
0x2dd: {  	s13 =	sadd.s32 $0x8300, s22;
	s0 =	sadd.s32 s3, s0  }
0x2de: {  	[tilespmem:s13], [sflag:$0x1] =	stream.linear.gather [hbm4b:s0+s15], $0x80, $0x38;
	[tilespmem:$0x13600] =	vst v63  }
0x2df: {  	s18 =	spop (v2sf);
	(v2sf) =	vpush v17, $0xC  }
0x2e0: {  	s0 =	sand.u32 $0x1FFFFFF0, s14  }
0x2e1: {  	s17 =	sadd.s32 $0x8380, s22;
	s0 =	sadd.s32 s3, s0  }
0x2e2: {  	[tilespmem:s17], [sflag:$0x1] =	stream.linear.gather [hbm4b:s0+s15], $0x80, $0x38;
	[tilespmem:$0x13600] =	vst v63  }
0x2e3: {  	s0 =	sand.u32 $0x1FFFFFF0, s18  }
0x2e4: {  	s19 =	sadd.s32 $0x8400, s22;
	s0 =	sadd.s32 s3, s0;
	s24 =	spop (v2sf);
	(v2sf) =	vpush v17, $0xD  }
0x2e5: {  	[tilespmem:s19], [sflag:$0x1] =	stream.linear.gather [hbm4b:s0+s15], $0x80, $0x38;
	[tilespmem:$0x13600] =	vst v63  }
0x2e6: {  	s26 =	spop (v2sf);
	(v2sf) =	vpush v17, $0xE  }
0x2e7: {  	s0 =	sand.u32 $0x1FFFFFF0, s24  }
0x2e8: {  	s25 =	sadd.s32 $0x8480, s22;
	s0 =	sadd.s32 s3, s0;
	s30 =	spop (v2sf)  }
0x2e9: {  	(v2sf) =	vpush v17, $0xF;
	[tilespmem:s25], [sflag:$0x1] =	stream.linear.gather [hbm4b:s0+s15], $0x80, $0x38;
	[tilespmem:$0x13600] =	vst v63  }
0x2ea: {  	s0 =	sand.u32 $0x1FFFFFF0, s26  }
0x2eb: {  	s29 =	sadd.s32 $0x8500, s22;
	s0 =	sadd.s32 s3, s0  }
0x2ec: {  	[tilespmem:s29], [sflag:$0x1] =	stream.linear.gather [hbm4b:s0+s15], $0x80, $0x38;
	[tilespmem:$0x13600] =	vst v63  }
0x2ed: {  	s0 =	sand.u32 $0x1FFFFFF0, s30  }
0x2ee: {  	s31 =	sadd.s32 $0x8580, s22;
	s1 =	spop (v2sf);
	s0 =	sadd.s32 s3, s0  }
0x2ef: {  	[tilespmem:s31], [sflag:$0x1] =	stream.linear.gather [hbm4b:s0+s15], $0x80, $0x38;
	[tilespmem:$0x13600] =	vst v63  }
0x2f0: {  	s0 =	sand.u32 $0x1FFFFFF0, s1  }
0x2f1: {  	s2 =	sadd.s32 $0x8600, s22;
	s0 =	sadd.s32 s3, s0  }
0x2f2: {  	[tilespmem:s2], [sflag:$0x1] =	stream.linear.gather [hbm4b:s0+s15], $0x80, $0x38;
	[tilespmem:$0x13600] =	vst v63  }
0x2f3: {  	s4 =	spop (v2sf)  }
0x2f4: {  	s0 =	sand.u32 $0x1FFFFFF0, s4  }
0x2f5: {  	s5 =	sadd.s32 $0x8680, s22;
	s6 =	spop (v2sf);
	s0 =	sadd.s32 s3, s0  }
0x2f6: {  	[tilespmem:s5], [sflag:$0x1] =	stream.linear.gather [hbm4b:s0+s15], $0x80, $0x38;
	[tilespmem:$0x13600] =	vst v63  }
0x2f7: {  	s0 =	sand.u32 $0x1FFFFFF0, s6  }
0x2f8: {  	s7 =	sadd.s32 $0x8700, s22;
	s8 =	spop (v2sf);
	s0 =	sadd.s32 s3, s0  }
0x2f9: {  	[tilespmem:s7], [sflag:$0x1] =	stream.linear.gather [hbm4b:s0+s15], $0x80, $0x38;
	[tilespmem:$0x13600] =	vst v63  }
0x2fa: {  	s0 =	sand.u32 $0x1FFFFFF0, s8  }
0x2fb: {  	p0 =	slt.u32 s20, $0x7;
	s9 =	sadd.s32 $0x8780, s22;
	s0 =	sadd.s32 s3, s0  }
0x2fc: {  	[tilespmem:s9], [sflag:$0x1] =	stream.linear.gather [hbm4b:s0+s15], $0x80, $0x38;
	[tilespmem:$0x13600] =	vst v63  }
0x2fd: {  	s0 =	simm.s32 @!p0 $0x1  }
0x2fe: {  	_ =	swait.ge @!p0 [sflag:s0], $0x800  }
0x2ff: {  	s10 =	sand.u32 $0x70, s23;
	s11 =	sshrl.u32 s28, $0x2;
	[sflag:s0] =	ssyncset.done @!p0 $0x0  }
0x300: {  	s1 =	sor.u32 s10, s11;
	[sflag:s0] =	ssyncadd.s32 @!p0 $0xFFFFF800  }
0x301: {  	v17 =	vld [tilespmem:s1+$0x10300];
	_ =	sdelay $0x4  }
0x302: {  	v17 =	vshll.u32 v17, $0x4  }
0x303: {  	(v2sf) =	vpush v17, $0x1  }
0x304: {  	(v2sf) =	vpush v17, $0x0;
	_ =	sdelay $0x1  }
0x305: {  	(v2sf) =	vpush v17, $0x3;
	_ =	sdelay $0x1  }
0x306: {  	(v2sf) =	vpush v17, $0x2;
	_ =	sdelay $0x2  }
0x307: {  	(v2sf) =	vpush v17, $0x4;
	_ =	sdelay $0x1  }
0x308: {  	(v2sf) =	vpush v17, $0x5;
	_ =	sdelay $0x1  }
0x309: {  	(v2sf) =	vpush v17, $0x6;
	_ =	sdelay $0x1  }
0x30a: {  	s20 =	sadd.s32 $0x1, s20;
	s0 =	sshra.s32 s21, $0x2  }
0x30b: {  	s4 =	sadd.s32 $0x8000, s0;
	s14 =	sadd.s32 $0x8080, s0;
	s12 =	spop (v2sf)  }
0x30c: {  	s19 =	sadd.s32 $0x8100, s0;
	s23 =	sadd.s32 $0x8180, s0;
	(v2sf) =	vpush v17, $0x7;
	s13 =	spop (v2sf)  }
0x30d: {  	s24 =	sadd.s32 $0x8200, s0;
	s29 =	sadd.s32 $0x8280, s0;
	s2 =	sand.u32 $0x1FFFFFF0, s13  }
0x30e: {  	s1 =	sand.u32 $0x1FFFFFF0, s12;
	(v2sf) =	vpush v17, $0x8;
	s17 =	spop (v2sf);
	s2 =	sadd.s32 s3, s2  }
0x30f: {  	(v2sf) =	vpush v17, $0x9;
	[tilespmem:s4], [sflag:$0x1] =	stream.linear.gather [hbm4b:s2+s15], $0x80, $0x38;
	[tilespmem:$0x13600] =	vst v63  }
0x310: {  	s30 =	sadd.s32 $0x8300, s0;
	s1 =	sadd.s32 s3, s1;
	s18 =	spop (v2sf)  }
0x311: {  	(v2sf) =	vpush v17, $0xA;
	[tilespmem:s14], [sflag:$0x1] =	stream.linear.gather [hbm4b:s1+s15], $0x80, $0x38;
	[tilespmem:$0x13600] =	vst v63  }
0x312: {  	s6 =	sadd.s32 $0x8380, s0;
	s7 =	sadd.s32 $0x8400, s0;
	s1 =	sand.u32 $0x1FFFFFF0, s18  }
0x313: {  	s21 =	sand.u32 $0x1FFFFFF0, s17;
	s22 =	spop (v2sf);
	(v2sf) =	vpush v17, $0xB;
	s1 =	sadd.s32 s3, s1  }
0x314: {  	[tilespmem:s19], [sflag:$0x1] =	stream.linear.gather [hbm4b:s1+s15], $0x80, $0x38;
	[tilespmem:$0x13600] =	vst v63  }
0x315: {  	s2 =	sand.u32 $0x1FFFFFF0, s22;
	s25 =	spop (v2sf);
	(v2sf) =	vpush v17, $0xC;
	s1 =	sadd.s32 s3, s21  }
0x316: {  	[tilespmem:s23], [sflag:$0x1] =	stream.linear.gather [hbm4b:s1+s15], $0x80, $0x38;
	[tilespmem:$0x13600] =	vst v63  }
0x317: {  	s2 =	sadd.s32 s3, s2;
	s26 =	sand.u32 $0x1FFFFFF0, s25;
	s28 =	spop (v2sf);
	(v2sf) =	vpush v17, $0xD  }
0x318: {  	[tilespmem:s24], [sflag:$0x1] =	stream.linear.gather [hbm4b:s2+s15], $0x80, $0x38;
	[tilespmem:$0x13600] =	vst v63  }
0x319: {  	s11 =	sadd.s32 $0x8480, s0;
	s1 =	sadd.s32 s3, s26;
	s2 =	sand.u32 $0x1FFFFFF0, s28  }
0x31a: {  	[tilespmem:s29], [sflag:$0x1] =	stream.linear.gather [hbm4b:s1+s15], $0x80, $0x38;
	[tilespmem:$0x13600] =	vst v63  }
0x31b: {  	s12 =	sadd.s32 $0x8500, s0;
	s2 =	sadd.s32 s3, s2;
	s31 =	spop (v2sf);
	(v2sf) =	vpush v17, $0xE  }
0x31c: {  	[tilespmem:s30], [sflag:$0x1] =	stream.linear.gather [hbm4b:s2+s15], $0x80, $0x38;
	[tilespmem:$0x13600] =	vst v63  }
0x31d: {  	s18 =	sadd.s32 $0x8580, s0;
	s4 =	sand.u32 $0x1FFFFFF0, s31;
	s5 =	spop (v2sf);
	(v2sf) =	vpush v17, $0xF  }
0x31e: {  	s1 =	sadd.s32 s3, s4;
	s2 =	sand.u32 $0x1FFFFFF0, s5;
	s8 =	spop (v2sf)  }
0x31f: {  	[tilespmem:s6], [sflag:$0x1] =	stream.linear.gather [hbm4b:s1+s15], $0x80, $0x38;
	[tilespmem:$0x13600] =	vst v63  }
0x320: {  	s2 =	sadd.s32 s3, s2;
	s9 =	sand.u32 $0x1FFFFFF0, s8;
	s10 =	spop (v2sf)  }
0x321: {  	[tilespmem:s7], [sflag:$0x1] =	stream.linear.gather [hbm4b:s2+s15], $0x80, $0x38;
	[tilespmem:$0x13600] =	vst v63  }
0x322: {  	s1 =	sadd.s32 s3, s9;
	s13 =	spop (v2sf);
	s2 =	sand.u32 $0x1FFFFFF0, s10  }
0x323: {  	[tilespmem:s11], [sflag:$0x1] =	stream.linear.gather [hbm4b:s1+s15], $0x80, $0x38;
	[tilespmem:$0x13600] =	vst v63  }
0x324: {  	s14 =	sand.u32 $0x1FFFFFF0, s13;
	s17 =	spop (v2sf);
	s2 =	sadd.s32 s3, s2  }
0x325: {  	[tilespmem:s12], [sflag:$0x1] =	stream.linear.gather [hbm4b:s2+s15], $0x80, $0x38;
	[tilespmem:$0x13600] =	vst v63  }
0x326: {  	s22 =	spop (v2sf);
	s1 =	sadd.s32 s3, s14;
	s2 =	sand.u32 $0x1FFFFFF0, s17  }
0x327: {  	[tilespmem:s18], [sflag:$0x1] =	stream.linear.gather [hbm4b:s1+s15], $0x80, $0x38;
	[tilespmem:$0x13600] =	vst v63  }
0x328: {  	s19 =	sadd.s32 $0x8600, s0;
	s23 =	sand.u32 $0x1FFFFFF0, s22;
	s2 =	sadd.s32 s3, s2  }
0x329: {  	[tilespmem:s19], [sflag:$0x1] =	stream.linear.gather [hbm4b:s2+s15], $0x80, $0x38;
	[tilespmem:$0x13600] =	vst v63  }
0x32a: {  	s21 =	sadd.s32 $0x8680, s0;
	s1 =	sadd.s32 s3, s23;
	s24 =	spop (v2sf)  }
0x32b: {  	[tilespmem:s21], [sflag:$0x1] =	stream.linear.gather [hbm4b:s1+s15], $0x80, $0x38;
	[tilespmem:$0x13600] =	vst v63  }
0x32c: {  	p0 =	slt.u32 s20, $0x7;
	s4 =	sand.u32 $0x1FFFFFF0, s24;
	s5 =	spop (v2sf)  }
0x32d: {  	s25 =	sadd.s32 $0x8700, s0;
	s26 =	sadd.s32 s3, s4;
	s28 =	sand.u32 $0x1FFFFFF0, s5  }
0x32e: {  	[tilespmem:s25], [sflag:$0x1] =	stream.linear.gather [hbm4b:s26+s15], $0x80, $0x38;
	[tilespmem:$0x13600] =	vst v63  }
0x32f: {  	s0 =	sadd.s32 $0x8780, s0;
	s2 =	simm.s32 @!p0 $0x1;
	s29 =	sadd.s32 s3, s28  }
0x330: {  	[tilespmem:s0], [sflag:$0x1] =	stream.linear.gather [hbm4b:s29+s15], $0x80, $0x38;
	[tilespmem:$0x13600] =	vst v63  }
0x331: {  	_ =	swait.ge @!p0 [sflag:s2], $0x800  }
0x332: {  	[sflag:s2] =	ssyncset.done @!p0 $0x0  }
0x333: {  	s30 =	simm.s32 $0x1;
	[sflag:s2] =	ssyncadd.s32 @!p0 $0xFFFFF800  }
0x334: {  	_ =	swait.ge [sflag:s30], $0x800  }
0x335: {  	[sflag:s30] =	ssyncset.done $0x0  }
0x336: {  	[sflag:s30] =	ssyncadd.s32 $0xFFFFF800  }
0x337: {  	_ =	swait.ge [sflag:s30], $0x800  }
0x338: {  	[sflag:s30] =	ssyncset.done $0x0  }
0x339: {  	[sflag:s30] =	ssyncadd.s32 $0xFFFFF800  }
0x33a: {  	_ =	swait.ge [sflag:s30], $0x800  }
0x33b: {  	[sflag:s30] =	ssyncset.done $0x0  }
0x33c: {  	[sflag:s30] =	ssyncadd.s32 $0xFFFFF800  }
0x33d: {  	_ =	swait.ge [sflag:s30], $0x800  }
0x33e: {  	[sflag:s30] =	ssyncset.done $0x0  }
0x33f: {  	[sflag:s30] =	ssyncadd.s32 $0xFFFFF800  }
0x340: {  	_ =	swait.ge [sflag:s30], $0x800  }
0x341: {  	[sflag:s30] =	ssyncset.done $0x0  }
0x342: {  	[sflag:s30] =	ssyncadd.s32 $0xFFFFF800  }
0x343: {  	_ =	swait.ge [sflag:s30], $0x800  }
0x344: {  	[sflag:s30] =	ssyncset.done $0x0  }
0x345: {  	[sflag:s30] =	ssyncadd.s32 $0xFFFFF800  }
0x346: {  	_ =	swait.ge [sflag:s30], $0x800  }
0x347: {  	[sflag:s30] =	ssyncset.done $0x0  }
0x348: {  	s31 =	simm.s32 $0x2;
	[sflag:s30] =	ssyncadd.s32 $0xFFFFF800  }
0x349: {  	_ =	swait.ge [sflag:s31], $0x8000  }
0x34a: {  	[sflag:s31] =	ssyncset.done $0x0  }
0x34b: {  	s0 =	simm.s32 $0x20;
	[sflag:s31] =	ssyncadd.s32 $0xFFFF8000  }
0x34c: {  	s1 =	simm.s32 $0x8020;
	v17 =	vld [tilespmem:s0+$0xFFFFFFE0]  }
0x34d: {  	v18 =	vld [tilespmem:s1+$0xFFFFFFE0]  }
0x34e: {  	v19 =	vld [tilespmem:s1+$0xFFFFFFF0]  }
0x34f: {  	v20 =	vld [tilespmem:s0+$0xFFFFFFF0]  }
0x350: {  	v21 =	vld [tilespmem:s1+$0x0]  }
0x351: {  	v22 =	vld [tilespmem:s0+$0x0]  }
0x352: {  	v24 =	vld [tilespmem:s1+$0x10];
	v23 =	vmul.f32 v18, v17;
	v18 =	vmul.f32 v18, v18  }
0x353: {  	v26 =	vld [tilespmem:s0+$0x10];
	v17 =	vmul.f32 v17, v17;
	v25 =	vmul.f32 v19, v19  }
0x354: {  	v27 =	vmul.f32 v20, v20;
	v19 =	vmul.f32 v19, v20  }
0x355: {  	v20 =	vmul.f32 v21, v21;
	v23 =	vadd.f32 $0.0e+00, v23;
	v18 =	vadd.f32 v25, v18  }
0x356: {  	v61 =	vmul.f32 v22, v22;
	v21 =	vmul.f32 v21, v22;
	v17 =	vadd.f32 v27, v17  }
0x357: {  	v19 =	vadd.f32 v19, v23;
	v18 =	vadd.f32 v20, v18;
	v20 =	vmul.f32 v24, v24  }
0x358: {  	v62 =	vmul.f32 v26, v26;
	v17 =	vadd.f32 v61, v17  }
0x359: {  	v63 =	vmul.f32 v24, v26;
	v19 =	vadd.f32 v21, v19;
	v20 =	vadd.f32 v20, v18  }
0x35a: {  	s5 =	simm.s32 $0x0;
	v18 =	vadd.f32 v62, v17  }
0x35b: {  	s20 =	simm.s32 $0x0;
	s8 =	simm.s32 $0x0;
	s4 =	simm.s32 $0x40;
	v17 =	vadd.f32 v63, v19;
	[tilespmem:s5+$0x12600] =	vst v20  }
.LBB2_10:
0x35c: {  	p0 =	sne.s32 s4, $0x3FC0;
	[tilespmem:s5+$0x10600] =	vst v18;
	s1 =	sadd.s32 $0x80, s1;
	s0 =	sadd.s32 $0x80, s0  }
0x35d: {  	s2 =	smov.u32 s4;
	s4 =	sadd.s32 $0x40, s4;
	[tilespmem:s5+$0x11600] =	vst v17  }
0x35e: {  	v17 =	vld [tilespmem:s0+$0xFFFFFFE0]  }
0x35f: {  	v18 =	vld [tilespmem:s1+$0xFFFFFFE0]  }
0x360: {  	v19 =	vld [tilespmem:s1+$0xFFFFFFF0]  }
0x361: {  	v20 =	vld [tilespmem:s0+$0xFFFFFFF0]  }
0x362: {  	v21 =	vld [tilespmem:s1+$0x0]  }
0x363: {  	v22 =	vld [tilespmem:s0+$0x0]  }
0x364: {  	v23 =	vmul.f32 v18, v17;
	v18 =	vmul.f32 v18, v18;
	v24 =	vld [tilespmem:s1+$0x10]  }
0x365: {  	v17 =	vmul.f32 v17, v17;
	v25 =	vmul.f32 v19, v19;
	v26 =	vld [tilespmem:s0+$0x10]  }
0x366: {  	v23 =	vadd.f32 $0.0e+00, v23;
	v27 =	vmul.f32 v20, v20;
	v19 =	vmul.f32 v19, v20  }
0x367: {  	v18 =	vadd.f32 v25, v18;
	v20 =	vmul.f32 v21, v21  }
0x368: {  	v17 =	vadd.f32 v27, v17;
	v19 =	vadd.f32 v19, v23;
	v23 =	vmul.f32 v22, v22  }
.Ltmp4:
0x369: {  	v21 =	vmul.f32 v21, v22;
	v18 =	vadd.f32 v20, v18;
	v20 =	vmul.f32 v24, v24;
	(pc) =	sbr.rel @p0 .LBB2_10-.Ltmp4, $4  }
0x36a: {  	v17 =	vadd.f32 v23, v17;
	v22 =	vmul.f32 v26, v26  }
0x36b: {  	v19 =	vadd.f32 v21, v19;
	v21 =	vmul.f32 v24, v26;
	v20 =	vadd.f32 v20, v18  }
0x36c: {  	s5 =	sshra.s32 s2, $0x2;
	v18 =	vadd.f32 v22, v17  }
0x36d: {  	v17 =	vadd.f32 v21, v19;
	[tilespmem:s5+$0x12600] =	vst v20  }
0x36e: {  	v19 =	vor.u32 s20, v0  }
0x36f: {  	v19 =	vand.u32 v1, v19;
	_ =	sdelay $0x1  }
0x370: {  	v20 =	vor.u32 s20, v2  }
0x371: {  	[tilespmem:s5+$0x10600] =	vst v18  }
0x372: {  	s4 =	simm.s32 $0x10600;
	[tilespmem:s5+$0x11600] =	vst v17;
	v17 =	vor.u32 s20, v3  }
0x373: {  	v18 =	vld.idx.msk [tilespmem:v19+s4+$0x0], $0xffff  }
0x374: {  	v21 =	vor.u32 s20, v4  }
0x375: {  	v22 =	vld.idx.msk [tilespmem:v20+s4+$0x0], $0xffff  }
0x376: {  	v23 =	vor.u32 s20, v5  }
0x377: {  	v24 =	vld.idx.msk [tilespmem:v17+s4+$0x0], $0xffff  }
0x378: {  	v25 =	vor.u32 s20, v6;
	v18 =	vadd.f32 $0.0e+00, v18  }
0x379: {  	v26 =	vld.idx.msk [tilespmem:v21+s4+$0x0], $0xffff  }
0x37a: {  	v27 =	vor.u32 s20, v7;
	v18 =	vadd.f32 v22, v18  }
0x37b: {  	v22 =	vld.idx.msk [tilespmem:v23+s4+$0x0], $0xffff  }
0x37c: {  	v28 =	vor.u32 s20, v8;
	v18 =	vadd.f32 v24, v18  }
0x37d: {  	v47 =	vld.idx.msk [tilespmem:v25+s4+$0x0], $0xffff  }
0x37e: {  	v29 =	vor.u32 s20, v9;
	v18 =	vadd.f32 v26, v18  }
0x37f: {  	v48 =	vld.idx.msk [tilespmem:v27+s4+$0x0], $0xffff  }
0x380: {  	v30 =	vor.u32 s20, v10;
	v18 =	vadd.f32 v22, v18  }
0x381: {  	v22 =	vld.idx.msk [tilespmem:v28+s4+$0x0], $0xffff  }
0x382: {  	v31 =	vor.u32 s20, v11;
	v18 =	vadd.f32 v47, v18  }
0x383: {  	v49 =	vld.idx.msk [tilespmem:v29+s4+$0x0], $0xffff  }
0x384: {  	v32 =	vor.u32 s20, v12;
	v18 =	vadd.f32 v48, v18  }
0x385: {  	v50 =	vld.idx.msk [tilespmem:v30+s4+$0x0], $0xffff  }
0x386: {  	v33 =	vor.u32 s20, v13;
	v18 =	vadd.f32 v22, v18  }
0x387: {  	v22 =	vld.idx.msk [tilespmem:v31+s4+$0x0], $0xffff  }
0x388: {  	v34 =	vor.u32 s20, v14;
	v18 =	vadd.f32 v49, v18  }
0x389: {  	v51 =	vld.idx.msk [tilespmem:v32+s4+$0x0], $0xffff  }
0x38a: {  	v35 =	vor.u32 s20, v15;
	v18 =	vadd.f32 v50, v18  }
0x38b: {  	v52 =	vld.idx.msk [tilespmem:v33+s4+$0x0], $0xffff  }
0x38c: {  	v36 =	vor.u32 s20, v16;
	v18 =	vadd.f32 v22, v18  }
0x38d: {  	v22 =	vld.idx.msk [tilespmem:v34+s4+$0x0], $0xffff  }
0x38e: {  	v18 =	vadd.f32 v51, v18  }
0x38f: {  	s5 =	simm.s32 $0x11600;
	v53 =	vld.idx.msk [tilespmem:v35+s4+$0x0], $0xffff  }
0x390: {  	v37 =	vld.idx.msk [tilespmem:v19+s5+$0x0], $0xffff;
	v18 =	vadd.f32 v52, v18  }
0x391: {  	v54 =	vld.idx.msk [tilespmem:v36+s4+$0x0], $0xffff  }
0x392: {  	v38 =	vld.idx.msk [tilespmem:v20+s5+$0x0], $0xffff;
	v18 =	vadd.f32 v22, v18  }
0x393: {  	v19 =	vld.idx.msk [tilespmem:v19+s16+$0x0], $0xffff  }
0x394: {  	v22 =	vld.idx.msk [tilespmem:v17+s5+$0x0], $0xffff;
	v18 =	vadd.f32 v53, v18  }
0x395: {  	v20 =	vld.idx.msk [tilespmem:v20+s16+$0x0], $0xffff;
	v55 =	vadd.f32 $0.0e+00, v37  }
0x396: {  	v56 =	vld.idx.msk [tilespmem:v21+s5+$0x0], $0xffff;
	v18 =	vadd.f32 v54, v18  }
0x397: {  	v24 =	vadd.f32 v38, v55;
	v17 =	vld.idx.msk [tilespmem:v17+s16+$0x0], $0xffff  }
0x398: {  	v57 =	vld.idx.msk [tilespmem:v23+s5+$0x0], $0xffff;
	v19 =	vadd.f32 $0.0e+00, v19;
	v58 =	vmax.f32 v18, $1.000000020e-24  }
0x399: {  	v21 =	vld.idx.msk [tilespmem:v21+s16+$0x0], $0xffff;
	v22 =	vadd.f32 v22, v24;
	v59 =	vshra.s32 v58, $0x1;
	v38 =	vmul.f32 $5.000000000e-01, v58  }
0x39a: {  	v39 =	vld.idx.msk [tilespmem:v25+s5+$0x0], $0xffff;
	v19 =	vadd.f32 v20, v19;
	v20 =	vsub.s32 $0x5F3759DF, v59  }
0x39b: {  	v23 =	vld.idx.msk [tilespmem:v23+s16+$0x0], $0xffff;
	v22 =	vadd.f32 v56, v22;
	v24 =	vmul.f32 v20, v38  }
0x39c: {  	v60 =	vld.idx.msk [tilespmem:v27+s5+$0x0], $0xffff;
	v17 =	vadd.f32 v17, v19  }
0x39d: {  	v19 =	vld.idx.msk [tilespmem:v25+s16+$0x0], $0xffff;
	v22 =	vadd.f32 v57, v22;
	v24 =	vmul.f32 v20, v24  }
0x39e: {  	v61 =	vld.idx.msk [tilespmem:v28+s5+$0x0], $0xffff;
	v17 =	vadd.f32 v21, v17  }
0x39f: {  	v21 =	vld.idx.msk [tilespmem:v27+s16+$0x0], $0xffff;
	v22 =	vadd.f32 v39, v22;
	v24 =	vsub.f32 $1.500000000e+00, v24  }
0x3a0: {  	v62 =	vld.idx.msk [tilespmem:v29+s5+$0x0], $0xffff;
	v17 =	vadd.f32 v23, v17  }
0x3a1: {  	v23 =	vld.idx.msk [tilespmem:v28+s16+$0x0], $0xffff;
	v22 =	vadd.f32 v60, v22;
	v20 =	vmul.f32 v20, v24  }
0x3a2: {  	v63 =	vld.idx.msk [tilespmem:v30+s5+$0x0], $0xffff;
	v17 =	vadd.f32 v19, v17  }
0x3a3: {  	v19 =	vld.idx.msk [tilespmem:v29+s16+$0x0], $0xffff;
	v22 =	vadd.f32 v61, v22;
	v37 =	vmul.f32 v20, v38  }
0x3a4: {  	v39 =	vld.idx.msk [tilespmem:v31+s5+$0x0], $0xffff;
	v17 =	vadd.f32 v21, v17  }
0x3a5: {  	v21 =	vld.idx.msk [tilespmem:v30+s16+$0x0], $0xffff;
	v22 =	vadd.f32 v62, v22;
	v25 =	vmul.f32 v37, v20  }
0x3a6: {  	v40 =	vld.idx.msk [tilespmem:v32+s5+$0x0], $0xffff;
	v17 =	vadd.f32 v23, v17  }
0x3a7: {  	v23 =	vld.idx.msk [tilespmem:v31+s16+$0x0], $0xffff;
	v22 =	vadd.f32 v63, v22;
	v41 =	vsub.f32 $1.500000000e+00, v25  }
0x3a8: {  	v42 =	vld.idx.msk [tilespmem:v33+s5+$0x0], $0xffff;
	v17 =	vadd.f32 v19, v17  }
0x3a9: {  	v19 =	vld.idx.msk [tilespmem:v32+s16+$0x0], $0xffff;
	v22 =	vadd.f32 v39, v22;
	v20 =	vmul.f32 v41, v20  }
0x3aa: {  	v43 =	vld.idx.msk [tilespmem:v34+s5+$0x0], $0xffff;
	v17 =	vadd.f32 v21, v17  }
0x3ab: {  	v21 =	vld.idx.msk [tilespmem:v33+s16+$0x0], $0xffff;
	v22 =	vadd.f32 v40, v22;
	v44 =	vmul.f32 v20, v38  }
0x3ac: {  	v45 =	vld.idx.msk [tilespmem:v35+s5+$0x0], $0xffff;
	v17 =	vadd.f32 v23, v17  }
0x3ad: {  	v23 =	vld.idx.msk [tilespmem:v34+s16+$0x0], $0xffff;
	v22 =	vadd.f32 v42, v22;
	v46 =	vmul.f32 v44, v20  }
0x3ae: {  	v47 =	vld.idx.msk [tilespmem:v36+s5+$0x0], $0xffff;
	v17 =	vadd.f32 v19, v17  }
0x3af: {  	v19 =	vadd.f32 v43, v22;
	v22 =	vsub.f32 $1.500000000e+00, v46  }
0x3b0: {  	v48 =	vld.idx.msk [tilespmem:v35+s16+$0x0], $0xffff;
	v17 =	vadd.f32 v21, v17  }
0x3b1: {  	v19 =	vadd.f32 v45, v19;
	v20 =	vmul.f32 v22, v20  }
0x3b2: {  	v21 =	vld.idx.msk [tilespmem:v36+s16+$0x0], $0xffff;
	v17 =	vadd.f32 v23, v17  }
0x3b3: {  	v19 =	vadd.f32 v47, v19;
	v18 =	vmul.f32 v20, v18;
	v22 =	vadd.f32 v20, v20;
	_ =	sdelay $0x1  }
0x3b4: {  	v17 =	vadd.f32 v48, v17;
	v18 =	vmul.f32 v18, v20;
	v19 =	vmul.f32 v22, v19;
	_ =	sdelay $0x1  }
0x3b5: {  	v17 =	vadd.f32 v21, v17;
	v18 =	vsub.f32 v18, v19;
	_ =	sdelay $0x1  }
0x3b6: {  	v17 =	vadd.f32 v18, v17;
	_ =	sdelay $0x1  }
0x3b7: {  	v18 =	vmax.f32 v17, $1.000000040e-36  }
0x3b8: {  	v19 =	vshra.s32 v18, $0x1;
	v18 =	vmul.f32 $5.000000000e-01, v18  }
0x3b9: {  	v19 =	vsub.s32 $0x5F3759DF, v19  }
0x3ba: {  	v20 =	vmul.f32 v19, v18;
	_ =	sdelay $0x1  }
0x3bb: {  	v20 =	vmul.f32 v19, v20;
	_ =	sdelay $0x1  }
0x3bc: {  	v20 =	vsub.f32 $1.500000000e+00, v20;
	_ =	sdelay $0x1  }
0x3bd: {  	v19 =	vmul.f32 v19, v20;
	_ =	sdelay $0x1  }
0x3be: {  	v20 =	vmul.f32 v19, v18;
	_ =	sdelay $0x1  }
0x3bf: {  	v20 =	vmul.f32 v20, v19;
	_ =	sdelay $0x1  }
0x3c0: {  	v20 =	vsub.f32 $1.500000000e+00, v20;
	_ =	sdelay $0x1  }
0x3c1: {  	v19 =	vmul.f32 v20, v19;
	_ =	sdelay $0x1  }
0x3c2: {  	v18 =	vmul.f32 v19, v18;
	_ =	sdelay $0x1  }
0x3c3: {  	v18 =	vmul.f32 v18, v19;
	_ =	sdelay $0x1  }
0x3c4: {  	s0 =	simm.s32 $0x100;
	v18 =	vsub.f32 $1.500000000e+00, v18  }
0x3c5: {  	v20 =	vor.u32 s0, v0  }
0x3c6: {  	v20 =	vand.u32 v1, v20;
	v18 =	vmul.f32 v18, v19  }
0x3c7: {  	s1 =	sand.u32 $0x200, s20;
	v17 =	vmax.f32 v17, $0.0e+00  }
0x3c8: {  	s2 =	sand.u32 $0x70, s20;
	s1 =	sshrl.u32 s1, $0x2;
	v19 =	vor.u32 s0, v2;
	v17 =	vmul.f32 v18, v17  }
0x3c9: {  	s1 =	sor.u32 s2, s1  }
0x3ca: {  	v18 =	vor.u32 s0, v3;
	[tilespmem:s1+$0x10500] =	vst v17  }
0x3cb: {  	v17 =	vld.idx.msk [tilespmem:v20+s4+$0x0], $0xffff  }
0x3cc: {  	v21 =	vor.u32 s0, v4  }
0x3cd: {  	v22 =	vld.idx.msk [tilespmem:v19+s4+$0x0], $0xffff  }
0x3ce: {  	v23 =	vor.u32 s0, v5  }
0x3cf: {  	v49 =	vld.idx.msk [tilespmem:v18+s4+$0x0], $0xffff  }
0x3d0: {  	v25 =	vor.u32 s0, v6;
	v17 =	vadd.f32 $0.0e+00, v17  }
0x3d1: {  	v50 =	vld.idx.msk [tilespmem:v21+s4+$0x0], $0xffff  }
0x3d2: {  	v51 =	vor.u32 s0, v7;
	v17 =	vadd.f32 v22, v17  }
0x3d3: {  	v22 =	vld.idx.msk [tilespmem:v23+s4+$0x0], $0xffff  }
0x3d4: {  	v28 =	vor.u32 s0, v8;
	v17 =	vadd.f32 v49, v17  }
0x3d5: {  	v52 =	vld.idx.msk [tilespmem:v25+s4+$0x0], $0xffff  }
0x3d6: {  	v53 =	vor.u32 s0, v9;
	v17 =	vadd.f32 v50, v17  }
0x3d7: {  	v54 =	vld.idx.msk [tilespmem:v51+s4+$0x0], $0xffff  }
0x3d8: {  	v55 =	vor.u32 s0, v10;
	v17 =	vadd.f32 v22, v17  }
0x3d9: {  	v22 =	vld.idx.msk [tilespmem:v28+s4+$0x0], $0xffff  }
0x3da: {  	v56 =	vor.u32 s0, v11;
	v17 =	vadd.f32 v52, v17  }
0x3db: {  	v57 =	vld.idx.msk [tilespmem:v53+s4+$0x0], $0xffff  }
0x3dc: {  	v58 =	vor.u32 s0, v12;
	v17 =	vadd.f32 v54, v17  }
0x3dd: {  	v59 =	vld.idx.msk [tilespmem:v55+s4+$0x0], $0xffff  }
0x3de: {  	v60 =	vor.u32 s0, v13;
	v17 =	vadd.f32 v22, v17  }
0x3df: {  	v22 =	vld.idx.msk [tilespmem:v56+s4+$0x0], $0xffff  }
0x3e0: {  	v34 =	vor.u32 s0, v14;
	v17 =	vadd.f32 v57, v17  }
0x3e1: {  	v61 =	vld.idx.msk [tilespmem:v58+s4+$0x0], $0xffff  }
0x3e2: {  	v35 =	vor.u32 s0, v15;
	v17 =	vadd.f32 v59, v17  }
0x3e3: {  	v62 =	vld.idx.msk [tilespmem:v60+s4+$0x0], $0xffff  }
0x3e4: {  	v36 =	vor.u32 s0, v16;
	v17 =	vadd.f32 v22, v17  }
0x3e5: {  	v22 =	vld.idx.msk [tilespmem:v34+s4+$0x0], $0xffff  }
0x3e6: {  	v17 =	vadd.f32 v61, v17  }
0x3e7: {  	v63 =	vld.idx.msk [tilespmem:v35+s4+$0x0], $0xffff  }
0x3e8: {  	v40 =	vld.idx.msk [tilespmem:v20+s5+$0x0], $0xffff;
	v17 =	vadd.f32 v62, v17  }
0x3e9: {  	v41 =	vld.idx.msk [tilespmem:v36+s4+$0x0], $0xffff  }
0x3ea: {  	v42 =	vld.idx.msk [tilespmem:v19+s5+$0x0], $0xffff;
	v17 =	vadd.f32 v22, v17  }
0x3eb: {  	v20 =	vld.idx.msk [tilespmem:v20+s16+$0x0], $0xffff  }
0x3ec: {  	v22 =	vld.idx.msk [tilespmem:v18+s5+$0x0], $0xffff;
	v17 =	vadd.f32 v63, v17  }
0x3ed: {  	v19 =	vld.idx.msk [tilespmem:v19+s16+$0x0], $0xffff;
	v43 =	vadd.f32 $0.0e+00, v40  }
0x3ee: {  	v44 =	vld.idx.msk [tilespmem:v21+s5+$0x0], $0xffff;
	v17 =	vadd.f32 v41, v17  }
0x3ef: {  	v24 =	vadd.f32 v42, v43;
	v18 =	vld.idx.msk [tilespmem:v18+s16+$0x0], $0xffff  }
0x3f0: {  	v45 =	vld.idx.msk [tilespmem:v23+s5+$0x0], $0xffff;
	v20 =	vadd.f32 $0.0e+00, v20;
	v46 =	vmax.f32 v17, $1.000000020e-24  }
0x3f1: {  	v21 =	vld.idx.msk [tilespmem:v21+s16+$0x0], $0xffff;
	v22 =	vadd.f32 v22, v24;
	v47 =	vshra.s32 v46, $0x1;
	v38 =	vmul.f32 $5.000000000e-01, v46  }
0x3f2: {  	v48 =	vld.idx.msk [tilespmem:v25+s5+$0x0], $0xffff;
	v19 =	vadd.f32 v19, v20;
	v20 =	vsub.s32 $0x5F3759DF, v47  }
0x3f3: {  	v23 =	vld.idx.msk [tilespmem:v23+s16+$0x0], $0xffff;
	v22 =	vadd.f32 v44, v22;
	v24 =	vmul.f32 v20, v38  }
0x3f4: {  	v49 =	vld.idx.msk [tilespmem:v51+s5+$0x0], $0xffff;
	v18 =	vadd.f32 v18, v19  }
0x3f5: {  	v19 =	vld.idx.msk [tilespmem:v25+s16+$0x0], $0xffff;
	v22 =	vadd.f32 v45, v22;
	v24 =	vmul.f32 v20, v24  }
0x3f6: {  	v50 =	vld.idx.msk [tilespmem:v28+s5+$0x0], $0xffff;
	v18 =	vadd.f32 v21, v18  }
0x3f7: {  	v21 =	vld.idx.msk [tilespmem:v51+s16+$0x0], $0xffff;
	v22 =	vadd.f32 v48, v22;
	v24 =	vsub.f32 $1.500000000e+00, v24  }
0x3f8: {  	v51 =	vld.idx.msk [tilespmem:v53+s5+$0x0], $0xffff;
	v18 =	vadd.f32 v23, v18  }
0x3f9: {  	v23 =	vld.idx.msk [tilespmem:v28+s16+$0x0], $0xffff;
	v22 =	vadd.f32 v49, v22;
	v20 =	vmul.f32 v20, v24  }
0x3fa: {  	v52 =	vld.idx.msk [tilespmem:v55+s5+$0x0], $0xffff;
	v18 =	vadd.f32 v19, v18  }
0x3fb: {  	v19 =	vld.idx.msk [tilespmem:v53+s16+$0x0], $0xffff;
	v22 =	vadd.f32 v50, v22;
	v53 =	vmul.f32 v20, v38  }
0x3fc: {  	v54 =	vld.idx.msk [tilespmem:v56+s5+$0x0], $0xffff;
	v18 =	vadd.f32 v21, v18  }
0x3fd: {  	v21 =	vld.idx.msk [tilespmem:v55+s16+$0x0], $0xffff;
	v22 =	vadd.f32 v51, v22;
	v25 =	vmul.f32 v53, v20  }
0x3fe: {  	v55 =	vld.idx.msk [tilespmem:v58+s5+$0x0], $0xffff;
	v18 =	vadd.f32 v23, v18  }
0x3ff: {  	v23 =	vld.idx.msk [tilespmem:v56+s16+$0x0], $0xffff;
	v22 =	vadd.f32 v52, v22;
	v56 =	vsub.f32 $1.500000000e+00, v25  }
0x400: {  	v57 =	vld.idx.msk [tilespmem:v60+s5+$0x0], $0xffff;
	v18 =	vadd.f32 v19, v18  }
0x401: {  	v19 =	vld.idx.msk [tilespmem:v58+s16+$0x0], $0xffff;
	v22 =	vadd.f32 v54, v22;
	v20 =	vmul.f32 v56, v20  }
0x402: {  	v58 =	vld.idx.msk [tilespmem:v34+s5+$0x0], $0xffff;
	v18 =	vadd.f32 v21, v18  }
0x403: {  	v21 =	vld.idx.msk [tilespmem:v60+s16+$0x0], $0xffff;
	v22 =	vadd.f32 v55, v22;
	v59 =	vmul.f32 v20, v38  }
0x404: {  	v60 =	vld.idx.msk [tilespmem:v35+s5+$0x0], $0xffff;
	v18 =	vadd.f32 v23, v18  }
0x405: {  	v23 =	vld.idx.msk [tilespmem:v34+s16+$0x0], $0xffff;
	v22 =	vadd.f32 v57, v22;
	v61 =	vmul.f32 v59, v20  }
0x406: {  	v62 =	vld.idx.msk [tilespmem:v36+s5+$0x0], $0xffff;
	v18 =	vadd.f32 v19, v18  }
0x407: {  	v19 =	vadd.f32 v58, v22;
	v22 =	vsub.f32 $1.500000000e+00, v61  }
0x408: {  	v63 =	vld.idx.msk [tilespmem:v35+s16+$0x0], $0xffff;
	v18 =	vadd.f32 v21, v18  }
0x409: {  	v19 =	vadd.f32 v60, v19;
	v20 =	vmul.f32 v22, v20  }
0x40a: {  	v21 =	vld.idx.msk [tilespmem:v36+s16+$0x0], $0xffff;
	v18 =	vadd.f32 v23, v18  }
0x40b: {  	v19 =	vadd.f32 v62, v19;
	v17 =	vmul.f32 v20, v17;
	v22 =	vadd.f32 v20, v20;
	_ =	sdelay $0x1  }
0x40c: {  	v18 =	vadd.f32 v63, v18;
	v17 =	vmul.f32 v17, v20;
	v19 =	vmul.f32 v22, v19;
	_ =	sdelay $0x1  }
0x40d: {  	v18 =	vadd.f32 v21, v18;
	v17 =	vsub.f32 v17, v19;
	_ =	sdelay $0x1  }
0x40e: {  	v17 =	vadd.f32 v17, v18;
	_ =	sdelay $0x1  }
0x40f: {  	v18 =	vmax.f32 v17, $1.000000040e-36  }
0x410: {  	v19 =	vshra.s32 v18, $0x1;
	v20 =	vmul.f32 $5.000000000e-01, v18  }
0x411: {  	v18 =	vsub.s32 $0x5F3759DF, v19  }
0x412: {  	v19 =	vmul.f32 v18, v20;
	_ =	sdelay $0x1  }
0x413: {  	v19 =	vmul.f32 v18, v19;
	_ =	sdelay $0x1  }
0x414: {  	v19 =	vsub.f32 $1.500000000e+00, v19;
	_ =	sdelay $0x1  }
0x415: {  	v18 =	vmul.f32 v18, v19;
	_ =	sdelay $0x1  }
0x416: {  	v19 =	vmul.f32 v18, v20;
	_ =	sdelay $0x1  }
0x417: {  	v19 =	vmul.f32 v19, v18;
	_ =	sdelay $0x1  }
0x418: {  	v19 =	vsub.f32 $1.500000000e+00, v19;
	_ =	sdelay $0x1  }
0x419: {  	v18 =	vmul.f32 v19, v18;
	_ =	sdelay $0x1  }
0x41a: {  	v19 =	vmul.f32 v18, v20;
	_ =	sdelay $0x1  }
0x41b: {  	v19 =	vmul.f32 v19, v18;
	_ =	sdelay $0x1  }
0x41c: {  	s22 =	simm.s32 $0x200;
	v19 =	vsub.f32 $1.500000000e+00, v19  }
0x41d: {  	s23 =	simm.s32 $0x40;
	s21 =	simm.s32 $0x80;
	s24 =	simm.s32 $0xC0;
	v20 =	vor.u32 s22, v0  }
.LBB2_12:
0x41e: {  	p0 =	sne.s32 s24, $0x3C0;
	v20 =	vand.u32 v1, v20;
	v18 =	vmul.f32 v19, v18  }
0x41f: {  	v17 =	vmax.f32 v17, $0.0e+00;
	s0 =	sand.u32 $0x200, s23;
	s20 =	sadd.s32 $0x10, s20;
	s23 =	smov.u32 s21  }
0x420: {  	v19 =	vor.u32 s22, v2;
	s21 =	smov.u32 s24;
	s1 =	sand.u32 $0x70, s20;
	s0 =	sshrl.u32 s0, $0x2;
	v17 =	vmul.f32 v18, v17  }
0x421: {  	s0 =	sor.u32 s1, s0  }
0x422: {  	v18 =	vor.u32 s22, v3;
	[tilespmem:s0+$0x10500] =	vst v17  }
0x423: {  	v17 =	vld.idx.msk [tilespmem:v20+s4+$0x0], $0xffff  }
0x424: {  	v21 =	vor.u32 s22, v4  }
0x425: {  	v22 =	vld.idx.msk [tilespmem:v19+s4+$0x0], $0xffff  }
0x426: {  	v23 =	vor.u32 s22, v5  }
0x427: {  	v24 =	vld.idx.msk [tilespmem:v18+s4+$0x0], $0xffff  }
0x428: {  	v25 =	vor.u32 s22, v6  }
0x429: {  	v17 =	vadd.f32 $0.0e+00, v17;
	v26 =	vld.idx.msk [tilespmem:v21+s4+$0x0], $0xffff  }
0x42a: {  	v27 =	vor.u32 s22, v7  }
0x42b: {  	v17 =	vadd.f32 v22, v17;
	v22 =	vld.idx.msk [tilespmem:v23+s4+$0x0], $0xffff  }
0x42c: {  	v28 =	vor.u32 s22, v8  }
0x42d: {  	v17 =	vadd.f32 v24, v17;
	v24 =	vld.idx.msk [tilespmem:v25+s4+$0x0], $0xffff  }
0x42e: {  	v29 =	vor.u32 s22, v9  }
0x42f: {  	v17 =	vadd.f32 v26, v17;
	v26 =	vld.idx.msk [tilespmem:v27+s4+$0x0], $0xffff  }
0x430: {  	v30 =	vor.u32 s22, v10  }
0x431: {  	v17 =	vadd.f32 v22, v17;
	v22 =	vld.idx.msk [tilespmem:v28+s4+$0x0], $0xffff  }
0x432: {  	v31 =	vor.u32 s22, v11  }
0x433: {  	v17 =	vadd.f32 v24, v17;
	v24 =	vld.idx.msk [tilespmem:v29+s4+$0x0], $0xffff  }
0x434: {  	v32 =	vor.u32 s22, v12  }
0x435: {  	v17 =	vadd.f32 v26, v17;
	v26 =	vld.idx.msk [tilespmem:v30+s4+$0x0], $0xffff  }
0x436: {  	v33 =	vor.u32 s22, v13  }
0x437: {  	v17 =	vadd.f32 v22, v17;
	v22 =	vld.idx.msk [tilespmem:v31+s4+$0x0], $0xffff  }
0x438: {  	v34 =	vor.u32 s22, v14  }
0x439: {  	v17 =	vadd.f32 v24, v17;
	v24 =	vld.idx.msk [tilespmem:v32+s4+$0x0], $0xffff  }
0x43a: {  	v35 =	vor.u32 s22, v15  }
0x43b: {  	v17 =	vadd.f32 v26, v17;
	v26 =	vld.idx.msk [tilespmem:v33+s4+$0x0], $0xffff  }
0x43c: {  	v36 =	vor.u32 s22, v16  }
0x43d: {  	v17 =	vadd.f32 v22, v17;
	v22 =	vld.idx.msk [tilespmem:v34+s4+$0x0], $0xffff;
	_ =	sdelay $0x1  }
0x43e: {  	v17 =	vadd.f32 v24, v17;
	v24 =	vld.idx.msk [tilespmem:v35+s4+$0x0], $0xffff  }
0x43f: {  	v37 =	vld.idx.msk [tilespmem:v20+s5+$0x0], $0xffff  }
0x440: {  	v17 =	vadd.f32 v26, v17;
	v26 =	vld.idx.msk [tilespmem:v36+s4+$0x0], $0xffff  }
0x441: {  	v38 =	vld.idx.msk [tilespmem:v19+s5+$0x0], $0xffff  }
0x442: {  	v17 =	vadd.f32 v22, v17;
	v20 =	vld.idx.msk [tilespmem:v20+s16+$0x0], $0xffff  }
0x443: {  	v22 =	vld.idx.msk [tilespmem:v18+s5+$0x0], $0xffff  }
0x444: {  	v17 =	vadd.f32 v24, v17;
	v19 =	vld.idx.msk [tilespmem:v19+s16+$0x0], $0xffff  }
0x445: {  	v24 =	vadd.f32 $0.0e+00, v37;
	v37 =	vld.idx.msk [tilespmem:v21+s5+$0x0], $0xffff  }
0x446: {  	v17 =	vadd.f32 v26, v17;
	v18 =	vld.idx.msk [tilespmem:v18+s16+$0x0], $0xffff  }
0x447: {  	v24 =	vadd.f32 v38, v24;
	v26 =	vld.idx.msk [tilespmem:v23+s5+$0x0], $0xffff  }
0x448: {  	v20 =	vadd.f32 $0.0e+00, v20;
	v38 =	vmax.f32 v17, $1.000000020e-24;
	v21 =	vld.idx.msk [tilespmem:v21+s16+$0x0], $0xffff  }
0x449: {  	v22 =	vadd.f32 v22, v24;
	v39 =	vshra.s32 v38, $0x1;
	v38 =	vmul.f32 $5.000000000e-01, v38;
	v24 =	vld.idx.msk [tilespmem:v25+s5+$0x0], $0xffff  }
0x44a: {  	v19 =	vadd.f32 v19, v20;
	v20 =	vld.idx.msk [tilespmem:v23+s16+$0x0], $0xffff;
	v23 =	vsub.s32 $0x5F3759DF, v39  }
0x44b: {  	v22 =	vadd.f32 v37, v22;
	v37 =	vld.idx.msk [tilespmem:v27+s5+$0x0], $0xffff;
	v39 =	vmul.f32 v23, v38  }
0x44c: {  	v18 =	vadd.f32 v18, v19;
	v19 =	vld.idx.msk [tilespmem:v25+s16+$0x0], $0xffff  }
0x44d: {  	v22 =	vadd.f32 v26, v22;
	v25 =	vld.idx.msk [tilespmem:v28+s5+$0x0], $0xffff;
	v26 =	vmul.f32 v23, v39  }
0x44e: {  	v18 =	vadd.f32 v21, v18;
	v21 =	vld.idx.msk [tilespmem:v27+s16+$0x0], $0xffff  }
0x44f: {  	v22 =	vadd.f32 v24, v22;
	v24 =	vld.idx.msk [tilespmem:v29+s5+$0x0], $0xffff;
	v26 =	vsub.f32 $1.500000000e+00, v26  }
0x450: {  	v18 =	vadd.f32 v20, v18;
	v20 =	vld.idx.msk [tilespmem:v28+s16+$0x0], $0xffff  }
0x451: {  	v22 =	vadd.f32 v37, v22;
	v27 =	vld.idx.msk [tilespmem:v30+s5+$0x0], $0xffff;
	v23 =	vmul.f32 v23, v26  }
0x452: {  	v18 =	vadd.f32 v19, v18;
	v19 =	vld.idx.msk [tilespmem:v29+s16+$0x0], $0xffff  }
0x453: {  	v22 =	vadd.f32 v25, v22;
	v25 =	vld.idx.msk [tilespmem:v31+s5+$0x0], $0xffff;
	v26 =	vmul.f32 v23, v38  }
0x454: {  	v18 =	vadd.f32 v21, v18;
	v21 =	vld.idx.msk [tilespmem:v30+s16+$0x0], $0xffff  }
0x455: {  	v22 =	vadd.f32 v24, v22;
	v24 =	vld.idx.msk [tilespmem:v32+s5+$0x0], $0xffff;
	v26 =	vmul.f32 v26, v23  }
0x456: {  	v18 =	vadd.f32 v20, v18;
	v20 =	vld.idx.msk [tilespmem:v31+s16+$0x0], $0xffff  }
0x457: {  	v22 =	vadd.f32 v27, v22;
	v27 =	vld.idx.msk [tilespmem:v33+s5+$0x0], $0xffff;
	v26 =	vsub.f32 $1.500000000e+00, v26  }
0x458: {  	v18 =	vadd.f32 v19, v18;
	v19 =	vld.idx.msk [tilespmem:v32+s16+$0x0], $0xffff  }
0x459: {  	v22 =	vadd.f32 v25, v22;
	v25 =	vld.idx.msk [tilespmem:v34+s5+$0x0], $0xffff;
	v23 =	vmul.f32 v26, v23  }
0x45a: {  	v18 =	vadd.f32 v21, v18;
	v21 =	vld.idx.msk [tilespmem:v33+s16+$0x0], $0xffff  }
0x45b: {  	v22 =	vadd.f32 v24, v22;
	v24 =	vld.idx.msk [tilespmem:v35+s5+$0x0], $0xffff;
	v26 =	vmul.f32 v23, v38  }
0x45c: {  	v18 =	vadd.f32 v20, v18;
	v20 =	vld.idx.msk [tilespmem:v34+s16+$0x0], $0xffff  }
0x45d: {  	v22 =	vadd.f32 v27, v22;
	v27 =	vld.idx.msk [tilespmem:v36+s5+$0x0], $0xffff;
	v26 =	vmul.f32 v26, v23  }
0x45e: {  	v18 =	vadd.f32 v19, v18  }
0x45f: {  	v19 =	vadd.f32 v25, v22;
	v22 =	vld.idx.msk [tilespmem:v35+s16+$0x0], $0xffff;
	v25 =	vsub.f32 $1.500000000e+00, v26  }
0x460: {  	v18 =	vadd.f32 v21, v18  }
0x461: {  	v19 =	vadd.f32 v24, v19;
	v21 =	vld.idx.msk [tilespmem:v36+s16+$0x0], $0xffff;
	v23 =	vmul.f32 v25, v23  }
0x462: {  	v18 =	vadd.f32 v20, v18  }
0x463: {  	v19 =	vadd.f32 v27, v19;
	v17 =	vmul.f32 v23, v17;
	v20 =	vadd.f32 v23, v23;
	_ =	sdelay $0x1  }
0x464: {  	v18 =	vadd.f32 v22, v18;
	v17 =	vmul.f32 v17, v23;
	v19 =	vmul.f32 v20, v19;
	_ =	sdelay $0x1  }
0x465: {  	v18 =	vadd.f32 v21, v18;
	v17 =	vsub.f32 v17, v19;
	_ =	sdelay $0x1  }
0x466: {  	v17 =	vadd.f32 v17, v18;
	_ =	sdelay $0x1  }
0x467: {  	v18 =	vmax.f32 v17, $1.000000040e-36  }
0x468: {  	v19 =	vshra.s32 v18, $0x1;
	v20 =	vmul.f32 $5.000000000e-01, v18  }
0x469: {  	v18 =	vsub.s32 $0x5F3759DF, v19  }
0x46a: {  	v19 =	vmul.f32 v18, v20;
	_ =	sdelay $0x1  }
0x46b: {  	v19 =	vmul.f32 v18, v19;
	_ =	sdelay $0x1  }
0x46c: {  	v19 =	vsub.f32 $1.500000000e+00, v19;
	_ =	sdelay $0x1  }
0x46d: {  	v18 =	vmul.f32 v18, v19;
	_ =	sdelay $0x1  }
0x46e: {  	v19 =	vmul.f32 v18, v20;
	_ =	sdelay $0x1  }
0x46f: {  	v19 =	vmul.f32 v19, v18;
	_ =	sdelay $0x1  }
0x470: {  	v19 =	vsub.f32 $1.500000000e+00, v19;
	_ =	sdelay $0x1  }
0x471: {  	v18 =	vmul.f32 v19, v18;
	_ =	sdelay $0x1  }
0x472: {  	v19 =	vmul.f32 v18, v20  }
.Ltmp5:
0x473: {  	(pc) =	sbr.rel @p0 .LBB2_12-.Ltmp5, $3  }
0x474: {  	v19 =	vmul.f32 v19, v18;
	_ =	sdelay $0x1  }
0x475: {  	s22 =	sadd.s32 $0x100, s22;
	v19 =	vsub.f32 $1.500000000e+00, v19  }
0x476: {  	s24 =	sadd.s32 $0x40, s24;
	v20 =	vor.u32 s22, v0  }
0x477: {  	v20 =	vand.u32 v1, v20;
	v18 =	vmul.f32 v19, v18  }
0x478: {  	v17 =	vmax.f32 v17, $0.0e+00;
	s0 =	sand.u32 $0x200, s23;
	s20 =	sadd.s32 $0x10, s20  }
0x479: {  	v19 =	vor.u32 s22, v2;
	s1 =	sand.u32 $0x70, s20;
	s0 =	sshrl.u32 s0, $0x2;
	v17 =	vmul.f32 v18, v17  }
0x47a: {  	s0 =	sor.u32 s1, s0  }
0x47b: {  	v18 =	vor.u32 s22, v3;
	[tilespmem:s0+$0x10500] =	vst v17  }
0x47c: {  	v17 =	vld.idx.msk [tilespmem:v20+s4+$0x0], $0xffff  }
0x47d: {  	v21 =	vor.u32 s22, v4  }
0x47e: {  	v22 =	vld.idx.msk [tilespmem:v19+s4+$0x0], $0xffff  }
0x47f: {  	v23 =	vor.u32 s22, v5  }
0x480: {  	v24 =	vld.idx.msk [tilespmem:v18+s4+$0x0], $0xffff  }
0x481: {  	v25 =	vor.u32 s22, v6;
	v17 =	vadd.f32 $0.0e+00, v17  }
0x482: {  	v26 =	vld.idx.msk [tilespmem:v21+s4+$0x0], $0xffff  }
0x483: {  	v27 =	vor.u32 s22, v7;
	v17 =	vadd.f32 v22, v17  }
0x484: {  	v45 =	vld.idx.msk [tilespmem:v23+s4+$0x0], $0xffff  }
0x485: {  	v28 =	vor.u32 s22, v8;
	v17 =	vadd.f32 v24, v17  }
0x486: {  	v46 =	vld.idx.msk [tilespmem:v25+s4+$0x0], $0xffff  }
0x487: {  	v29 =	vor.u32 s22, v9;
	v17 =	vadd.f32 v26, v17  }
0x488: {  	v47 =	vld.idx.msk [tilespmem:v27+s4+$0x0], $0xffff  }
0x489: {  	v30 =	vor.u32 s22, v10;
	v17 =	vadd.f32 v45, v17  }
0x48a: {  	v48 =	vld.idx.msk [tilespmem:v28+s4+$0x0], $0xffff  }
0x48b: {  	v31 =	vor.u32 s22, v11;
	v17 =	vadd.f32 v46, v17  }
0x48c: {  	v49 =	vld.idx.msk [tilespmem:v29+s4+$0x0], $0xffff  }
0x48d: {  	v32 =	vor.u32 s22, v12;
	v17 =	vadd.f32 v47, v17  }
0x48e: {  	v50 =	vld.idx.msk [tilespmem:v30+s4+$0x0], $0xffff  }
0x48f: {  	v33 =	vor.u32 s22, v13;
	v17 =	vadd.f32 v48, v17  }
0x490: {  	v51 =	vld.idx.msk [tilespmem:v31+s4+$0x0], $0xffff  }
0x491: {  	v34 =	vor.u32 s22, v14;
	v17 =	vadd.f32 v49, v17  }
0x492: {  	v52 =	vld.idx.msk [tilespmem:v32+s4+$0x0], $0xffff  }
0x493: {  	v35 =	vor.u32 s22, v15;
	v17 =	vadd.f32 v50, v17  }
0x494: {  	v53 =	vld.idx.msk [tilespmem:v33+s4+$0x0], $0xffff  }
0x495: {  	v36 =	vor.u32 s22, v16;
	v17 =	vadd.f32 v51, v17  }
0x496: {  	v54 =	vld.idx.msk [tilespmem:v34+s4+$0x0], $0xffff  }
0x497: {  	v17 =	vadd.f32 v52, v17  }
0x498: {  	v55 =	vld.idx.msk [tilespmem:v35+s4+$0x0], $0xffff  }
0x499: {  	v37 =	vld.idx.msk [tilespmem:v20+s5+$0x0], $0xffff;
	v17 =	vadd.f32 v53, v17  }
0x49a: {  	v56 =	vld.idx.msk [tilespmem:v36+s4+$0x0], $0xffff  }
0x49b: {  	v38 =	vld.idx.msk [tilespmem:v19+s5+$0x0], $0xffff;
	v17 =	vadd.f32 v54, v17  }
0x49c: {  	v20 =	vld.idx.msk [tilespmem:v20+s16+$0x0], $0xffff  }
0x49d: {  	v57 =	vld.idx.msk [tilespmem:v18+s5+$0x0], $0xffff;
	v17 =	vadd.f32 v55, v17  }
0x49e: {  	v19 =	vld.idx.msk [tilespmem:v19+s16+$0x0], $0xffff;
	v58 =	vadd.f32 $0.0e+00, v37  }
0x49f: {  	v59 =	vld.idx.msk [tilespmem:v21+s5+$0x0], $0xffff;
	v17 =	vadd.f32 v56, v17  }
0x4a0: {  	v18 =	vld.idx.msk [tilespmem:v18+s16+$0x0], $0xffff;
	v24 =	vadd.f32 v38, v58  }
0x4a1: {  	v60 =	vld.idx.msk [tilespmem:v23+s5+$0x0], $0xffff;
	v20 =	vadd.f32 $0.0e+00, v20;
	v61 =	vmax.f32 v17, $1.000000020e-24  }
0x4a2: {  	v21 =	vld.idx.msk [tilespmem:v21+s16+$0x0], $0xffff;
	v22 =	vadd.f32 v57, v24;
	v62 =	vshra.s32 v61, $0x1;
	v38 =	vmul.f32 $5.000000000e-01, v61  }
0x4a3: {  	v39 =	vld.idx.msk [tilespmem:v25+s5+$0x0], $0xffff;
	v19 =	vadd.f32 v19, v20;
	v63 =	vsub.s32 $0x5F3759DF, v62  }
0x4a4: {  	v23 =	vld.idx.msk [tilespmem:v23+s16+$0x0], $0xffff;
	v22 =	vadd.f32 v59, v22;
	v24 =	vmul.f32 v63, v38  }
0x4a5: {  	v40 =	vld.idx.msk [tilespmem:v27+s5+$0x0], $0xffff;
	v18 =	vadd.f32 v18, v19  }
0x4a6: {  	v19 =	vld.idx.msk [tilespmem:v25+s16+$0x0], $0xffff;
	v22 =	vadd.f32 v60, v22;
	v24 =	vmul.f32 v63, v24  }
0x4a7: {  	v41 =	vld.idx.msk [tilespmem:v28+s5+$0x0], $0xffff;
	v18 =	vadd.f32 v21, v18  }
0x4a8: {  	v42 =	vld.idx.msk [tilespmem:v27+s16+$0x0], $0xffff;
	v22 =	vadd.f32 v39, v22;
	v24 =	vsub.f32 $1.500000000e+00, v24  }
0x4a9: {  	v43 =	vld.idx.msk [tilespmem:v29+s5+$0x0], $0xffff;
	v18 =	vadd.f32 v23, v18  }
0x4aa: {  	v44 =	vld.idx.msk [tilespmem:v28+s16+$0x0], $0xffff;
	v22 =	vadd.f32 v40, v22;
	v20 =	vmul.f32 v63, v24  }
0x4ab: {  	v45 =	vld.idx.msk [tilespmem:v30+s5+$0x0], $0xffff;
	v18 =	vadd.f32 v19, v18  }
0x4ac: {  	v19 =	vld.idx.msk [tilespmem:v29+s16+$0x0], $0xffff;
	v22 =	vadd.f32 v41, v22;
	v46 =	vmul.f32 v20, v38  }
0x4ad: {  	v47 =	vld.idx.msk [tilespmem:v31+s5+$0x0], $0xffff;
	v18 =	vadd.f32 v42, v18  }
0x4ae: {  	v48 =	vld.idx.msk [tilespmem:v30+s16+$0x0], $0xffff;
	v22 =	vadd.f32 v43, v22;
	v25 =	vmul.f32 v46, v20  }
0x4af: {  	v18 =	vadd.f32 v44, v18;
	v49 =	vld.idx.msk [tilespmem:v32+s5+$0x0], $0xffff  }
0x4b0: {  	v50 =	vld.idx.msk [tilespmem:v31+s16+$0x0], $0xffff;
	v22 =	vadd.f32 v45, v22;
	v51 =	vsub.f32 $1.500000000e+00, v25  }
0x4b1: {  	v18 =	vadd.f32 v19, v18;
	v52 =	vld.idx.msk [tilespmem:v33+s5+$0x0], $0xffff  }
0x4b2: {  	v19 =	vld.idx.msk [tilespmem:v32+s16+$0x0], $0xffff;
	v22 =	vadd.f32 v47, v22;
	v20 =	vmul.f32 v51, v20  }
0x4b3: {  	v18 =	vadd.f32 v48, v18;
	v53 =	vld.idx.msk [tilespmem:v34+s5+$0x0], $0xffff  }
0x4b4: {  	v22 =	vadd.f32 v49, v22;
	v54 =	vld.idx.msk [tilespmem:v33+s16+$0x0], $0xffff;
	v55 =	vmul.f32 v20, v38  }
0x4b5: {  	v18 =	vadd.f32 v50, v18;
	v56 =	vld.idx.msk [tilespmem:v35+s5+$0x0], $0xffff  }
0x4b6: {  	v57 =	vld.idx.msk [tilespmem:v34+s16+$0x0], $0xffff;
	v22 =	vadd.f32 v52, v22;
	v58 =	vmul.f32 v55, v20  }
0x4b7: {  	v59 =	vld.idx.msk [tilespmem:v36+s5+$0x0], $0xffff;
	v18 =	vadd.f32 v19, v18  }
0x4b8: {  	v19 =	vadd.f32 v53, v22;
	v60 =	vsub.f32 $1.500000000e+00, v58  }
0x4b9: {  	v18 =	vadd.f32 v54, v18;
	v61 =	vld.idx.msk [tilespmem:v35+s16+$0x0], $0xffff  }
0x4ba: {  	v19 =	vadd.f32 v56, v19;
	v20 =	vmul.f32 v60, v20  }
0x4bb: {  	v18 =	vadd.f32 v57, v18;
	v62 =	vld.idx.msk [tilespmem:v36+s16+$0x0], $0xffff  }
0x4bc: {  	v19 =	vadd.f32 v59, v19;
	v17 =	vmul.f32 v20, v17;
	v22 =	vadd.f32 v20, v20;
	_ =	sdelay $0x1  }
0x4bd: {  	v18 =	vadd.f32 v61, v18;
	v17 =	vmul.f32 v17, v20;
	v19 =	vmul.f32 v22, v19;
	_ =	sdelay $0x1  }
0x4be: {  	v18 =	vadd.f32 v62, v18;
	v17 =	vsub.f32 v17, v19;
	_ =	sdelay $0x1  }
0x4bf: {  	v17 =	vadd.f32 v17, v18;
	_ =	sdelay $0x1  }
0x4c0: {  	v18 =	vmax.f32 v17, $1.000000040e-36  }
0x4c1: {  	v19 =	vshra.s32 v18, $0x1;
	v18 =	vmul.f32 $5.000000000e-01, v18  }
0x4c2: {  	v19 =	vsub.s32 $0x5F3759DF, v19  }
0x4c3: {  	v63 =	vmul.f32 v19, v18;
	_ =	sdelay $0x1  }
0x4c4: {  	v20 =	vmul.f32 v19, v63;
	_ =	sdelay $0x1  }
0x4c5: {  	v20 =	vsub.f32 $1.500000000e+00, v20;
	_ =	sdelay $0x1  }
0x4c6: {  	v19 =	vmul.f32 v19, v20;
	_ =	sdelay $0x1  }
0x4c7: {  	v20 =	vmul.f32 v19, v18;
	_ =	sdelay $0x1  }
0x4c8: {  	v20 =	vmul.f32 v20, v19;
	_ =	sdelay $0x1  }
0x4c9: {  	v20 =	vsub.f32 $1.500000000e+00, v20;
	_ =	sdelay $0x1  }
0x4ca: {  	v19 =	vmul.f32 v20, v19;
	_ =	sdelay $0x1  }
0x4cb: {  	v18 =	vmul.f32 v19, v18;
	_ =	sdelay $0x1  }
0x4cc: {  	v18 =	vmul.f32 v18, v19;
	_ =	sdelay $0x1  }
0x4cd: {  	v18 =	vsub.f32 $1.500000000e+00, v18;
	_ =	sdelay $0x1  }
0x4ce: {  	v18 =	vmul.f32 v18, v19  }
0x4cf: {  	s23 =	sand.u32 $0x200, s21;
	s24 =	sadd.s32 $0x10, s20;
	v17 =	vmax.f32 v17, $0.0e+00  }
0x4d0: {  	s1 =	sand.u32 $0x70, s24;
	s0 =	sshrl.u32 s23, $0x2;
	v17 =	vmul.f32 v18, v17  }
0x4d1: {  	s0 =	sor.u32 s1, s0  }
0x4d2: {  	s25 =	rddreg [dreg:$0x6];
	s26 =	simm.s32 $0x10400;
	s2 =	simm.s32 $0x3;
	[tilespmem:s0+$0x10500] =	vst v17  }
0x4d3: {  	[hbm4b:s25+s8] =	stream.linear.scatter [tilespmem:s26], [sflag:$0x3], $0x200, $0x38;
	[tilespmem:$0x13600] =	vst v63  }
0x4d4: {  	_ =	swait.ge [sflag:s2], $0x200  }
0x4d5: {  	[sflag:s2] =	ssyncset.done $0x0  }
0x4d6: {  	s29 =	simm.s32 $0x10200;
	s28 =	rddreg [dreg:$0x7];
	[sflag:s2] =	ssyncadd.s32 $0xFFFFFE00  }
0x4d7: {  	[hbm4b:s28+s8] =	stream.linear.scatter [tilespmem:s29], [sflag:$0x3], $0x200, $0x38;
	[tilespmem:$0x13600] =	vst v63  }
0x4d8: {  	_ =	swait.ge [sflag:s2], $0x200  }
0x4d9: {  	s30 =	rddreg [dreg:$0x9]  }
0x4da: {  	s31 =	rddreg [dreg:$0x8];
	s1 =	sadd.s32 $0x1, s30  }
0x4db: {  	p0 =	sne.s32 s1, s31  }
.Ltmp6:
0x4dc: {  	_ = 	snop;
	(pc) =	sbr.rel @p0 .LBB2_1-.Ltmp6, $3  }
0x4dd: {  	_ =	sdelay $0x1  }
0x4de: {  	[sflag:s2] =	ssyncset.done $0x0  }
0x4df: {  	[sflag:s2] =	ssyncadd.s32 $0xFFFFFE00  }
0x4e0: {  	_ =	sfence.sel $0x180000  }
0x4e1: {  	[bflag:$0x0] =	sbarrier.arrive $0xFFFF  }
0x4e2: {  	_ =	strace $0x90000047  }
0x4e3: {  	s0 =	stileid.u32;
	[bflag:$0x2] =	sbarrier.arrive $0xFFFF  }
0x4e4: {  	p0 =	sne.s32 s0, $0x0;
	s0 =	rddreg [dreg:$0x2]  }
0x4e5: {  	s0 =	sadd.s32 @!p0 $0x100000, s0  }
0x4e6: {  	[sflag:s0] =	ssyncadd.tile.s32 @!p0 $0x1;
	_ =	shalt  }
.Lfunc_end2:
_tile_overlayer_lowered:
.L_overlay_start_2:
0x4e7: {  	(tag) =	ssettag $0x2  }
0x4e8: {  	s0 =	rddreg [dreg:$0x0];
	s2 =	stileid.u32  }
0x4e9: {  	s1 =	rddreg [dreg:$0x1];
	p0 =	sne.s32 s2, $0x0  }
0x4ea: {  	s3 =	rddreg [dreg:$0x2];
	[bflag:$0x3] =	sbarrier.arrive $0xFFFF;
	s2 =	simm.s32 @!p0 $0x1C03  }
0x4eb: {  	[timem:s3], [sflag:s2] =	dma.local @!p0 [hbm:s0], s1  }
0x4ec: {  	s0 =	simm.s32 @!p0 $0x3  }
0x4ed: {  	_ =	swait.ge @!p0 [sflag:s0], s1  }
0x4ee: {  	s1 =	ssub.s32 @!p0 $0x0, s1;
	[sflag:s0] =	ssyncset.done @!p0 $0x0  }
0x4ef: {  	[sflag:s0] =	ssyncadd.s32 @!p0 s1  }
0x4f0: {  	[bflag:$0x3] =	sbarrier.arrive $0xFFFF  }
0x4f1: {  	_ =	shalt  }

// kernel: kernel.8.cloned.1.call-start
scs
__scs_entry_jumppad:
0x0: {  	(pc) =	sbr.rel $0x88, $3  }
0x1: {  	(tag) =	ssettag $0x0;
	lr =	simm.s32 $0x1  }
0x2: {  	[smem:$0x3F9E] =	sst lr;
	_ =	strace $0xD0000000  }
0x3: {  	_ = 	snop  }
0x4: {  	_ = 	snop  }
0x5: {  	_ = 	snop  }
0x6: {  	_ = 	snop  }
0x7: {  	_ = 	snop  }
__scs_overlays_trampoline_lowered:
0x8: {  	[smem:$0x3FAD] =	sst s0  }
0x9: {  	[smem:$0x3FAE] =	sst s1  }
0xa: {  	[smem:$0x3FAF] =	sst s2  }
0xb: {  	[smem:$0x3FB0] =	sst s3  }
0xc: {  	[smem:$0x3FB1] =	sst s4  }
0xd: {  	[smem:$0x3FB2] =	sst s5  }
0xe: {  	[smem:$0x3FB3] =	sst s6  }
0xf: {  	[smem:$0x3FB4] =	sst s7  }
0x10: {  	[smem:$0x3FB5] =	sst s8  }
0x11: {  	[smem:$0x3FB6] =	sst s9;
	s0 =	simm.s32 @!p0 $0x0  }
0x12: {  	s1 =	sld [smem:$0x3F9C];
	s0 =	simm.s32 @p0 $0x1  }
0x13: {  	[smem:$0x3FB7] =	sst s0;
	s0 =	simm.s32 @!p1 $0x0  }
0x14: {  	s2 =	sld [smem:$0x3F9B];
	s0 =	simm.s32 @p1 $0x1  }
0x15: {  	[smem:$0x3FB8] =	sst s0;
	s0 =	simm.s32 @!p2 $0x0  }
0x16: {  	s3 =	sld [smem:$0x3FDB];
	s0 =	simm.s32 @p2 $0x1  }
0x17: {  	s4 =	simm.s32 $0x1BF5;
	[smem:$0x3FBA] =	sst s0  }
0x18: {  	s0 =	sld [smem:$0x3F9D];
	_ =	swait.ge [sflag:s4], $0x0  }
0x19: {  	s7 =	sld [smem:$0x3F9E]  }
0x1a: {  	s8 =	sadd.s32 $0xFFFFE003, lr  }
0x1b: {  	s9 =	sadd.s32 $0xFFFFFEF7, lr;
	s5 =	simm.s32 $0xFFFFFFFF;
	p2 =	slt.u32 s8, $0xFFFFF086  }
0x1c: {  	p1 =	slt.u32 s9, $0xF7A;
	s5 =	simm.s32 @!p2 $0x0  }
0x1d: {  	s5 =	simm.s32 @p1 $0x1;
	p0 =	seq.s32 s7, s2  }
0x1e: {  	s7 =	smul.u32 @!p0 $0xF7A, s2;
	p2 =	seq.s32 @!p0 s5, $0x0  }
0x1f: {  	s9 =	smul.u32 $0xF7A, s1;
	s8 =	simm.s32 @!p0 $0x1BF5;
	p2 =	por !p2, p0  }
0x20: {  	[sflag:s8] =	ssyncset.s32 @!p0 $0xFFFFF086;
	s6 =	sadd.s32 @!p0 s3, s7;
	s7 =	simm.s32 @!p0 $0x108  }
0x21: {  	s3 =	sadd.s32 s3, s9;
	s6 =	sadd.s32 @!p0 $0x88, s6;
	s7 =	simm.s32 @p2 $0x1082  }
0x22: {  	[simem:s7], [sflag:s8] =	dma.local @!p0 [hbm:s6], $0xF7A  }
0x23: {  	s9 =	sor.u32 $0xD0000000, s2;
	s6 =	simm.s32 $0x108;
	_ =	swait.ge @!p0 [sflag:s8], $0x0  }
0x24: {  	s3 =	sadd.s32 $0x88, s3;
	s6 =	simm.s32 @!p1 $0x1082;
	[sflag:s4] =	ssyncset.s32 $0xFFFFF086  }
0x25: {  	[simem:s6], [sflag:s4] =	dma.local [hbm:s3], $0xF7A  }
0x26: {  	[smem:$0x3F9E] =	sst s1;
	(tag) =	ssettag s2;
	_ =	strace s9  }
0x27: {  	s1 =	sld [smem:$0x3FAE]  }
0x28: {  	s2 =	sld [smem:$0x3FAF]  }
0x29: {  	s4 =	sld [smem:$0x3FB1]  }
0x2a: {  	p0 =	seq.s32 s5, $0x0;
	s5 =	sld [smem:$0x3FB2]  }
0x2b: {  	s6 =	sld [smem:$0x3FB3]  }
0x2c: {  	s7 =	sld [smem:$0x3FB4]  }
0x2d: {  	s3 =	simm.s32 $0x108;
	s8 =	sld [smem:$0x3FB5]  }
0x2e: {  	s3 =	simm.s32 @!p0 $0x1082;
	s9 =	sld [smem:$0x3FB6]  }
0x2f: {  	lr =	sadd.s32 s0, s3;
	s0 =	sld [smem:$0x3FAD]  }
0x30: {  	s3 =	sld [smem:$0x3FB0]  }
0x31: {  	[smem:$0x3FB9] =	sst s10  }
0x32: {  	s10 =	sld [smem:$0x3FB7];
	_ =	sdelay $0x3  }
0x33: {  	p0 =	seq.s32 s10, $0x1;
	s10 =	sld [smem:$0x3FB9];
	_ =	sdelay $0x3  }
0x34: {  	[smem:$0x3FB9] =	sst s10  }
0x35: {  	s10 =	sld [smem:$0x3FB8];
	_ =	sdelay $0x3  }
0x36: {  	p1 =	seq.s32 s10, $0x1;
	s10 =	sld [smem:$0x3FB9];
	_ =	sdelay $0x3  }
0x37: {  	[smem:$0x3FB9] =	sst s10  }
0x38: {  	s10 =	sld [smem:$0x3FBA]  }
0x39: {  	_ = 	snop;
	(pc) =	sbr.ind lr, $3  }
0x3a: {  	_ = 	snop  }
0x3b: {  	_ = 	snop  }
0x3c: {  	p2 =	seq.s32 s10, $0x1;
	s10 =	sld [smem:$0x3FB9]  }
0x3d: {  	_ =	shalt  }
0x3e: {  	_ =	shalt  }
0x3f: {  	_ =	shalt  }
0x40: {  	_ =	shalt  }
0x41: {  	_ =	shalt  }
0x42: {  	_ =	shalt  }
0x43: {  	_ =	shalt  }
0x44: {  	_ =	shalt  }
0x45: {  	_ =	shalt  }
0x46: {  	_ =	shalt  }
0x47: {  	_ =	shalt  }
0x48: {  	_ =	shalt  }
0x49: {  	_ =	shalt  }
0x4a: {  	_ =	shalt  }
0x4b: {  	_ =	shalt  }
0x4c: {  	_ =	shalt  }
0x4d: {  	_ =	shalt  }
0x4e: {  	_ =	shalt  }
0x4f: {  	_ =	shalt  }
0x50: {  	_ =	shalt  }
0x51: {  	_ =	shalt  }
0x52: {  	_ =	shalt  }
0x53: {  	_ =	shalt  }
0x54: {  	_ =	shalt  }
0x55: {  	_ =	shalt  }
0x56: {  	_ =	shalt  }
0x57: {  	_ =	shalt  }
0x58: {  	_ =	shalt  }
0x59: {  	_ =	shalt  }
0x5a: {  	_ =	shalt  }
0x5b: {  	_ =	shalt  }
0x5c: {  	_ =	shalt  }
0x5d: {  	_ =	shalt  }
0x5e: {  	_ =	shalt  }
0x5f: {  	_ =	shalt  }
0x60: {  	_ =	shalt  }
0x61: {  	_ =	shalt  }
0x62: {  	_ =	shalt  }
0x63: {  	_ =	shalt  }
0x64: {  	_ =	shalt  }
0x65: {  	_ =	shalt  }
0x66: {  	_ =	shalt  }
0x67: {  	_ =	shalt  }
0x68: {  	_ =	shalt  }
0x69: {  	_ =	shalt  }
0x6a: {  	_ =	shalt  }
0x6b: {  	_ =	shalt  }
0x6c: {  	_ =	shalt  }
0x6d: {  	_ =	shalt  }
0x6e: {  	_ =	shalt  }
0x6f: {  	_ =	shalt  }
0x70: {  	_ =	shalt  }
0x71: {  	_ =	shalt  }
0x72: {  	_ =	shalt  }
0x73: {  	_ =	shalt  }
0x74: {  	_ =	shalt  }
0x75: {  	_ =	shalt  }
0x76: {  	_ =	shalt  }
0x77: {  	_ =	shalt  }
0x78: {  	_ =	shalt  }
0x79: {  	_ =	shalt  }
0x7a: {  	_ =	shalt  }
0x7b: {  	_ =	shalt  }
0x7c: {  	_ =	shalt  }
0x7d: {  	_ =	shalt  }
0x7e: {  	_ =	shalt  }
0x7f: {  	_ =	shalt  }
0x80: {  	_ =	shalt  }
0x81: {  	_ =	shalt  }
0x82: {  	_ =	shalt  }
0x83: {  	_ =	shalt  }
0x84: {  	_ =	shalt  }
0x85: {  	_ =	shalt  }
0x86: {  	_ =	shalt  }
0x87: {  	_ =	shalt  }
.Lfunc_end0:
.L_simem_size_0:
called_computation.1_lowered:
.L_overlay_start_0:
0x88: {  	s2 =	sld [smem:$0x3FD9]  }
0x89: {  	s3 =	sld [smem:$0x3FFE];
	_ =	sdelay $0x1  }
0x8a: {  	s1 =	srdreg.scid  }
0x8b: {  	s0 =	sand.u32 $0x1, s1  }
0x8c: {  	s16 =	sshll.u32 s0, $0xA;
	s2 =	sadd.s32 s3, s2  }
0x8d: {  	s2 =	sadd.s32 s2, s16  }
0x8e: {  	[smem:$0x3FC5] =	sst s2  }
0x8f: {  	_ = 	snop  }
0x90: {  	(tm) =	ssettm $0x1  }
0x91: {  	s17 =	sld [smem:$0x3FFB];
	_ =	sdelay $0x3  }
0x92: {  	_ =	strace s17  }
0x93: {  	s2 =	sld [smem:$0x3FFC];
	_ =	sdelay $0x3  }
0x94: {  	_ =	strace s2  }
0x95: {  	s2 =	sld [smem:$0x3FFD];
	_ =	sdelay $0x3  }
0x96: {  	_ =	strace s2  }
0x97: {  	_ =	strace $0x8FFFFFFF  }
0x98: {  	s18 =	sld [smem:$0x3FDB];
	_ =	sdelay $0x1  }
0x99: {  	s19 =	simm.s32 $_scs_section_size  }
0x9a: {  	s4 =	simm.s32 $_size__tile_overlayer_lowered;
	s5 =	simm.s32 $_tile_overlayer_lowered  }
0x9b: {  	s22 =	simm.s32 $0x1BFF;
	s21 =	sshll.u32 s5, $0x1;
	s2 =	sadd.s32 s19, s18  }
0x9c: {  	s6 =	simm.s32 $0x0;
	s20 =	sshll.u32 s4, $0x1;
	s4 =	sadd.s32 s21, s2  }
0x9d: {  	[timem:s6], [sflag:s22] =	dma.local [hbm:s4], s20  }
0x9e: {  	_ =	swait.ge [sflag:s22], s20  }
0x9f: {  	s3 =	ssub.s32 $0x0, s20;
	[sflag:s22] =	ssyncset.done $0x0  }
0xa0: {  	[sflag:s22] =	ssyncadd.s32 s3;
	_ =	sdelay $0x1  }
0xa1: {  	s23 =	simm.s32 $0x1B8B  }
0xa2: {  	_ =	swait.ge [sflag:s23], $0x1  }
0xa3: {  	[sflag:s23] =	ssyncset.done $0x0  }
0xa4: {  	s25 =	simm.s32 $0x1B8E;
	s24 =	sld [smem:$0x3FFE];
	[sflag:s23] =	ssyncadd.s32 $0xFFFFFFFF  }
0xa5: {  	s26 =	simm.s32 $execute0_lowered;
	[smem:$0x3FD2] =	sst s25  }
0xa6: {  	s4 =	sshll.u32 s26, $0x1;
	_ =	strace $0x80000049;
	[dreg:$0x1] =	wrdreg $0xFFFFFFFF  }
0xa7: {  	s28 =	simm.s32 $_size_execute0_lowered;
	s2 =	sadd.s32 s2, s4;
	[dreg:$0x0] =	wrdreg $0x0  }
0xa8: {  	s4 =	sshll.u32 s28, $0x1;
	[dreg:$0x2] =	wrdreg s2  }
0xa9: {  	[dreg:$0x3] =	wrdreg s4  }
0xaa: {  	[dreg:$0x4] =	wrdreg $0xC0  }
0xab: {  	_ =	task [dreg:s6], $0x5FFFF  }
0xac: {  	[dreg:$0x1] =	wrdreg $0xFFFFFFFF  }
0xad: {  	[dreg:$0x0] =	wrdreg $0x60  }
0xae: {  	[dreg:$0x2] =	wrdreg s24  }
0xaf: {  	[dreg:$0x3] =	wrdreg $0x1D000  }
0xb0: {  	[dreg:$0x4] =	wrdreg $0x35800  }
0xb1: {  	[dreg:$0x5] =	wrdreg $0x9  }
0xb2: {  	_ =	task.clear_ibuf [dreg:s6], $0x6FFFF;
	_ =	strace $0x90000049  }
0xb3: {  	s29 =	simm.s32 $0x9;
	_ =	strace $0x8000004B  }
0xb4: {  	_ =	swait.ge [sflag:s29], $0x1  }
0xb5: {  	[sflag:s29] =	ssyncadd.s32 $0xFFFFFFFF  }
0xb6: {  	_ =	strace $0x9000004B  }
0xb7: {  	_ =	sfence  }
0xb8: {  	s30 =	sld [smem:$0x0];
	_ =	sdelay $0x2  }
0xb9: {  	s31 =	sshll.u32 s1, $0xD;
	s1 =	sshrl.u32 s1, $0x2  }
0xba: {  	s3 =	sand.u32 $0x4000, s31;
	s1 =	sadd.s32 s1, s30  }
0xbb: {  	s0 =	sor.u32 s3, s0;
	s1 =	sshll.u32 s1, $0x11  }
0xbc: {  	s0 =	sor.u32 s1, s0  }
0xbd: {  	s0 =	sadd.s32 $0x8F2B, s0  }
0xbe: {  	[sflag:s0] =	ssyncadd.remote.s32 $0x1  }
0xbf: {  	_ =	sfence.sel $0xFFFF  }
0xc0: {  	[dreg:$0x0] =	wrdreg $0xFFFFFFFF;
	(pc) =	sbr.abs _section_cstart, $3  }
0xc1: {  	[dreg:$0x1] =	wrdreg $0xFFFFFFFF  }
0xc2: {  	_ =	task.clear_ibuf [dreg:s6], $0x2FFFF;
	_ =	strace $0x9FFFFFFF  }
0xc3: {  	(tm) =	ssettm $0x7FFFFFFF  }
tec
execute0_lowered:
.L_overlay_start_1:
0x0: {  	(tag) =	ssettag $0x1  }
0x1: {  	s5 =	rddreg [dreg:$0x0]  }
0x2: {  	s2 =	rddreg [dreg:$0x1]  }
0x3: {  	s3 =	rddreg [dreg:$0x2]  }
0x4: {  	s0 =	rddreg [dreg:$0x3]  }
0x5: {  	s6 =	srdreg.scid;
	s1 =	stileid.u32  }
0x6: {  	s4 =	simm.s32 $0x0;
	s12 =	simm.s32 $0x1;
	s13 =	simm.s32 $0x200  }
0x7: {  	s14 =	simm.s32 $0x480;
	s15 =	simm.s32 $0x80;
	s16 =	simm.s32 $0x400  }
0x8: {  	s17 =	simm.s32 $0x280;
	s18 =	simm.s32 $0x300;
	s19 =	simm.s32 $0x100  }
0x9: {  	s20 =	simm.s32 $0x380;
	s21 =	simm.s32 $0x180;
	s24 =	simm.s32 $0x0  }
0xa: {  	s6 =	sand.u32 $0x1, s6;
	s8 =	smul.u32 $0x1880, s1;
	[smem:$0x7FF] =	sst s4  }
0xb: {  	s22 =	sshll.u32 s1, $0x6;
	s7 =	smul.u32 $0x31000, s6;
	s9 =	sshll.u32 s6, $0xA  }
0xc: {  	_ =	strace $0x8000004A;
	s6 =	ssub.s32 $0x2, s6;
	s9 =	sor.u32 s22, s9  }
0xd: {  	s31 =	sshrl.u32 s6, $0x1;
	s22 =	sor.u32 $0x1C01, s22;
	s7 =	sadd.s32 s8, s7  }
0xe: {  	s9 =	sadd.s32 s9, s5;
	s11 =	ssub.s32 s6, s31;
	s7 =	sshrl.u32 s7, $0x3  }
0xf: {  	s6 =	sadd.s32 $0x1C8000, s9;
	s11 =	smax.u32 s11, $0x1;
	s10 =	sadd.s32 s7, s5  }
0x10: {  	s5 =	sadd.s32 $0x1C7800, s9;
	s7 =	sadd.s32 s8, s2;
	s8 =	sadd.s32 s8, s3  }
0x11: {  	v0 =	vimm.f32 $0.0e+00;
	v1 =	vimm.f32 $1.000000000e+00;
	s9 =	sadd.s32 $0xE00, s10;
	s10 =	sadd.s32 $0x3F00, s10;
	s23 =	sshrl.u32 s7, $0x3  }
.LBB2_1:
0x12: {  	[tilespmem:s4], [sflag:$0x1] =	stream.linear.gather [hbm4b:s5+s4], $0x200, $0x38;
	[tilespmem:$0x4E00] =	vst v63  }
0x13: {  	_ =	swait.ge [sflag:s12], $0x200  }
0x14: {  	[sflag:s12] =	ssyncset.done $0x0  }
0x15: {  	[sflag:s12] =	ssyncadd.s32 $0xFFFFFE00  }
0x16: {  	[tilespmem:s13], [sflag:$0x1] =	stream.linear.gather [hbm4b:s6+s4], $0x200, $0x38;
	[tilespmem:$0x4E00] =	vst v63  }
0x17: {  	_ =	swait.ge [sflag:s12], $0x200  }
0x18: {  	[sflag:s12] =	ssyncset.done $0x0  }
0x19: {  	s25 =	simm.s32 $0x40;
	s26 =	simm.s32 $0x0;
	[sflag:s12] =	ssyncadd.s32 $0xFFFFFE00  }
.LBB2_2:
0x1a: {  	p0 =	sne.s32 s25, $0x61C0;
	[tilespmem:s26+$0x480] =	vst v0;
	s26 =	smov.u32 s25;
	s25 =	sadd.s32 $0x40, s25  }
.Ltmp0:
0x1b: {  	(pc) =	sbr.rel @p0 .LBB2_2-.Ltmp0, $2  }
0x1c: {  	_ =	sdelay $0x2  }
0x1d: {  	s26 =	sshra.s32 s26, $0x2  }
0x1e: {  	[tilespmem:s26+$0x480] =	vst v0  }
0x1f: {  	[tilespmem:$0x400] =	vst v1  }
0x20: {  	[tilespmem:$0x410] =	vst v1  }
0x21: {  	[tilespmem:$0x420] =	vst v1  }
0x22: {  	[tilespmem:$0x430] =	vst v1  }
0x23: {  	[tilespmem:$0x440] =	vst v1  }
0x24: {  	[tilespmem:$0x450] =	vst v1  }
0x25: {  	[tilespmem:$0x460] =	vst v1  }
0x26: {  	[tilespmem:$0x470] =	vst v1  }
0x27: {  	[spmem:s7] =	stream.linear.scatter [tilespmem:s14], [sflag:$0x1], $0x1880, $0x38;
	[tilespmem:$0x4E00] =	vst v63  }
0x28: {  	_ =	swait.ge [sflag:s12], $0x1880  }
0x29: {  	[sflag:s12] =	ssyncset.done $0x0  }
0x2a: {  	[sflag:s12] =	ssyncadd.s32 $0xFFFFE780  }
0x2b: {  	[spmem:s8] =	stream.linear.scatter [tilespmem:s14], [sflag:$0x1], $0x1880, $0x38;
	[tilespmem:$0x4E00] =	vst v63  }
0x2c: {  	_ =	swait.ge [sflag:s12], $0x1880  }
0x2d: {  	[sflag:s12] =	ssyncset.done $0x0  }
0x2e: {  	[sflag:s12] =	ssyncadd.s32 $0xFFFFE780  }
0x2f: {  	[bflag:$0x0] =	sbarrier.arrive $0xFFFF  }
0x30: {  	[spmem:s2] =	stream.indirect.scatter.add.f32 [tilespmem:s16], [sflag:$0x1], $0x1, s13, s15, $0xb8;
	[tilespmem:$0x4E00] =	vst v63  }
0x31: {  	_ =	swait.ge [sflag:s12], $0x80  }
0x32: {  	[sflag:s12] =	ssyncset.done $0x0  }
0x33: {  	[sflag:s12] =	ssyncadd.s32 $0xFFFFFF80  }
0x34: {  	[spmem:s3] =	stream.indirect.scatter.add.f32 [tilespmem:s4], [sflag:$0x1], $0x1, s13, s15, $0xb8;
	[tilespmem:$0x4E00] =	vst v63  }
0x35: {  	_ =	swait.ge [sflag:s12], $0x80  }
0x36: {  	[sflag:s12] =	ssyncset.done $0x0  }
0x37: {  	[sflag:s12] =	ssyncadd.s32 $0xFFFFFF80  }
0x38: {  	[spmem:s2] =	stream.indirect.scatter.add.f32 [tilespmem:s16], [sflag:$0x1], $0x1, s17, s15, $0xb8;
	[tilespmem:$0x4E00] =	vst v63  }
0x39: {  	_ =	swait.ge [sflag:s12], $0x80  }
0x3a: {  	[sflag:s12] =	ssyncset.done $0x0  }
0x3b: {  	[sflag:s12] =	ssyncadd.s32 $0xFFFFFF80  }
0x3c: {  	[spmem:s3] =	stream.indirect.scatter.add.f32 [tilespmem:s15], [sflag:$0x1], $0x1, s17, s15, $0xb8;
	[tilespmem:$0x4E00] =	vst v63  }
0x3d: {  	_ =	swait.ge [sflag:s12], $0x80  }
0x3e: {  	[sflag:s12] =	ssyncset.done $0x0  }
0x3f: {  	[sflag:s12] =	ssyncadd.s32 $0xFFFFFF80  }
0x40: {  	[spmem:s2] =	stream.indirect.scatter.add.f32 [tilespmem:s16], [sflag:$0x1], $0x1, s18, s15, $0xb8;
	[tilespmem:$0x4E00] =	vst v63  }
0x41: {  	_ =	swait.ge [sflag:s12], $0x80  }
0x42: {  	[sflag:s12] =	ssyncset.done $0x0  }
0x43: {  	[sflag:s12] =	ssyncadd.s32 $0xFFFFFF80  }
0x44: {  	[spmem:s3] =	stream.indirect.scatter.add.f32 [tilespmem:s19], [sflag:$0x1], $0x1, s18, s15, $0xb8;
	[tilespmem:$0x4E00] =	vst v63  }
0x45: {  	_ =	swait.ge [sflag:s12], $0x80  }
0x46: {  	[sflag:s12] =	ssyncset.done $0x0  }
0x47: {  	[sflag:s12] =	ssyncadd.s32 $0xFFFFFF80  }
0x48: {  	[spmem:s2] =	stream.indirect.scatter.add.f32 [tilespmem:s16], [sflag:$0x1], $0x1, s20, s15, $0xb8;
	[tilespmem:$0x4E00] =	vst v63  }
0x49: {  	_ =	swait.ge [sflag:s12], $0x80  }
0x4a: {  	[sflag:s12] =	ssyncset.done $0x0  }
0x4b: {  	[sflag:s12] =	ssyncadd.s32 $0xFFFFFF80  }
0x4c: {  	[spmem:s3] =	stream.indirect.scatter.add.f32 [tilespmem:s21], [sflag:$0x1], $0x1, s20, s15, $0xb8;
	[tilespmem:$0x4E00] =	vst v63  }
0x4d: {  	_ =	swait.ge [sflag:s12], $0x80  }
0x4e: {  	[sflag:s12] =	ssyncset.done $0x0  }
0x4f: {  	[sflag:s12] =	ssyncadd.s32 $0xFFFFFF80  }
0x50: {  	[bflag:$0x0] =	sbarrier.arrive $0xFFFF  }
0x51: {  	[hbm:s9], [sflag:s22] =	dma.local [spmem:s23], $0x310  }
0x52: {  	s24 =	sadd.s32 $0x1, s24;
	_ =	swait.ge [sflag:s12], $0x310  }
0x53: {  	p0 =	sne.s32 s24, s11;
	[sflag:s12] =	ssyncset.done $0x0  }
.Ltmp1:
0x54: {  	s25 =	sshrl.u32 s8, $0x3;
	[sflag:s12] =	ssyncadd.s32 $0xFFFFFCF0;
	(pc) =	sbr.rel @p0 .LBB2_1-.Ltmp1, $4  }
0x55: {  	[hbm:s10], [sflag:s22] =	dma.local [spmem:s25], $0x310  }
0x56: {  	_ =	swait.ge [sflag:s12], $0x310  }
0x57: {  	[sflag:s12] =	ssyncset.done $0x0  }
0x58: {  	[sflag:s12] =	ssyncadd.s32 $0xFFFFFCF0  }
0x59: {  	_ =	sfence.sel $0x180000  }
0x5a: {  	[bflag:$0x0] =	sbarrier.arrive $0xFFFF  }
0x5b: {  	p0 =	sne.s32 s1, $0x0;
	_ =	strace $0x9000004A  }
0x5c: {  	s0 =	sadd.s32 @!p0 $0x100000, s0;
	[bflag:$0x2] =	sbarrier.arrive $0xFFFF  }
0x5d: {  	[sflag:s0] =	ssyncadd.tile.s32 @!p0 $0x1;
	_ =	shalt  }
.Lfunc_end2:
_tile_overlayer_lowered:
.L_overlay_start_2:
0x5e: {  	(tag) =	ssettag $0x2  }
0x5f: {  	s0 =	rddreg [dreg:$0x0];
	s2 =	stileid.u32  }
0x60: {  	s1 =	rddreg [dreg:$0x1];
	p0 =	sne.s32 s2, $0x0  }
0x61: {  	s3 =	rddreg [dreg:$0x2];
	[bflag:$0x3] =	sbarrier.arrive $0xFFFF;
	s2 =	simm.s32 @!p0 $0x1C01  }
0x62: {  	[timem:s3], [sflag:s2] =	dma.local @!p0 [hbm:s0], s1  }
0x63: {  	s0 =	simm.s32 @!p0 $0x1  }
0x64: {  	_ =	swait.ge @!p0 [sflag:s0], s1  }
0x65: {  	s1 =	ssub.s32 @!p0 $0x0, s1;
	[sflag:s0] =	ssyncset.done @!p0 $0x0  }
0x66: {  	[sflag:s0] =	ssyncadd.s32 @!p0 s1  }
0x67: {  	[bflag:$0x3] =	sbarrier.arrive $0xFFFF  }
0x68: {  	_ =	shalt  }

</sc_bundles>
